<compile_context>
chip_gen: v7x
topology: tpu7x:2x2x1
jax: 0.10.2.dev20260603
libtpu: 0.0.44.dev20260713+nightly
codegen_flags: <defaults>
</compile_context>

<pallas_src>
import functools

import jax
import jax.numpy as jnp
from jax import lax
from jax.experimental import pallas as pl
from jax.experimental.pallas import tpu as pltpu
from jax.experimental.pallas import tpu_sc as plsc

NC, NS, L = 2, 16, 16
NW = NC * NS
T = 128
RPC = 3 * T


def _make_sc_call(B, S, M, vocab, embed):
    assert embed == 2 * L
    chunks = B * S * M // T
    assert chunks % NW == 0
    cpw = chunks // NW
    bblk = B // T

    mesh = plsc.VectorSubcoreMesh(core_axis_name="c", subcore_axis_name="s")

    @functools.partial(
        pl.kernel,
        out_type=jax.ShapeDtypeStruct((B, S, M, embed), jnp.float32),
        mesh=mesh,
        scratch_types=[
            pltpu.VMEM((2, 3, T), jnp.int32),
            pltpu.VMEM((2, RPC, embed), jnp.float32),
            pltpu.VMEM((T, embed), jnp.float32),
            pltpu.VMEM((16, L), jnp.float32),
            pltpu.SemaphoreType.DMA,
            pltpu.SemaphoreType.DMA,
        ],
        compiler_params=pltpu.CompilerParams(use_tc_tiling_on_sc=False),
    )
    def sc_call(inputs_hbm, table_hbm, w_hbm, out_hbm, idx_v, rows_v, out_v, wv,
                gsem0, gsem1):
        wid = lax.axis_index("s") * NC + lax.axis_index("c")
        pltpu.sync_copy(w_hbm, wv)
        gsems = (gsem0, gsem1)

        a = [[wv[3 * q + p] for p in range(3)] for q in range(3)]
        b0v = [wv[9 + p] for p in range(3)]
        w1v = [wv[12 + p] for p in range(3)]
        b1v = wv[15]

        def coords(c):
            s = c // (M * bblk)
            rem = c - s * (M * bblk)
            return s, rem // bblk, rem - (rem // bblk) * bblk

        def stage(buf, c):
            s, m, bb = coords(c)
            pltpu.sync_copy(inputs_hbm.at[s, :, m, pl.ds(bb * T, T)],
                            idx_v.at[buf])

        def gather_descs(buf):
            return [
                pltpu.make_async_copy(
                    table_hbm.at[idx_v.at[buf, k]],
                    rows_v.at[buf].at[pl.ds(k * T, T)],
                    gsems[buf],
                )
                for k in range(3)
            ]

        def issue(buf):
            for cp in gather_descs(buf):
                cp.start()

        def drain(buf):
            for cp in gather_descs(buf):
                cp.wait()

        def process(buf, c):
            rb = rows_v.at[buf]

            @plsc.parallel_loop(0, T, unroll=4)
            def _(t):
                for v in range(2):
                    sl = pl.ds(v * L, L)
                    e0 = rb[t, sl]
                    e1 = rb[T + t, sl]
                    e2 = rb[2 * T + t, sl]
                    o = b1v
                    for p in range(3):
                        h = e0 * a[0][p] + e1 * a[1][p] + e2 * a[2][p] + b0v[p]
                        h = jnp.maximum(h, 0.0)
                        o = o + h * w1v[p]
                    out_v[t, sl] = jnp.maximum(o, 0.0)

            s, m, bb = coords(c)
            pltpu.sync_copy(out_v, out_hbm.at[pl.ds(bb * T, T), s, m])

        stage(0, wid * cpw)
        issue(0)

        def pair_body(j, carry):
            c0 = wid * cpw + 2 * j
            stage(1, c0 + 1)
            issue(1)
            drain(0)
            process(0, c0)

            @pl.when(2 * j + 2 < cpw)
            def _():
                stage(0, c0 + 2)
                issue(0)

            drain(1)
            process(1, c0 + 1)
            return carry

        lax.fori_loop(0, cpw // 2, pair_body, 0)
        if cpw % 2:
            drain(0)
            process(0, wid * cpw + cpw - 1)

    return sc_call


def kernel(inputs, table, W0, b0, W1, b1):
    B, S, M, P = inputs.shape
    vocab, embed = table.shape
    assert P == 3

    A = W0 + jnp.eye(P, dtype=W0.dtype)
    wflat = jnp.concatenate([A.reshape(-1), b0, W1.reshape(-1), b1])
    wvec = jnp.broadcast_to(wflat[:, None], (16, L)).astype(jnp.float32)

    inputs_std = inputs.astype(jnp.int32).transpose(1, 3, 2, 0)
    tbl = table.astype(jnp.float32)

    H = S // 2
    call = _make_sc_call(B, H, M, vocab, embed)
    o1 = call(inputs_std[:H], tbl, wvec)
    o2 = call(inputs_std[H:], tbl, wvec)
    return jnp.concatenate([o1, o2], axis=1)

# --- scband reference (transcript-rebuilt; emitter-appended) ---
"""Pipeline reference for scband-syllable-layer-62560493634023 (READ-ONLY COPY).

The authoritative reference and input builder live on the scoring server;
editing this copy changes nothing except your own understanding.
"""

import jax, jax.numpy as jnp
import numpy as np

VOCAB = 1000000
EMBED = 32
B, S, M, P = 1024, 50, 4, 3


def setup_inputs(seed: int = 0) -> dict:
    key = jax.random.key(seed)
    k1, k2, k3, k4 = jax.random.split(key, 4)
    inputs = jax.random.randint(k1, (B, S, M, P), 0, VOCAB)
    table = jax.random.normal(k2, (VOCAB, EMBED), dtype=jnp.float32)
    W0 = jax.random.normal(k3, (P, P), dtype=jnp.float32) / np.sqrt(P)
    b0 = jnp.zeros((P,), jnp.float32)
    W1 = jax.random.normal(k4, (P, 1), dtype=jnp.float32) / np.sqrt(P)
    b1 = jnp.zeros((1,), jnp.float32)
    return {"inputs": inputs, "table": table, "W0": W0, "b0": b0, "W1": W1, "b1": b1}


def reference(inputs, table, W0, b0, W1, b1):
    # embedding lookup: [B,S,M,P] -> [B,S,M,P,E]
    emb = jnp.take(table, inputs, axis=0)
    # transpose(3,4): [B,S,M,E,P]
    x = jnp.swapaxes(emb, 3, 4)
    b, s, m, e, p = x.shape
    x = x.reshape(-1, e, p)
    # residual linear block (out_features == input_size)
    h = x @ W0 + b0
    h = jax.nn.relu(h + x)
    h = h.reshape(-1, e, p)
    # final projection to output_size=1 + relu
    o = h @ W1 + b1
    o = jax.nn.relu(o)
    # view(B,S,M,E,1).squeeze() -> [B,S,M,E]
    out = o.reshape(b, s, m, e)
    return out

if __name__ == "__main__":
    import jax
    _d = setup_inputs()
    print(jax.jit(kernel)(*tuple(_d.values())))

</pallas_src>

<mosaic_0001>
#map = affine_map<(d0, d1) -> (0, 0, 0, 0)>
#map1 = affine_map<(d0, d1) -> (0, 0)>
module attributes {stable_mosaic.version = 14 : i64} {
  func.func @sc_call(%arg0: i32, %arg1: i32, %arg2: memref<25x3x4x1024xi32, #tpu.memory_space<hbm>>, %arg3: memref<1000000x32xf32, #tpu.memory_space<hbm>>, %arg4: memref<16x16xf32, #tpu.memory_space<hbm>>, %arg5: memref<1024x25x4x32xf32, #tpu.memory_space<hbm>>, %arg6: memref<2x3x128xi32, #tpu.memory_space<vmem>>, %arg7: memref<2x384x32xf32, #tpu.memory_space<vmem>>, %arg8: memref<128x32xf32, #tpu.memory_space<vmem>>, %arg9: memref<16x16xf32, #tpu.memory_space<vmem>>, %arg10: memref<!tpu.dma_semaphore, #tpu.memory_space<semaphore_mem>>, %arg11: memref<!tpu.dma_semaphore, #tpu.memory_space<semaphore_mem>>) attributes {dimension_semantics = [#tpu.dimension_semantics<core_parallel>, #tpu.dimension_semantics<subcore_parallel>], iteration_bounds = array<i64: 2, 16>, scalar_prefetch = 0 : i64, scratch_operands = 6 : i64, tpu.core_type = #tpu.core_type<sc_vector_subcore>, window_params = [{transform_indices = #map}, {transform_indices = #map1}, {transform_indices = #map1}, {transform_indices = #map}]} {
    %mul3A = arith.constant 2 : i32
    %mul3A_0 = arith.muli %arg1, %mul3A : i32
    %add3A = arith.addi %mul3A_0, %arg0 : i32
    "tpu.region"() ({
      %run_scoped3A_342 = tpu.sem_alloc : memref<!tpu.dma_semaphore, #tpu.memory_space<semaphore_mem>>
      tpu.enqueue_dma source(%arg4 : memref<16x16xf32, #tpu.memory_space<hbm>>) target(%arg9 : memref<16x16xf32, #tpu.memory_space<vmem>>) target_semaphore(%run_scoped3A_342 : memref<!tpu.dma_semaphore, #tpu.memory_space<semaphore_mem>>)
      tpu.wait_dma2 semaphore(%run_scoped3A_342 : memref<!tpu.dma_semaphore, #tpu.memory_space<semaphore_mem>>) src(%arg4 : memref<16x16xf32, #tpu.memory_space<hbm>>) dst(%arg9 : memref<16x16xf32, #tpu.memory_space<vmem>>)
      tpu.yield
    }) : () -> ()
    %get3A = arith.constant 0 : i32
    %get3A_1 = arith.index_cast %get3A : i32 to index
    %get3A_2 = arith.constant 0 : index
    %get3A_3 = tpu.vector_load %arg9[%get3A_1, %get3A_2] {strides = array<i32>} : memref<16x16xf32, #tpu.memory_space<vmem>>, vector<1x16xf32>,
    %get3A_4 = vector.shape_cast %get3A_3 : vector<1x16xf32> to vector<16xf32>
    %get3A_5 = arith.constant 1 : i32
    %get3A_6 = arith.index_cast %get3A_5 : i32 to index
    %get3A_7 = arith.constant 0 : index
    %get3A_8 = tpu.vector_load %arg9[%get3A_6, %get3A_7] {strides = array<i32>} : memref<16x16xf32, #tpu.memory_space<vmem>>, vector<1x16xf32>,
    %get3A_9 = vector.shape_cast %get3A_8 : vector<1x16xf32> to vector<16xf32>
    %get3A_10 = arith.constant 2 : i32
    %get3A_11 = arith.index_cast %get3A_10 : i32 to index
    %get3A_12 = arith.constant 0 : index
    %get3A_13 = tpu.vector_load %arg9[%get3A_11, %get3A_12] {strides = array<i32>} : memref<16x16xf32, #tpu.memory_space<vmem>>, vector<1x16xf32>,
    %get3A_14 = vector.shape_cast %get3A_13 : vector<1x16xf32> to vector<16xf32>
    %get3A_15 = arith.constant 3 : i32
    %get3A_16 = arith.index_cast %get3A_15 : i32 to index
    %get3A_17 = arith.constant 0 : index
    %get3A_18 = tpu.vector_load %arg9[%get3A_16, %get3A_17] {strides = array<i32>} : memref<16x16xf32, #tpu.memory_space<vmem>>, vector<1x16xf32>,
    %get3A_19 = vector.shape_cast %get3A_18 : vector<1x16xf32> to vector<16xf32>
    %get3A_20 = arith.constant 4 : i32
    %get3A_21 = arith.index_cast %get3A_20 : i32 to index
    %get3A_22 = arith.constant 0 : index
    %get3A_23 = tpu.vector_load %arg9[%get3A_21, %get3A_22] {strides = array<i32>} : memref<16x16xf32, #tpu.memory_space<vmem>>, vector<1x16xf32>,
    %get3A_24 = vector.shape_cast %get3A_23 : vector<1x16xf32> to vector<16xf32>
    %get3A_25 = arith.constant 5 : i32
    %get3A_26 = arith.index_cast %get3A_25 : i32 to index
    %get3A_27 = arith.constant 0 : index
    %get3A_28 = tpu.vector_load %arg9[%get3A_26, %get3A_27] {strides = array<i32>} : memref<16x16xf32, #tpu.memory_space<vmem>>, vector<1x16xf32>,
    %get3A_29 = vector.shape_cast %get3A_28 : vector<1x16xf32> to vector<16xf32>
    %get3A_30 = arith.constant 6 : i32
    %get3A_31 = arith.index_cast %get3A_30 : i32 to index
    %get3A_32 = arith.constant 0 : index
    %get3A_33 = tpu.vector_load %arg9[%get3A_31, %get3A_32] {strides = array<i32>} : memref<16x16xf32, #tpu.memory_space<vmem>>, vector<1x16xf32>,
    %get3A_34 = vector.shape_cast %get3A_33 : vector<1x16xf32> to vector<16xf32>
    %get3A_35 = arith.constant 7 : i32
    %get3A_36 = arith.index_cast %get3A_35 : i32 to index
    %get3A_37 = arith.constant 0 : index
    %get3A_38 = tpu.vector_load %arg9[%get3A_36, %get3A_37] {strides = array<i32>} : memref<16x16xf32, #tpu.memory_space<vmem>>, vector<1x16xf32>,
    %get3A_39 = vector.shape_cast %get3A_38 : vector<1x16xf32> to vector<16xf32>
    %get3A_40 = arith.constant 8 : i32
    %get3A_41 = arith.index_cast %get3A_40 : i32 to index
    %get3A_42 = arith.constant 0 : index
    %get3A_43 = tpu.vector_load %arg9[%get3A_41, %get3A_42] {strides = array<i32>} : memref<16x16xf32, #tpu.memory_space<vmem>>, vector<1x16xf32>,
    %get3A_44 = vector.shape_cast %get3A_43 : vector<1x16xf32> to vector<16xf32>
    %get3A_45 = arith.constant 9 : i32
    %get3A_46 = arith.index_cast %get3A_45 : i32 to index
    %get3A_47 = arith.constant 0 : index
    %get3A_48 = tpu.vector_load %arg9[%get3A_46, %get3A_47] {strides = array<i32>} : memref<16x16xf32, #tpu.memory_space<vmem>>, vector<1x16xf32>,
    %get3A_49 = vector.shape_cast %get3A_48 : vector<1x16xf32> to vector<16xf32>
    %get3A_50 = arith.constant 10 : i32
    %get3A_51 = arith.index_cast %get3A_50 : i32 to index
    %get3A_52 = arith.constant 0 : index
    %get3A_53 = tpu.vector_load %arg9[%get3A_51, %get3A_52] {strides = array<i32>} : memref<16x16xf32, #tpu.memory_space<vmem>>, vector<1x16xf32>,
    %get3A_54 = vector.shape_cast %get3A_53 : vector<1x16xf32> to vector<16xf32>
    %get3A_55 = arith.constant 11 : i32
    %get3A_56 = arith.index_cast %get3A_55 : i32 to index
    %get3A_57 = arith.constant 0 : index
    %get3A_58 = tpu.vector_load %arg9[%get3A_56, %get3A_57] {strides = array<i32>} : memref<16x16xf32, #tpu.memory_space<vmem>>, vector<1x16xf32>,
    %get3A_59 = vector.shape_cast %get3A_58 : vector<1x16xf32> to vector<16xf32>
    %get3A_60 = arith.constant 12 : i32
    %get3A_61 = arith.index_cast %get3A_60 : i32 to index
    %get3A_62 = arith.constant 0 : index
    %get3A_63 = tpu.vector_load %arg9[%get3A_61, %get3A_62] {strides = array<i32>} : memref<16x16xf32, #tpu.memory_space<vmem>>, vector<1x16xf32>,
    %get3A_64 = vector.shape_cast %get3A_63 : vector<1x16xf32> to vector<16xf32>
    %get3A_65 = arith.constant 13 : i32
    %get3A_66 = arith.index_cast %get3A_65 : i32 to index
    %get3A_67 = arith.constant 0 : index
    %get3A_68 = tpu.vector_load %arg9[%get3A_66, %get3A_67] {strides = array<i32>} : memref<16x16xf32, #tpu.memory_space<vmem>>, vector<1x16xf32>,
    %get3A_69 = vector.shape_cast %get3A_68 : vector<1x16xf32> to vector<16xf32>
    %get3A_70 = arith.constant 14 : i32
    %get3A_71 = arith.index_cast %get3A_70 : i32 to index
    %get3A_72 = arith.constant 0 : index
    %get3A_73 = tpu.vector_load %arg9[%get3A_71, %get3A_72] {strides = array<i32>} : memref<16x16xf32, #tpu.memory_space<vmem>>, vector<1x16xf32>,
    %get3A_74 = vector.shape_cast %get3A_73 : vector<1x16xf32> to vector<16xf32>
    %get3A_75 = arith.constant 15 : i32
    %get3A_76 = arith.index_cast %get3A_75 : i32 to index
    %get3A_77 = arith.constant 0 : index
    %get3A_78 = tpu.vector_load %arg9[%get3A_76, %get3A_77] {strides = array<i32>} : memref<16x16xf32, #tpu.memory_space<vmem>>, vector<1x16xf32>,
    %get3A_79 = vector.shape_cast %get3A_78 : vector<1x16xf32> to vector<16xf32>
    %mul3A_80 = arith.constant 25 : i32
    %mul3A_81 = arith.muli %add3A, %mul3A_80 : i32
    %jit3A = arith.constant 32 : i32
    %div3A = arith.divsi %mul3A_81, %jit3A : i32
    %sign3A = arith.constant 0 : i32
    %sign3A_82 = arith.cmpi sgt, %mul3A_81, %sign3A : i32
    %sign3A_83 = arith.extui %sign3A_82 : i1 to i32
    %sign3A_84 = arith.constant 0 : i32
    %sign3A_85 = arith.cmpi slt, %mul3A_81, %sign3A_84 : i32
    %sign3A_86 = arith.extui %sign3A_85 : i1 to i32
    %sign3A_87 = arith.subi %sign3A_83, %sign3A_86 : i32
    %sign3A_88 = arith.constant 0 : i32
    %sign3A_89 = arith.cmpi sgt, %jit3A, %sign3A_88 : i32
    %sign3A_90 = arith.extui %sign3A_89 : i1 to i32
    %sign3A_91 = arith.constant 0 : i32
    %sign3A_92 = arith.cmpi slt, %jit3A, %sign3A_91 : i32
    %sign3A_93 = arith.extui %sign3A_92 : i1 to i32
    %sign3A_94 = arith.subi %sign3A_90, %sign3A_93 : i32
    %ne3A = arith.cmpi ne, %sign3A_87, %sign3A_94 : i32
    %rem3A = arith.remsi %mul3A_81, %jit3A : i32
    %ne3A_95 = arith.constant 0 : i32
    %ne3A_96 = arith.cmpi ne, %rem3A, %ne3A_95 : i32
    %and3A = arith.andi %ne3A, %ne3A_96 : i1
    %sub3A = arith.constant 1 : i32
    %sub3A_97 = arith.subi %div3A, %sub3A : i32
    %select_n3A = arith.select %and3A, %sub3A_97, %div3A : i32
    %mul3A_98 = arith.constant 32 : i32
    %mul3A_99 = arith.muli %select_n3A, %mul3A_98 : i32
    %sub3A_100 = arith.subi %mul3A_81, %mul3A_99 : i32
    %jit3A_101 = arith.constant 8 : i32
    %div3A_102 = arith.divsi %sub3A_100, %jit3A_101 : i32
    %sign3A_103 = arith.constant 0 : i32
    %sign3A_104 = arith.cmpi sgt, %sub3A_100, %sign3A_103 : i32
    %sign3A_105 = arith.extui %sign3A_104 : i1 to i32
    %sign3A_106 = arith.constant 0 : i32
    %sign3A_107 = arith.cmpi slt, %sub3A_100, %sign3A_106 : i32
    %sign3A_108 = arith.extui %sign3A_107 : i1 to i32
    %sign3A_109 = arith.subi %sign3A_105, %sign3A_108 : i32
    %sign3A_110 = arith.constant 0 : i32
    %sign3A_111 = arith.cmpi sgt, %jit3A_101, %sign3A_110 : i32
    %sign3A_112 = arith.extui %sign3A_111 : i1 to i32
    %sign3A_113 = arith.constant 0 : i32
    %sign3A_114 = arith.cmpi slt, %jit3A_101, %sign3A_113 : i32
    %sign3A_115 = arith.extui %sign3A_114 : i1 to i32
    %sign3A_116 = arith.subi %sign3A_112, %sign3A_115 : i32
    %ne3A_117 = arith.cmpi ne, %sign3A_109, %sign3A_116 : i32
    %rem3A_118 = arith.remsi %sub3A_100, %jit3A_101 : i32
    %ne3A_119 = arith.constant 0 : i32
    %ne3A_120 = arith.cmpi ne, %rem3A_118, %ne3A_119 : i32
    %and3A_121 = arith.andi %ne3A_117, %ne3A_120 : i1
    %sub3A_122 = arith.constant 1 : i32
    %sub3A_123 = arith.subi %div3A_102, %sub3A_122 : i32
    %select_n3A_124 = arith.select %and3A_121, %sub3A_123, %div3A_102 : i32
    %jit3A_125 = arith.constant 8 : i32
    %div3A_126 = arith.divsi %sub3A_100, %jit3A_125 : i32
    %sign3A_127 = arith.constant 0 : i32
    %sign3A_128 = arith.cmpi sgt, %sub3A_100, %sign3A_127 : i32
    %sign3A_129 = arith.extui %sign3A_128 : i1 to i32
    %sign3A_130 = arith.constant 0 : i32
    %sign3A_131 = arith.cmpi slt, %sub3A_100, %sign3A_130 : i32
    %sign3A_132 = arith.extui %sign3A_131 : i1 to i32
    %sign3A_133 = arith.subi %sign3A_129, %sign3A_132 : i32
    %sign3A_134 = arith.constant 0 : i32
    %sign3A_135 = arith.cmpi sgt, %jit3A_125, %sign3A_134 : i32
    %sign3A_136 = arith.extui %sign3A_135 : i1 to i32
    %sign3A_137 = arith.constant 0 : i32
    %sign3A_138 = arith.cmpi slt, %jit3A_125, %sign3A_137 : i32
    %sign3A_139 = arith.extui %sign3A_138 : i1 to i32
    %sign3A_140 = arith.subi %sign3A_136, %sign3A_139 : i32
    %ne3A_141 = arith.cmpi ne, %sign3A_133, %sign3A_140 : i32
    %rem3A_142 = arith.remsi %sub3A_100, %jit3A_125 : i32
    %ne3A_143 = arith.constant 0 : i32
    %ne3A_144 = arith.cmpi ne, %rem3A_142, %ne3A_143 : i32
    %and3A_145 = arith.andi %ne3A_141, %ne3A_144 : i1
    %sub3A_146 = arith.constant 1 : i32
    %sub3A_147 = arith.subi %div3A_126, %sub3A_146 : i32
    %select_n3A_148 = arith.select %and3A_145, %sub3A_147, %div3A_126 : i32
    %mul3A_149 = arith.constant 8 : i32
    %mul3A_150 = arith.muli %select_n3A_148, %mul3A_149 : i32
    %sub3A_151 = arith.subi %sub3A_100, %mul3A_150 : i32
    %mul3A_152 = arith.constant 128 : i32
    %mul3A_153 = arith.muli %sub3A_151, %mul3A_152 : i32
    %run_scoped3A = arith.constant 0 : i32
    "tpu.region"() ({
      %run_scoped3A_342 = tpu.sem_alloc : memref<!tpu.dma_semaphore, #tpu.memory_space<semaphore_mem>>
      %dma_start3A_343 = arith.constant 0 : i32
      %dma_start3A_344 = arith.constant 0 : i32
      %dma_start3A_345 = tpu.memref_slice %arg6[%run_scoped3A, %dma_start3A_343, %dma_start3A_344] : memref<2x3x128xi32, #tpu.memory_space<vmem>> -> memref<1x3x128xi32, #tpu.memory_space<vmem>>
      %dma_start3A_346 = tpu.memref_squeeze %dma_start3A_345 : memref<1x3x128xi32, #tpu.memory_space<vmem>> -> memref<3x128xi32, #tpu.memory_space<vmem>>
      %dma_start3A_347 = arith.constant 0 : i32
      %dma_start3A_348 = tpu.memref_slice %arg2[%select_n3A, %dma_start3A_347, %select_n3A_124, %mul3A_153] : memref<25x3x4x1024xi32, #tpu.memory_space<hbm>> -> memref<1x3x1x128xi32, #tpu.memory_space<hbm>>
      %dma_start3A_349 = tpu.memref_squeeze %dma_start3A_348 : memref<1x3x1x128xi32, #tpu.memory_space<hbm>> -> memref<3x128xi32, #tpu.memory_space<hbm>>
      %dma_start3A_350 = arith.constant 0 : i32
      %dma_start3A_351 = arith.constant 0 : i32
      %dma_start3A_352 = tpu.memref_slice %arg6[%run_scoped3A, %dma_start3A_350, %dma_start3A_351] : memref<2x3x128xi32, #tpu.memory_space<vmem>> -> memref<1x3x128xi32, #tpu.memory_space<vmem>>
      %dma_start3A_353 = tpu.memref_squeeze %dma_start3A_352 : memref<1x3x128xi32, #tpu.memory_space<vmem>> -> memref<3x128xi32, #tpu.memory_space<vmem>>
      %dma_start3A_354 = arith.constant 0 : i32
      %dma_start3A_355 = tpu.memref_slice %arg2[%select_n3A, %dma_start3A_354, %select_n3A_124, %mul3A_153] : memref<25x3x4x1024xi32, #tpu.memory_space<hbm>> -> memref<1x3x1x128xi32, #tpu.memory_space<hbm>>
      %dma_start3A_356 = tpu.memref_squeeze %dma_start3A_355 : memref<1x3x1x128xi32, #tpu.memory_space<hbm>> -> memref<3x128xi32, #tpu.memory_space<hbm>>
      tpu.enqueue_dma source(%dma_start3A_356 : memref<3x128xi32, #tpu.memory_space<hbm>>) target(%dma_start3A_353 : memref<3x128xi32, #tpu.memory_space<vmem>>) target_semaphore(%run_scoped3A_342 : memref<!tpu.dma_semaphore, #tpu.memory_space<semaphore_mem>>)
      %dma_wait3A_357 = arith.constant 0 : i32
      %dma_wait3A_358 = arith.constant 0 : i32
      %dma_wait3A_359 = tpu.memref_slice %arg6[%run_scoped3A, %dma_wait3A_357, %dma_wait3A_358] : memref<2x3x128xi32, #tpu.memory_space<vmem>> -> memref<1x3x128xi32, #tpu.memory_space<vmem>>
      %dma_wait3A_360 = tpu.memref_squeeze %dma_wait3A_359 : memref<1x3x128xi32, #tpu.memory_space<vmem>> -> memref<3x128xi32, #tpu.memory_space<vmem>>
      %dma_wait3A_361 = arith.constant 0 : i32
      %dma_wait3A_362 = tpu.memref_slice %arg2[%select_n3A, %dma_wait3A_361, %select_n3A_124, %mul3A_153] : memref<25x3x4x1024xi32, #tpu.memory_space<hbm>> -> memref<1x3x1x128xi32, #tpu.memory_space<hbm>>
      %dma_wait3A_363 = tpu.memref_squeeze %dma_wait3A_362 : memref<1x3x1x128xi32, #tpu.memory_space<hbm>> -> memref<3x128xi32, #tpu.memory_space<hbm>>
      %dma_wait3A_364 = arith.constant 0 : i32
      %dma_wait3A_365 = arith.constant 0 : i32
      %dma_wait3A_366 = tpu.memref_slice %arg6[%run_scoped3A, %dma_wait3A_364, %dma_wait3A_365] : memref<2x3x128xi32, #tpu.memory_space<vmem>> -> memref<1x3x128xi32, #tpu.memory_space<vmem>>
      %dma_wait3A_367 = tpu.memref_squeeze %dma_wait3A_366 : memref<1x3x128xi32, #tpu.memory_space<vmem>> -> memref<3x128xi32, #tpu.memory_space<vmem>>
      %dma_wait3A_368 = arith.constant 0 : i32
      %dma_wait3A_369 = tpu.memref_slice %arg2[%select_n3A, %dma_wait3A_368, %select_n3A_124, %mul3A_153] : memref<25x3x4x1024xi32, #tpu.memory_space<hbm>> -> memref<1x3x1x128xi32, #tpu.memory_space<hbm>>
      %dma_wait3A_370 = tpu.memref_squeeze %dma_wait3A_369 : memref<1x3x1x128xi32, #tpu.memory_space<hbm>> -> memref<3x128xi32, #tpu.memory_space<hbm>>
      tpu.wait_dma2 semaphore(%run_scoped3A_342 : memref<!tpu.dma_semaphore, #tpu.memory_space<semaphore_mem>>) src(%dma_wait3A_370 : memref<3x128xi32, #tpu.memory_space<hbm>>) dst(%dma_wait3A_367 : memref<3x128xi32, #tpu.memory_space<vmem>>)
      tpu.yield
    }) : () -> ()
    %dma_start3A = arith.constant 0 : i32
    %dma_start3A_154 = arith.constant 0 : i32
    %dma_start3A_155 = arith.constant 0 : i32
    %dma_start3A_156 = arith.constant 0 : i32
    %dma_start3A_157 = arith.constant 0 : i32
    %dma_start3A_158 = tpu.memref_slice %arg7[%dma_start3A_155, %dma_start3A_156, %dma_start3A_157] : memref<2x384x32xf32, #tpu.memory_space<vmem>> -> memref<1x384x32xf32, #tpu.memory_space<vmem>>
    %dma_start3A_159 = tpu.memref_squeeze %dma_start3A_158 : memref<1x384x32xf32, #tpu.memory_space<vmem>> -> memref<384x32xf32, #tpu.memory_space<vmem>>
    %dma_start3A_160 = arith.constant 0 : i32
    %dma_start3A_161 = arith.constant 0 : i32
    %dma_start3A_162 = tpu.memref_slice %dma_start3A_159[%dma_start3A_160, %dma_start3A_161] : memref<384x32xf32, #tpu.memory_space<vmem>> -> memref<128x32xf32, #tpu.memory_space<vmem>>
    %dma_start3A_163 = arith.constant 0 : i32
    %dma_start3A_164 = tpu.memref_slice %arg6[%dma_start3A, %dma_start3A_154, %dma_start3A_163] : memref<2x3x128xi32, #tpu.memory_space<vmem>> -> memref<1x1x128xi32, #tpu.memory_space<vmem>>
    %dma_start3A_165 = tpu.memref_squeeze %dma_start3A_164 : memref<1x1x128xi32, #tpu.memory_space<vmem>> -> memref<128xi32, #tpu.memory_space<vmem>>
    %dma_start3A_166 = arith.constant 0 : i32
    %dma_start3A_167 = arith.constant 0 : i32
    %dma_start3A_168 = tpu.memref_slice %arg3[%dma_start3A_166, %dma_start3A_167] : memref<1000000x32xf32, #tpu.memory_space<hbm>> -> memref<1000000x32xf32, #tpu.memory_space<hbm>>
    tpu.enqueue_indirect_dma source(%dma_start3A_168 : memref<1000000x32xf32, #tpu.memory_space<hbm>>) target(%dma_start3A_162 : memref<128x32xf32, #tpu.memory_space<vmem>>) offsets(%dma_start3A_165 : memref<128xi32, #tpu.memory_space<vmem>>) semaphore(%arg10 : memref<!tpu.dma_semaphore, #tpu.memory_space<semaphore_mem>>)
    %dma_start3A_169 = arith.constant 0 : i32
    %dma_start3A_170 = arith.constant 1 : i32
    %dma_start3A_171 = arith.constant 0 : i32
    %dma_start3A_172 = arith.constant 0 : i32
    %dma_start3A_173 = arith.constant 0 : i32
    %dma_start3A_174 = tpu.memref_slice %arg7[%dma_start3A_171, %dma_start3A_172, %dma_start3A_173] : memref<2x384x32xf32, #tpu.memory_space<vmem>> -> memref<1x384x32xf32, #tpu.memory_space<vmem>>
    %dma_start3A_175 = tpu.memref_squeeze %dma_start3A_174 : memref<1x384x32xf32, #tpu.memory_space<vmem>> -> memref<384x32xf32, #tpu.memory_space<vmem>>
    %dma_start3A_176 = arith.constant 128 : i32
    %dma_start3A_177 = arith.constant 0 : i32
    %dma_start3A_178 = tpu.memref_slice %dma_start3A_175[%dma_start3A_176, %dma_start3A_177] : memref<384x32xf32, #tpu.memory_space<vmem>> -> memref<128x32xf32, #tpu.memory_space<vmem>>
    %dma_start3A_179 = arith.constant 0 : i32
    %dma_start3A_180 = tpu.memref_slice %arg6[%dma_start3A_169, %dma_start3A_170, %dma_start3A_179] : memref<2x3x128xi32, #tpu.memory_space<vmem>> -> memref<1x1x128xi32, #tpu.memory_space<vmem>>
    %dma_start3A_181 = tpu.memref_squeeze %dma_start3A_180 : memref<1x1x128xi32, #tpu.memory_space<vmem>> -> memref<128xi32, #tpu.memory_space<vmem>>
    %dma_start3A_182 = arith.constant 0 : i32
    %dma_start3A_183 = arith.constant 0 : i32
    %dma_start3A_184 = tpu.memref_slice %arg3[%dma_start3A_182, %dma_start3A_183] : memref<1000000x32xf32, #tpu.memory_space<hbm>> -> memref<1000000x32xf32, #tpu.memory_space<hbm>>
    tpu.enqueue_indirect_dma source(%dma_start3A_184 : memref<1000000x32xf32, #tpu.memory_space<hbm>>) target(%dma_start3A_178 : memref<128x32xf32, #tpu.memory_space<vmem>>) offsets(%dma_start3A_181 : memref<128xi32, #tpu.memory_space<vmem>>) semaphore(%arg10 : memref<!tpu.dma_semaphore, #tpu.memory_space<semaphore_mem>>)
    %dma_start3A_185 = arith.constant 0 : i32
    %dma_start3A_186 = arith.constant 2 : i32
    %dma_start3A_187 = arith.constant 0 : i32
    %dma_start3A_188 = arith.constant 0 : i32
    %dma_start3A_189 = arith.constant 0 : i32
    %dma_start3A_190 = tpu.memref_slice %arg7[%dma_start3A_187, %dma_start3A_188, %dma_start3A_189] : memref<2x384x32xf32, #tpu.memory_space<vmem>> -> memref<1x384x32xf32, #tpu.memory_space<vmem>>
    %dma_start3A_191 = tpu.memref_squeeze %dma_start3A_190 : memref<1x384x32xf32, #tpu.memory_space<vmem>> -> memref<384x32xf32, #tpu.memory_space<vmem>>
    %dma_start3A_192 = arith.constant 256 : i32
    %dma_start3A_193 = arith.constant 0 : i32
    %dma_start3A_194 = tpu.memref_slice %dma_start3A_191[%dma_start3A_192, %dma_start3A_193] : memref<384x32xf32, #tpu.memory_space<vmem>> -> memref<128x32xf32, #tpu.memory_space<vmem>>
    %dma_start3A_195 = arith.constant 0 : i32
    %dma_start3A_196 = tpu.memref_slice %arg6[%dma_start3A_185, %dma_start3A_186, %dma_start3A_195] : memref<2x3x128xi32, #tpu.memory_space<vmem>> -> memref<1x1x128xi32, #tpu.memory_space<vmem>>
    %dma_start3A_197 = tpu.memref_squeeze %dma_start3A_196 : memref<1x1x128xi32, #tpu.memory_space<vmem>> -> memref<128xi32, #tpu.memory_space<vmem>>
    %dma_start3A_198 = arith.constant 0 : i32
    %dma_start3A_199 = arith.constant 0 : i32
    %dma_start3A_200 = tpu.memref_slice %arg3[%dma_start3A_198, %dma_start3A_199] : memref<1000000x32xf32, #tpu.memory_space<hbm>> -> memref<1000000x32xf32, #tpu.memory_space<hbm>>
    tpu.enqueue_indirect_dma source(%dma_start3A_200 : memref<1000000x32xf32, #tpu.memory_space<hbm>>) target(%dma_start3A_194 : memref<128x32xf32, #tpu.memory_space<vmem>>) offsets(%dma_start3A_197 : memref<128xi32, #tpu.memory_space<vmem>>) semaphore(%arg10 : memref<!tpu.dma_semaphore, #tpu.memory_space<semaphore_mem>>)
    %scan3A = arith.constant 0 : i32
    %scan3A_201 = arith.constant 0 : i32
    %scan3A_202 = arith.constant 12 : i32
    %scan3A_203 = arith.addi %scan3A_201, %scan3A_202 : i32
    %scan3A_204 = arith.constant 1 : i32
    scf.for %scan3A_342 = %scan3A_201 to %scan3A_203 step %scan3A_204  : i32 {
      %mul3A_343 = arith.constant 25 : i32
      %mul3A_344 = arith.muli %add3A, %mul3A_343 : i32
      %mul3A_345 = arith.constant 2 : i32
      %mul3A_346 = arith.muli %mul3A_345, %scan3A_342 : i32
      %add3A_347 = arith.addi %mul3A_344, %mul3A_346 : i32
      %add3A_348 = arith.constant 1 : i32
      %add3A_349 = arith.addi %add3A_347, %add3A_348 : i32
      %jit3A_350 = arith.constant 32 : i32
      %div3A_351 = arith.divsi %add3A_349, %jit3A_350 : i32
      %sign3A_352 = arith.constant 0 : i32
      %sign3A_353 = arith.cmpi sgt, %add3A_349, %sign3A_352 : i32
      %sign3A_354 = arith.extui %sign3A_353 : i1 to i32
      %sign3A_355 = arith.constant 0 : i32
      %sign3A_356 = arith.cmpi slt, %add3A_349, %sign3A_355 : i32
      %sign3A_357 = arith.extui %sign3A_356 : i1 to i32
      %sign3A_358 = arith.subi %sign3A_354, %sign3A_357 : i32
      %sign3A_359 = arith.constant 0 : i32
      %sign3A_360 = arith.cmpi sgt, %jit3A_350, %sign3A_359 : i32
      %sign3A_361 = arith.extui %sign3A_360 : i1 to i32
      %sign3A_362 = arith.constant 0 : i32
      %sign3A_363 = arith.cmpi slt, %jit3A_350, %sign3A_362 : i32
      %sign3A_364 = arith.extui %sign3A_363 : i1 to i32
      %sign3A_365 = arith.subi %sign3A_361, %sign3A_364 : i32
      %ne3A_366 = arith.cmpi ne, %sign3A_358, %sign3A_365 : i32
      %rem3A_367 = arith.remsi %add3A_349, %jit3A_350 : i32
      %ne3A_368 = arith.constant 0 : i32
      %ne3A_369 = arith.cmpi ne, %rem3A_367, %ne3A_368 : i32
      %and3A_370 = arith.andi %ne3A_366, %ne3A_369 : i1
      %sub3A_371 = arith.constant 1 : i32
      %sub3A_372 = arith.subi %div3A_351, %sub3A_371 : i32
      %select_n3A_373 = arith.select %and3A_370, %sub3A_372, %div3A_351 : i32
      %mul3A_374 = arith.constant 32 : i32
      %mul3A_375 = arith.muli %select_n3A_373, %mul3A_374 : i32
      %sub3A_376 = arith.subi %add3A_349, %mul3A_375 : i32
      %jit3A_377 = arith.constant 8 : i32
      %div3A_378 = arith.divsi %sub3A_376, %jit3A_377 : i32
      %sign3A_379 = arith.constant 0 : i32
      %sign3A_380 = arith.cmpi sgt, %sub3A_376, %sign3A_379 : i32
      %sign3A_381 = arith.extui %sign3A_380 : i1 to i32
      %sign3A_382 = arith.constant 0 : i32
      %sign3A_383 = arith.cmpi slt, %sub3A_376, %sign3A_382 : i32
      %sign3A_384 = arith.extui %sign3A_383 : i1 to i32
      %sign3A_385 = arith.subi %sign3A_381, %sign3A_384 : i32
      %sign3A_386 = arith.constant 0 : i32
      %sign3A_387 = arith.cmpi sgt, %jit3A_377, %sign3A_386 : i32
      %sign3A_388 = arith.extui %sign3A_387 : i1 to i32
      %sign3A_389 = arith.constant 0 : i32
      %sign3A_390 = arith.cmpi slt, %jit3A_377, %sign3A_389 : i32
      %sign3A_391 = arith.extui %sign3A_390 : i1 to i32
      %sign3A_392 = arith.subi %sign3A_388, %sign3A_391 : i32
      %ne3A_393 = arith.cmpi ne, %sign3A_385, %sign3A_392 : i32
      %rem3A_394 = arith.remsi %sub3A_376, %jit3A_377 : i32
      %ne3A_395 = arith.constant 0 : i32
      %ne3A_396 = arith.cmpi ne, %rem3A_394, %ne3A_395 : i32
      %and3A_397 = arith.andi %ne3A_393, %ne3A_396 : i1
      %sub3A_398 = arith.constant 1 : i32
      %sub3A_399 = arith.subi %div3A_378, %sub3A_398 : i32
      %select_n3A_400 = arith.select %and3A_397, %sub3A_399, %div3A_378 : i32
      %jit3A_401 = arith.constant 8 : i32
      %div3A_402 = arith.divsi %sub3A_376, %jit3A_401 : i32
      %sign3A_403 = arith.constant 0 : i32
      %sign3A_404 = arith.cmpi sgt, %sub3A_376, %sign3A_403 : i32
      %sign3A_405 = arith.extui %sign3A_404 : i1 to i32
      %sign3A_406 = arith.constant 0 : i32
      %sign3A_407 = arith.cmpi slt, %sub3A_376, %sign3A_406 : i32
      %sign3A_408 = arith.extui %sign3A_407 : i1 to i32
      %sign3A_409 = arith.subi %sign3A_405, %sign3A_408 : i32
      %sign3A_410 = arith.constant 0 : i32
      %sign3A_411 = arith.cmpi sgt, %jit3A_401, %sign3A_410 : i32
      %sign3A_412 = arith.extui %sign3A_411 : i1 to i32
      %sign3A_413 = arith.constant 0 : i32
      %sign3A_414 = arith.cmpi slt, %jit3A_401, %sign3A_413 : i32
      %sign3A_415 = arith.extui %sign3A_414 : i1 to i32
      %sign3A_416 = arith.subi %sign3A_412, %sign3A_415 : i32
      %ne3A_417 = arith.cmpi ne, %sign3A_409, %sign3A_416 : i32
      %rem3A_418 = arith.remsi %sub3A_376, %jit3A_401 : i32
      %ne3A_419 = arith.constant 0 : i32
      %ne3A_420 = arith.cmpi ne, %rem3A_418, %ne3A_419 : i32
      %and3A_421 = arith.andi %ne3A_417, %ne3A_420 : i1
      %sub3A_422 = arith.constant 1 : i32
      %sub3A_423 = arith.subi %div3A_402, %sub3A_422 : i32
      %select_n3A_424 = arith.select %and3A_421, %sub3A_423, %div3A_402 : i32
      %mul3A_425 = arith.constant 8 : i32
      %mul3A_426 = arith.muli %select_n3A_424, %mul3A_425 : i32
      %sub3A_427 = arith.subi %sub3A_376, %mul3A_426 : i32
      %mul3A_428 = arith.constant 128 : i32
      %mul3A_429 = arith.muli %sub3A_427, %mul3A_428 : i32
      %run_scoped3A_430 = arith.constant 1 : i32
      "tpu.region"() ({
        %run_scoped3A_751 = tpu.sem_alloc : memref<!tpu.dma_semaphore, #tpu.memory_space<semaphore_mem>>
        %dma_start3A_752 = arith.constant 0 : i32
        %dma_start3A_753 = arith.constant 0 : i32
        %dma_start3A_754 = tpu.memref_slice %arg6[%run_scoped3A_430, %dma_start3A_752, %dma_start3A_753] : memref<2x3x128xi32, #tpu.memory_space<vmem>> -> memref<1x3x128xi32, #tpu.memory_space<vmem>>
        %dma_start3A_755 = tpu.memref_squeeze %dma_start3A_754 : memref<1x3x128xi32, #tpu.memory_space<vmem>> -> memref<3x128xi32, #tpu.memory_space<vmem>>
        %dma_start3A_756 = arith.constant 0 : i32
        %dma_start3A_757 = tpu.memref_slice %arg2[%select_n3A_373, %dma_start3A_756, %select_n3A_400, %mul3A_429] : memref<25x3x4x1024xi32, #tpu.memory_space<hbm>> -> memref<1x3x1x128xi32, #tpu.memory_space<hbm>>
        %dma_start3A_758 = tpu.memref_squeeze %dma_start3A_757 : memref<1x3x1x128xi32, #tpu.memory_space<hbm>> -> memref<3x128xi32, #tpu.memory_space<hbm>>
        %dma_start3A_759 = arith.constant 0 : i32
        %dma_start3A_760 = arith.constant 0 : i32
        %dma_start3A_761 = tpu.memref_slice %arg6[%run_scoped3A_430, %dma_start3A_759, %dma_start3A_760] : memref<2x3x128xi32, #tpu.memory_space<vmem>> -> memref<1x3x128xi32, #tpu.memory_space<vmem>>
        %dma_start3A_762 = tpu.memref_squeeze %dma_start3A_761 : memref<1x3x128xi32, #tpu.memory_space<vmem>> -> memref<3x128xi32, #tpu.memory_space<vmem>>
        %dma_start3A_763 = arith.constant 0 : i32
        %dma_start3A_764 = tpu.memref_slice %arg2[%select_n3A_373, %dma_start3A_763, %select_n3A_400, %mul3A_429] : memref<25x3x4x1024xi32, #tpu.memory_space<hbm>> -> memref<1x3x1x128xi32, #tpu.memory_space<hbm>>
        %dma_start3A_765 = tpu.memref_squeeze %dma_start3A_764 : memref<1x3x1x128xi32, #tpu.memory_space<hbm>> -> memref<3x128xi32, #tpu.memory_space<hbm>>
        tpu.enqueue_dma source(%dma_start3A_765 : memref<3x128xi32, #tpu.memory_space<hbm>>) target(%dma_start3A_762 : memref<3x128xi32, #tpu.memory_space<vmem>>) target_semaphore(%run_scoped3A_751 : memref<!tpu.dma_semaphore, #tpu.memory_space<semaphore_mem>>)
        %dma_wait3A_766 = arith.constant 0 : i32
        %dma_wait3A_767 = arith.constant 0 : i32
        %dma_wait3A_768 = tpu.memref_slice %arg6[%run_scoped3A_430, %dma_wait3A_766, %dma_wait3A_767] : memref<2x3x128xi32, #tpu.memory_space<vmem>> -> memref<1x3x128xi32, #tpu.memory_space<vmem>>
        %dma_wait3A_769 = tpu.memref_squeeze %dma_wait3A_768 : memref<1x3x128xi32, #tpu.memory_space<vmem>> -> memref<3x128xi32, #tpu.memory_space<vmem>>
        %dma_wait3A_770 = arith.constant 0 : i32
        %dma_wait3A_771 = tpu.memref_slice %arg2[%select_n3A_373, %dma_wait3A_770, %select_n3A_400, %mul3A_429] : memref<25x3x4x1024xi32, #tpu.memory_space<hbm>> -> memref<1x3x1x128xi32, #tpu.memory_space<hbm>>
        %dma_wait3A_772 = tpu.memref_squeeze %dma_wait3A_771 : memref<1x3x1x128xi32, #tpu.memory_space<hbm>> -> memref<3x128xi32, #tpu.memory_space<hbm>>
        %dma_wait3A_773 = arith.constant 0 : i32
        %dma_wait3A_774 = arith.constant 0 : i32
        %dma_wait3A_775 = tpu.memref_slice %arg6[%run_scoped3A_430, %dma_wait3A_773, %dma_wait3A_774] : memref<2x3x128xi32, #tpu.memory_space<vmem>> -> memref<1x3x128xi32, #tpu.memory_space<vmem>>
        %dma_wait3A_776 = tpu.memref_squeeze %dma_wait3A_775 : memref<1x3x128xi32, #tpu.memory_space<vmem>> -> memref<3x128xi32, #tpu.memory_space<vmem>>
        %dma_wait3A_777 = arith.constant 0 : i32
        %dma_wait3A_778 = tpu.memref_slice %arg2[%select_n3A_373, %dma_wait3A_777, %select_n3A_400, %mul3A_429] : memref<25x3x4x1024xi32, #tpu.memory_space<hbm>> -> memref<1x3x1x128xi32, #tpu.memory_space<hbm>>
        %dma_wait3A_779 = tpu.memref_squeeze %dma_wait3A_778 : memref<1x3x1x128xi32, #tpu.memory_space<hbm>> -> memref<3x128xi32, #tpu.memory_space<hbm>>
        tpu.wait_dma2 semaphore(%run_scoped3A_751 : memref<!tpu.dma_semaphore, #tpu.memory_space<semaphore_mem>>) src(%dma_wait3A_779 : memref<3x128xi32, #tpu.memory_space<hbm>>) dst(%dma_wait3A_776 : memref<3x128xi32, #tpu.memory_space<vmem>>)
        tpu.yield
      }) : () -> ()
      %dma_start3A_431 = arith.constant 1 : i32
      %dma_start3A_432 = arith.constant 0 : i32
      %dma_start3A_433 = arith.constant 1 : i32
      %dma_start3A_434 = arith.constant 0 : i32
      %dma_start3A_435 = arith.constant 0 : i32
      %dma_start3A_436 = tpu.memref_slice %arg7[%dma_start3A_433, %dma_start3A_434, %dma_start3A_435] : memref<2x384x32xf32, #tpu.memory_space<vmem>> -> memref<1x384x32xf32, #tpu.memory_space<vmem>>
      %dma_start3A_437 = tpu.memref_squeeze %dma_start3A_436 : memref<1x384x32xf32, #tpu.memory_space<vmem>> -> memref<384x32xf32, #tpu.memory_space<vmem>>
      %dma_start3A_438 = arith.constant 0 : i32
      %dma_start3A_439 = arith.constant 0 : i32
      %dma_start3A_440 = tpu.memref_slice %dma_start3A_437[%dma_start3A_438, %dma_start3A_439] : memref<384x32xf32, #tpu.memory_space<vmem>> -> memref<128x32xf32, #tpu.memory_space<vmem>>
      %dma_start3A_441 = arith.constant 0 : i32
      %dma_start3A_442 = tpu.memref_slice %arg6[%dma_start3A_431, %dma_start3A_432, %dma_start3A_441] : memref<2x3x128xi32, #tpu.memory_space<vmem>> -> memref<1x1x128xi32, #tpu.memory_space<vmem>>
      %dma_start3A_443 = tpu.memref_squeeze %dma_start3A_442 : memref<1x1x128xi32, #tpu.memory_space<vmem>> -> memref<128xi32, #tpu.memory_space<vmem>>
      %dma_start3A_444 = arith.constant 0 : i32
      %dma_start3A_445 = arith.constant 0 : i32
      %dma_start3A_446 = tpu.memref_slice %arg3[%dma_start3A_444, %dma_start3A_445] : memref<1000000x32xf32, #tpu.memory_space<hbm>> -> memref<1000000x32xf32, #tpu.memory_space<hbm>>
      tpu.enqueue_indirect_dma source(%dma_start3A_446 : memref<1000000x32xf32, #tpu.memory_space<hbm>>) target(%dma_start3A_440 : memref<128x32xf32, #tpu.memory_space<vmem>>) offsets(%dma_start3A_443 : memref<128xi32, #tpu.memory_space<vmem>>) semaphore(%arg11 : memref<!tpu.dma_semaphore, #tpu.memory_space<semaphore_mem>>)
      %dma_start3A_447 = arith.constant 1 : i32
      %dma_start3A_448 = arith.constant 1 : i32
      %dma_start3A_449 = arith.constant 1 : i32
      %dma_start3A_450 = arith.constant 0 : i32
      %dma_start3A_451 = arith.constant 0 : i32
      %dma_start3A_452 = tpu.memref_slice %arg7[%dma_start3A_449, %dma_start3A_450, %dma_start3A_451] : memref<2x384x32xf32, #tpu.memory_space<vmem>> -> memref<1x384x32xf32, #tpu.memory_space<vmem>>
      %dma_start3A_453 = tpu.memref_squeeze %dma_start3A_452 : memref<1x384x32xf32, #tpu.memory_space<vmem>> -> memref<384x32xf32, #tpu.memory_space<vmem>>
      %dma_start3A_454 = arith.constant 128 : i32
      %dma_start3A_455 = arith.constant 0 : i32
      %dma_start3A_456 = tpu.memref_slice %dma_start3A_453[%dma_start3A_454, %dma_start3A_455] : memref<384x32xf32, #tpu.memory_space<vmem>> -> memref<128x32xf32, #tpu.memory_space<vmem>>
      %dma_start3A_457 = arith.constant 0 : i32
      %dma_start3A_458 = tpu.memref_slice %arg6[%dma_start3A_447, %dma_start3A_448, %dma_start3A_457] : memref<2x3x128xi32, #tpu.memory_space<vmem>> -> memref<1x1x128xi32, #tpu.memory_space<vmem>>
      %dma_start3A_459 = tpu.memref_squeeze %dma_start3A_458 : memref<1x1x128xi32, #tpu.memory_space<vmem>> -> memref<128xi32, #tpu.memory_space<vmem>>
      %dma_start3A_460 = arith.constant 0 : i32
      %dma_start3A_461 = arith.constant 0 : i32
      %dma_start3A_462 = tpu.memref_slice %arg3[%dma_start3A_460, %dma_start3A_461] : memref<1000000x32xf32, #tpu.memory_space<hbm>> -> memref<1000000x32xf32, #tpu.memory_space<hbm>>
      tpu.enqueue_indirect_dma source(%dma_start3A_462 : memref<1000000x32xf32, #tpu.memory_space<hbm>>) target(%dma_start3A_456 : memref<128x32xf32, #tpu.memory_space<vmem>>) offsets(%dma_start3A_459 : memref<128xi32, #tpu.memory_space<vmem>>) semaphore(%arg11 : memref<!tpu.dma_semaphore, #tpu.memory_space<semaphore_mem>>)
      %dma_start3A_463 = arith.constant 1 : i32
      %dma_start3A_464 = arith.constant 2 : i32
      %dma_start3A_465 = arith.constant 1 : i32
      %dma_start3A_466 = arith.constant 0 : i32
      %dma_start3A_467 = arith.constant 0 : i32
      %dma_start3A_468 = tpu.memref_slice %arg7[%dma_start3A_465, %dma_start3A_466, %dma_start3A_467] : memref<2x384x32xf32, #tpu.memory_space<vmem>> -> memref<1x384x32xf32, #tpu.memory_space<vmem>>
      %dma_start3A_469 = tpu.memref_squeeze %dma_start3A_468 : memref<1x384x32xf32, #tpu.memory_space<vmem>> -> memref<384x32xf32, #tpu.memory_space<vmem>>
      %dma_start3A_470 = arith.constant 256 : i32
      %dma_start3A_471 = arith.constant 0 : i32
      %dma_start3A_472 = tpu.memref_slice %dma_start3A_469[%dma_start3A_470, %dma_start3A_471] : memref<384x32xf32, #tpu.memory_space<vmem>> -> memref<128x32xf32, #tpu.memory_space<vmem>>
      %dma_start3A_473 = arith.constant 0 : i32
      %dma_start3A_474 = tpu.memref_slice %arg6[%dma_start3A_463, %dma_start3A_464, %dma_start3A_473] : memref<2x3x128xi32, #tpu.memory_space<vmem>> -> memref<1x1x128xi32, #tpu.memory_space<vmem>>
      %dma_start3A_475 = tpu.memref_squeeze %dma_start3A_474 : memref<1x1x128xi32, #tpu.memory_space<vmem>> -> memref<128xi32, #tpu.memory_space<vmem>>
      %dma_start3A_476 = arith.constant 0 : i32
      %dma_start3A_477 = arith.constant 0 : i32
      %dma_start3A_478 = tpu.memref_slice %arg3[%dma_start3A_476, %dma_start3A_477] : memref<1000000x32xf32, #tpu.memory_space<hbm>> -> memref<1000000x32xf32, #tpu.memory_space<hbm>>
      tpu.enqueue_indirect_dma source(%dma_start3A_478 : memref<1000000x32xf32, #tpu.memory_space<hbm>>) target(%dma_start3A_472 : memref<128x32xf32, #tpu.memory_space<vmem>>) offsets(%dma_start3A_475 : memref<128xi32, #tpu.memory_space<vmem>>) semaphore(%arg11 : memref<!tpu.dma_semaphore, #tpu.memory_space<semaphore_mem>>)
      %dma_wait3A_479 = arith.constant 0 : i32
      %dma_wait3A_480 = arith.constant 0 : i32
      %dma_wait3A_481 = arith.constant 0 : i32
      %dma_wait3A_482 = arith.constant 0 : i32
      %dma_wait3A_483 = arith.constant 0 : i32
      %dma_wait3A_484 = tpu.memref_slice %arg7[%dma_wait3A_481, %dma_wait3A_482, %dma_wait3A_483] : memref<2x384x32xf32, #tpu.memory_space<vmem>> -> memref<1x384x32xf32, #tpu.memory_space<vmem>>
      %dma_wait3A_485 = tpu.memref_squeeze %dma_wait3A_484 : memref<1x384x32xf32, #tpu.memory_space<vmem>> -> memref<384x32xf32, #tpu.memory_space<vmem>>
      %dma_wait3A_486 = arith.constant 0 : i32
      %dma_wait3A_487 = arith.constant 0 : i32
      %dma_wait3A_488 = tpu.memref_slice %dma_wait3A_485[%dma_wait3A_486, %dma_wait3A_487] : memref<384x32xf32, #tpu.memory_space<vmem>> -> memref<128x32xf32, #tpu.memory_space<vmem>>
      %dma_wait3A_489 = arith.constant 0 : i32
      %dma_wait3A_490 = tpu.memref_slice %arg6[%dma_wait3A_479, %dma_wait3A_480, %dma_wait3A_489] : memref<2x3x128xi32, #tpu.memory_space<vmem>> -> memref<1x1x128xi32, #tpu.memory_space<vmem>>
      %dma_wait3A_491 = tpu.memref_squeeze %dma_wait3A_490 : memref<1x1x128xi32, #tpu.memory_space<vmem>> -> memref<128xi32, #tpu.memory_space<vmem>>
      %dma_wait3A_492 = arith.constant 0 : i32
      %dma_wait3A_493 = arith.constant 0 : i32
      %dma_wait3A_494 = tpu.memref_slice %arg3[%dma_wait3A_492, %dma_wait3A_493] : memref<1000000x32xf32, #tpu.memory_space<hbm>> -> memref<1000000x32xf32, #tpu.memory_space<hbm>>
      tpu.wait_indirect_dma semaphore(%arg10 : memref<!tpu.dma_semaphore, #tpu.memory_space<semaphore_mem>>) src(%dma_wait3A_494 : memref<1000000x32xf32, #tpu.memory_space<hbm>>) dst(%dma_wait3A_488 : memref<128x32xf32, #tpu.memory_space<vmem>>)
      %dma_wait3A_495 = arith.constant 0 : i32
      %dma_wait3A_496 = arith.constant 1 : i32
      %dma_wait3A_497 = arith.constant 0 : i32
      %dma_wait3A_498 = arith.constant 0 : i32
      %dma_wait3A_499 = arith.constant 0 : i32
      %dma_wait3A_500 = tpu.memref_slice %arg7[%dma_wait3A_497, %dma_wait3A_498, %dma_wait3A_499] : memref<2x384x32xf32, #tpu.memory_space<vmem>> -> memref<1x384x32xf32, #tpu.memory_space<vmem>>
      %dma_wait3A_501 = tpu.memref_squeeze %dma_wait3A_500 : memref<1x384x32xf32, #tpu.memory_space<vmem>> -> memref<384x32xf32, #tpu.memory_space<vmem>>
      %dma_wait3A_502 = arith.constant 128 : i32
      %dma_wait3A_503 = arith.constant 0 : i32
      %dma_wait3A_504 = tpu.memref_slice %dma_wait3A_501[%dma_wait3A_502, %dma_wait3A_503] : memref<384x32xf32, #tpu.memory_space<vmem>> -> memref<128x32xf32, #tpu.memory_space<vmem>>
      %dma_wait3A_505 = arith.constant 0 : i32
      %dma_wait3A_506 = tpu.memref_slice %arg6[%dma_wait3A_495, %dma_wait3A_496, %dma_wait3A_505] : memref<2x3x128xi32, #tpu.memory_space<vmem>> -> memref<1x1x128xi32, #tpu.memory_space<vmem>>
      %dma_wait3A_507 = tpu.memref_squeeze %dma_wait3A_506 : memref<1x1x128xi32, #tpu.memory_space<vmem>> -> memref<128xi32, #tpu.memory_space<vmem>>
      %dma_wait3A_508 = arith.constant 0 : i32
      %dma_wait3A_509 = arith.constant 0 : i32
      %dma_wait3A_510 = tpu.memref_slice %arg3[%dma_wait3A_508, %dma_wait3A_509] : memref<1000000x32xf32, #tpu.memory_space<hbm>> -> memref<1000000x32xf32, #tpu.memory_space<hbm>>
      tpu.wait_indirect_dma semaphore(%arg10 : memref<!tpu.dma_semaphore, #tpu.memory_space<semaphore_mem>>) src(%dma_wait3A_510 : memref<1000000x32xf32, #tpu.memory_space<hbm>>) dst(%dma_wait3A_504 : memref<128x32xf32, #tpu.memory_space<vmem>>)
      %dma_wait3A_511 = arith.constant 0 : i32
      %dma_wait3A_512 = arith.constant 2 : i32
      %dma_wait3A_513 = arith.constant 0 : i32
      %dma_wait3A_514 = arith.constant 0 : i32
      %dma_wait3A_515 = arith.constant 0 : i32
      %dma_wait3A_516 = tpu.memref_slice %arg7[%dma_wait3A_513, %dma_wait3A_514, %dma_wait3A_515] : memref<2x384x32xf32, #tpu.memory_space<vmem>> -> memref<1x384x32xf32, #tpu.memory_space<vmem>>
      %dma_wait3A_517 = tpu.memref_squeeze %dma_wait3A_516 : memref<1x384x32xf32, #tpu.memory_space<vmem>> -> memref<384x32xf32, #tpu.memory_space<vmem>>
      %dma_wait3A_518 = arith.constant 256 : i32
      %dma_wait3A_519 = arith.constant 0 : i32
      %dma_wait3A_520 = tpu.memref_slice %dma_wait3A_517[%dma_wait3A_518, %dma_wait3A_519] : memref<384x32xf32, #tpu.memory_space<vmem>> -> memref<128x32xf32, #tpu.memory_space<vmem>>
      %dma_wait3A_521 = arith.constant 0 : i32
      %dma_wait3A_522 = tpu.memref_slice %arg6[%dma_wait3A_511, %dma_wait3A_512, %dma_wait3A_521] : memref<2x3x128xi32, #tpu.memory_space<vmem>> -> memref<1x1x128xi32, #tpu.memory_space<vmem>>
      %dma_wait3A_523 = tpu.memref_squeeze %dma_wait3A_522 : memref<1x1x128xi32, #tpu.memory_space<vmem>> -> memref<128xi32, #tpu.memory_space<vmem>>
      %dma_wait3A_524 = arith.constant 0 : i32
      %dma_wait3A_525 = arith.constant 0 : i32
      %dma_wait3A_526 = tpu.memref_slice %arg3[%dma_wait3A_524, %dma_wait3A_525] : memref<1000000x32xf32, #tpu.memory_space<hbm>> -> memref<1000000x32xf32, #tpu.memory_space<hbm>>
      tpu.wait_indirect_dma semaphore(%arg10 : memref<!tpu.dma_semaphore, #tpu.memory_space<semaphore_mem>>) src(%dma_wait3A_526 : memref<1000000x32xf32, #tpu.memory_space<hbm>>) dst(%dma_wait3A_520 : memref<128x32xf32, #tpu.memory_space<vmem>>)
      %parallel_loop3A_527 = arith.constant 0 : i32
      %parallel_loop3A_528 = arith.constant 128 : i32
      %parallel_loop3A_529 = arith.constant 1 : i32
      %parallel_loop3A_530 = arith.constant 0 : i32
      scf.for %parallel_loop3A_751 = %parallel_loop3A_527 to %parallel_loop3A_528 step %parallel_loop3A_529  : i32 {
        %parallel_loop3A_752 = arith.constant 0 : i32
        %parallel_loop3A_753 = arith.constant 0 : i32
        %parallel_loop3A_754 = tpu.memref_slice %arg7[%parallel_loop3A_530, %parallel_loop3A_752, %parallel_loop3A_753] : memref<2x384x32xf32, #tpu.memory_space<vmem>> -> memref<1x384x32xf32, #tpu.memory_space<vmem>>
        %parallel_loop3A_755 = tpu.memref_squeeze %parallel_loop3A_754 : memref<1x384x32xf32, #tpu.memory_space<vmem>> -> memref<384x32xf32, #tpu.memory_space<vmem>>
        %parallel_loop3A_756 = arith.index_cast %parallel_loop3A_751 : i32 to index
        %parallel_loop3A_757 = arith.constant 0 : index
        %parallel_loop3A_758 = tpu.vector_load %parallel_loop3A_755[%parallel_loop3A_756, %parallel_loop3A_757] {strides = array<i32>} : memref<384x32xf32, #tpu.memory_space<vmem>>, vector<1x16xf32>,
        %parallel_loop3A_759 = vector.shape_cast %parallel_loop3A_758 : vector<1x16xf32> to vector<16xf32>
        %parallel_loop3A_760 = arith.constant 128 : i32
        %parallel_loop3A_761 = arith.addi %parallel_loop3A_760, %parallel_loop3A_751 : i32
        %parallel_loop3A_762 = arith.constant 0 : i32
        %parallel_loop3A_763 = arith.constant 0 : i32
        %parallel_loop3A_764 = tpu.memref_slice %arg7[%parallel_loop3A_530, %parallel_loop3A_762, %parallel_loop3A_763] : memref<2x384x32xf32, #tpu.memory_space<vmem>> -> memref<1x384x32xf32, #tpu.memory_space<vmem>>
        %parallel_loop3A_765 = tpu.memref_squeeze %parallel_loop3A_764 : memref<1x384x32xf32, #tpu.memory_space<vmem>> -> memref<384x32xf32, #tpu.memory_space<vmem>>
        %parallel_loop3A_766 = arith.index_cast %parallel_loop3A_761 : i32 to index
        %parallel_loop3A_767 = arith.constant 0 : index
        %parallel_loop3A_768 = tpu.vector_load %parallel_loop3A_765[%parallel_loop3A_766, %parallel_loop3A_767] {strides = array<i32>} : memref<384x32xf32, #tpu.memory_space<vmem>>, vector<1x16xf32>,
        %parallel_loop3A_769 = vector.shape_cast %parallel_loop3A_768 : vector<1x16xf32> to vector<16xf32>
        %parallel_loop3A_770 = arith.constant 256 : i32
        %parallel_loop3A_771 = arith.addi %parallel_loop3A_770, %parallel_loop3A_751 : i32
        %parallel_loop3A_772 = arith.constant 0 : i32
        %parallel_loop3A_773 = arith.constant 0 : i32
        %parallel_loop3A_774 = tpu.memref_slice %arg7[%parallel_loop3A_530, %parallel_loop3A_772, %parallel_loop3A_773] : memref<2x384x32xf32, #tpu.memory_space<vmem>> -> memref<1x384x32xf32, #tpu.memory_space<vmem>>
        %parallel_loop3A_775 = tpu.memref_squeeze %parallel_loop3A_774 : memref<1x384x32xf32, #tpu.memory_space<vmem>> -> memref<384x32xf32, #tpu.memory_space<vmem>>
        %parallel_loop3A_776 = arith.index_cast %parallel_loop3A_771 : i32 to index
        %parallel_loop3A_777 = arith.constant 0 : index
        %parallel_loop3A_778 = tpu.vector_load %parallel_loop3A_775[%parallel_loop3A_776, %parallel_loop3A_777] {strides = array<i32>} : memref<384x32xf32, #tpu.memory_space<vmem>>, vector<1x16xf32>,
        %parallel_loop3A_779 = vector.shape_cast %parallel_loop3A_778 : vector<1x16xf32> to vector<16xf32>
        %parallel_loop3A_780 = arith.mulf %parallel_loop3A_759, %get3A_4 : vector<16xf32>
        %parallel_loop3A_781 = arith.mulf %parallel_loop3A_769, %get3A_19 : vector<16xf32>
        %parallel_loop3A_782 = arith.addf %parallel_loop3A_780, %parallel_loop3A_781 : vector<16xf32>
        %parallel_loop3A_783 = arith.mulf %parallel_loop3A_779, %get3A_34 : vector<16xf32>
        %parallel_loop3A_784 = arith.addf %parallel_loop3A_782, %parallel_loop3A_783 : vector<16xf32>
        %parallel_loop3A_785 = arith.addf %parallel_loop3A_784, %get3A_49 : vector<16xf32>
        %parallel_loop3A_786 = arith.constant 0.000000e+00 : f32
        %parallel_loop3A_787 = vector.broadcast %parallel_loop3A_786 : f32 to vector<16xf32>
        %parallel_loop3A_788 = arith.maximumf %parallel_loop3A_785, %parallel_loop3A_787 : vector<16xf32>
        %parallel_loop3A_789 = arith.mulf %parallel_loop3A_788, %get3A_64 : vector<16xf32>
        %parallel_loop3A_790 = arith.addf %get3A_79, %parallel_loop3A_789 : vector<16xf32>
        %parallel_loop3A_791 = arith.mulf %parallel_loop3A_759, %get3A_9 : vector<16xf32>
        %parallel_loop3A_792 = arith.mulf %parallel_loop3A_769, %get3A_24 : vector<16xf32>
        %parallel_loop3A_793 = arith.addf %parallel_loop3A_791, %parallel_loop3A_792 : vector<16xf32>
        %parallel_loop3A_794 = arith.mulf %parallel_loop3A_779, %get3A_39 : vector<16xf32>
        %parallel_loop3A_795 = arith.addf %parallel_loop3A_793, %parallel_loop3A_794 : vector<16xf32>
        %parallel_loop3A_796 = arith.addf %parallel_loop3A_795, %get3A_54 : vector<16xf32>
        %parallel_loop3A_797 = arith.constant 0.000000e+00 : f32
        %parallel_loop3A_798 = vector.broadcast %parallel_loop3A_797 : f32 to vector<16xf32>
        %parallel_loop3A_799 = arith.maximumf %parallel_loop3A_796, %parallel_loop3A_798 : vector<16xf32>
        %parallel_loop3A_800 = arith.mulf %parallel_loop3A_799, %get3A_69 : vector<16xf32>
        %parallel_loop3A_801 = arith.addf %parallel_loop3A_790, %parallel_loop3A_800 : vector<16xf32>
        %parallel_loop3A_802 = arith.mulf %parallel_loop3A_759, %get3A_14 : vector<16xf32>
        %parallel_loop3A_803 = arith.mulf %parallel_loop3A_769, %get3A_29 : vector<16xf32>
        %parallel_loop3A_804 = arith.addf %parallel_loop3A_802, %parallel_loop3A_803 : vector<16xf32>
        %parallel_loop3A_805 = arith.mulf %parallel_loop3A_779, %get3A_44 : vector<16xf32>
        %parallel_loop3A_806 = arith.addf %parallel_loop3A_804, %parallel_loop3A_805 : vector<16xf32>
        %parallel_loop3A_807 = arith.addf %parallel_loop3A_806, %get3A_59 : vector<16xf32>
        %parallel_loop3A_808 = arith.constant 0.000000e+00 : f32
        %parallel_loop3A_809 = vector.broadcast %parallel_loop3A_808 : f32 to vector<16xf32>
        %parallel_loop3A_810 = arith.maximumf %parallel_loop3A_807, %parallel_loop3A_809 : vector<16xf32>
        %parallel_loop3A_811 = arith.mulf %parallel_loop3A_810, %get3A_74 : vector<16xf32>
        %parallel_loop3A_812 = arith.addf %parallel_loop3A_801, %parallel_loop3A_811 : vector<16xf32>
        %parallel_loop3A_813 = arith.constant 0.000000e+00 : f32
        %parallel_loop3A_814 = vector.broadcast %parallel_loop3A_813 : f32 to vector<16xf32>
        %parallel_loop3A_815 = arith.maximumf %parallel_loop3A_812, %parallel_loop3A_814 : vector<16xf32>
        %parallel_loop3A_816 = arith.index_cast %parallel_loop3A_751 : i32 to index
        %parallel_loop3A_817 = arith.constant 0 : index
        %parallel_loop3A_818 = tpu.vector_load %arg8[%parallel_loop3A_816, %parallel_loop3A_817] {strides = array<i32>} : memref<128x32xf32, #tpu.memory_space<vmem>>, vector<1x16xf32>,
        %parallel_loop3A_819 = vector.shape_cast %parallel_loop3A_818 : vector<1x16xf32> to vector<16xf32>
        %parallel_loop3A_820 = vector.shape_cast %parallel_loop3A_815 : vector<16xf32> to vector<1x16xf32>
        tpu.vector_store %arg8[%parallel_loop3A_816, %parallel_loop3A_817], %parallel_loop3A_820 {strides = array<i32>} : memref<128x32xf32, #tpu.memory_space<vmem>>, vector<1x16xf32>,
        %parallel_loop3A_821 = arith.constant 0 : i32
        %parallel_loop3A_822 = arith.constant 0 : i32
        %parallel_loop3A_823 = tpu.memref_slice %arg7[%parallel_loop3A_530, %parallel_loop3A_821, %parallel_loop3A_822] : memref<2x384x32xf32, #tpu.memory_space<vmem>> -> memref<1x384x32xf32, #tpu.memory_space<vmem>>
        %parallel_loop3A_824 = tpu.memref_squeeze %parallel_loop3A_823 : memref<1x384x32xf32, #tpu.memory_space<vmem>> -> memref<384x32xf32, #tpu.memory_space<vmem>>
        %parallel_loop3A_825 = arith.index_cast %parallel_loop3A_751 : i32 to index
        %parallel_loop3A_826 = arith.constant 16 : index
        %parallel_loop3A_827 = tpu.vector_load %parallel_loop3A_824[%parallel_loop3A_825, %parallel_loop3A_826] {strides = array<i32>} : memref<384x32xf32, #tpu.memory_space<vmem>>, vector<1x16xf32>,
        %parallel_loop3A_828 = vector.shape_cast %parallel_loop3A_827 : vector<1x16xf32> to vector<16xf32>
        %parallel_loop3A_829 = arith.constant 128 : i32
        %parallel_loop3A_830 = arith.addi %parallel_loop3A_829, %parallel_loop3A_751 : i32
        %parallel_loop3A_831 = arith.constant 0 : i32
        %parallel_loop3A_832 = arith.constant 0 : i32
        %parallel_loop3A_833 = tpu.memref_slice %arg7[%parallel_loop3A_530, %parallel_loop3A_831, %parallel_loop3A_832] : memref<2x384x32xf32, #tpu.memory_space<vmem>> -> memref<1x384x32xf32, #tpu.memory_space<vmem>>
        %parallel_loop3A_834 = tpu.memref_squeeze %parallel_loop3A_833 : memref<1x384x32xf32, #tpu.memory_space<vmem>> -> memref<384x32xf32, #tpu.memory_space<vmem>>
        %parallel_loop3A_835 = arith.index_cast %parallel_loop3A_830 : i32 to index
        %parallel_loop3A_836 = arith.constant 16 : index
        %parallel_loop3A_837 = tpu.vector_load %parallel_loop3A_834[%parallel_loop3A_835, %parallel_loop3A_836] {strides = array<i32>} : memref<384x32xf32, #tpu.memory_space<vmem>>, vector<1x16xf32>,
        %parallel_loop3A_838 = vector.shape_cast %parallel_loop3A_837 : vector<1x16xf32> to vector<16xf32>
        %parallel_loop3A_839 = arith.constant 256 : i32
        %parallel_loop3A_840 = arith.addi %parallel_loop3A_839, %parallel_loop3A_751 : i32
        %parallel_loop3A_841 = arith.constant 0 : i32
        %parallel_loop3A_842 = arith.constant 0 : i32
        %parallel_loop3A_843 = tpu.memref_slice %arg7[%parallel_loop3A_530, %parallel_loop3A_841, %parallel_loop3A_842] : memref<2x384x32xf32, #tpu.memory_space<vmem>> -> memref<1x384x32xf32, #tpu.memory_space<vmem>>
        %parallel_loop3A_844 = tpu.memref_squeeze %parallel_loop3A_843 : memref<1x384x32xf32, #tpu.memory_space<vmem>> -> memref<384x32xf32, #tpu.memory_space<vmem>>
        %parallel_loop3A_845 = arith.index_cast %parallel_loop3A_840 : i32 to index
        %parallel_loop3A_846 = arith.constant 16 : index
        %parallel_loop3A_847 = tpu.vector_load %parallel_loop3A_844[%parallel_loop3A_845, %parallel_loop3A_846] {strides = array<i32>} : memref<384x32xf32, #tpu.memory_space<vmem>>, vector<1x16xf32>,
        %parallel_loop3A_848 = vector.shape_cast %parallel_loop3A_847 : vector<1x16xf32> to vector<16xf32>
        %parallel_loop3A_849 = arith.mulf %parallel_loop3A_828, %get3A_4 : vector<16xf32>
        %parallel_loop3A_850 = arith.mulf %parallel_loop3A_838, %get3A_19 : vector<16xf32>
        %parallel_loop3A_851 = arith.addf %parallel_loop3A_849, %parallel_loop3A_850 : vector<16xf32>
        %parallel_loop3A_852 = arith.mulf %parallel_loop3A_848, %get3A_34 : vector<16xf32>
        %parallel_loop3A_853 = arith.addf %parallel_loop3A_851, %parallel_loop3A_852 : vector<16xf32>
        %parallel_loop3A_854 = arith.addf %parallel_loop3A_853, %get3A_49 : vector<16xf32>
        %parallel_loop3A_855 = arith.constant 0.000000e+00 : f32
        %parallel_loop3A_856 = vector.broadcast %parallel_loop3A_855 : f32 to vector<16xf32>
        %parallel_loop3A_857 = arith.maximumf %parallel_loop3A_854, %parallel_loop3A_856 : vector<16xf32>
        %parallel_loop3A_858 = arith.mulf %parallel_loop3A_857, %get3A_64 : vector<16xf32>
        %parallel_loop3A_859 = arith.addf %get3A_79, %parallel_loop3A_858 : vector<16xf32>
        %parallel_loop3A_860 = arith.mulf %parallel_loop3A_828, %get3A_9 : vector<16xf32>
        %parallel_loop3A_861 = arith.mulf %parallel_loop3A_838, %get3A_24 : vector<16xf32>
        %parallel_loop3A_862 = arith.addf %parallel_loop3A_860, %parallel_loop3A_861 : vector<16xf32>
        %parallel_loop3A_863 = arith.mulf %parallel_loop3A_848, %get3A_39 : vector<16xf32>
        %parallel_loop3A_864 = arith.addf %parallel_loop3A_862, %parallel_loop3A_863 : vector<16xf32>
        %parallel_loop3A_865 = arith.addf %parallel_loop3A_864, %get3A_54 : vector<16xf32>
        %parallel_loop3A_866 = arith.constant 0.000000e+00 : f32
        %parallel_loop3A_867 = vector.broadcast %parallel_loop3A_866 : f32 to vector<16xf32>
        %parallel_loop3A_868 = arith.maximumf %parallel_loop3A_865, %parallel_loop3A_867 : vector<16xf32>
        %parallel_loop3A_869 = arith.mulf %parallel_loop3A_868, %get3A_69 : vector<16xf32>
        %parallel_loop3A_870 = arith.addf %parallel_loop3A_859, %parallel_loop3A_869 : vector<16xf32>
        %parallel_loop3A_871 = arith.mulf %parallel_loop3A_828, %get3A_14 : vector<16xf32>
        %parallel_loop3A_872 = arith.mulf %parallel_loop3A_838, %get3A_29 : vector<16xf32>
        %parallel_loop3A_873 = arith.addf %parallel_loop3A_871, %parallel_loop3A_872 : vector<16xf32>
        %parallel_loop3A_874 = arith.mulf %parallel_loop3A_848, %get3A_44 : vector<16xf32>
        %parallel_loop3A_875 = arith.addf %parallel_loop3A_873, %parallel_loop3A_874 : vector<16xf32>
        %parallel_loop3A_876 = arith.addf %parallel_loop3A_875, %get3A_59 : vector<16xf32>
        %parallel_loop3A_877 = arith.constant 0.000000e+00 : f32
        %parallel_loop3A_878 = vector.broadcast %parallel_loop3A_877 : f32 to vector<16xf32>
        %parallel_loop3A_879 = arith.maximumf %parallel_loop3A_876, %parallel_loop3A_878 : vector<16xf32>
        %parallel_loop3A_880 = arith.mulf %parallel_loop3A_879, %get3A_74 : vector<16xf32>
        %parallel_loop3A_881 = arith.addf %parallel_loop3A_870, %parallel_loop3A_880 : vector<16xf32>
        %parallel_loop3A_882 = arith.constant 0.000000e+00 : f32
        %parallel_loop3A_883 = vector.broadcast %parallel_loop3A_882 : f32 to vector<16xf32>
        %parallel_loop3A_884 = arith.maximumf %parallel_loop3A_881, %parallel_loop3A_883 : vector<16xf32>
        %parallel_loop3A_885 = arith.index_cast %parallel_loop3A_751 : i32 to index
        %parallel_loop3A_886 = arith.constant 16 : index
        %parallel_loop3A_887 = tpu.vector_load %arg8[%parallel_loop3A_885, %parallel_loop3A_886] {strides = array<i32>} : memref<128x32xf32, #tpu.memory_space<vmem>>, vector<1x16xf32>,
        %parallel_loop3A_888 = vector.shape_cast %parallel_loop3A_887 : vector<1x16xf32> to vector<16xf32>
        %parallel_loop3A_889 = vector.shape_cast %parallel_loop3A_884 : vector<16xf32> to vector<1x16xf32>
        tpu.vector_store %arg8[%parallel_loop3A_885, %parallel_loop3A_886], %parallel_loop3A_889 {strides = array<i32>} : memref<128x32xf32, #tpu.memory_space<vmem>>, vector<1x16xf32>,
      } {sc.loop_unroll_factor = 4 : i64, sc.parallel_access}
      %jit3A_531 = arith.constant 32 : i32
      %div3A_532 = arith.divsi %add3A_347, %jit3A_531 : i32
      %sign3A_533 = arith.constant 0 : i32
      %sign3A_534 = arith.cmpi sgt, %add3A_347, %sign3A_533 : i32
      %sign3A_535 = arith.extui %sign3A_534 : i1 to i32
      %sign3A_536 = arith.constant 0 : i32
      %sign3A_537 = arith.cmpi slt, %add3A_347, %sign3A_536 : i32
      %sign3A_538 = arith.extui %sign3A_537 : i1 to i32
      %sign3A_539 = arith.subi %sign3A_535, %sign3A_538 : i32
      %sign3A_540 = arith.constant 0 : i32
      %sign3A_541 = arith.cmpi sgt, %jit3A_531, %sign3A_540 : i32
      %sign3A_542 = arith.extui %sign3A_541 : i1 to i32
      %sign3A_543 = arith.constant 0 : i32
      %sign3A_544 = arith.cmpi slt, %jit3A_531, %sign3A_543 : i32
      %sign3A_545 = arith.extui %sign3A_544 : i1 to i32
      %sign3A_546 = arith.subi %sign3A_542, %sign3A_545 : i32
      %ne3A_547 = arith.cmpi ne, %sign3A_539, %sign3A_546 : i32
      %rem3A_548 = arith.remsi %add3A_347, %jit3A_531 : i32
      %ne3A_549 = arith.constant 0 : i32
      %ne3A_550 = arith.cmpi ne, %rem3A_548, %ne3A_549 : i32
      %and3A_551 = arith.andi %ne3A_547, %ne3A_550 : i1
      %sub3A_552 = arith.constant 1 : i32
      %sub3A_553 = arith.subi %div3A_532, %sub3A_552 : i32
      %select_n3A_554 = arith.select %and3A_551, %sub3A_553, %div3A_532 : i32
      %mul3A_555 = arith.constant 32 : i32
      %mul3A_556 = arith.muli %select_n3A_554, %mul3A_555 : i32
      %sub3A_557 = arith.subi %add3A_347, %mul3A_556 : i32
      %jit3A_558 = arith.constant 8 : i32
      %div3A_559 = arith.divsi %sub3A_557, %jit3A_558 : i32
      %sign3A_560 = arith.constant 0 : i32
      %sign3A_561 = arith.cmpi sgt, %sub3A_557, %sign3A_560 : i32
      %sign3A_562 = arith.extui %sign3A_561 : i1 to i32
      %sign3A_563 = arith.constant 0 : i32
      %sign3A_564 = arith.cmpi slt, %sub3A_557, %sign3A_563 : i32
      %sign3A_565 = arith.extui %sign3A_564 : i1 to i32
      %sign3A_566 = arith.subi %sign3A_562, %sign3A_565 : i32
      %sign3A_567 = arith.constant 0 : i32
      %sign3A_568 = arith.cmpi sgt, %jit3A_558, %sign3A_567 : i32
      %sign3A_569 = arith.extui %sign3A_568 : i1 to i32
      %sign3A_570 = arith.constant 0 : i32
      %sign3A_571 = arith.cmpi slt, %jit3A_558, %sign3A_570 : i32
      %sign3A_572 = arith.extui %sign3A_571 : i1 to i32
      %sign3A_573 = arith.subi %sign3A_569, %sign3A_572 : i32
      %ne3A_574 = arith.cmpi ne, %sign3A_566, %sign3A_573 : i32
      %rem3A_575 = arith.remsi %sub3A_557, %jit3A_558 : i32
      %ne3A_576 = arith.constant 0 : i32
      %ne3A_577 = arith.cmpi ne, %rem3A_575, %ne3A_576 : i32
      %and3A_578 = arith.andi %ne3A_574, %ne3A_577 : i1
      %sub3A_579 = arith.constant 1 : i32
      %sub3A_580 = arith.subi %div3A_559, %sub3A_579 : i32
      %select_n3A_581 = arith.select %and3A_578, %sub3A_580, %div3A_559 : i32
      %jit3A_582 = arith.constant 8 : i32
      %div3A_583 = arith.divsi %sub3A_557, %jit3A_582 : i32
      %sign3A_584 = arith.constant 0 : i32
      %sign3A_585 = arith.cmpi sgt, %sub3A_557, %sign3A_584 : i32
      %sign3A_586 = arith.extui %sign3A_585 : i1 to i32
      %sign3A_587 = arith.constant 0 : i32
      %sign3A_588 = arith.cmpi slt, %sub3A_557, %sign3A_587 : i32
      %sign3A_589 = arith.extui %sign3A_588 : i1 to i32
      %sign3A_590 = arith.subi %sign3A_586, %sign3A_589 : i32
      %sign3A_591 = arith.constant 0 : i32
      %sign3A_592 = arith.cmpi sgt, %jit3A_582, %sign3A_591 : i32
      %sign3A_593 = arith.extui %sign3A_592 : i1 to i32
      %sign3A_594 = arith.constant 0 : i32
      %sign3A_595 = arith.cmpi slt, %jit3A_582, %sign3A_594 : i32
      %sign3A_596 = arith.extui %sign3A_595 : i1 to i32
      %sign3A_597 = arith.subi %sign3A_593, %sign3A_596 : i32
      %ne3A_598 = arith.cmpi ne, %sign3A_590, %sign3A_597 : i32
      %rem3A_599 = arith.remsi %sub3A_557, %jit3A_582 : i32
      %ne3A_600 = arith.constant 0 : i32
      %ne3A_601 = arith.cmpi ne, %rem3A_599, %ne3A_600 : i32
      %and3A_602 = arith.andi %ne3A_598, %ne3A_601 : i1
      %sub3A_603 = arith.constant 1 : i32
      %sub3A_604 = arith.subi %div3A_583, %sub3A_603 : i32
      %select_n3A_605 = arith.select %and3A_602, %sub3A_604, %div3A_583 : i32
      %mul3A_606 = arith.constant 8 : i32
      %mul3A_607 = arith.muli %select_n3A_605, %mul3A_606 : i32
      %sub3A_608 = arith.subi %sub3A_557, %mul3A_607 : i32
      %mul3A_609 = arith.constant 128 : i32
      %mul3A_610 = arith.muli %sub3A_608, %mul3A_609 : i32
      "tpu.region"() ({
        %run_scoped3A_751 = tpu.sem_alloc : memref<!tpu.dma_semaphore, #tpu.memory_space<semaphore_mem>>
        %dma_start3A_752 = arith.constant 0 : i32
        %dma_start3A_753 = tpu.memref_slice %arg5[%mul3A_610, %select_n3A_554, %select_n3A_581, %dma_start3A_752] : memref<1024x25x4x32xf32, #tpu.memory_space<hbm>> -> memref<128x1x1x32xf32, #tpu.memory_space<hbm>>
        %dma_start3A_754 = tpu.memref_squeeze %dma_start3A_753 : memref<128x1x1x32xf32, #tpu.memory_space<hbm>> -> memref<128x32xf32, #tpu.memory_space<hbm>>
        %dma_start3A_755 = arith.constant 0 : i32
        %dma_start3A_756 = tpu.memref_slice %arg5[%mul3A_610, %select_n3A_554, %select_n3A_581, %dma_start3A_755] : memref<1024x25x4x32xf32, #tpu.memory_space<hbm>> -> memref<128x1x1x32xf32, #tpu.memory_space<hbm>>
        %dma_start3A_757 = tpu.memref_squeeze %dma_start3A_756 : memref<128x1x1x32xf32, #tpu.memory_space<hbm>> -> memref<128x32xf32, #tpu.memory_space<hbm>>
        tpu.enqueue_dma source(%arg8 : memref<128x32xf32, #tpu.memory_space<vmem>>) target(%dma_start3A_757 : memref<128x32xf32, #tpu.memory_space<hbm>>) target_semaphore(%run_scoped3A_751 : memref<!tpu.dma_semaphore, #tpu.memory_space<semaphore_mem>>)
        %dma_wait3A_758 = arith.constant 0 : i32
        %dma_wait3A_759 = tpu.memref_slice %arg5[%mul3A_610, %select_n3A_554, %select_n3A_581, %dma_wait3A_758] : memref<1024x25x4x32xf32, #tpu.memory_space<hbm>> -> memref<128x1x1x32xf32, #tpu.memory_space<hbm>>
        %dma_wait3A_760 = tpu.memref_squeeze %dma_wait3A_759 : memref<128x1x1x32xf32, #tpu.memory_space<hbm>> -> memref<128x32xf32, #tpu.memory_space<hbm>>
        %dma_wait3A_761 = arith.constant 0 : i32
        %dma_wait3A_762 = tpu.memref_slice %arg5[%mul3A_610, %select_n3A_554, %select_n3A_581, %dma_wait3A_761] : memref<1024x25x4x32xf32, #tpu.memory_space<hbm>> -> memref<128x1x1x32xf32, #tpu.memory_space<hbm>>
        %dma_wait3A_763 = tpu.memref_squeeze %dma_wait3A_762 : memref<128x1x1x32xf32, #tpu.memory_space<hbm>> -> memref<128x32xf32, #tpu.memory_space<hbm>>
        tpu.wait_dma2 semaphore(%run_scoped3A_751 : memref<!tpu.dma_semaphore, #tpu.memory_space<semaphore_mem>>) src(%arg8 : memref<128x32xf32, #tpu.memory_space<vmem>>) dst(%dma_wait3A_763 : memref<128x32xf32, #tpu.memory_space<hbm>>)
        tpu.yield
      }) : () -> ()
      %mul3A_611 = arith.constant 2 : i32
      %mul3A_612 = arith.muli %mul3A_611, %scan3A_342 : i32
      %add3A_613 = arith.constant 2 : i32
      %add3A_614 = arith.addi %mul3A_612, %add3A_613 : i32
      %lt3A = arith.constant 25 : i32
      %lt3A_615 = arith.cmpi slt, %add3A_614, %lt3A : i32
      %convert_element_type3A = arith.extui %lt3A_615 : i1 to i32
      %cond3A = arith.constant 0 : i32
      %cond3A_616 = arith.cmpi ne, %convert_element_type3A, %cond3A : i32
      scf.if %cond3A_616 {
        %add3A_751 = arith.constant 2 : i32
        %add3A_752 = arith.addi %add3A_347, %add3A_751 : i32
        %jit3A_753 = arith.constant 32 : i32
        %div3A_754 = arith.divsi %add3A_752, %jit3A_753 : i32
        %sign3A_755 = arith.constant 0 : i32
        %sign3A_756 = arith.cmpi sgt, %add3A_752, %sign3A_755 : i32
        %sign3A_757 = arith.extui %sign3A_756 : i1 to i32
        %sign3A_758 = arith.constant 0 : i32
        %sign3A_759 = arith.cmpi slt, %add3A_752, %sign3A_758 : i32
        %sign3A_760 = arith.extui %sign3A_759 : i1 to i32
        %sign3A_761 = arith.subi %sign3A_757, %sign3A_760 : i32
        %sign3A_762 = arith.constant 0 : i32
        %sign3A_763 = arith.cmpi sgt, %jit3A_753, %sign3A_762 : i32
        %sign3A_764 = arith.extui %sign3A_763 : i1 to i32
        %sign3A_765 = arith.constant 0 : i32
        %sign3A_766 = arith.cmpi slt, %jit3A_753, %sign3A_765 : i32
        %sign3A_767 = arith.extui %sign3A_766 : i1 to i32
        %sign3A_768 = arith.subi %sign3A_764, %sign3A_767 : i32
        %ne3A_769 = arith.cmpi ne, %sign3A_761, %sign3A_768 : i32
        %rem3A_770 = arith.remsi %add3A_752, %jit3A_753 : i32
        %ne3A_771 = arith.constant 0 : i32
        %ne3A_772 = arith.cmpi ne, %rem3A_770, %ne3A_771 : i32
        %and3A_773 = arith.andi %ne3A_769, %ne3A_772 : i1
        %sub3A_774 = arith.constant 1 : i32
        %sub3A_775 = arith.subi %div3A_754, %sub3A_774 : i32
        %select_n3A_776 = arith.select %and3A_773, %sub3A_775, %div3A_754 : i32
        %mul3A_777 = arith.constant 32 : i32
        %mul3A_778 = arith.muli %select_n3A_776, %mul3A_777 : i32
        %sub3A_779 = arith.subi %add3A_752, %mul3A_778 : i32
        %jit3A_780 = arith.constant 8 : i32
        %div3A_781 = arith.divsi %sub3A_779, %jit3A_780 : i32
        %sign3A_782 = arith.constant 0 : i32
        %sign3A_783 = arith.cmpi sgt, %sub3A_779, %sign3A_782 : i32
        %sign3A_784 = arith.extui %sign3A_783 : i1 to i32
        %sign3A_785 = arith.constant 0 : i32
        %sign3A_786 = arith.cmpi slt, %sub3A_779, %sign3A_785 : i32
        %sign3A_787 = arith.extui %sign3A_786 : i1 to i32
        %sign3A_788 = arith.subi %sign3A_784, %sign3A_787 : i32
        %sign3A_789 = arith.constant 0 : i32
        %sign3A_790 = arith.cmpi sgt, %jit3A_780, %sign3A_789 : i32
        %sign3A_791 = arith.extui %sign3A_790 : i1 to i32
        %sign3A_792 = arith.constant 0 : i32
        %sign3A_793 = arith.cmpi slt, %jit3A_780, %sign3A_792 : i32
        %sign3A_794 = arith.extui %sign3A_793 : i1 to i32
        %sign3A_795 = arith.subi %sign3A_791, %sign3A_794 : i32
        %ne3A_796 = arith.cmpi ne, %sign3A_788, %sign3A_795 : i32
        %rem3A_797 = arith.remsi %sub3A_779, %jit3A_780 : i32
        %ne3A_798 = arith.constant 0 : i32
        %ne3A_799 = arith.cmpi ne, %rem3A_797, %ne3A_798 : i32
        %and3A_800 = arith.andi %ne3A_796, %ne3A_799 : i1
        %sub3A_801 = arith.constant 1 : i32
        %sub3A_802 = arith.subi %div3A_781, %sub3A_801 : i32
        %select_n3A_803 = arith.select %and3A_800, %sub3A_802, %div3A_781 : i32
        %jit3A_804 = arith.constant 8 : i32
        %div3A_805 = arith.divsi %sub3A_779, %jit3A_804 : i32
        %sign3A_806 = arith.constant 0 : i32
        %sign3A_807 = arith.cmpi sgt, %sub3A_779, %sign3A_806 : i32
        %sign3A_808 = arith.extui %sign3A_807 : i1 to i32
        %sign3A_809 = arith.constant 0 : i32
        %sign3A_810 = arith.cmpi slt, %sub3A_779, %sign3A_809 : i32
        %sign3A_811 = arith.extui %sign3A_810 : i1 to i32
        %sign3A_812 = arith.subi %sign3A_808, %sign3A_811 : i32
        %sign3A_813 = arith.constant 0 : i32
        %sign3A_814 = arith.cmpi sgt, %jit3A_804, %sign3A_813 : i32
        %sign3A_815 = arith.extui %sign3A_814 : i1 to i32
        %sign3A_816 = arith.constant 0 : i32
        %sign3A_817 = arith.cmpi slt, %jit3A_804, %sign3A_816 : i32
        %sign3A_818 = arith.extui %sign3A_817 : i1 to i32
        %sign3A_819 = arith.subi %sign3A_815, %sign3A_818 : i32
        %ne3A_820 = arith.cmpi ne, %sign3A_812, %sign3A_819 : i32
        %rem3A_821 = arith.remsi %sub3A_779, %jit3A_804 : i32
        %ne3A_822 = arith.constant 0 : i32
        %ne3A_823 = arith.cmpi ne, %rem3A_821, %ne3A_822 : i32
        %and3A_824 = arith.andi %ne3A_820, %ne3A_823 : i1
        %sub3A_825 = arith.constant 1 : i32
        %sub3A_826 = arith.subi %div3A_805, %sub3A_825 : i32
        %select_n3A_827 = arith.select %and3A_824, %sub3A_826, %div3A_805 : i32
        %mul3A_828 = arith.constant 8 : i32
        %mul3A_829 = arith.muli %select_n3A_827, %mul3A_828 : i32
        %sub3A_830 = arith.subi %sub3A_779, %mul3A_829 : i32
        %mul3A_831 = arith.constant 128 : i32
        %mul3A_832 = arith.muli %sub3A_830, %mul3A_831 : i32
        %run_scoped3A_833 = arith.constant 0 : i32
        "tpu.region"() ({
          %run_scoped3A_882 = tpu.sem_alloc : memref<!tpu.dma_semaphore, #tpu.memory_space<semaphore_mem>>
          %dma_start3A_883 = arith.constant 0 : i32
          %dma_start3A_884 = arith.constant 0 : i32
          %dma_start3A_885 = tpu.memref_slice %arg6[%run_scoped3A_833, %dma_start3A_883, %dma_start3A_884] : memref<2x3x128xi32, #tpu.memory_space<vmem>> -> memref<1x3x128xi32, #tpu.memory_space<vmem>>
          %dma_start3A_886 = tpu.memref_squeeze %dma_start3A_885 : memref<1x3x128xi32, #tpu.memory_space<vmem>> -> memref<3x128xi32, #tpu.memory_space<vmem>>
          %dma_start3A_887 = arith.constant 0 : i32
          %dma_start3A_888 = tpu.memref_slice %arg2[%select_n3A_776, %dma_start3A_887, %select_n3A_803, %mul3A_832] : memref<25x3x4x1024xi32, #tpu.memory_space<hbm>> -> memref<1x3x1x128xi32, #tpu.memory_space<hbm>>
          %dma_start3A_889 = tpu.memref_squeeze %dma_start3A_888 : memref<1x3x1x128xi32, #tpu.memory_space<hbm>> -> memref<3x128xi32, #tpu.memory_space<hbm>>
          %dma_start3A_890 = arith.constant 0 : i32
          %dma_start3A_891 = arith.constant 0 : i32
          %dma_start3A_892 = tpu.memref_slice %arg6[%run_scoped3A_833, %dma_start3A_890, %dma_start3A_891] : memref<2x3x128xi32, #tpu.memory_space<vmem>> -> memref<1x3x128xi32, #tpu.memory_space<vmem>>
          %dma_start3A_893 = tpu.memref_squeeze %dma_start3A_892 : memref<1x3x128xi32, #tpu.memory_space<vmem>> -> memref<3x128xi32, #tpu.memory_space<vmem>>
          %dma_start3A_894 = arith.constant 0 : i32
          %dma_start3A_895 = tpu.memref_slice %arg2[%select_n3A_776, %dma_start3A_894, %select_n3A_803, %mul3A_832] : memref<25x3x4x1024xi32, #tpu.memory_space<hbm>> -> memref<1x3x1x128xi32, #tpu.memory_space<hbm>>
          %dma_start3A_896 = tpu.memref_squeeze %dma_start3A_895 : memref<1x3x1x128xi32, #tpu.memory_space<hbm>> -> memref<3x128xi32, #tpu.memory_space<hbm>>
          tpu.enqueue_dma source(%dma_start3A_896 : memref<3x128xi32, #tpu.memory_space<hbm>>) target(%dma_start3A_893 : memref<3x128xi32, #tpu.memory_space<vmem>>) target_semaphore(%run_scoped3A_882 : memref<!tpu.dma_semaphore, #tpu.memory_space<semaphore_mem>>)
          %dma_wait3A_897 = arith.constant 0 : i32
          %dma_wait3A_898 = arith.constant 0 : i32
          %dma_wait3A_899 = tpu.memref_slice %arg6[%run_scoped3A_833, %dma_wait3A_897, %dma_wait3A_898] : memref<2x3x128xi32, #tpu.memory_space<vmem>> -> memref<1x3x128xi32, #tpu.memory_space<vmem>>
          %dma_wait3A_900 = tpu.memref_squeeze %dma_wait3A_899 : memref<1x3x128xi32, #tpu.memory_space<vmem>> -> memref<3x128xi32, #tpu.memory_space<vmem>>
          %dma_wait3A_901 = arith.constant 0 : i32
          %dma_wait3A_902 = tpu.memref_slice %arg2[%select_n3A_776, %dma_wait3A_901, %select_n3A_803, %mul3A_832] : memref<25x3x4x1024xi32, #tpu.memory_space<hbm>> -> memref<1x3x1x128xi32, #tpu.memory_space<hbm>>
          %dma_wait3A_903 = tpu.memref_squeeze %dma_wait3A_902 : memref<1x3x1x128xi32, #tpu.memory_space<hbm>> -> memref<3x128xi32, #tpu.memory_space<hbm>>
          %dma_wait3A_904 = arith.constant 0 : i32
          %dma_wait3A_905 = arith.constant 0 : i32
          %dma_wait3A_906 = tpu.memref_slice %arg6[%run_scoped3A_833, %dma_wait3A_904, %dma_wait3A_905] : memref<2x3x128xi32, #tpu.memory_space<vmem>> -> memref<1x3x128xi32, #tpu.memory_space<vmem>>
          %dma_wait3A_907 = tpu.memref_squeeze %dma_wait3A_906 : memref<1x3x128xi32, #tpu.memory_space<vmem>> -> memref<3x128xi32, #tpu.memory_space<vmem>>
          %dma_wait3A_908 = arith.constant 0 : i32
          %dma_wait3A_909 = tpu.memref_slice %arg2[%select_n3A_776, %dma_wait3A_908, %select_n3A_803, %mul3A_832] : memref<25x3x4x1024xi32, #tpu.memory_space<hbm>> -> memref<1x3x1x128xi32, #tpu.memory_space<hbm>>
          %dma_wait3A_910 = tpu.memref_squeeze %dma_wait3A_909 : memref<1x3x1x128xi32, #tpu.memory_space<hbm>> -> memref<3x128xi32, #tpu.memory_space<hbm>>
          tpu.wait_dma2 semaphore(%run_scoped3A_882 : memref<!tpu.dma_semaphore, #tpu.memory_space<semaphore_mem>>) src(%dma_wait3A_910 : memref<3x128xi32, #tpu.memory_space<hbm>>) dst(%dma_wait3A_907 : memref<3x128xi32, #tpu.memory_space<vmem>>)
          tpu.yield
        }) : () -> ()
        %dma_start3A_834 = arith.constant 0 : i32
        %dma_start3A_835 = arith.constant 0 : i32
        %dma_start3A_836 = arith.constant 0 : i32
        %dma_start3A_837 = arith.constant 0 : i32
        %dma_start3A_838 = arith.constant 0 : i32
        %dma_start3A_839 = tpu.memref_slice %arg7[%dma_start3A_836, %dma_start3A_837, %dma_start3A_838] : memref<2x384x32xf32, #tpu.memory_space<vmem>> -> memref<1x384x32xf32, #tpu.memory_space<vmem>>
        %dma_start3A_840 = tpu.memref_squeeze %dma_start3A_839 : memref<1x384x32xf32, #tpu.memory_space<vmem>> -> memref<384x32xf32, #tpu.memory_space<vmem>>
        %dma_start3A_841 = arith.constant 0 : i32
        %dma_start3A_842 = arith.constant 0 : i32
        %dma_start3A_843 = tpu.memref_slice %dma_start3A_840[%dma_start3A_841, %dma_start3A_842] : memref<384x32xf32, #tpu.memory_space<vmem>> -> memref<128x32xf32, #tpu.memory_space<vmem>>
        %dma_start3A_844 = arith.constant 0 : i32
        %dma_start3A_845 = tpu.memref_slice %arg6[%dma_start3A_834, %dma_start3A_835, %dma_start3A_844] : memref<2x3x128xi32, #tpu.memory_space<vmem>> -> memref<1x1x128xi32, #tpu.memory_space<vmem>>
        %dma_start3A_846 = tpu.memref_squeeze %dma_start3A_845 : memref<1x1x128xi32, #tpu.memory_space<vmem>> -> memref<128xi32, #tpu.memory_space<vmem>>
        %dma_start3A_847 = arith.constant 0 : i32
        %dma_start3A_848 = arith.constant 0 : i32
        %dma_start3A_849 = tpu.memref_slice %arg3[%dma_start3A_847, %dma_start3A_848] : memref<1000000x32xf32, #tpu.memory_space<hbm>> -> memref<1000000x32xf32, #tpu.memory_space<hbm>>
        tpu.enqueue_indirect_dma source(%dma_start3A_849 : memref<1000000x32xf32, #tpu.memory_space<hbm>>) target(%dma_start3A_843 : memref<128x32xf32, #tpu.memory_space<vmem>>) offsets(%dma_start3A_846 : memref<128xi32, #tpu.memory_space<vmem>>) semaphore(%arg10 : memref<!tpu.dma_semaphore, #tpu.memory_space<semaphore_mem>>)
        %dma_start3A_850 = arith.constant 0 : i32
        %dma_start3A_851 = arith.constant 1 : i32
        %dma_start3A_852 = arith.constant 0 : i32
        %dma_start3A_853 = arith.constant 0 : i32
        %dma_start3A_854 = arith.constant 0 : i32
        %dma_start3A_855 = tpu.memref_slice %arg7[%dma_start3A_852, %dma_start3A_853, %dma_start3A_854] : memref<2x384x32xf32, #tpu.memory_space<vmem>> -> memref<1x384x32xf32, #tpu.memory_space<vmem>>
        %dma_start3A_856 = tpu.memref_squeeze %dma_start3A_855 : memref<1x384x32xf32, #tpu.memory_space<vmem>> -> memref<384x32xf32, #tpu.memory_space<vmem>>
        %dma_start3A_857 = arith.constant 128 : i32
        %dma_start3A_858 = arith.constant 0 : i32
        %dma_start3A_859 = tpu.memref_slice %dma_start3A_856[%dma_start3A_857, %dma_start3A_858] : memref<384x32xf32, #tpu.memory_space<vmem>> -> memref<128x32xf32, #tpu.memory_space<vmem>>
        %dma_start3A_860 = arith.constant 0 : i32
        %dma_start3A_861 = tpu.memref_slice %arg6[%dma_start3A_850, %dma_start3A_851, %dma_start3A_860] : memref<2x3x128xi32, #tpu.memory_space<vmem>> -> memref<1x1x128xi32, #tpu.memory_space<vmem>>
        %dma_start3A_862 = tpu.memref_squeeze %dma_start3A_861 : memref<1x1x128xi32, #tpu.memory_space<vmem>> -> memref<128xi32, #tpu.memory_space<vmem>>
        %dma_start3A_863 = arith.constant 0 : i32
        %dma_start3A_864 = arith.constant 0 : i32
        %dma_start3A_865 = tpu.memref_slice %arg3[%dma_start3A_863, %dma_start3A_864] : memref<1000000x32xf32, #tpu.memory_space<hbm>> -> memref<1000000x32xf32, #tpu.memory_space<hbm>>
        tpu.enqueue_indirect_dma source(%dma_start3A_865 : memref<1000000x32xf32, #tpu.memory_space<hbm>>) target(%dma_start3A_859 : memref<128x32xf32, #tpu.memory_space<vmem>>) offsets(%dma_start3A_862 : memref<128xi32, #tpu.memory_space<vmem>>) semaphore(%arg10 : memref<!tpu.dma_semaphore, #tpu.memory_space<semaphore_mem>>)
        %dma_start3A_866 = arith.constant 0 : i32
        %dma_start3A_867 = arith.constant 2 : i32
        %dma_start3A_868 = arith.constant 0 : i32
        %dma_start3A_869 = arith.constant 0 : i32
        %dma_start3A_870 = arith.constant 0 : i32
        %dma_start3A_871 = tpu.memref_slice %arg7[%dma_start3A_868, %dma_start3A_869, %dma_start3A_870] : memref<2x384x32xf32, #tpu.memory_space<vmem>> -> memref<1x384x32xf32, #tpu.memory_space<vmem>>
        %dma_start3A_872 = tpu.memref_squeeze %dma_start3A_871 : memref<1x384x32xf32, #tpu.memory_space<vmem>> -> memref<384x32xf32, #tpu.memory_space<vmem>>
        %dma_start3A_873 = arith.constant 256 : i32
        %dma_start3A_874 = arith.constant 0 : i32
        %dma_start3A_875 = tpu.memref_slice %dma_start3A_872[%dma_start3A_873, %dma_start3A_874] : memref<384x32xf32, #tpu.memory_space<vmem>> -> memref<128x32xf32, #tpu.memory_space<vmem>>
        %dma_start3A_876 = arith.constant 0 : i32
        %dma_start3A_877 = tpu.memref_slice %arg6[%dma_start3A_866, %dma_start3A_867, %dma_start3A_876] : memref<2x3x128xi32, #tpu.memory_space<vmem>> -> memref<1x1x128xi32, #tpu.memory_space<vmem>>
        %dma_start3A_878 = tpu.memref_squeeze %dma_start3A_877 : memref<1x1x128xi32, #tpu.memory_space<vmem>> -> memref<128xi32, #tpu.memory_space<vmem>>
        %dma_start3A_879 = arith.constant 0 : i32
        %dma_start3A_880 = arith.constant 0 : i32
        %dma_start3A_881 = tpu.memref_slice %arg3[%dma_start3A_879, %dma_start3A_880] : memref<1000000x32xf32, #tpu.memory_space<hbm>> -> memref<1000000x32xf32, #tpu.memory_space<hbm>>
        tpu.enqueue_indirect_dma source(%dma_start3A_881 : memref<1000000x32xf32, #tpu.memory_space<hbm>>) target(%dma_start3A_875 : memref<128x32xf32, #tpu.memory_space<vmem>>) offsets(%dma_start3A_878 : memref<128xi32, #tpu.memory_space<vmem>>) semaphore(%arg10 : memref<!tpu.dma_semaphore, #tpu.memory_space<semaphore_mem>>)
      } else {
      }
      %dma_wait3A_617 = arith.constant 1 : i32
      %dma_wait3A_618 = arith.constant 0 : i32
      %dma_wait3A_619 = arith.constant 1 : i32
      %dma_wait3A_620 = arith.constant 0 : i32
      %dma_wait3A_621 = arith.constant 0 : i32
      %dma_wait3A_622 = tpu.memref_slice %arg7[%dma_wait3A_619, %dma_wait3A_620, %dma_wait3A_621] : memref<2x384x32xf32, #tpu.memory_space<vmem>> -> memref<1x384x32xf32, #tpu.memory_space<vmem>>
      %dma_wait3A_623 = tpu.memref_squeeze %dma_wait3A_622 : memref<1x384x32xf32, #tpu.memory_space<vmem>> -> memref<384x32xf32, #tpu.memory_space<vmem>>
      %dma_wait3A_624 = arith.constant 0 : i32
      %dma_wait3A_625 = arith.constant 0 : i32
      %dma_wait3A_626 = tpu.memref_slice %dma_wait3A_623[%dma_wait3A_624, %dma_wait3A_625] : memref<384x32xf32, #tpu.memory_space<vmem>> -> memref<128x32xf32, #tpu.memory_space<vmem>>
      %dma_wait3A_627 = arith.constant 0 : i32
      %dma_wait3A_628 = tpu.memref_slice %arg6[%dma_wait3A_617, %dma_wait3A_618, %dma_wait3A_627] : memref<2x3x128xi32, #tpu.memory_space<vmem>> -> memref<1x1x128xi32, #tpu.memory_space<vmem>>
      %dma_wait3A_629 = tpu.memref_squeeze %dma_wait3A_628 : memref<1x1x128xi32, #tpu.memory_space<vmem>> -> memref<128xi32, #tpu.memory_space<vmem>>
      %dma_wait3A_630 = arith.constant 0 : i32
      %dma_wait3A_631 = arith.constant 0 : i32
      %dma_wait3A_632 = tpu.memref_slice %arg3[%dma_wait3A_630, %dma_wait3A_631] : memref<1000000x32xf32, #tpu.memory_space<hbm>> -> memref<1000000x32xf32, #tpu.memory_space<hbm>>
      tpu.wait_indirect_dma semaphore(%arg11 : memref<!tpu.dma_semaphore, #tpu.memory_space<semaphore_mem>>) src(%dma_wait3A_632 : memref<1000000x32xf32, #tpu.memory_space<hbm>>) dst(%dma_wait3A_626 : memref<128x32xf32, #tpu.memory_space<vmem>>)
      %dma_wait3A_633 = arith.constant 1 : i32
      %dma_wait3A_634 = arith.constant 1 : i32
      %dma_wait3A_635 = arith.constant 1 : i32
      %dma_wait3A_636 = arith.constant 0 : i32
      %dma_wait3A_637 = arith.constant 0 : i32
      %dma_wait3A_638 = tpu.memref_slice %arg7[%dma_wait3A_635, %dma_wait3A_636, %dma_wait3A_637] : memref<2x384x32xf32, #tpu.memory_space<vmem>> -> memref<1x384x32xf32, #tpu.memory_space<vmem>>
      %dma_wait3A_639 = tpu.memref_squeeze %dma_wait3A_638 : memref<1x384x32xf32, #tpu.memory_space<vmem>> -> memref<384x32xf32, #tpu.memory_space<vmem>>
      %dma_wait3A_640 = arith.constant 128 : i32
      %dma_wait3A_641 = arith.constant 0 : i32
      %dma_wait3A_642 = tpu.memref_slice %dma_wait3A_639[%dma_wait3A_640, %dma_wait3A_641] : memref<384x32xf32, #tpu.memory_space<vmem>> -> memref<128x32xf32, #tpu.memory_space<vmem>>
      %dma_wait3A_643 = arith.constant 0 : i32
      %dma_wait3A_644 = tpu.memref_slice %arg6[%dma_wait3A_633, %dma_wait3A_634, %dma_wait3A_643] : memref<2x3x128xi32, #tpu.memory_space<vmem>> -> memref<1x1x128xi32, #tpu.memory_space<vmem>>
      %dma_wait3A_645 = tpu.memref_squeeze %dma_wait3A_644 : memref<1x1x128xi32, #tpu.memory_space<vmem>> -> memref<128xi32, #tpu.memory_space<vmem>>
      %dma_wait3A_646 = arith.constant 0 : i32
      %dma_wait3A_647 = arith.constant 0 : i32
      %dma_wait3A_648 = tpu.memref_slice %arg3[%dma_wait3A_646, %dma_wait3A_647] : memref<1000000x32xf32, #tpu.memory_space<hbm>> -> memref<1000000x32xf32, #tpu.memory_space<hbm>>
      tpu.wait_indirect_dma semaphore(%arg11 : memref<!tpu.dma_semaphore, #tpu.memory_space<semaphore_mem>>) src(%dma_wait3A_648 : memref<1000000x32xf32, #tpu.memory_space<hbm>>) dst(%dma_wait3A_642 : memref<128x32xf32, #tpu.memory_space<vmem>>)
      %dma_wait3A_649 = arith.constant 1 : i32
      %dma_wait3A_650 = arith.constant 2 : i32
      %dma_wait3A_651 = arith.constant 1 : i32
      %dma_wait3A_652 = arith.constant 0 : i32
      %dma_wait3A_653 = arith.constant 0 : i32
      %dma_wait3A_654 = tpu.memref_slice %arg7[%dma_wait3A_651, %dma_wait3A_652, %dma_wait3A_653] : memref<2x384x32xf32, #tpu.memory_space<vmem>> -> memref<1x384x32xf32, #tpu.memory_space<vmem>>
      %dma_wait3A_655 = tpu.memref_squeeze %dma_wait3A_654 : memref<1x384x32xf32, #tpu.memory_space<vmem>> -> memref<384x32xf32, #tpu.memory_space<vmem>>
      %dma_wait3A_656 = arith.constant 256 : i32
      %dma_wait3A_657 = arith.constant 0 : i32
      %dma_wait3A_658 = tpu.memref_slice %dma_wait3A_655[%dma_wait3A_656, %dma_wait3A_657] : memref<384x32xf32, #tpu.memory_space<vmem>> -> memref<128x32xf32, #tpu.memory_space<vmem>>
      %dma_wait3A_659 = arith.constant 0 : i32
      %dma_wait3A_660 = tpu.memref_slice %arg6[%dma_wait3A_649, %dma_wait3A_650, %dma_wait3A_659] : memref<2x3x128xi32, #tpu.memory_space<vmem>> -> memref<1x1x128xi32, #tpu.memory_space<vmem>>
      %dma_wait3A_661 = tpu.memref_squeeze %dma_wait3A_660 : memref<1x1x128xi32, #tpu.memory_space<vmem>> -> memref<128xi32, #tpu.memory_space<vmem>>
      %dma_wait3A_662 = arith.constant 0 : i32
      %dma_wait3A_663 = arith.constant 0 : i32
      %dma_wait3A_664 = tpu.memref_slice %arg3[%dma_wait3A_662, %dma_wait3A_663] : memref<1000000x32xf32, #tpu.memory_space<hbm>> -> memref<1000000x32xf32, #tpu.memory_space<hbm>>
      tpu.wait_indirect_dma semaphore(%arg11 : memref<!tpu.dma_semaphore, #tpu.memory_space<semaphore_mem>>) src(%dma_wait3A_664 : memref<1000000x32xf32, #tpu.memory_space<hbm>>) dst(%dma_wait3A_658 : memref<128x32xf32, #tpu.memory_space<vmem>>)
      %add3A_665 = arith.constant 1 : i32
      %add3A_666 = arith.addi %add3A_347, %add3A_665 : i32
      %parallel_loop3A_667 = arith.constant 0 : i32
      %parallel_loop3A_668 = arith.constant 128 : i32
      %parallel_loop3A_669 = arith.constant 1 : i32
      %parallel_loop3A_670 = arith.constant 1 : i32
      scf.for %parallel_loop3A_751 = %parallel_loop3A_667 to %parallel_loop3A_668 step %parallel_loop3A_669  : i32 {
        %parallel_loop3A_752 = arith.constant 0 : i32
        %parallel_loop3A_753 = arith.constant 0 : i32
        %parallel_loop3A_754 = tpu.memref_slice %arg7[%parallel_loop3A_670, %parallel_loop3A_752, %parallel_loop3A_753] : memref<2x384x32xf32, #tpu.memory_space<vmem>> -> memref<1x384x32xf32, #tpu.memory_space<vmem>>
        %parallel_loop3A_755 = tpu.memref_squeeze %parallel_loop3A_754 : memref<1x384x32xf32, #tpu.memory_space<vmem>> -> memref<384x32xf32, #tpu.memory_space<vmem>>
        %parallel_loop3A_756 = arith.index_cast %parallel_loop3A_751 : i32 to index
        %parallel_loop3A_757 = arith.constant 0 : index
        %parallel_loop3A_758 = tpu.vector_load %parallel_loop3A_755[%parallel_loop3A_756, %parallel_loop3A_757] {strides = array<i32>} : memref<384x32xf32, #tpu.memory_space<vmem>>, vector<1x16xf32>,
        %parallel_loop3A_759 = vector.shape_cast %parallel_loop3A_758 : vector<1x16xf32> to vector<16xf32>
        %parallel_loop3A_760 = arith.constant 128 : i32
        %parallel_loop3A_761 = arith.addi %parallel_loop3A_760, %parallel_loop3A_751 : i32
        %parallel_loop3A_762 = arith.constant 0 : i32
        %parallel_loop3A_763 = arith.constant 0 : i32
        %parallel_loop3A_764 = tpu.memref_slice %arg7[%parallel_loop3A_670, %parallel_loop3A_762, %parallel_loop3A_763] : memref<2x384x32xf32, #tpu.memory_space<vmem>> -> memref<1x384x32xf32, #tpu.memory_space<vmem>>
        %parallel_loop3A_765 = tpu.memref_squeeze %parallel_loop3A_764 : memref<1x384x32xf32, #tpu.memory_space<vmem>> -> memref<384x32xf32, #tpu.memory_space<vmem>>
        %parallel_loop3A_766 = arith.index_cast %parallel_loop3A_761 : i32 to index
        %parallel_loop3A_767 = arith.constant 0 : index
        %parallel_loop3A_768 = tpu.vector_load %parallel_loop3A_765[%parallel_loop3A_766, %parallel_loop3A_767] {strides = array<i32>} : memref<384x32xf32, #tpu.memory_space<vmem>>, vector<1x16xf32>,
        %parallel_loop3A_769 = vector.shape_cast %parallel_loop3A_768 : vector<1x16xf32> to vector<16xf32>
        %parallel_loop3A_770 = arith.constant 256 : i32
        %parallel_loop3A_771 = arith.addi %parallel_loop3A_770, %parallel_loop3A_751 : i32
        %parallel_loop3A_772 = arith.constant 0 : i32
        %parallel_loop3A_773 = arith.constant 0 : i32
        %parallel_loop3A_774 = tpu.memref_slice %arg7[%parallel_loop3A_670, %parallel_loop3A_772, %parallel_loop3A_773] : memref<2x384x32xf32, #tpu.memory_space<vmem>> -> memref<1x384x32xf32, #tpu.memory_space<vmem>>
        %parallel_loop3A_775 = tpu.memref_squeeze %parallel_loop3A_774 : memref<1x384x32xf32, #tpu.memory_space<vmem>> -> memref<384x32xf32, #tpu.memory_space<vmem>>
        %parallel_loop3A_776 = arith.index_cast %parallel_loop3A_771 : i32 to index
        %parallel_loop3A_777 = arith.constant 0 : index
        %parallel_loop3A_778 = tpu.vector_load %parallel_loop3A_775[%parallel_loop3A_776, %parallel_loop3A_777] {strides = array<i32>} : memref<384x32xf32, #tpu.memory_space<vmem>>, vector<1x16xf32>,
        %parallel_loop3A_779 = vector.shape_cast %parallel_loop3A_778 : vector<1x16xf32> to vector<16xf32>
        %parallel_loop3A_780 = arith.mulf %parallel_loop3A_759, %get3A_4 : vector<16xf32>
        %parallel_loop3A_781 = arith.mulf %parallel_loop3A_769, %get3A_19 : vector<16xf32>
        %parallel_loop3A_782 = arith.addf %parallel_loop3A_780, %parallel_loop3A_781 : vector<16xf32>
        %parallel_loop3A_783 = arith.mulf %parallel_loop3A_779, %get3A_34 : vector<16xf32>
        %parallel_loop3A_784 = arith.addf %parallel_loop3A_782, %parallel_loop3A_783 : vector<16xf32>
        %parallel_loop3A_785 = arith.addf %parallel_loop3A_784, %get3A_49 : vector<16xf32>
        %parallel_loop3A_786 = arith.constant 0.000000e+00 : f32
        %parallel_loop3A_787 = vector.broadcast %parallel_loop3A_786 : f32 to vector<16xf32>
        %parallel_loop3A_788 = arith.maximumf %parallel_loop3A_785, %parallel_loop3A_787 : vector<16xf32>
        %parallel_loop3A_789 = arith.mulf %parallel_loop3A_788, %get3A_64 : vector<16xf32>
        %parallel_loop3A_790 = arith.addf %get3A_79, %parallel_loop3A_789 : vector<16xf32>
        %parallel_loop3A_791 = arith.mulf %parallel_loop3A_759, %get3A_9 : vector<16xf32>
        %parallel_loop3A_792 = arith.mulf %parallel_loop3A_769, %get3A_24 : vector<16xf32>
        %parallel_loop3A_793 = arith.addf %parallel_loop3A_791, %parallel_loop3A_792 : vector<16xf32>
        %parallel_loop3A_794 = arith.mulf %parallel_loop3A_779, %get3A_39 : vector<16xf32>
        %parallel_loop3A_795 = arith.addf %parallel_loop3A_793, %parallel_loop3A_794 : vector<16xf32>
        %parallel_loop3A_796 = arith.addf %parallel_loop3A_795, %get3A_54 : vector<16xf32>
        %parallel_loop3A_797 = arith.constant 0.000000e+00 : f32
        %parallel_loop3A_798 = vector.broadcast %parallel_loop3A_797 : f32 to vector<16xf32>
        %parallel_loop3A_799 = arith.maximumf %parallel_loop3A_796, %parallel_loop3A_798 : vector<16xf32>
        %parallel_loop3A_800 = arith.mulf %parallel_loop3A_799, %get3A_69 : vector<16xf32>
        %parallel_loop3A_801 = arith.addf %parallel_loop3A_790, %parallel_loop3A_800 : vector<16xf32>
        %parallel_loop3A_802 = arith.mulf %parallel_loop3A_759, %get3A_14 : vector<16xf32>
        %parallel_loop3A_803 = arith.mulf %parallel_loop3A_769, %get3A_29 : vector<16xf32>
        %parallel_loop3A_804 = arith.addf %parallel_loop3A_802, %parallel_loop3A_803 : vector<16xf32>
        %parallel_loop3A_805 = arith.mulf %parallel_loop3A_779, %get3A_44 : vector<16xf32>
        %parallel_loop3A_806 = arith.addf %parallel_loop3A_804, %parallel_loop3A_805 : vector<16xf32>
        %parallel_loop3A_807 = arith.addf %parallel_loop3A_806, %get3A_59 : vector<16xf32>
        %parallel_loop3A_808 = arith.constant 0.000000e+00 : f32
        %parallel_loop3A_809 = vector.broadcast %parallel_loop3A_808 : f32 to vector<16xf32>
        %parallel_loop3A_810 = arith.maximumf %parallel_loop3A_807, %parallel_loop3A_809 : vector<16xf32>
        %parallel_loop3A_811 = arith.mulf %parallel_loop3A_810, %get3A_74 : vector<16xf32>
        %parallel_loop3A_812 = arith.addf %parallel_loop3A_801, %parallel_loop3A_811 : vector<16xf32>
        %parallel_loop3A_813 = arith.constant 0.000000e+00 : f32
        %parallel_loop3A_814 = vector.broadcast %parallel_loop3A_813 : f32 to vector<16xf32>
        %parallel_loop3A_815 = arith.maximumf %parallel_loop3A_812, %parallel_loop3A_814 : vector<16xf32>
        %parallel_loop3A_816 = arith.index_cast %parallel_loop3A_751 : i32 to index
        %parallel_loop3A_817 = arith.constant 0 : index
        %parallel_loop3A_818 = tpu.vector_load %arg8[%parallel_loop3A_816, %parallel_loop3A_817] {strides = array<i32>} : memref<128x32xf32, #tpu.memory_space<vmem>>, vector<1x16xf32>,
        %parallel_loop3A_819 = vector.shape_cast %parallel_loop3A_818 : vector<1x16xf32> to vector<16xf32>
        %parallel_loop3A_820 = vector.shape_cast %parallel_loop3A_815 : vector<16xf32> to vector<1x16xf32>
        tpu.vector_store %arg8[%parallel_loop3A_816, %parallel_loop3A_817], %parallel_loop3A_820 {strides = array<i32>} : memref<128x32xf32, #tpu.memory_space<vmem>>, vector<1x16xf32>,
        %parallel_loop3A_821 = arith.constant 0 : i32
        %parallel_loop3A_822 = arith.constant 0 : i32
        %parallel_loop3A_823 = tpu.memref_slice %arg7[%parallel_loop3A_670, %parallel_loop3A_821, %parallel_loop3A_822] : memref<2x384x32xf32, #tpu.memory_space<vmem>> -> memref<1x384x32xf32, #tpu.memory_space<vmem>>
        %parallel_loop3A_824 = tpu.memref_squeeze %parallel_loop3A_823 : memref<1x384x32xf32, #tpu.memory_space<vmem>> -> memref<384x32xf32, #tpu.memory_space<vmem>>
        %parallel_loop3A_825 = arith.index_cast %parallel_loop3A_751 : i32 to index
        %parallel_loop3A_826 = arith.constant 16 : index
        %parallel_loop3A_827 = tpu.vector_load %parallel_loop3A_824[%parallel_loop3A_825, %parallel_loop3A_826] {strides = array<i32>} : memref<384x32xf32, #tpu.memory_space<vmem>>, vector<1x16xf32>,
        %parallel_loop3A_828 = vector.shape_cast %parallel_loop3A_827 : vector<1x16xf32> to vector<16xf32>
        %parallel_loop3A_829 = arith.constant 128 : i32
        %parallel_loop3A_830 = arith.addi %parallel_loop3A_829, %parallel_loop3A_751 : i32
        %parallel_loop3A_831 = arith.constant 0 : i32
        %parallel_loop3A_832 = arith.constant 0 : i32
        %parallel_loop3A_833 = tpu.memref_slice %arg7[%parallel_loop3A_670, %parallel_loop3A_831, %parallel_loop3A_832] : memref<2x384x32xf32, #tpu.memory_space<vmem>> -> memref<1x384x32xf32, #tpu.memory_space<vmem>>
        %parallel_loop3A_834 = tpu.memref_squeeze %parallel_loop3A_833 : memref<1x384x32xf32, #tpu.memory_space<vmem>> -> memref<384x32xf32, #tpu.memory_space<vmem>>
        %parallel_loop3A_835 = arith.index_cast %parallel_loop3A_830 : i32 to index
        %parallel_loop3A_836 = arith.constant 16 : index
        %parallel_loop3A_837 = tpu.vector_load %parallel_loop3A_834[%parallel_loop3A_835, %parallel_loop3A_836] {strides = array<i32>} : memref<384x32xf32, #tpu.memory_space<vmem>>, vector<1x16xf32>,
        %parallel_loop3A_838 = vector.shape_cast %parallel_loop3A_837 : vector<1x16xf32> to vector<16xf32>
        %parallel_loop3A_839 = arith.constant 256 : i32
        %parallel_loop3A_840 = arith.addi %parallel_loop3A_839, %parallel_loop3A_751 : i32
        %parallel_loop3A_841 = arith.constant 0 : i32
        %parallel_loop3A_842 = arith.constant 0 : i32
        %parallel_loop3A_843 = tpu.memref_slice %arg7[%parallel_loop3A_670, %parallel_loop3A_841, %parallel_loop3A_842] : memref<2x384x32xf32, #tpu.memory_space<vmem>> -> memref<1x384x32xf32, #tpu.memory_space<vmem>>
        %parallel_loop3A_844 = tpu.memref_squeeze %parallel_loop3A_843 : memref<1x384x32xf32, #tpu.memory_space<vmem>> -> memref<384x32xf32, #tpu.memory_space<vmem>>
        %parallel_loop3A_845 = arith.index_cast %parallel_loop3A_840 : i32 to index
        %parallel_loop3A_846 = arith.constant 16 : index
        %parallel_loop3A_847 = tpu.vector_load %parallel_loop3A_844[%parallel_loop3A_845, %parallel_loop3A_846] {strides = array<i32>} : memref<384x32xf32, #tpu.memory_space<vmem>>, vector<1x16xf32>,
        %parallel_loop3A_848 = vector.shape_cast %parallel_loop3A_847 : vector<1x16xf32> to vector<16xf32>
        %parallel_loop3A_849 = arith.mulf %parallel_loop3A_828, %get3A_4 : vector<16xf32>
        %parallel_loop3A_850 = arith.mulf %parallel_loop3A_838, %get3A_19 : vector<16xf32>
        %parallel_loop3A_851 = arith.addf %parallel_loop3A_849, %parallel_loop3A_850 : vector<16xf32>
        %parallel_loop3A_852 = arith.mulf %parallel_loop3A_848, %get3A_34 : vector<16xf32>
        %parallel_loop3A_853 = arith.addf %parallel_loop3A_851, %parallel_loop3A_852 : vector<16xf32>
        %parallel_loop3A_854 = arith.addf %parallel_loop3A_853, %get3A_49 : vector<16xf32>
        %parallel_loop3A_855 = arith.constant 0.000000e+00 : f32
        %parallel_loop3A_856 = vector.broadcast %parallel_loop3A_855 : f32 to vector<16xf32>
        %parallel_loop3A_857 = arith.maximumf %parallel_loop3A_854, %parallel_loop3A_856 : vector<16xf32>
        %parallel_loop3A_858 = arith.mulf %parallel_loop3A_857, %get3A_64 : vector<16xf32>
        %parallel_loop3A_859 = arith.addf %get3A_79, %parallel_loop3A_858 : vector<16xf32>
        %parallel_loop3A_860 = arith.mulf %parallel_loop3A_828, %get3A_9 : vector<16xf32>
        %parallel_loop3A_861 = arith.mulf %parallel_loop3A_838, %get3A_24 : vector<16xf32>
        %parallel_loop3A_862 = arith.addf %parallel_loop3A_860, %parallel_loop3A_861 : vector<16xf32>
        %parallel_loop3A_863 = arith.mulf %parallel_loop3A_848, %get3A_39 : vector<16xf32>
        %parallel_loop3A_864 = arith.addf %parallel_loop3A_862, %parallel_loop3A_863 : vector<16xf32>
        %parallel_loop3A_865 = arith.addf %parallel_loop3A_864, %get3A_54 : vector<16xf32>
        %parallel_loop3A_866 = arith.constant 0.000000e+00 : f32
        %parallel_loop3A_867 = vector.broadcast %parallel_loop3A_866 : f32 to vector<16xf32>
        %parallel_loop3A_868 = arith.maximumf %parallel_loop3A_865, %parallel_loop3A_867 : vector<16xf32>
        %parallel_loop3A_869 = arith.mulf %parallel_loop3A_868, %get3A_69 : vector<16xf32>
        %parallel_loop3A_870 = arith.addf %parallel_loop3A_859, %parallel_loop3A_869 : vector<16xf32>
        %parallel_loop3A_871 = arith.mulf %parallel_loop3A_828, %get3A_14 : vector<16xf32>
        %parallel_loop3A_872 = arith.mulf %parallel_loop3A_838, %get3A_29 : vector<16xf32>
        %parallel_loop3A_873 = arith.addf %parallel_loop3A_871, %parallel_loop3A_872 : vector<16xf32>
        %parallel_loop3A_874 = arith.mulf %parallel_loop3A_848, %get3A_44 : vector<16xf32>
        %parallel_loop3A_875 = arith.addf %parallel_loop3A_873, %parallel_loop3A_874 : vector<16xf32>
        %parallel_loop3A_876 = arith.addf %parallel_loop3A_875, %get3A_59 : vector<16xf32>
        %parallel_loop3A_877 = arith.constant 0.000000e+00 : f32
        %parallel_loop3A_878 = vector.broadcast %parallel_loop3A_877 : f32 to vector<16xf32>
        %parallel_loop3A_879 = arith.maximumf %parallel_loop3A_876, %parallel_loop3A_878 : vector<16xf32>
        %parallel_loop3A_880 = arith.mulf %parallel_loop3A_879, %get3A_74 : vector<16xf32>
        %parallel_loop3A_881 = arith.addf %parallel_loop3A_870, %parallel_loop3A_880 : vector<16xf32>
        %parallel_loop3A_882 = arith.constant 0.000000e+00 : f32
        %parallel_loop3A_883 = vector.broadcast %parallel_loop3A_882 : f32 to vector<16xf32>
        %parallel_loop3A_884 = arith.maximumf %parallel_loop3A_881, %parallel_loop3A_883 : vector<16xf32>
        %parallel_loop3A_885 = arith.index_cast %parallel_loop3A_751 : i32 to index
        %parallel_loop3A_886 = arith.constant 16 : index
        %parallel_loop3A_887 = tpu.vector_load %arg8[%parallel_loop3A_885, %parallel_loop3A_886] {strides = array<i32>} : memref<128x32xf32, #tpu.memory_space<vmem>>, vector<1x16xf32>,
        %parallel_loop3A_888 = vector.shape_cast %parallel_loop3A_887 : vector<1x16xf32> to vector<16xf32>
        %parallel_loop3A_889 = vector.shape_cast %parallel_loop3A_884 : vector<16xf32> to vector<1x16xf32>
        tpu.vector_store %arg8[%parallel_loop3A_885, %parallel_loop3A_886], %parallel_loop3A_889 {strides = array<i32>} : memref<128x32xf32, #tpu.memory_space<vmem>>, vector<1x16xf32>,
      } {sc.loop_unroll_factor = 4 : i64, sc.parallel_access}
      %jit3A_671 = arith.constant 32 : i32
      %div3A_672 = arith.divsi %add3A_666, %jit3A_671 : i32
      %sign3A_673 = arith.constant 0 : i32
      %sign3A_674 = arith.cmpi sgt, %add3A_666, %sign3A_673 : i32
      %sign3A_675 = arith.extui %sign3A_674 : i1 to i32
      %sign3A_676 = arith.constant 0 : i32
      %sign3A_677 = arith.cmpi slt, %add3A_666, %sign3A_676 : i32
      %sign3A_678 = arith.extui %sign3A_677 : i1 to i32
      %sign3A_679 = arith.subi %sign3A_675, %sign3A_678 : i32
      %sign3A_680 = arith.constant 0 : i32
      %sign3A_681 = arith.cmpi sgt, %jit3A_671, %sign3A_680 : i32
      %sign3A_682 = arith.extui %sign3A_681 : i1 to i32
      %sign3A_683 = arith.constant 0 : i32
      %sign3A_684 = arith.cmpi slt, %jit3A_671, %sign3A_683 : i32
      %sign3A_685 = arith.extui %sign3A_684 : i1 to i32
      %sign3A_686 = arith.subi %sign3A_682, %sign3A_685 : i32
      %ne3A_687 = arith.cmpi ne, %sign3A_679, %sign3A_686 : i32
      %rem3A_688 = arith.remsi %add3A_666, %jit3A_671 : i32
      %ne3A_689 = arith.constant 0 : i32
      %ne3A_690 = arith.cmpi ne, %rem3A_688, %ne3A_689 : i32
      %and3A_691 = arith.andi %ne3A_687, %ne3A_690 : i1
      %sub3A_692 = arith.constant 1 : i32
      %sub3A_693 = arith.subi %div3A_672, %sub3A_692 : i32
      %select_n3A_694 = arith.select %and3A_691, %sub3A_693, %div3A_672 : i32
      %mul3A_695 = arith.constant 32 : i32
      %mul3A_696 = arith.muli %select_n3A_694, %mul3A_695 : i32
      %sub3A_697 = arith.subi %add3A_666, %mul3A_696 : i32
      %jit3A_698 = arith.constant 8 : i32
      %div3A_699 = arith.divsi %sub3A_697, %jit3A_698 : i32
      %sign3A_700 = arith.constant 0 : i32
      %sign3A_701 = arith.cmpi sgt, %sub3A_697, %sign3A_700 : i32
      %sign3A_702 = arith.extui %sign3A_701 : i1 to i32
      %sign3A_703 = arith.constant 0 : i32
      %sign3A_704 = arith.cmpi slt, %sub3A_697, %sign3A_703 : i32
      %sign3A_705 = arith.extui %sign3A_704 : i1 to i32
      %sign3A_706 = arith.subi %sign3A_702, %sign3A_705 : i32
      %sign3A_707 = arith.constant 0 : i32
      %sign3A_708 = arith.cmpi sgt, %jit3A_698, %sign3A_707 : i32
      %sign3A_709 = arith.extui %sign3A_708 : i1 to i32
      %sign3A_710 = arith.constant 0 : i32
      %sign3A_711 = arith.cmpi slt, %jit3A_698, %sign3A_710 : i32
      %sign3A_712 = arith.extui %sign3A_711 : i1 to i32
      %sign3A_713 = arith.subi %sign3A_709, %sign3A_712 : i32
      %ne3A_714 = arith.cmpi ne, %sign3A_706, %sign3A_713 : i32
      %rem3A_715 = arith.remsi %sub3A_697, %jit3A_698 : i32
      %ne3A_716 = arith.constant 0 : i32
      %ne3A_717 = arith.cmpi ne, %rem3A_715, %ne3A_716 : i32
      %and3A_718 = arith.andi %ne3A_714, %ne3A_717 : i1
      %sub3A_719 = arith.constant 1 : i32
      %sub3A_720 = arith.subi %div3A_699, %sub3A_719 : i32
      %select_n3A_721 = arith.select %and3A_718, %sub3A_720, %div3A_699 : i32
      %jit3A_722 = arith.constant 8 : i32
      %div3A_723 = arith.divsi %sub3A_697, %jit3A_722 : i32
      %sign3A_724 = arith.constant 0 : i32
      %sign3A_725 = arith.cmpi sgt, %sub3A_697, %sign3A_724 : i32
      %sign3A_726 = arith.extui %sign3A_725 : i1 to i32
      %sign3A_727 = arith.constant 0 : i32
      %sign3A_728 = arith.cmpi slt, %sub3A_697, %sign3A_727 : i32
      %sign3A_729 = arith.extui %sign3A_728 : i1 to i32
      %sign3A_730 = arith.subi %sign3A_726, %sign3A_729 : i32
      %sign3A_731 = arith.constant 0 : i32
      %sign3A_732 = arith.cmpi sgt, %jit3A_722, %sign3A_731 : i32
      %sign3A_733 = arith.extui %sign3A_732 : i1 to i32
      %sign3A_734 = arith.constant 0 : i32
      %sign3A_735 = arith.cmpi slt, %jit3A_722, %sign3A_734 : i32
      %sign3A_736 = arith.extui %sign3A_735 : i1 to i32
      %sign3A_737 = arith.subi %sign3A_733, %sign3A_736 : i32
      %ne3A_738 = arith.cmpi ne, %sign3A_730, %sign3A_737 : i32
      %rem3A_739 = arith.remsi %sub3A_697, %jit3A_722 : i32
      %ne3A_740 = arith.constant 0 : i32
      %ne3A_741 = arith.cmpi ne, %rem3A_739, %ne3A_740 : i32
      %and3A_742 = arith.andi %ne3A_738, %ne3A_741 : i1
      %sub3A_743 = arith.constant 1 : i32
      %sub3A_744 = arith.subi %div3A_723, %sub3A_743 : i32
      %select_n3A_745 = arith.select %and3A_742, %sub3A_744, %div3A_723 : i32
      %mul3A_746 = arith.constant 8 : i32
      %mul3A_747 = arith.muli %select_n3A_745, %mul3A_746 : i32
      %sub3A_748 = arith.subi %sub3A_697, %mul3A_747 : i32
      %mul3A_749 = arith.constant 128 : i32
      %mul3A_750 = arith.muli %sub3A_748, %mul3A_749 : i32
      "tpu.region"() ({
        %run_scoped3A_751 = tpu.sem_alloc : memref<!tpu.dma_semaphore, #tpu.memory_space<semaphore_mem>>
        %dma_start3A_752 = arith.constant 0 : i32
        %dma_start3A_753 = tpu.memref_slice %arg5[%mul3A_750, %select_n3A_694, %select_n3A_721, %dma_start3A_752] : memref<1024x25x4x32xf32, #tpu.memory_space<hbm>> -> memref<128x1x1x32xf32, #tpu.memory_space<hbm>>
        %dma_start3A_754 = tpu.memref_squeeze %dma_start3A_753 : memref<128x1x1x32xf32, #tpu.memory_space<hbm>> -> memref<128x32xf32, #tpu.memory_space<hbm>>
        %dma_start3A_755 = arith.constant 0 : i32
        %dma_start3A_756 = tpu.memref_slice %arg5[%mul3A_750, %select_n3A_694, %select_n3A_721, %dma_start3A_755] : memref<1024x25x4x32xf32, #tpu.memory_space<hbm>> -> memref<128x1x1x32xf32, #tpu.memory_space<hbm>>
        %dma_start3A_757 = tpu.memref_squeeze %dma_start3A_756 : memref<128x1x1x32xf32, #tpu.memory_space<hbm>> -> memref<128x32xf32, #tpu.memory_space<hbm>>
        tpu.enqueue_dma source(%arg8 : memref<128x32xf32, #tpu.memory_space<vmem>>) target(%dma_start3A_757 : memref<128x32xf32, #tpu.memory_space<hbm>>) target_semaphore(%run_scoped3A_751 : memref<!tpu.dma_semaphore, #tpu.memory_space<semaphore_mem>>)
        %dma_wait3A_758 = arith.constant 0 : i32
        %dma_wait3A_759 = tpu.memref_slice %arg5[%mul3A_750, %select_n3A_694, %select_n3A_721, %dma_wait3A_758] : memref<1024x25x4x32xf32, #tpu.memory_space<hbm>> -> memref<128x1x1x32xf32, #tpu.memory_space<hbm>>
        %dma_wait3A_760 = tpu.memref_squeeze %dma_wait3A_759 : memref<128x1x1x32xf32, #tpu.memory_space<hbm>> -> memref<128x32xf32, #tpu.memory_space<hbm>>
        %dma_wait3A_761 = arith.constant 0 : i32
        %dma_wait3A_762 = tpu.memref_slice %arg5[%mul3A_750, %select_n3A_694, %select_n3A_721, %dma_wait3A_761] : memref<1024x25x4x32xf32, #tpu.memory_space<hbm>> -> memref<128x1x1x32xf32, #tpu.memory_space<hbm>>
        %dma_wait3A_763 = tpu.memref_squeeze %dma_wait3A_762 : memref<128x1x1x32xf32, #tpu.memory_space<hbm>> -> memref<128x32xf32, #tpu.memory_space<hbm>>
        tpu.wait_dma2 semaphore(%run_scoped3A_751 : memref<!tpu.dma_semaphore, #tpu.memory_space<semaphore_mem>>) src(%arg8 : memref<128x32xf32, #tpu.memory_space<vmem>>) dst(%dma_wait3A_763 : memref<128x32xf32, #tpu.memory_space<hbm>>)
        tpu.yield
      }) : () -> ()
    }
    %scan3A_205 = arith.constant 12 : i32
    %dma_wait3A = arith.constant 0 : i32
    %dma_wait3A_206 = arith.constant 0 : i32
    %dma_wait3A_207 = arith.constant 0 : i32
    %dma_wait3A_208 = arith.constant 0 : i32
    %dma_wait3A_209 = arith.constant 0 : i32
    %dma_wait3A_210 = tpu.memref_slice %arg7[%dma_wait3A_207, %dma_wait3A_208, %dma_wait3A_209] : memref<2x384x32xf32, #tpu.memory_space<vmem>> -> memref<1x384x32xf32, #tpu.memory_space<vmem>>
    %dma_wait3A_211 = tpu.memref_squeeze %dma_wait3A_210 : memref<1x384x32xf32, #tpu.memory_space<vmem>> -> memref<384x32xf32, #tpu.memory_space<vmem>>
    %dma_wait3A_212 = arith.constant 0 : i32
    %dma_wait3A_213 = arith.constant 0 : i32
    %dma_wait3A_214 = tpu.memref_slice %dma_wait3A_211[%dma_wait3A_212, %dma_wait3A_213] : memref<384x32xf32, #tpu.memory_space<vmem>> -> memref<128x32xf32, #tpu.memory_space<vmem>>
    %dma_wait3A_215 = arith.constant 0 : i32
    %dma_wait3A_216 = tpu.memref_slice %arg6[%dma_wait3A, %dma_wait3A_206, %dma_wait3A_215] : memref<2x3x128xi32, #tpu.memory_space<vmem>> -> memref<1x1x128xi32, #tpu.memory_space<vmem>>
    %dma_wait3A_217 = tpu.memref_squeeze %dma_wait3A_216 : memref<1x1x128xi32, #tpu.memory_space<vmem>> -> memref<128xi32, #tpu.memory_space<vmem>>
    %dma_wait3A_218 = arith.constant 0 : i32
    %dma_wait3A_219 = arith.constant 0 : i32
    %dma_wait3A_220 = tpu.memref_slice %arg3[%dma_wait3A_218, %dma_wait3A_219] : memref<1000000x32xf32, #tpu.memory_space<hbm>> -> memref<1000000x32xf32, #tpu.memory_space<hbm>>
    tpu.wait_indirect_dma semaphore(%arg10 : memref<!tpu.dma_semaphore, #tpu.memory_space<semaphore_mem>>) src(%dma_wait3A_220 : memref<1000000x32xf32, #tpu.memory_space<hbm>>) dst(%dma_wait3A_214 : memref<128x32xf32, #tpu.memory_space<vmem>>)
    %dma_wait3A_221 = arith.constant 0 : i32
    %dma_wait3A_222 = arith.constant 1 : i32
    %dma_wait3A_223 = arith.constant 0 : i32
    %dma_wait3A_224 = arith.constant 0 : i32
    %dma_wait3A_225 = arith.constant 0 : i32
    %dma_wait3A_226 = tpu.memref_slice %arg7[%dma_wait3A_223, %dma_wait3A_224, %dma_wait3A_225] : memref<2x384x32xf32, #tpu.memory_space<vmem>> -> memref<1x384x32xf32, #tpu.memory_space<vmem>>
    %dma_wait3A_227 = tpu.memref_squeeze %dma_wait3A_226 : memref<1x384x32xf32, #tpu.memory_space<vmem>> -> memref<384x32xf32, #tpu.memory_space<vmem>>
    %dma_wait3A_228 = arith.constant 128 : i32
    %dma_wait3A_229 = arith.constant 0 : i32
    %dma_wait3A_230 = tpu.memref_slice %dma_wait3A_227[%dma_wait3A_228, %dma_wait3A_229] : memref<384x32xf32, #tpu.memory_space<vmem>> -> memref<128x32xf32, #tpu.memory_space<vmem>>
    %dma_wait3A_231 = arith.constant 0 : i32
    %dma_wait3A_232 = tpu.memref_slice %arg6[%dma_wait3A_221, %dma_wait3A_222, %dma_wait3A_231] : memref<2x3x128xi32, #tpu.memory_space<vmem>> -> memref<1x1x128xi32, #tpu.memory_space<vmem>>
    %dma_wait3A_233 = tpu.memref_squeeze %dma_wait3A_232 : memref<1x1x128xi32, #tpu.memory_space<vmem>> -> memref<128xi32, #tpu.memory_space<vmem>>
    %dma_wait3A_234 = arith.constant 0 : i32
    %dma_wait3A_235 = arith.constant 0 : i32
    %dma_wait3A_236 = tpu.memref_slice %arg3[%dma_wait3A_234, %dma_wait3A_235] : memref<1000000x32xf32, #tpu.memory_space<hbm>> -> memref<1000000x32xf32, #tpu.memory_space<hbm>>
    tpu.wait_indirect_dma semaphore(%arg10 : memref<!tpu.dma_semaphore, #tpu.memory_space<semaphore_mem>>) src(%dma_wait3A_236 : memref<1000000x32xf32, #tpu.memory_space<hbm>>) dst(%dma_wait3A_230 : memref<128x32xf32, #tpu.memory_space<vmem>>)
    %dma_wait3A_237 = arith.constant 0 : i32
    %dma_wait3A_238 = arith.constant 2 : i32
    %dma_wait3A_239 = arith.constant 0 : i32
    %dma_wait3A_240 = arith.constant 0 : i32
    %dma_wait3A_241 = arith.constant 0 : i32
    %dma_wait3A_242 = tpu.memref_slice %arg7[%dma_wait3A_239, %dma_wait3A_240, %dma_wait3A_241] : memref<2x384x32xf32, #tpu.memory_space<vmem>> -> memref<1x384x32xf32, #tpu.memory_space<vmem>>
    %dma_wait3A_243 = tpu.memref_squeeze %dma_wait3A_242 : memref<1x384x32xf32, #tpu.memory_space<vmem>> -> memref<384x32xf32, #tpu.memory_space<vmem>>
    %dma_wait3A_244 = arith.constant 256 : i32
    %dma_wait3A_245 = arith.constant 0 : i32
    %dma_wait3A_246 = tpu.memref_slice %dma_wait3A_243[%dma_wait3A_244, %dma_wait3A_245] : memref<384x32xf32, #tpu.memory_space<vmem>> -> memref<128x32xf32, #tpu.memory_space<vmem>>
    %dma_wait3A_247 = arith.constant 0 : i32
    %dma_wait3A_248 = tpu.memref_slice %arg6[%dma_wait3A_237, %dma_wait3A_238, %dma_wait3A_247] : memref<2x3x128xi32, #tpu.memory_space<vmem>> -> memref<1x1x128xi32, #tpu.memory_space<vmem>>
    %dma_wait3A_249 = tpu.memref_squeeze %dma_wait3A_248 : memref<1x1x128xi32, #tpu.memory_space<vmem>> -> memref<128xi32, #tpu.memory_space<vmem>>
    %dma_wait3A_250 = arith.constant 0 : i32
    %dma_wait3A_251 = arith.constant 0 : i32
    %dma_wait3A_252 = tpu.memref_slice %arg3[%dma_wait3A_250, %dma_wait3A_251] : memref<1000000x32xf32, #tpu.memory_space<hbm>> -> memref<1000000x32xf32, #tpu.memory_space<hbm>>
    tpu.wait_indirect_dma semaphore(%arg10 : memref<!tpu.dma_semaphore, #tpu.memory_space<semaphore_mem>>) src(%dma_wait3A_252 : memref<1000000x32xf32, #tpu.memory_space<hbm>>) dst(%dma_wait3A_246 : memref<128x32xf32, #tpu.memory_space<vmem>>)
    %mul3A_253 = arith.constant 25 : i32
    %mul3A_254 = arith.muli %add3A, %mul3A_253 : i32
    %add3A_255 = arith.constant 25 : i32
    %add3A_256 = arith.addi %mul3A_254, %add3A_255 : i32
    %sub3A_257 = arith.constant 1 : i32
    %sub3A_258 = arith.subi %add3A_256, %sub3A_257 : i32
    %parallel_loop3A = arith.constant 0 : i32
    %parallel_loop3A_259 = arith.constant 128 : i32
    %parallel_loop3A_260 = arith.constant 1 : i32
    %parallel_loop3A_261 = arith.constant 0 : i32
    scf.for %parallel_loop3A_342 = %parallel_loop3A to %parallel_loop3A_259 step %parallel_loop3A_260  : i32 {
      %parallel_loop3A_343 = arith.constant 0 : i32
      %parallel_loop3A_344 = arith.constant 0 : i32
      %parallel_loop3A_345 = tpu.memref_slice %arg7[%parallel_loop3A_261, %parallel_loop3A_343, %parallel_loop3A_344] : memref<2x384x32xf32, #tpu.memory_space<vmem>> -> memref<1x384x32xf32, #tpu.memory_space<vmem>>
      %parallel_loop3A_346 = tpu.memref_squeeze %parallel_loop3A_345 : memref<1x384x32xf32, #tpu.memory_space<vmem>> -> memref<384x32xf32, #tpu.memory_space<vmem>>
      %parallel_loop3A_347 = arith.index_cast %parallel_loop3A_342 : i32 to index
      %parallel_loop3A_348 = arith.constant 0 : index
      %parallel_loop3A_349 = tpu.vector_load %parallel_loop3A_346[%parallel_loop3A_347, %parallel_loop3A_348] {strides = array<i32>} : memref<384x32xf32, #tpu.memory_space<vmem>>, vector<1x16xf32>,
      %parallel_loop3A_350 = vector.shape_cast %parallel_loop3A_349 : vector<1x16xf32> to vector<16xf32>
      %parallel_loop3A_351 = arith.constant 128 : i32
      %parallel_loop3A_352 = arith.addi %parallel_loop3A_351, %parallel_loop3A_342 : i32
      %parallel_loop3A_353 = arith.constant 0 : i32
      %parallel_loop3A_354 = arith.constant 0 : i32
      %parallel_loop3A_355 = tpu.memref_slice %arg7[%parallel_loop3A_261, %parallel_loop3A_353, %parallel_loop3A_354] : memref<2x384x32xf32, #tpu.memory_space<vmem>> -> memref<1x384x32xf32, #tpu.memory_space<vmem>>
      %parallel_loop3A_356 = tpu.memref_squeeze %parallel_loop3A_355 : memref<1x384x32xf32, #tpu.memory_space<vmem>> -> memref<384x32xf32, #tpu.memory_space<vmem>>
      %parallel_loop3A_357 = arith.index_cast %parallel_loop3A_352 : i32 to index
      %parallel_loop3A_358 = arith.constant 0 : index
      %parallel_loop3A_359 = tpu.vector_load %parallel_loop3A_356[%parallel_loop3A_357, %parallel_loop3A_358] {strides = array<i32>} : memref<384x32xf32, #tpu.memory_space<vmem>>, vector<1x16xf32>,
      %parallel_loop3A_360 = vector.shape_cast %parallel_loop3A_359 : vector<1x16xf32> to vector<16xf32>
      %parallel_loop3A_361 = arith.constant 256 : i32
      %parallel_loop3A_362 = arith.addi %parallel_loop3A_361, %parallel_loop3A_342 : i32
      %parallel_loop3A_363 = arith.constant 0 : i32
      %parallel_loop3A_364 = arith.constant 0 : i32
      %parallel_loop3A_365 = tpu.memref_slice %arg7[%parallel_loop3A_261, %parallel_loop3A_363, %parallel_loop3A_364] : memref<2x384x32xf32, #tpu.memory_space<vmem>> -> memref<1x384x32xf32, #tpu.memory_space<vmem>>
      %parallel_loop3A_366 = tpu.memref_squeeze %parallel_loop3A_365 : memref<1x384x32xf32, #tpu.memory_space<vmem>> -> memref<384x32xf32, #tpu.memory_space<vmem>>
      %parallel_loop3A_367 = arith.index_cast %parallel_loop3A_362 : i32 to index
      %parallel_loop3A_368 = arith.constant 0 : index
      %parallel_loop3A_369 = tpu.vector_load %parallel_loop3A_366[%parallel_loop3A_367, %parallel_loop3A_368] {strides = array<i32>} : memref<384x32xf32, #tpu.memory_space<vmem>>, vector<1x16xf32>,
      %parallel_loop3A_370 = vector.shape_cast %parallel_loop3A_369 : vector<1x16xf32> to vector<16xf32>
      %parallel_loop3A_371 = arith.mulf %parallel_loop3A_350, %get3A_4 : vector<16xf32>
      %parallel_loop3A_372 = arith.mulf %parallel_loop3A_360, %get3A_19 : vector<16xf32>
      %parallel_loop3A_373 = arith.addf %parallel_loop3A_371, %parallel_loop3A_372 : vector<16xf32>
      %parallel_loop3A_374 = arith.mulf %parallel_loop3A_370, %get3A_34 : vector<16xf32>
      %parallel_loop3A_375 = arith.addf %parallel_loop3A_373, %parallel_loop3A_374 : vector<16xf32>
      %parallel_loop3A_376 = arith.addf %parallel_loop3A_375, %get3A_49 : vector<16xf32>
      %parallel_loop3A_377 = arith.constant 0.000000e+00 : f32
      %parallel_loop3A_378 = vector.broadcast %parallel_loop3A_377 : f32 to vector<16xf32>
      %parallel_loop3A_379 = arith.maximumf %parallel_loop3A_376, %parallel_loop3A_378 : vector<16xf32>
      %parallel_loop3A_380 = arith.mulf %parallel_loop3A_379, %get3A_64 : vector<16xf32>
      %parallel_loop3A_381 = arith.addf %get3A_79, %parallel_loop3A_380 : vector<16xf32>
      %parallel_loop3A_382 = arith.mulf %parallel_loop3A_350, %get3A_9 : vector<16xf32>
      %parallel_loop3A_383 = arith.mulf %parallel_loop3A_360, %get3A_24 : vector<16xf32>
      %parallel_loop3A_384 = arith.addf %parallel_loop3A_382, %parallel_loop3A_383 : vector<16xf32>
      %parallel_loop3A_385 = arith.mulf %parallel_loop3A_370, %get3A_39 : vector<16xf32>
      %parallel_loop3A_386 = arith.addf %parallel_loop3A_384, %parallel_loop3A_385 : vector<16xf32>
      %parallel_loop3A_387 = arith.addf %parallel_loop3A_386, %get3A_54 : vector<16xf32>
      %parallel_loop3A_388 = arith.constant 0.000000e+00 : f32
      %parallel_loop3A_389 = vector.broadcast %parallel_loop3A_388 : f32 to vector<16xf32>
      %parallel_loop3A_390 = arith.maximumf %parallel_loop3A_387, %parallel_loop3A_389 : vector<16xf32>
      %parallel_loop3A_391 = arith.mulf %parallel_loop3A_390, %get3A_69 : vector<16xf32>
      %parallel_loop3A_392 = arith.addf %parallel_loop3A_381, %parallel_loop3A_391 : vector<16xf32>
      %parallel_loop3A_393 = arith.mulf %parallel_loop3A_350, %get3A_14 : vector<16xf32>
      %parallel_loop3A_394 = arith.mulf %parallel_loop3A_360, %get3A_29 : vector<16xf32>
      %parallel_loop3A_395 = arith.addf %parallel_loop3A_393, %parallel_loop3A_394 : vector<16xf32>
      %parallel_loop3A_396 = arith.mulf %parallel_loop3A_370, %get3A_44 : vector<16xf32>
      %parallel_loop3A_397 = arith.addf %parallel_loop3A_395, %parallel_loop3A_396 : vector<16xf32>
      %parallel_loop3A_398 = arith.addf %parallel_loop3A_397, %get3A_59 : vector<16xf32>
      %parallel_loop3A_399 = arith.constant 0.000000e+00 : f32
      %parallel_loop3A_400 = vector.broadcast %parallel_loop3A_399 : f32 to vector<16xf32>
      %parallel_loop3A_401 = arith.maximumf %parallel_loop3A_398, %parallel_loop3A_400 : vector<16xf32>
      %parallel_loop3A_402 = arith.mulf %parallel_loop3A_401, %get3A_74 : vector<16xf32>
      %parallel_loop3A_403 = arith.addf %parallel_loop3A_392, %parallel_loop3A_402 : vector<16xf32>
      %parallel_loop3A_404 = arith.constant 0.000000e+00 : f32
      %parallel_loop3A_405 = vector.broadcast %parallel_loop3A_404 : f32 to vector<16xf32>
      %parallel_loop3A_406 = arith.maximumf %parallel_loop3A_403, %parallel_loop3A_405 : vector<16xf32>
      %parallel_loop3A_407 = arith.index_cast %parallel_loop3A_342 : i32 to index
      %parallel_loop3A_408 = arith.constant 0 : index
      %parallel_loop3A_409 = tpu.vector_load %arg8[%parallel_loop3A_407, %parallel_loop3A_408] {strides = array<i32>} : memref<128x32xf32, #tpu.memory_space<vmem>>, vector<1x16xf32>,
      %parallel_loop3A_410 = vector.shape_cast %parallel_loop3A_409 : vector<1x16xf32> to vector<16xf32>
      %parallel_loop3A_411 = vector.shape_cast %parallel_loop3A_406 : vector<16xf32> to vector<1x16xf32>
      tpu.vector_store %arg8[%parallel_loop3A_407, %parallel_loop3A_408], %parallel_loop3A_411 {strides = array<i32>} : memref<128x32xf32, #tpu.memory_space<vmem>>, vector<1x16xf32>,
      %parallel_loop3A_412 = arith.constant 0 : i32
      %parallel_loop3A_413 = arith.constant 0 : i32
      %parallel_loop3A_414 = tpu.memref_slice %arg7[%parallel_loop3A_261, %parallel_loop3A_412, %parallel_loop3A_413] : memref<2x384x32xf32, #tpu.memory_space<vmem>> -> memref<1x384x32xf32, #tpu.memory_space<vmem>>
      %parallel_loop3A_415 = tpu.memref_squeeze %parallel_loop3A_414 : memref<1x384x32xf32, #tpu.memory_space<vmem>> -> memref<384x32xf32, #tpu.memory_space<vmem>>
      %parallel_loop3A_416 = arith.index_cast %parallel_loop3A_342 : i32 to index
      %parallel_loop3A_417 = arith.constant 16 : index
      %parallel_loop3A_418 = tpu.vector_load %parallel_loop3A_415[%parallel_loop3A_416, %parallel_loop3A_417] {strides = array<i32>} : memref<384x32xf32, #tpu.memory_space<vmem>>, vector<1x16xf32>,
      %parallel_loop3A_419 = vector.shape_cast %parallel_loop3A_418 : vector<1x16xf32> to vector<16xf32>
      %parallel_loop3A_420 = arith.constant 128 : i32
      %parallel_loop3A_421 = arith.addi %parallel_loop3A_420, %parallel_loop3A_342 : i32
      %parallel_loop3A_422 = arith.constant 0 : i32
      %parallel_loop3A_423 = arith.constant 0 : i32
      %parallel_loop3A_424 = tpu.memref_slice %arg7[%parallel_loop3A_261, %parallel_loop3A_422, %parallel_loop3A_423] : memref<2x384x32xf32, #tpu.memory_space<vmem>> -> memref<1x384x32xf32, #tpu.memory_space<vmem>>
      %parallel_loop3A_425 = tpu.memref_squeeze %parallel_loop3A_424 : memref<1x384x32xf32, #tpu.memory_space<vmem>> -> memref<384x32xf32, #tpu.memory_space<vmem>>
      %parallel_loop3A_426 = arith.index_cast %parallel_loop3A_421 : i32 to index
      %parallel_loop3A_427 = arith.constant 16 : index
      %parallel_loop3A_428 = tpu.vector_load %parallel_loop3A_425[%parallel_loop3A_426, %parallel_loop3A_427] {strides = array<i32>} : memref<384x32xf32, #tpu.memory_space<vmem>>, vector<1x16xf32>,
      %parallel_loop3A_429 = vector.shape_cast %parallel_loop3A_428 : vector<1x16xf32> to vector<16xf32>
      %parallel_loop3A_430 = arith.constant 256 : i32
      %parallel_loop3A_431 = arith.addi %parallel_loop3A_430, %parallel_loop3A_342 : i32
      %parallel_loop3A_432 = arith.constant 0 : i32
      %parallel_loop3A_433 = arith.constant 0 : i32
      %parallel_loop3A_434 = tpu.memref_slice %arg7[%parallel_loop3A_261, %parallel_loop3A_432, %parallel_loop3A_433] : memref<2x384x32xf32, #tpu.memory_space<vmem>> -> memref<1x384x32xf32, #tpu.memory_space<vmem>>
      %parallel_loop3A_435 = tpu.memref_squeeze %parallel_loop3A_434 : memref<1x384x32xf32, #tpu.memory_space<vmem>> -> memref<384x32xf32, #tpu.memory_space<vmem>>
      %parallel_loop3A_436 = arith.index_cast %parallel_loop3A_431 : i32 to index
      %parallel_loop3A_437 = arith.constant 16 : index
      %parallel_loop3A_438 = tpu.vector_load %parallel_loop3A_435[%parallel_loop3A_436, %parallel_loop3A_437] {strides = array<i32>} : memref<384x32xf32, #tpu.memory_space<vmem>>, vector<1x16xf32>,
      %parallel_loop3A_439 = vector.shape_cast %parallel_loop3A_438 : vector<1x16xf32> to vector<16xf32>
      %parallel_loop3A_440 = arith.mulf %parallel_loop3A_419, %get3A_4 : vector<16xf32>
      %parallel_loop3A_441 = arith.mulf %parallel_loop3A_429, %get3A_19 : vector<16xf32>
      %parallel_loop3A_442 = arith.addf %parallel_loop3A_440, %parallel_loop3A_441 : vector<16xf32>
      %parallel_loop3A_443 = arith.mulf %parallel_loop3A_439, %get3A_34 : vector<16xf32>
      %parallel_loop3A_444 = arith.addf %parallel_loop3A_442, %parallel_loop3A_443 : vector<16xf32>
      %parallel_loop3A_445 = arith.addf %parallel_loop3A_444, %get3A_49 : vector<16xf32>
      %parallel_loop3A_446 = arith.constant 0.000000e+00 : f32
      %parallel_loop3A_447 = vector.broadcast %parallel_loop3A_446 : f32 to vector<16xf32>
      %parallel_loop3A_448 = arith.maximumf %parallel_loop3A_445, %parallel_loop3A_447 : vector<16xf32>
      %parallel_loop3A_449 = arith.mulf %parallel_loop3A_448, %get3A_64 : vector<16xf32>
      %parallel_loop3A_450 = arith.addf %get3A_79, %parallel_loop3A_449 : vector<16xf32>
      %parallel_loop3A_451 = arith.mulf %parallel_loop3A_419, %get3A_9 : vector<16xf32>
      %parallel_loop3A_452 = arith.mulf %parallel_loop3A_429, %get3A_24 : vector<16xf32>
      %parallel_loop3A_453 = arith.addf %parallel_loop3A_451, %parallel_loop3A_452 : vector<16xf32>
      %parallel_loop3A_454 = arith.mulf %parallel_loop3A_439, %get3A_39 : vector<16xf32>
      %parallel_loop3A_455 = arith.addf %parallel_loop3A_453, %parallel_loop3A_454 : vector<16xf32>
      %parallel_loop3A_456 = arith.addf %parallel_loop3A_455, %get3A_54 : vector<16xf32>
      %parallel_loop3A_457 = arith.constant 0.000000e+00 : f32
      %parallel_loop3A_458 = vector.broadcast %parallel_loop3A_457 : f32 to vector<16xf32>
      %parallel_loop3A_459 = arith.maximumf %parallel_loop3A_456, %parallel_loop3A_458 : vector<16xf32>
      %parallel_loop3A_460 = arith.mulf %parallel_loop3A_459, %get3A_69 : vector<16xf32>
      %parallel_loop3A_461 = arith.addf %parallel_loop3A_450, %parallel_loop3A_460 : vector<16xf32>
      %parallel_loop3A_462 = arith.mulf %parallel_loop3A_419, %get3A_14 : vector<16xf32>
      %parallel_loop3A_463 = arith.mulf %parallel_loop3A_429, %get3A_29 : vector<16xf32>
      %parallel_loop3A_464 = arith.addf %parallel_loop3A_462, %parallel_loop3A_463 : vector<16xf32>
      %parallel_loop3A_465 = arith.mulf %parallel_loop3A_439, %get3A_44 : vector<16xf32>
      %parallel_loop3A_466 = arith.addf %parallel_loop3A_464, %parallel_loop3A_465 : vector<16xf32>
      %parallel_loop3A_467 = arith.addf %parallel_loop3A_466, %get3A_59 : vector<16xf32>
      %parallel_loop3A_468 = arith.constant 0.000000e+00 : f32
      %parallel_loop3A_469 = vector.broadcast %parallel_loop3A_468 : f32 to vector<16xf32>
      %parallel_loop3A_470 = arith.maximumf %parallel_loop3A_467, %parallel_loop3A_469 : vector<16xf32>
      %parallel_loop3A_471 = arith.mulf %parallel_loop3A_470, %get3A_74 : vector<16xf32>
      %parallel_loop3A_472 = arith.addf %parallel_loop3A_461, %parallel_loop3A_471 : vector<16xf32>
      %parallel_loop3A_473 = arith.constant 0.000000e+00 : f32
      %parallel_loop3A_474 = vector.broadcast %parallel_loop3A_473 : f32 to vector<16xf32>
      %parallel_loop3A_475 = arith.maximumf %parallel_loop3A_472, %parallel_loop3A_474 : vector<16xf32>
      %parallel_loop3A_476 = arith.index_cast %parallel_loop3A_342 : i32 to index
      %parallel_loop3A_477 = arith.constant 16 : index
      %parallel_loop3A_478 = tpu.vector_load %arg8[%parallel_loop3A_476, %parallel_loop3A_477] {strides = array<i32>} : memref<128x32xf32, #tpu.memory_space<vmem>>, vector<1x16xf32>,
      %parallel_loop3A_479 = vector.shape_cast %parallel_loop3A_478 : vector<1x16xf32> to vector<16xf32>
      %parallel_loop3A_480 = vector.shape_cast %parallel_loop3A_475 : vector<16xf32> to vector<1x16xf32>
      tpu.vector_store %arg8[%parallel_loop3A_476, %parallel_loop3A_477], %parallel_loop3A_480 {strides = array<i32>} : memref<128x32xf32, #tpu.memory_space<vmem>>, vector<1x16xf32>,
    } {sc.loop_unroll_factor = 4 : i64, sc.parallel_access}
    %jit3A_262 = arith.constant 32 : i32
    %div3A_263 = arith.divsi %sub3A_258, %jit3A_262 : i32
    %sign3A_264 = arith.constant 0 : i32
    %sign3A_265 = arith.cmpi sgt, %sub3A_258, %sign3A_264 : i32
    %sign3A_266 = arith.extui %sign3A_265 : i1 to i32
    %sign3A_267 = arith.constant 0 : i32
    %sign3A_268 = arith.cmpi slt, %sub3A_258, %sign3A_267 : i32
    %sign3A_269 = arith.extui %sign3A_268 : i1 to i32
    %sign3A_270 = arith.subi %sign3A_266, %sign3A_269 : i32
    %sign3A_271 = arith.constant 0 : i32
    %sign3A_272 = arith.cmpi sgt, %jit3A_262, %sign3A_271 : i32
    %sign3A_273 = arith.extui %sign3A_272 : i1 to i32
    %sign3A_274 = arith.constant 0 : i32
    %sign3A_275 = arith.cmpi slt, %jit3A_262, %sign3A_274 : i32
    %sign3A_276 = arith.extui %sign3A_275 : i1 to i32
    %sign3A_277 = arith.subi %sign3A_273, %sign3A_276 : i32
    %ne3A_278 = arith.cmpi ne, %sign3A_270, %sign3A_277 : i32
    %rem3A_279 = arith.remsi %sub3A_258, %jit3A_262 : i32
    %ne3A_280 = arith.constant 0 : i32
    %ne3A_281 = arith.cmpi ne, %rem3A_279, %ne3A_280 : i32
    %and3A_282 = arith.andi %ne3A_278, %ne3A_281 : i1
    %sub3A_283 = arith.constant 1 : i32
    %sub3A_284 = arith.subi %div3A_263, %sub3A_283 : i32
    %select_n3A_285 = arith.select %and3A_282, %sub3A_284, %div3A_263 : i32
    %mul3A_286 = arith.constant 32 : i32
    %mul3A_287 = arith.muli %select_n3A_285, %mul3A_286 : i32
    %sub3A_288 = arith.subi %sub3A_258, %mul3A_287 : i32
    %jit3A_289 = arith.constant 8 : i32
    %div3A_290 = arith.divsi %sub3A_288, %jit3A_289 : i32
    %sign3A_291 = arith.constant 0 : i32
    %sign3A_292 = arith.cmpi sgt, %sub3A_288, %sign3A_291 : i32
    %sign3A_293 = arith.extui %sign3A_292 : i1 to i32
    %sign3A_294 = arith.constant 0 : i32
    %sign3A_295 = arith.cmpi slt, %sub3A_288, %sign3A_294 : i32
    %sign3A_296 = arith.extui %sign3A_295 : i1 to i32
    %sign3A_297 = arith.subi %sign3A_293, %sign3A_296 : i32
    %sign3A_298 = arith.constant 0 : i32
    %sign3A_299 = arith.cmpi sgt, %jit3A_289, %sign3A_298 : i32
    %sign3A_300 = arith.extui %sign3A_299 : i1 to i32
    %sign3A_301 = arith.constant 0 : i32
    %sign3A_302 = arith.cmpi slt, %jit3A_289, %sign3A_301 : i32
    %sign3A_303 = arith.extui %sign3A_302 : i1 to i32
    %sign3A_304 = arith.subi %sign3A_300, %sign3A_303 : i32
    %ne3A_305 = arith.cmpi ne, %sign3A_297, %sign3A_304 : i32
    %rem3A_306 = arith.remsi %sub3A_288, %jit3A_289 : i32
    %ne3A_307 = arith.constant 0 : i32
    %ne3A_308 = arith.cmpi ne, %rem3A_306, %ne3A_307 : i32
    %and3A_309 = arith.andi %ne3A_305, %ne3A_308 : i1
    %sub3A_310 = arith.constant 1 : i32
    %sub3A_311 = arith.subi %div3A_290, %sub3A_310 : i32
    %select_n3A_312 = arith.select %and3A_309, %sub3A_311, %div3A_290 : i32
    %jit3A_313 = arith.constant 8 : i32
    %div3A_314 = arith.divsi %sub3A_288, %jit3A_313 : i32
    %sign3A_315 = arith.constant 0 : i32
    %sign3A_316 = arith.cmpi sgt, %sub3A_288, %sign3A_315 : i32
    %sign3A_317 = arith.extui %sign3A_316 : i1 to i32
    %sign3A_318 = arith.constant 0 : i32
    %sign3A_319 = arith.cmpi slt, %sub3A_288, %sign3A_318 : i32
    %sign3A_320 = arith.extui %sign3A_319 : i1 to i32
    %sign3A_321 = arith.subi %sign3A_317, %sign3A_320 : i32
    %sign3A_322 = arith.constant 0 : i32
    %sign3A_323 = arith.cmpi sgt, %jit3A_313, %sign3A_322 : i32
    %sign3A_324 = arith.extui %sign3A_323 : i1 to i32
    %sign3A_325 = arith.constant 0 : i32
    %sign3A_326 = arith.cmpi slt, %jit3A_313, %sign3A_325 : i32
    %sign3A_327 = arith.extui %sign3A_326 : i1 to i32
    %sign3A_328 = arith.subi %sign3A_324, %sign3A_327 : i32
    %ne3A_329 = arith.cmpi ne, %sign3A_321, %sign3A_328 : i32
    %rem3A_330 = arith.remsi %sub3A_288, %jit3A_313 : i32
    %ne3A_331 = arith.constant 0 : i32
    %ne3A_332 = arith.cmpi ne, %rem3A_330, %ne3A_331 : i32
    %and3A_333 = arith.andi %ne3A_329, %ne3A_332 : i1
    %sub3A_334 = arith.constant 1 : i32
    %sub3A_335 = arith.subi %div3A_314, %sub3A_334 : i32
    %select_n3A_336 = arith.select %and3A_333, %sub3A_335, %div3A_314 : i32
    %mul3A_337 = arith.constant 8 : i32
    %mul3A_338 = arith.muli %select_n3A_336, %mul3A_337 : i32
    %sub3A_339 = arith.subi %sub3A_288, %mul3A_338 : i32
    %mul3A_340 = arith.constant 128 : i32
    %mul3A_341 = arith.muli %sub3A_339, %mul3A_340 : i32
    "tpu.region"() ({
      %run_scoped3A_342 = tpu.sem_alloc : memref<!tpu.dma_semaphore, #tpu.memory_space<semaphore_mem>>
      %dma_start3A_343 = arith.constant 0 : i32
      %dma_start3A_344 = tpu.memref_slice %arg5[%mul3A_341, %select_n3A_285, %select_n3A_312, %dma_start3A_343] : memref<1024x25x4x32xf32, #tpu.memory_space<hbm>> -> memref<128x1x1x32xf32, #tpu.memory_space<hbm>>
      %dma_start3A_345 = tpu.memref_squeeze %dma_start3A_344 : memref<128x1x1x32xf32, #tpu.memory_space<hbm>> -> memref<128x32xf32, #tpu.memory_space<hbm>>
      %dma_start3A_346 = arith.constant 0 : i32
      %dma_start3A_347 = tpu.memref_slice %arg5[%mul3A_341, %select_n3A_285, %select_n3A_312, %dma_start3A_346] : memref<1024x25x4x32xf32, #tpu.memory_space<hbm>> -> memref<128x1x1x32xf32, #tpu.memory_space<hbm>>
      %dma_start3A_348 = tpu.memref_squeeze %dma_start3A_347 : memref<128x1x1x32xf32, #tpu.memory_space<hbm>> -> memref<128x32xf32, #tpu.memory_space<hbm>>
      tpu.enqueue_dma source(%arg8 : memref<128x32xf32, #tpu.memory_space<vmem>>) target(%dma_start3A_348 : memref<128x32xf32, #tpu.memory_space<hbm>>) target_semaphore(%run_scoped3A_342 : memref<!tpu.dma_semaphore, #tpu.memory_space<semaphore_mem>>)
      %dma_wait3A_349 = arith.constant 0 : i32
      %dma_wait3A_350 = tpu.memref_slice %arg5[%mul3A_341, %select_n3A_285, %select_n3A_312, %dma_wait3A_349] : memref<1024x25x4x32xf32, #tpu.memory_space<hbm>> -> memref<128x1x1x32xf32, #tpu.memory_space<hbm>>
      %dma_wait3A_351 = tpu.memref_squeeze %dma_wait3A_350 : memref<128x1x1x32xf32, #tpu.memory_space<hbm>> -> memref<128x32xf32, #tpu.memory_space<hbm>>
      %dma_wait3A_352 = arith.constant 0 : i32
      %dma_wait3A_353 = tpu.memref_slice %arg5[%mul3A_341, %select_n3A_285, %select_n3A_312, %dma_wait3A_352] : memref<1024x25x4x32xf32, #tpu.memory_space<hbm>> -> memref<128x1x1x32xf32, #tpu.memory_space<hbm>>
      %dma_wait3A_354 = tpu.memref_squeeze %dma_wait3A_353 : memref<128x1x1x32xf32, #tpu.memory_space<hbm>> -> memref<128x32xf32, #tpu.memory_space<hbm>>
      tpu.wait_dma2 semaphore(%run_scoped3A_342 : memref<!tpu.dma_semaphore, #tpu.memory_space<semaphore_mem>>) src(%arg8 : memref<128x32xf32, #tpu.memory_space<vmem>>) dst(%dma_wait3A_354 : memref<128x32xf32, #tpu.memory_space<hbm>>)
      tpu.yield
    }) : () -> ()
    return
  }
}

#map = affine_map<(d0, d1) -> (0, 0, 0, 0)>
#map1 = affine_map<(d0, d1) -> (0, 0)>
module attributes {stable_mosaic.version = 14 : i64} {
  func.func @sc_call(%arg0: i32, %arg1: i32, %arg2: memref<25x3x4x1024xi32, #tpu.memory_space<hbm>>, %arg3: memref<1000000x32xf32, #tpu.memory_space<hbm>>, %arg4: memref<16x16xf32, #tpu.memory_space<hbm>>, %arg5: memref<1024x25x4x32xf32, #tpu.memory_space<hbm>>, %arg6: memref<2x3x128xi32, #tpu.memory_space<vmem>>, %arg7: memref<2x384x32xf32, #tpu.memory_space<vmem>>, %arg8: memref<128x32xf32, #tpu.memory_space<vmem>>, %arg9: memref<16x16xf32, #tpu.memory_space<vmem>>, %arg10: memref<!tpu.dma_semaphore, #tpu.memory_space<semaphore_mem>>, %arg11: memref<!tpu.dma_semaphore, #tpu.memory_space<semaphore_mem>>) attributes {dimension_semantics = [#tpu.dimension_semantics<core_parallel>, #tpu.dimension_semantics<subcore_parallel>], iteration_bounds = array<i64: 2, 16>, scalar_prefetch = 0 : i64, scratch_operands = 6 : i64, tpu.core_type = #tpu.core_type<sc_vector_subcore>, window_params = [{transform_indices = #map}, {transform_indices = #map1}, {transform_indices = #map1}, {transform_indices = #map}]} {
    %mul3A = arith.constant 2 : i32
    %mul3A_0 = arith.muli %arg1, %mul3A : i32
    %add3A = arith.addi %mul3A_0, %arg0 : i32
    "tpu.region"() ({
      %run_scoped3A_342 = tpu.sem_alloc : memref<!tpu.dma_semaphore, #tpu.memory_space<semaphore_mem>>
      tpu.enqueue_dma source(%arg4 : memref<16x16xf32, #tpu.memory_space<hbm>>) target(%arg9 : memref<16x16xf32, #tpu.memory_space<vmem>>) target_semaphore(%run_scoped3A_342 : memref<!tpu.dma_semaphore, #tpu.memory_space<semaphore_mem>>)
      tpu.wait_dma2 semaphore(%run_scoped3A_342 : memref<!tpu.dma_semaphore, #tpu.memory_space<semaphore_mem>>) src(%arg4 : memref<16x16xf32, #tpu.memory_space<hbm>>) dst(%arg9 : memref<16x16xf32, #tpu.memory_space<vmem>>)
      tpu.yield
    }) : () -> ()
    %get3A = arith.constant 0 : i32
    %get3A_1 = arith.index_cast %get3A : i32 to index
    %get3A_2 = arith.constant 0 : index
    %get3A_3 = tpu.vector_load %arg9[%get3A_1, %get3A_2] {strides = array<i32>} : memref<16x16xf32, #tpu.memory_space<vmem>>, vector<1x16xf32>,
    %get3A_4 = vector.shape_cast %get3A_3 : vector<1x16xf32> to vector<16xf32>
    %get3A_5 = arith.constant 1 : i32
    %get3A_6 = arith.index_cast %get3A_5 : i32 to index
    %get3A_7 = arith.constant 0 : index
    %get3A_8 = tpu.vector_load %arg9[%get3A_6, %get3A_7] {strides = array<i32>} : memref<16x16xf32, #tpu.memory_space<vmem>>, vector<1x16xf32>,
    %get3A_9 = vector.shape_cast %get3A_8 : vector<1x16xf32> to vector<16xf32>
    %get3A_10 = arith.constant 2 : i32
    %get3A_11 = arith.index_cast %get3A_10 : i32 to index
    %get3A_12 = arith.constant 0 : index
    %get3A_13 = tpu.vector_load %arg9[%get3A_11, %get3A_12] {strides = array<i32>} : memref<16x16xf32, #tpu.memory_space<vmem>>, vector<1x16xf32>,
    %get3A_14 = vector.shape_cast %get3A_13 : vector<1x16xf32> to vector<16xf32>
    %get3A_15 = arith.constant 3 : i32
    %get3A_16 = arith.index_cast %get3A_15 : i32 to index
    %get3A_17 = arith.constant 0 : index
    %get3A_18 = tpu.vector_load %arg9[%get3A_16, %get3A_17] {strides = array<i32>} : memref<16x16xf32, #tpu.memory_space<vmem>>, vector<1x16xf32>,
    %get3A_19 = vector.shape_cast %get3A_18 : vector<1x16xf32> to vector<16xf32>
    %get3A_20 = arith.constant 4 : i32
    %get3A_21 = arith.index_cast %get3A_20 : i32 to index
    %get3A_22 = arith.constant 0 : index
    %get3A_23 = tpu.vector_load %arg9[%get3A_21, %get3A_22] {strides = array<i32>} : memref<16x16xf32, #tpu.memory_space<vmem>>, vector<1x16xf32>,
    %get3A_24 = vector.shape_cast %get3A_23 : vector<1x16xf32> to vector<16xf32>
    %get3A_25 = arith.constant 5 : i32
    %get3A_26 = arith.index_cast %get3A_25 : i32 to index
    %get3A_27 = arith.constant 0 : index
    %get3A_28 = tpu.vector_load %arg9[%get3A_26, %get3A_27] {strides = array<i32>} : memref<16x16xf32, #tpu.memory_space<vmem>>, vector<1x16xf32>,
    %get3A_29 = vector.shape_cast %get3A_28 : vector<1x16xf32> to vector<16xf32>
    %get3A_30 = arith.constant 6 : i32
    %get3A_31 = arith.index_cast %get3A_30 : i32 to index
    %get3A_32 = arith.constant 0 : index
    %get3A_33 = tpu.vector_load %arg9[%get3A_31, %get3A_32] {strides = array<i32>} : memref<16x16xf32, #tpu.memory_space<vmem>>, vector<1x16xf32>,
    %get3A_34 = vector.shape_cast %get3A_33 : vector<1x16xf32> to vector<16xf32>
    %get3A_35 = arith.constant 7 : i32
    %get3A_36 = arith.index_cast %get3A_35 : i32 to index
    %get3A_37 = arith.constant 0 : index
    %get3A_38 = tpu.vector_load %arg9[%get3A_36, %get3A_37] {strides = array<i32>} : memref<16x16xf32, #tpu.memory_space<vmem>>, vector<1x16xf32>,
    %get3A_39 = vector.shape_cast %get3A_38 : vector<1x16xf32> to vector<16xf32>
    %get3A_40 = arith.constant 8 : i32
    %get3A_41 = arith.index_cast %get3A_40 : i32 to index
    %get3A_42 = arith.constant 0 : index
    %get3A_43 = tpu.vector_load %arg9[%get3A_41, %get3A_42] {strides = array<i32>} : memref<16x16xf32, #tpu.memory_space<vmem>>, vector<1x16xf32>,
    %get3A_44 = vector.shape_cast %get3A_43 : vector<1x16xf32> to vector<16xf32>
    %get3A_45 = arith.constant 9 : i32
    %get3A_46 = arith.index_cast %get3A_45 : i32 to index
    %get3A_47 = arith.constant 0 : index
    %get3A_48 = tpu.vector_load %arg9[%get3A_46, %get3A_47] {strides = array<i32>} : memref<16x16xf32, #tpu.memory_space<vmem>>, vector<1x16xf32>,
    %get3A_49 = vector.shape_cast %get3A_48 : vector<1x16xf32> to vector<16xf32>
    %get3A_50 = arith.constant 10 : i32
    %get3A_51 = arith.index_cast %get3A_50 : i32 to index
    %get3A_52 = arith.constant 0 : index
    %get3A_53 = tpu.vector_load %arg9[%get3A_51, %get3A_52] {strides = array<i32>} : memref<16x16xf32, #tpu.memory_space<vmem>>, vector<1x16xf32>,
    %get3A_54 = vector.shape_cast %get3A_53 : vector<1x16xf32> to vector<16xf32>
    %get3A_55 = arith.constant 11 : i32
    %get3A_56 = arith.index_cast %get3A_55 : i32 to index
    %get3A_57 = arith.constant 0 : index
    %get3A_58 = tpu.vector_load %arg9[%get3A_56, %get3A_57] {strides = array<i32>} : memref<16x16xf32, #tpu.memory_space<vmem>>, vector<1x16xf32>,
    %get3A_59 = vector.shape_cast %get3A_58 : vector<1x16xf32> to vector<16xf32>
    %get3A_60 = arith.constant 12 : i32
    %get3A_61 = arith.index_cast %get3A_60 : i32 to index
    %get3A_62 = arith.constant 0 : index
    %get3A_63 = tpu.vector_load %arg9[%get3A_61, %get3A_62] {strides = array<i32>} : memref<16x16xf32, #tpu.memory_space<vmem>>, vector<1x16xf32>,
    %get3A_64 = vector.shape_cast %get3A_63 : vector<1x16xf32> to vector<16xf32>
    %get3A_65 = arith.constant 13 : i32
    %get3A_66 = arith.index_cast %get3A_65 : i32 to index
    %get3A_67 = arith.constant 0 : index
    %get3A_68 = tpu.vector_load %arg9[%get3A_66, %get3A_67] {strides = array<i32>} : memref<16x16xf32, #tpu.memory_space<vmem>>, vector<1x16xf32>,
    %get3A_69 = vector.shape_cast %get3A_68 : vector<1x16xf32> to vector<16xf32>
    %get3A_70 = arith.constant 14 : i32
    %get3A_71 = arith.index_cast %get3A_70 : i32 to index
    %get3A_72 = arith.constant 0 : index
    %get3A_73 = tpu.vector_load %arg9[%get3A_71, %get3A_72] {strides = array<i32>} : memref<16x16xf32, #tpu.memory_space<vmem>>, vector<1x16xf32>,
    %get3A_74 = vector.shape_cast %get3A_73 : vector<1x16xf32> to vector<16xf32>
    %get3A_75 = arith.constant 15 : i32
    %get3A_76 = arith.index_cast %get3A_75 : i32 to index
    %get3A_77 = arith.constant 0 : index
    %get3A_78 = tpu.vector_load %arg9[%get3A_76, %get3A_77] {strides = array<i32>} : memref<16x16xf32, #tpu.memory_space<vmem>>, vector<1x16xf32>,
    %get3A_79 = vector.shape_cast %get3A_78 : vector<1x16xf32> to vector<16xf32>
    %mul3A_80 = arith.constant 25 : i32
    %mul3A_81 = arith.muli %add3A, %mul3A_80 : i32
    %jit3A = arith.constant 32 : i32
    %div3A = arith.divsi %mul3A_81, %jit3A : i32
    %sign3A = arith.constant 0 : i32
    %sign3A_82 = arith.cmpi sgt, %mul3A_81, %sign3A : i32
    %sign3A_83 = arith.extui %sign3A_82 : i1 to i32
    %sign3A_84 = arith.constant 0 : i32
    %sign3A_85 = arith.cmpi slt, %mul3A_81, %sign3A_84 : i32
    %sign3A_86 = arith.extui %sign3A_85 : i1 to i32
    %sign3A_87 = arith.subi %sign3A_83, %sign3A_86 : i32
    %sign3A_88 = arith.constant 0 : i32
    %sign3A_89 = arith.cmpi sgt, %jit3A, %sign3A_88 : i32
    %sign3A_90 = arith.extui %sign3A_89 : i1 to i32
    %sign3A_91 = arith.constant 0 : i32
    %sign3A_92 = arith.cmpi slt, %jit3A, %sign3A_91 : i32
    %sign3A_93 = arith.extui %sign3A_92 : i1 to i32
    %sign3A_94 = arith.subi %sign3A_90, %sign3A_93 : i32
    %ne3A = arith.cmpi ne, %sign3A_87, %sign3A_94 : i32
    %rem3A = arith.remsi %mul3A_81, %jit3A : i32
    %ne3A_95 = arith.constant 0 : i32
    %ne3A_96 = arith.cmpi ne, %rem3A, %ne3A_95 : i32
    %and3A = arith.andi %ne3A, %ne3A_96 : i1
    %sub3A = arith.constant 1 : i32
    %sub3A_97 = arith.subi %div3A, %sub3A : i32
    %select_n3A = arith.select %and3A, %sub3A_97, %div3A : i32
    %mul3A_98 = arith.constant 32 : i32
    %mul3A_99 = arith.muli %select_n3A, %mul3A_98 : i32
    %sub3A_100 = arith.subi %mul3A_81, %mul3A_99 : i32
    %jit3A_101 = arith.constant 8 : i32
    %div3A_102 = arith.divsi %sub3A_100, %jit3A_101 : i32
    %sign3A_103 = arith.constant 0 : i32
    %sign3A_104 = arith.cmpi sgt, %sub3A_100, %sign3A_103 : i32
    %sign3A_105 = arith.extui %sign3A_104 : i1 to i32
    %sign3A_106 = arith.constant 0 : i32
    %sign3A_107 = arith.cmpi slt, %sub3A_100, %sign3A_106 : i32
    %sign3A_108 = arith.extui %sign3A_107 : i1 to i32
    %sign3A_109 = arith.subi %sign3A_105, %sign3A_108 : i32
    %sign3A_110 = arith.constant 0 : i32
    %sign3A_111 = arith.cmpi sgt, %jit3A_101, %sign3A_110 : i32
    %sign3A_112 = arith.extui %sign3A_111 : i1 to i32
    %sign3A_113 = arith.constant 0 : i32
    %sign3A_114 = arith.cmpi slt, %jit3A_101, %sign3A_113 : i32
    %sign3A_115 = arith.extui %sign3A_114 : i1 to i32
    %sign3A_116 = arith.subi %sign3A_112, %sign3A_115 : i32
    %ne3A_117 = arith.cmpi ne, %sign3A_109, %sign3A_116 : i32
    %rem3A_118 = arith.remsi %sub3A_100, %jit3A_101 : i32
    %ne3A_119 = arith.constant 0 : i32
    %ne3A_120 = arith.cmpi ne, %rem3A_118, %ne3A_119 : i32
    %and3A_121 = arith.andi %ne3A_117, %ne3A_120 : i1
    %sub3A_122 = arith.constant 1 : i32
    %sub3A_123 = arith.subi %div3A_102, %sub3A_122 : i32
    %select_n3A_124 = arith.select %and3A_121, %sub3A_123, %div3A_102 : i32
    %jit3A_125 = arith.constant 8 : i32
    %div3A_126 = arith.divsi %sub3A_100, %jit3A_125 : i32
    %sign3A_127 = arith.constant 0 : i32
    %sign3A_128 = arith.cmpi sgt, %sub3A_100, %sign3A_127 : i32
    %sign3A_129 = arith.extui %sign3A_128 : i1 to i32
    %sign3A_130 = arith.constant 0 : i32
    %sign3A_131 = arith.cmpi slt, %sub3A_100, %sign3A_130 : i32
    %sign3A_132 = arith.extui %sign3A_131 : i1 to i32
    %sign3A_133 = arith.subi %sign3A_129, %sign3A_132 : i32
    %sign3A_134 = arith.constant 0 : i32
    %sign3A_135 = arith.cmpi sgt, %jit3A_125, %sign3A_134 : i32
    %sign3A_136 = arith.extui %sign3A_135 : i1 to i32
    %sign3A_137 = arith.constant 0 : i32
    %sign3A_138 = arith.cmpi slt, %jit3A_125, %sign3A_137 : i32
    %sign3A_139 = arith.extui %sign3A_138 : i1 to i32
    %sign3A_140 = arith.subi %sign3A_136, %sign3A_139 : i32
    %ne3A_141 = arith.cmpi ne, %sign3A_133, %sign3A_140 : i32
    %rem3A_142 = arith.remsi %sub3A_100, %jit3A_125 : i32
    %ne3A_143 = arith.constant 0 : i32
    %ne3A_144 = arith.cmpi ne, %rem3A_142, %ne3A_143 : i32
    %and3A_145 = arith.andi %ne3A_141, %ne3A_144 : i1
    %sub3A_146 = arith.constant 1 : i32
    %sub3A_147 = arith.subi %div3A_126, %sub3A_146 : i32
    %select_n3A_148 = arith.select %and3A_145, %sub3A_147, %div3A_126 : i32
    %mul3A_149 = arith.constant 8 : i32
    %mul3A_150 = arith.muli %select_n3A_148, %mul3A_149 : i32
    %sub3A_151 = arith.subi %sub3A_100, %mul3A_150 : i32
    %mul3A_152 = arith.constant 128 : i32
    %mul3A_153 = arith.muli %sub3A_151, %mul3A_152 : i32
    %run_scoped3A = arith.constant 0 : i32
    "tpu.region"() ({
      %run_scoped3A_342 = tpu.sem_alloc : memref<!tpu.dma_semaphore, #tpu.memory_space<semaphore_mem>>
      %dma_start3A_343 = arith.constant 0 : i32
      %dma_start3A_344 = arith.constant 0 : i32
      %dma_start3A_345 = tpu.memref_slice %arg6[%run_scoped3A, %dma_start3A_343, %dma_start3A_344] : memref<2x3x128xi32, #tpu.memory_space<vmem>> -> memref<1x3x128xi32, #tpu.memory_space<vmem>>
      %dma_start3A_346 = tpu.memref_squeeze %dma_start3A_345 : memref<1x3x128xi32, #tpu.memory_space<vmem>> -> memref<3x128xi32, #tpu.memory_space<vmem>>
      %dma_start3A_347 = arith.constant 0 : i32
      %dma_start3A_348 = tpu.memref_slice %arg2[%select_n3A, %dma_start3A_347, %select_n3A_124, %mul3A_153] : memref<25x3x4x1024xi32, #tpu.memory_space<hbm>> -> memref<1x3x1x128xi32, #tpu.memory_space<hbm>>
      %dma_start3A_349 = tpu.memref_squeeze %dma_start3A_348 : memref<1x3x1x128xi32, #tpu.memory_space<hbm>> -> memref<3x128xi32, #tpu.memory_space<hbm>>
      %dma_start3A_350 = arith.constant 0 : i32
      %dma_start3A_351 = arith.constant 0 : i32
      %dma_start3A_352 = tpu.memref_slice %arg6[%run_scoped3A, %dma_start3A_350, %dma_start3A_351] : memref<2x3x128xi32, #tpu.memory_space<vmem>> -> memref<1x3x128xi32, #tpu.memory_space<vmem>>
      %dma_start3A_353 = tpu.memref_squeeze %dma_start3A_352 : memref<1x3x128xi32, #tpu.memory_space<vmem>> -> memref<3x128xi32, #tpu.memory_space<vmem>>
      %dma_start3A_354 = arith.constant 0 : i32
      %dma_start3A_355 = tpu.memref_slice %arg2[%select_n3A, %dma_start3A_354, %select_n3A_124, %mul3A_153] : memref<25x3x4x1024xi32, #tpu.memory_space<hbm>> -> memref<1x3x1x128xi32, #tpu.memory_space<hbm>>
      %dma_start3A_356 = tpu.memref_squeeze %dma_start3A_355 : memref<1x3x1x128xi32, #tpu.memory_space<hbm>> -> memref<3x128xi32, #tpu.memory_space<hbm>>
      tpu.enqueue_dma source(%dma_start3A_356 : memref<3x128xi32, #tpu.memory_space<hbm>>) target(%dma_start3A_353 : memref<3x128xi32, #tpu.memory_space<vmem>>) target_semaphore(%run_scoped3A_342 : memref<!tpu.dma_semaphore, #tpu.memory_space<semaphore_mem>>)
      %dma_wait3A_357 = arith.constant 0 : i32
      %dma_wait3A_358 = arith.constant 0 : i32
      %dma_wait3A_359 = tpu.memref_slice %arg6[%run_scoped3A, %dma_wait3A_357, %dma_wait3A_358] : memref<2x3x128xi32, #tpu.memory_space<vmem>> -> memref<1x3x128xi32, #tpu.memory_space<vmem>>
      %dma_wait3A_360 = tpu.memref_squeeze %dma_wait3A_359 : memref<1x3x128xi32, #tpu.memory_space<vmem>> -> memref<3x128xi32, #tpu.memory_space<vmem>>
      %dma_wait3A_361 = arith.constant 0 : i32
      %dma_wait3A_362 = tpu.memref_slice %arg2[%select_n3A, %dma_wait3A_361, %select_n3A_124, %mul3A_153] : memref<25x3x4x1024xi32, #tpu.memory_space<hbm>> -> memref<1x3x1x128xi32, #tpu.memory_space<hbm>>
      %dma_wait3A_363 = tpu.memref_squeeze %dma_wait3A_362 : memref<1x3x1x128xi32, #tpu.memory_space<hbm>> -> memref<3x128xi32, #tpu.memory_space<hbm>>
      %dma_wait3A_364 = arith.constant 0 : i32
      %dma_wait3A_365 = arith.constant 0 : i32
      %dma_wait3A_366 = tpu.memref_slice %arg6[%run_scoped3A, %dma_wait3A_364, %dma_wait3A_365] : memref<2x3x128xi32, #tpu.memory_space<vmem>> -> memref<1x3x128xi32, #tpu.memory_space<vmem>>
      %dma_wait3A_367 = tpu.memref_squeeze %dma_wait3A_366 : memref<1x3x128xi32, #tpu.memory_space<vmem>> -> memref<3x128xi32, #tpu.memory_space<vmem>>
      %dma_wait3A_368 = arith.constant 0 : i32
      %dma_wait3A_369 = tpu.memref_slice %arg2[%select_n3A, %dma_wait3A_368, %select_n3A_124, %mul3A_153] : memref<25x3x4x1024xi32, #tpu.memory_space<hbm>> -> memref<1x3x1x128xi32, #tpu.memory_space<hbm>>
      %dma_wait3A_370 = tpu.memref_squeeze %dma_wait3A_369 : memref<1x3x1x128xi32, #tpu.memory_space<hbm>> -> memref<3x128xi32, #tpu.memory_space<hbm>>
      tpu.wait_dma2 semaphore(%run_scoped3A_342 : memref<!tpu.dma_semaphore, #tpu.memory_space<semaphore_mem>>) src(%dma_wait3A_370 : memref<3x128xi32, #tpu.memory_space<hbm>>) dst(%dma_wait3A_367 : memref<3x128xi32, #tpu.memory_space<vmem>>)
      tpu.yield
    }) : () -> ()
    %dma_start3A = arith.constant 0 : i32
    %dma_start3A_154 = arith.constant 0 : i32
    %dma_start3A_155 = arith.constant 0 : i32
    %dma_start3A_156 = arith.constant 0 : i32
    %dma_start3A_157 = arith.constant 0 : i32
    %dma_start3A_158 = tpu.memref_slice %arg7[%dma_start3A_155, %dma_start3A_156, %dma_start3A_157] : memref<2x384x32xf32, #tpu.memory_space<vmem>> -> memref<1x384x32xf32, #tpu.memory_space<vmem>>
    %dma_start3A_159 = tpu.memref_squeeze %dma_start3A_158 : memref<1x384x32xf32, #tpu.memory_space<vmem>> -> memref<384x32xf32, #tpu.memory_space<vmem>>
    %dma_start3A_160 = arith.constant 0 : i32
    %dma_start3A_161 = arith.constant 0 : i32
    %dma_start3A_162 = tpu.memref_slice %dma_start3A_159[%dma_start3A_160, %dma_start3A_161] : memref<384x32xf32, #tpu.memory_space<vmem>> -> memref<128x32xf32, #tpu.memory_space<vmem>>
    %dma_start3A_163 = arith.constant 0 : i32
    %dma_start3A_164 = tpu.memref_slice %arg6[%dma_start3A, %dma_start3A_154, %dma_start3A_163] : memref<2x3x128xi32, #tpu.memory_space<vmem>> -> memref<1x1x128xi32, #tpu.memory_space<vmem>>
    %dma_start3A_165 = tpu.memref_squeeze %dma_start3A_164 : memref<1x1x128xi32, #tpu.memory_space<vmem>> -> memref<128xi32, #tpu.memory_space<vmem>>
    %dma_start3A_166 = arith.constant 0 : i32
    %dma_start3A_167 = arith.constant 0 : i32
    %dma_start3A_168 = tpu.memref_slice %arg3[%dma_start3A_166, %dma_start3A_167] : memref<1000000x32xf32, #tpu.memory_space<hbm>> -> memref<1000000x32xf32, #tpu.memory_space<hbm>>
    tpu.enqueue_indirect_dma source(%dma_start3A_168 : memref<1000000x32xf32, #tpu.memory_space<hbm>>) target(%dma_start3A_162 : memref<128x32xf32, #tpu.memory_space<vmem>>) offsets(%dma_start3A_165 : memref<128xi32, #tpu.memory_space<vmem>>) semaphore(%arg10 : memref<!tpu.dma_semaphore, #tpu.memory_space<semaphore_mem>>)
    %dma_start3A_169 = arith.constant 0 : i32
    %dma_start3A_170 = arith.constant 1 : i32
    %dma_start3A_171 = arith.constant 0 : i32
    %dma_start3A_172 = arith.constant 0 : i32
    %dma_start3A_173 = arith.constant 0 : i32
    %dma_start3A_174 = tpu.memref_slice %arg7[%dma_start3A_171, %dma_start3A_172, %dma_start3A_173] : memref<2x384x32xf32, #tpu.memory_space<vmem>> -> memref<1x384x32xf32, #tpu.memory_space<vmem>>
    %dma_start3A_175 = tpu.memref_squeeze %dma_start3A_174 : memref<1x384x32xf32, #tpu.memory_space<vmem>> -> memref<384x32xf32, #tpu.memory_space<vmem>>
    %dma_start3A_176 = arith.constant 128 : i32
    %dma_start3A_177 = arith.constant 0 : i32
    %dma_start3A_178 = tpu.memref_slice %dma_start3A_175[%dma_start3A_176, %dma_start3A_177] : memref<384x32xf32, #tpu.memory_space<vmem>> -> memref<128x32xf32, #tpu.memory_space<vmem>>
    %dma_start3A_179 = arith.constant 0 : i32
    %dma_start3A_180 = tpu.memref_slice %arg6[%dma_start3A_169, %dma_start3A_170, %dma_start3A_179] : memref<2x3x128xi32, #tpu.memory_space<vmem>> -> memref<1x1x128xi32, #tpu.memory_space<vmem>>
    %dma_start3A_181 = tpu.memref_squeeze %dma_start3A_180 : memref<1x1x128xi32, #tpu.memory_space<vmem>> -> memref<128xi32, #tpu.memory_space<vmem>>
    %dma_start3A_182 = arith.constant 0 : i32
    %dma_start3A_183 = arith.constant 0 : i32
    %dma_start3A_184 = tpu.memref_slice %arg3[%dma_start3A_182, %dma_start3A_183] : memref<1000000x32xf32, #tpu.memory_space<hbm>> -> memref<1000000x32xf32, #tpu.memory_space<hbm>>
    tpu.enqueue_indirect_dma source(%dma_start3A_184 : memref<1000000x32xf32, #tpu.memory_space<hbm>>) target(%dma_start3A_178 : memref<128x32xf32, #tpu.memory_space<vmem>>) offsets(%dma_start3A_181 : memref<128xi32, #tpu.memory_space<vmem>>) semaphore(%arg10 : memref<!tpu.dma_semaphore, #tpu.memory_space<semaphore_mem>>)
    %dma_start3A_185 = arith.constant 0 : i32
    %dma_start3A_186 = arith.constant 2 : i32
    %dma_start3A_187 = arith.constant 0 : i32
    %dma_start3A_188 = arith.constant 0 : i32
    %dma_start3A_189 = arith.constant 0 : i32
    %dma_start3A_190 = tpu.memref_slice %arg7[%dma_start3A_187, %dma_start3A_188, %dma_start3A_189] : memref<2x384x32xf32, #tpu.memory_space<vmem>> -> memref<1x384x32xf32, #tpu.memory_space<vmem>>
    %dma_start3A_191 = tpu.memref_squeeze %dma_start3A_190 : memref<1x384x32xf32, #tpu.memory_space<vmem>> -> memref<384x32xf32, #tpu.memory_space<vmem>>
    %dma_start3A_192 = arith.constant 256 : i32
    %dma_start3A_193 = arith.constant 0 : i32
    %dma_start3A_194 = tpu.memref_slice %dma_start3A_191[%dma_start3A_192, %dma_start3A_193] : memref<384x32xf32, #tpu.memory_space<vmem>> -> memref<128x32xf32, #tpu.memory_space<vmem>>
    %dma_start3A_195 = arith.constant 0 : i32
    %dma_start3A_196 = tpu.memref_slice %arg6[%dma_start3A_185, %dma_start3A_186, %dma_start3A_195] : memref<2x3x128xi32, #tpu.memory_space<vmem>> -> memref<1x1x128xi32, #tpu.memory_space<vmem>>
    %dma_start3A_197 = tpu.memref_squeeze %dma_start3A_196 : memref<1x1x128xi32, #tpu.memory_space<vmem>> -> memref<128xi32, #tpu.memory_space<vmem>>
    %dma_start3A_198 = arith.constant 0 : i32
    %dma_start3A_199 = arith.constant 0 : i32
    %dma_start3A_200 = tpu.memref_slice %arg3[%dma_start3A_198, %dma_start3A_199] : memref<1000000x32xf32, #tpu.memory_space<hbm>> -> memref<1000000x32xf32, #tpu.memory_space<hbm>>
    tpu.enqueue_indirect_dma source(%dma_start3A_200 : memref<1000000x32xf32, #tpu.memory_space<hbm>>) target(%dma_start3A_194 : memref<128x32xf32, #tpu.memory_space<vmem>>) offsets(%dma_start3A_197 : memref<128xi32, #tpu.memory_space<vmem>>) semaphore(%arg10 : memref<!tpu.dma_semaphore, #tpu.memory_space<semaphore_mem>>)
    %scan3A = arith.constant 0 : i32
    %scan3A_201 = arith.constant 0 : i32
    %scan3A_202 = arith.constant 12 : i32
    %scan3A_203 = arith.addi %scan3A_201, %scan3A_202 : i32
    %scan3A_204 = arith.constant 1 : i32
    scf.for %scan3A_342 = %scan3A_201 to %scan3A_203 step %scan3A_204  : i32 {
      %mul3A_343 = arith.constant 25 : i32
      %mul3A_344 = arith.muli %add3A, %mul3A_343 : i32
      %mul3A_345 = arith.constant 2 : i32
      %mul3A_346 = arith.muli %mul3A_345, %scan3A_342 : i32
      %add3A_347 = arith.addi %mul3A_344, %mul3A_346 : i32
      %add3A_348 = arith.constant 1 : i32
      %add3A_349 = arith.addi %add3A_347, %add3A_348 : i32
      %jit3A_350 = arith.constant 32 : i32
      %div3A_351 = arith.divsi %add3A_349, %jit3A_350 : i32
      %sign3A_352 = arith.constant 0 : i32
      %sign3A_353 = arith.cmpi sgt, %add3A_349, %sign3A_352 : i32
      %sign3A_354 = arith.extui %sign3A_353 : i1 to i32
      %sign3A_355 = arith.constant 0 : i32
      %sign3A_356 = arith.cmpi slt, %add3A_349, %sign3A_355 : i32
      %sign3A_357 = arith.extui %sign3A_356 : i1 to i32
      %sign3A_358 = arith.subi %sign3A_354, %sign3A_357 : i32
      %sign3A_359 = arith.constant 0 : i32
      %sign3A_360 = arith.cmpi sgt, %jit3A_350, %sign3A_359 : i32
      %sign3A_361 = arith.extui %sign3A_360 : i1 to i32
      %sign3A_362 = arith.constant 0 : i32
      %sign3A_363 = arith.cmpi slt, %jit3A_350, %sign3A_362 : i32
      %sign3A_364 = arith.extui %sign3A_363 : i1 to i32
      %sign3A_365 = arith.subi %sign3A_361, %sign3A_364 : i32
      %ne3A_366 = arith.cmpi ne, %sign3A_358, %sign3A_365 : i32
      %rem3A_367 = arith.remsi %add3A_349, %jit3A_350 : i32
      %ne3A_368 = arith.constant 0 : i32
      %ne3A_369 = arith.cmpi ne, %rem3A_367, %ne3A_368 : i32
      %and3A_370 = arith.andi %ne3A_366, %ne3A_369 : i1
      %sub3A_371 = arith.constant 1 : i32
      %sub3A_372 = arith.subi %div3A_351, %sub3A_371 : i32
      %select_n3A_373 = arith.select %and3A_370, %sub3A_372, %div3A_351 : i32
      %mul3A_374 = arith.constant 32 : i32
      %mul3A_375 = arith.muli %select_n3A_373, %mul3A_374 : i32
      %sub3A_376 = arith.subi %add3A_349, %mul3A_375 : i32
      %jit3A_377 = arith.constant 8 : i32
      %div3A_378 = arith.divsi %sub3A_376, %jit3A_377 : i32
      %sign3A_379 = arith.constant 0 : i32
      %sign3A_380 = arith.cmpi sgt, %sub3A_376, %sign3A_379 : i32
      %sign3A_381 = arith.extui %sign3A_380 : i1 to i32
      %sign3A_382 = arith.constant 0 : i32
      %sign3A_383 = arith.cmpi slt, %sub3A_376, %sign3A_382 : i32
      %sign3A_384 = arith.extui %sign3A_383 : i1 to i32
      %sign3A_385 = arith.subi %sign3A_381, %sign3A_384 : i32
      %sign3A_386 = arith.constant 0 : i32
      %sign3A_387 = arith.cmpi sgt, %jit3A_377, %sign3A_386 : i32
      %sign3A_388 = arith.extui %sign3A_387 : i1 to i32
      %sign3A_389 = arith.constant 0 : i32
      %sign3A_390 = arith.cmpi slt, %jit3A_377, %sign3A_389 : i32
      %sign3A_391 = arith.extui %sign3A_390 : i1 to i32
      %sign3A_392 = arith.subi %sign3A_388, %sign3A_391 : i32
      %ne3A_393 = arith.cmpi ne, %sign3A_385, %sign3A_392 : i32
      %rem3A_394 = arith.remsi %sub3A_376, %jit3A_377 : i32
      %ne3A_395 = arith.constant 0 : i32
      %ne3A_396 = arith.cmpi ne, %rem3A_394, %ne3A_395 : i32
      %and3A_397 = arith.andi %ne3A_393, %ne3A_396 : i1
      %sub3A_398 = arith.constant 1 : i32
      %sub3A_399 = arith.subi %div3A_378, %sub3A_398 : i32
      %select_n3A_400 = arith.select %and3A_397, %sub3A_399, %div3A_378 : i32
      %jit3A_401 = arith.constant 8 : i32
      %div3A_402 = arith.divsi %sub3A_376, %jit3A_401 : i32
      %sign3A_403 = arith.constant 0 : i32
      %sign3A_404 = arith.cmpi sgt, %sub3A_376, %sign3A_403 : i32
      %sign3A_405 = arith.extui %sign3A_404 : i1 to i32
      %sign3A_406 = arith.constant 0 : i32
      %sign3A_407 = arith.cmpi slt, %sub3A_376, %sign3A_406 : i32
      %sign3A_408 = arith.extui %sign3A_407 : i1 to i32
      %sign3A_409 = arith.subi %sign3A_405, %sign3A_408 : i32
      %sign3A_410 = arith.constant 0 : i32
      %sign3A_411 = arith.cmpi sgt, %jit3A_401, %sign3A_410 : i32
      %sign3A_412 = arith.extui %sign3A_411 : i1 to i32
      %sign3A_413 = arith.constant 0 : i32
      %sign3A_414 = arith.cmpi slt, %jit3A_401, %sign3A_413 : i32
      %sign3A_415 = arith.extui %sign3A_414 : i1 to i32
      %sign3A_416 = arith.subi %sign3A_412, %sign3A_415 : i32
      %ne3A_417 = arith.cmpi ne, %sign3A_409, %sign3A_416 : i32
      %rem3A_418 = arith.remsi %sub3A_376, %jit3A_401 : i32
      %ne3A_419 = arith.constant 0 : i32
      %ne3A_420 = arith.cmpi ne, %rem3A_418, %ne3A_419 : i32
      %and3A_421 = arith.andi %ne3A_417, %ne3A_420 : i1
      %sub3A_422 = arith.constant 1 : i32
      %sub3A_423 = arith.subi %div3A_402, %sub3A_422 : i32
      %select_n3A_424 = arith.select %and3A_421, %sub3A_423, %div3A_402 : i32
      %mul3A_425 = arith.constant 8 : i32
      %mul3A_426 = arith.muli %select_n3A_424, %mul3A_425 : i32
      %sub3A_427 = arith.subi %sub3A_376, %mul3A_426 : i32
      %mul3A_428 = arith.constant 128 : i32
      %mul3A_429 = arith.muli %sub3A_427, %mul3A_428 : i32
      %run_scoped3A_430 = arith.constant 1 : i32
      "tpu.region"() ({
        %run_scoped3A_751 = tpu.sem_alloc : memref<!tpu.dma_semaphore, #tpu.memory_space<semaphore_mem>>
        %dma_start3A_752 = arith.constant 0 : i32
        %dma_start3A_753 = arith.constant 0 : i32
        %dma_start3A_754 = tpu.memref_slice %arg6[%run_scoped3A_430, %dma_start3A_752, %dma_start3A_753] : memref<2x3x128xi32, #tpu.memory_space<vmem>> -> memref<1x3x128xi32, #tpu.memory_space<vmem>>
        %dma_start3A_755 = tpu.memref_squeeze %dma_start3A_754 : memref<1x3x128xi32, #tpu.memory_space<vmem>> -> memref<3x128xi32, #tpu.memory_space<vmem>>
        %dma_start3A_756 = arith.constant 0 : i32
        %dma_start3A_757 = tpu.memref_slice %arg2[%select_n3A_373, %dma_start3A_756, %select_n3A_400, %mul3A_429] : memref<25x3x4x1024xi32, #tpu.memory_space<hbm>> -> memref<1x3x1x128xi32, #tpu.memory_space<hbm>>
        %dma_start3A_758 = tpu.memref_squeeze %dma_start3A_757 : memref<1x3x1x128xi32, #tpu.memory_space<hbm>> -> memref<3x128xi32, #tpu.memory_space<hbm>>
        %dma_start3A_759 = arith.constant 0 : i32
        %dma_start3A_760 = arith.constant 0 : i32
        %dma_start3A_761 = tpu.memref_slice %arg6[%run_scoped3A_430, %dma_start3A_759, %dma_start3A_760] : memref<2x3x128xi32, #tpu.memory_space<vmem>> -> memref<1x3x128xi32, #tpu.memory_space<vmem>>
        %dma_start3A_762 = tpu.memref_squeeze %dma_start3A_761 : memref<1x3x128xi32, #tpu.memory_space<vmem>> -> memref<3x128xi32, #tpu.memory_space<vmem>>
        %dma_start3A_763 = arith.constant 0 : i32
        %dma_start3A_764 = tpu.memref_slice %arg2[%select_n3A_373, %dma_start3A_763, %select_n3A_400, %mul3A_429] : memref<25x3x4x1024xi32, #tpu.memory_space<hbm>> -> memref<1x3x1x128xi32, #tpu.memory_space<hbm>>
        %dma_start3A_765 = tpu.memref_squeeze %dma_start3A_764 : memref<1x3x1x128xi32, #tpu.memory_space<hbm>> -> memref<3x128xi32, #tpu.memory_space<hbm>>
        tpu.enqueue_dma source(%dma_start3A_765 : memref<3x128xi32, #tpu.memory_space<hbm>>) target(%dma_start3A_762 : memref<3x128xi32, #tpu.memory_space<vmem>>) target_semaphore(%run_scoped3A_751 : memref<!tpu.dma_semaphore, #tpu.memory_space<semaphore_mem>>)
        %dma_wait3A_766 = arith.constant 0 : i32
        %dma_wait3A_767 = arith.constant 0 : i32
        %dma_wait3A_768 = tpu.memref_slice %arg6[%run_scoped3A_430, %dma_wait3A_766, %dma_wait3A_767] : memref<2x3x128xi32, #tpu.memory_space<vmem>> -> memref<1x3x128xi32, #tpu.memory_space<vmem>>
        %dma_wait3A_769 = tpu.memref_squeeze %dma_wait3A_768 : memref<1x3x128xi32, #tpu.memory_space<vmem>> -> memref<3x128xi32, #tpu.memory_space<vmem>>
        %dma_wait3A_770 = arith.constant 0 : i32
        %dma_wait3A_771 = tpu.memref_slice %arg2[%select_n3A_373, %dma_wait3A_770, %select_n3A_400, %mul3A_429] : memref<25x3x4x1024xi32, #tpu.memory_space<hbm>> -> memref<1x3x1x128xi32, #tpu.memory_space<hbm>>
        %dma_wait3A_772 = tpu.memref_squeeze %dma_wait3A_771 : memref<1x3x1x128xi32, #tpu.memory_space<hbm>> -> memref<3x128xi32, #tpu.memory_space<hbm>>
        %dma_wait3A_773 = arith.constant 0 : i32
        %dma_wait3A_774 = arith.constant 0 : i32
        %dma_wait3A_775 = tpu.memref_slice %arg6[%run_scoped3A_430, %dma_wait3A_773, %dma_wait3A_774] : memref<2x3x128xi32, #tpu.memory_space<vmem>> -> memref<1x3x128xi32, #tpu.memory_space<vmem>>
        %dma_wait3A_776 = tpu.memref_squeeze %dma_wait3A_775 : memref<1x3x128xi32, #tpu.memory_space<vmem>> -> memref<3x128xi32, #tpu.memory_space<vmem>>
        %dma_wait3A_777 = arith.constant 0 : i32
        %dma_wait3A_778 = tpu.memref_slice %arg2[%select_n3A_373, %dma_wait3A_777, %select_n3A_400, %mul3A_429] : memref<25x3x4x1024xi32, #tpu.memory_space<hbm>> -> memref<1x3x1x128xi32, #tpu.memory_space<hbm>>
        %dma_wait3A_779 = tpu.memref_squeeze %dma_wait3A_778 : memref<1x3x1x128xi32, #tpu.memory_space<hbm>> -> memref<3x128xi32, #tpu.memory_space<hbm>>
        tpu.wait_dma2 semaphore(%run_scoped3A_751 : memref<!tpu.dma_semaphore, #tpu.memory_space<semaphore_mem>>) src(%dma_wait3A_779 : memref<3x128xi32, #tpu.memory_space<hbm>>) dst(%dma_wait3A_776 : memref<3x128xi32, #tpu.memory_space<vmem>>)
        tpu.yield
      }) : () -> ()
      %dma_start3A_431 = arith.constant 1 : i32
      %dma_start3A_432 = arith.constant 0 : i32
      %dma_start3A_433 = arith.constant 1 : i32
      %dma_start3A_434 = arith.constant 0 : i32
      %dma_start3A_435 = arith.constant 0 : i32
      %dma_start3A_436 = tpu.memref_slice %arg7[%dma_start3A_433, %dma_start3A_434, %dma_start3A_435] : memref<2x384x32xf32, #tpu.memory_space<vmem>> -> memref<1x384x32xf32, #tpu.memory_space<vmem>>
      %dma_start3A_437 = tpu.memref_squeeze %dma_start3A_436 : memref<1x384x32xf32, #tpu.memory_space<vmem>> -> memref<384x32xf32, #tpu.memory_space<vmem>>
      %dma_start3A_438 = arith.constant 0 : i32
      %dma_start3A_439 = arith.constant 0 : i32
      %dma_start3A_440 = tpu.memref_slice %dma_start3A_437[%dma_start3A_438, %dma_start3A_439] : memref<384x32xf32, #tpu.memory_space<vmem>> -> memref<128x32xf32, #tpu.memory_space<vmem>>
      %dma_start3A_441 = arith.constant 0 : i32
      %dma_start3A_442 = tpu.memref_slice %arg6[%dma_start3A_431, %dma_start3A_432, %dma_start3A_441] : memref<2x3x128xi32, #tpu.memory_space<vmem>> -> memref<1x1x128xi32, #tpu.memory_space<vmem>>
      %dma_start3A_443 = tpu.memref_squeeze %dma_start3A_442 : memref<1x1x128xi32, #tpu.memory_space<vmem>> -> memref<128xi32, #tpu.memory_space<vmem>>
      %dma_start3A_444 = arith.constant 0 : i32
      %dma_start3A_445 = arith.constant 0 : i32
      %dma_start3A_446 = tpu.memref_slice %arg3[%dma_start3A_444, %dma_start3A_445] : memref<1000000x32xf32, #tpu.memory_space<hbm>> -> memref<1000000x32xf32, #tpu.memory_space<hbm>>
      tpu.enqueue_indirect_dma source(%dma_start3A_446 : memref<1000000x32xf32, #tpu.memory_space<hbm>>) target(%dma_start3A_440 : memref<128x32xf32, #tpu.memory_space<vmem>>) offsets(%dma_start3A_443 : memref<128xi32, #tpu.memory_space<vmem>>) semaphore(%arg11 : memref<!tpu.dma_semaphore, #tpu.memory_space<semaphore_mem>>)
      %dma_start3A_447 = arith.constant 1 : i32
      %dma_start3A_448 = arith.constant 1 : i32
      %dma_start3A_449 = arith.constant 1 : i32
      %dma_start3A_450 = arith.constant 0 : i32
      %dma_start3A_451 = arith.constant 0 : i32
      %dma_start3A_452 = tpu.memref_slice %arg7[%dma_start3A_449, %dma_start3A_450, %dma_start3A_451] : memref<2x384x32xf32, #tpu.memory_space<vmem>> -> memref<1x384x32xf32, #tpu.memory_space<vmem>>
      %dma_start3A_453 = tpu.memref_squeeze %dma_start3A_452 : memref<1x384x32xf32, #tpu.memory_space<vmem>> -> memref<384x32xf32, #tpu.memory_space<vmem>>
      %dma_start3A_454 = arith.constant 128 : i32
      %dma_start3A_455 = arith.constant 0 : i32
      %dma_start3A_456 = tpu.memref_slice %dma_start3A_453[%dma_start3A_454, %dma_start3A_455] : memref<384x32xf32, #tpu.memory_space<vmem>> -> memref<128x32xf32, #tpu.memory_space<vmem>>
      %dma_start3A_457 = arith.constant 0 : i32
      %dma_start3A_458 = tpu.memref_slice %arg6[%dma_start3A_447, %dma_start3A_448, %dma_start3A_457] : memref<2x3x128xi32, #tpu.memory_space<vmem>> -> memref<1x1x128xi32, #tpu.memory_space<vmem>>
      %dma_start3A_459 = tpu.memref_squeeze %dma_start3A_458 : memref<1x1x128xi32, #tpu.memory_space<vmem>> -> memref<128xi32, #tpu.memory_space<vmem>>
      %dma_start3A_460 = arith.constant 0 : i32
      %dma_start3A_461 = arith.constant 0 : i32
      %dma_start3A_462 = tpu.memref_slice %arg3[%dma_start3A_460, %dma_start3A_461] : memref<1000000x32xf32, #tpu.memory_space<hbm>> -> memref<1000000x32xf32, #tpu.memory_space<hbm>>
      tpu.enqueue_indirect_dma source(%dma_start3A_462 : memref<1000000x32xf32, #tpu.memory_space<hbm>>) target(%dma_start3A_456 : memref<128x32xf32, #tpu.memory_space<vmem>>) offsets(%dma_start3A_459 : memref<128xi32, #tpu.memory_space<vmem>>) semaphore(%arg11 : memref<!tpu.dma_semaphore, #tpu.memory_space<semaphore_mem>>)
      %dma_start3A_463 = arith.constant 1 : i32
      %dma_start3A_464 = arith.constant 2 : i32
      %dma_start3A_465 = arith.constant 1 : i32
      %dma_start3A_466 = arith.constant 0 : i32
      %dma_start3A_467 = arith.constant 0 : i32
      %dma_start3A_468 = tpu.memref_slice %arg7[%dma_start3A_465, %dma_start3A_466, %dma_start3A_467] : memref<2x384x32xf32, #tpu.memory_space<vmem>> -> memref<1x384x32xf32, #tpu.memory_space<vmem>>
      %dma_start3A_469 = tpu.memref_squeeze %dma_start3A_468 : memref<1x384x32xf32, #tpu.memory_space<vmem>> -> memref<384x32xf32, #tpu.memory_space<vmem>>
      %dma_start3A_470 = arith.constant 256 : i32
      %dma_start3A_471 = arith.constant 0 : i32
      %dma_start3A_472 = tpu.memref_slice %dma_start3A_469[%dma_start3A_470, %dma_start3A_471] : memref<384x32xf32, #tpu.memory_space<vmem>> -> memref<128x32xf32, #tpu.memory_space<vmem>>
      %dma_start3A_473 = arith.constant 0 : i32
      %dma_start3A_474 = tpu.memref_slice %arg6[%dma_start3A_463, %dma_start3A_464, %dma_start3A_473] : memref<2x3x128xi32, #tpu.memory_space<vmem>> -> memref<1x1x128xi32, #tpu.memory_space<vmem>>
      %dma_start3A_475 = tpu.memref_squeeze %dma_start3A_474 : memref<1x1x128xi32, #tpu.memory_space<vmem>> -> memref<128xi32, #tpu.memory_space<vmem>>
      %dma_start3A_476 = arith.constant 0 : i32
      %dma_start3A_477 = arith.constant 0 : i32
      %dma_start3A_478 = tpu.memref_slice %arg3[%dma_start3A_476, %dma_start3A_477] : memref<1000000x32xf32, #tpu.memory_space<hbm>> -> memref<1000000x32xf32, #tpu.memory_space<hbm>>
      tpu.enqueue_indirect_dma source(%dma_start3A_478 : memref<1000000x32xf32, #tpu.memory_space<hbm>>) target(%dma_start3A_472 : memref<128x32xf32, #tpu.memory_space<vmem>>) offsets(%dma_start3A_475 : memref<128xi32, #tpu.memory_space<vmem>>) semaphore(%arg11 : memref<!tpu.dma_semaphore, #tpu.memory_space<semaphore_mem>>)
      %dma_wait3A_479 = arith.constant 0 : i32
      %dma_wait3A_480 = arith.constant 0 : i32
      %dma_wait3A_481 = arith.constant 0 : i32
      %dma_wait3A_482 = arith.constant 0 : i32
      %dma_wait3A_483 = arith.constant 0 : i32
      %dma_wait3A_484 = tpu.memref_slice %arg7[%dma_wait3A_481, %dma_wait3A_482, %dma_wait3A_483] : memref<2x384x32xf32, #tpu.memory_space<vmem>> -> memref<1x384x32xf32, #tpu.memory_space<vmem>>
      %dma_wait3A_485 = tpu.memref_squeeze %dma_wait3A_484 : memref<1x384x32xf32, #tpu.memory_space<vmem>> -> memref<384x32xf32, #tpu.memory_space<vmem>>
      %dma_wait3A_486 = arith.constant 0 : i32
      %dma_wait3A_487 = arith.constant 0 : i32
      %dma_wait3A_488 = tpu.memref_slice %dma_wait3A_485[%dma_wait3A_486, %dma_wait3A_487] : memref<384x32xf32, #tpu.memory_space<vmem>> -> memref<128x32xf32, #tpu.memory_space<vmem>>
      %dma_wait3A_489 = arith.constant 0 : i32
      %dma_wait3A_490 = tpu.memref_slice %arg6[%dma_wait3A_479, %dma_wait3A_480, %dma_wait3A_489] : memref<2x3x128xi32, #tpu.memory_space<vmem>> -> memref<1x1x128xi32, #tpu.memory_space<vmem>>
      %dma_wait3A_491 = tpu.memref_squeeze %dma_wait3A_490 : memref<1x1x128xi32, #tpu.memory_space<vmem>> -> memref<128xi32, #tpu.memory_space<vmem>>
      %dma_wait3A_492 = arith.constant 0 : i32
      %dma_wait3A_493 = arith.constant 0 : i32
      %dma_wait3A_494 = tpu.memref_slice %arg3[%dma_wait3A_492, %dma_wait3A_493] : memref<1000000x32xf32, #tpu.memory_space<hbm>> -> memref<1000000x32xf32, #tpu.memory_space<hbm>>
      tpu.wait_indirect_dma semaphore(%arg10 : memref<!tpu.dma_semaphore, #tpu.memory_space<semaphore_mem>>) src(%dma_wait3A_494 : memref<1000000x32xf32, #tpu.memory_space<hbm>>) dst(%dma_wait3A_488 : memref<128x32xf32, #tpu.memory_space<vmem>>)
      %dma_wait3A_495 = arith.constant 0 : i32
      %dma_wait3A_496 = arith.constant 1 : i32
      %dma_wait3A_497 = arith.constant 0 : i32
      %dma_wait3A_498 = arith.constant 0 : i32
      %dma_wait3A_499 = arith.constant 0 : i32
      %dma_wait3A_500 = tpu.memref_slice %arg7[%dma_wait3A_497, %dma_wait3A_498, %dma_wait3A_499] : memref<2x384x32xf32, #tpu.memory_space<vmem>> -> memref<1x384x32xf32, #tpu.memory_space<vmem>>
      %dma_wait3A_501 = tpu.memref_squeeze %dma_wait3A_500 : memref<1x384x32xf32, #tpu.memory_space<vmem>> -> memref<384x32xf32, #tpu.memory_space<vmem>>
      %dma_wait3A_502 = arith.constant 128 : i32
      %dma_wait3A_503 = arith.constant 0 : i32
      %dma_wait3A_504 = tpu.memref_slice %dma_wait3A_501[%dma_wait3A_502, %dma_wait3A_503] : memref<384x32xf32, #tpu.memory_space<vmem>> -> memref<128x32xf32, #tpu.memory_space<vmem>>
      %dma_wait3A_505 = arith.constant 0 : i32
      %dma_wait3A_506 = tpu.memref_slice %arg6[%dma_wait3A_495, %dma_wait3A_496, %dma_wait3A_505] : memref<2x3x128xi32, #tpu.memory_space<vmem>> -> memref<1x1x128xi32, #tpu.memory_space<vmem>>
      %dma_wait3A_507 = tpu.memref_squeeze %dma_wait3A_506 : memref<1x1x128xi32, #tpu.memory_space<vmem>> -> memref<128xi32, #tpu.memory_space<vmem>>
      %dma_wait3A_508 = arith.constant 0 : i32
      %dma_wait3A_509 = arith.constant 0 : i32
      %dma_wait3A_510 = tpu.memref_slice %arg3[%dma_wait3A_508, %dma_wait3A_509] : memref<1000000x32xf32, #tpu.memory_space<hbm>> -> memref<1000000x32xf32, #tpu.memory_space<hbm>>
      tpu.wait_indirect_dma semaphore(%arg10 : memref<!tpu.dma_semaphore, #tpu.memory_space<semaphore_mem>>) src(%dma_wait3A_510 : memref<1000000x32xf32, #tpu.memory_space<hbm>>) dst(%dma_wait3A_504 : memref<128x32xf32, #tpu.memory_space<vmem>>)
      %dma_wait3A_511 = arith.constant 0 : i32
      %dma_wait3A_512 = arith.constant 2 : i32
      %dma_wait3A_513 = arith.constant 0 : i32
      %dma_wait3A_514 = arith.constant 0 : i32
      %dma_wait3A_515 = arith.constant 0 : i32
      %dma_wait3A_516 = tpu.memref_slice %arg7[%dma_wait3A_513, %dma_wait3A_514, %dma_wait3A_515] : memref<2x384x32xf32, #tpu.memory_space<vmem>> -> memref<1x384x32xf32, #tpu.memory_space<vmem>>
      %dma_wait3A_517 = tpu.memref_squeeze %dma_wait3A_516 : memref<1x384x32xf32, #tpu.memory_space<vmem>> -> memref<384x32xf32, #tpu.memory_space<vmem>>
      %dma_wait3A_518 = arith.constant 256 : i32
      %dma_wait3A_519 = arith.constant 0 : i32
      %dma_wait3A_520 = tpu.memref_slice %dma_wait3A_517[%dma_wait3A_518, %dma_wait3A_519] : memref<384x32xf32, #tpu.memory_space<vmem>> -> memref<128x32xf32, #tpu.memory_space<vmem>>
      %dma_wait3A_521 = arith.constant 0 : i32
      %dma_wait3A_522 = tpu.memref_slice %arg6[%dma_wait3A_511, %dma_wait3A_512, %dma_wait3A_521] : memref<2x3x128xi32, #tpu.memory_space<vmem>> -> memref<1x1x128xi32, #tpu.memory_space<vmem>>
      %dma_wait3A_523 = tpu.memref_squeeze %dma_wait3A_522 : memref<1x1x128xi32, #tpu.memory_space<vmem>> -> memref<128xi32, #tpu.memory_space<vmem>>
      %dma_wait3A_524 = arith.constant 0 : i32
      %dma_wait3A_525 = arith.constant 0 : i32
      %dma_wait3A_526 = tpu.memref_slice %arg3[%dma_wait3A_524, %dma_wait3A_525] : memref<1000000x32xf32, #tpu.memory_space<hbm>> -> memref<1000000x32xf32, #tpu.memory_space<hbm>>
      tpu.wait_indirect_dma semaphore(%arg10 : memref<!tpu.dma_semaphore, #tpu.memory_space<semaphore_mem>>) src(%dma_wait3A_526 : memref<1000000x32xf32, #tpu.memory_space<hbm>>) dst(%dma_wait3A_520 : memref<128x32xf32, #tpu.memory_space<vmem>>)
      %parallel_loop3A_527 = arith.constant 0 : i32
      %parallel_loop3A_528 = arith.constant 128 : i32
      %parallel_loop3A_529 = arith.constant 1 : i32
      %parallel_loop3A_530 = arith.constant 0 : i32
      scf.for %parallel_loop3A_751 = %parallel_loop3A_527 to %parallel_loop3A_528 step %parallel_loop3A_529  : i32 {
        %parallel_loop3A_752 = arith.constant 0 : i32
        %parallel_loop3A_753 = arith.constant 0 : i32
        %parallel_loop3A_754 = tpu.memref_slice %arg7[%parallel_loop3A_530, %parallel_loop3A_752, %parallel_loop3A_753] : memref<2x384x32xf32, #tpu.memory_space<vmem>> -> memref<1x384x32xf32, #tpu.memory_space<vmem>>
        %parallel_loop3A_755 = tpu.memref_squeeze %parallel_loop3A_754 : memref<1x384x32xf32, #tpu.memory_space<vmem>> -> memref<384x32xf32, #tpu.memory_space<vmem>>
        %parallel_loop3A_756 = arith.index_cast %parallel_loop3A_751 : i32 to index
        %parallel_loop3A_757 = arith.constant 0 : index
        %parallel_loop3A_758 = tpu.vector_load %parallel_loop3A_755[%parallel_loop3A_756, %parallel_loop3A_757] {strides = array<i32>} : memref<384x32xf32, #tpu.memory_space<vmem>>, vector<1x16xf32>,
        %parallel_loop3A_759 = vector.shape_cast %parallel_loop3A_758 : vector<1x16xf32> to vector<16xf32>
        %parallel_loop3A_760 = arith.constant 128 : i32
        %parallel_loop3A_761 = arith.addi %parallel_loop3A_760, %parallel_loop3A_751 : i32
        %parallel_loop3A_762 = arith.constant 0 : i32
        %parallel_loop3A_763 = arith.constant 0 : i32
        %parallel_loop3A_764 = tpu.memref_slice %arg7[%parallel_loop3A_530, %parallel_loop3A_762, %parallel_loop3A_763] : memref<2x384x32xf32, #tpu.memory_space<vmem>> -> memref<1x384x32xf32, #tpu.memory_space<vmem>>
        %parallel_loop3A_765 = tpu.memref_squeeze %parallel_loop3A_764 : memref<1x384x32xf32, #tpu.memory_space<vmem>> -> memref<384x32xf32, #tpu.memory_space<vmem>>
        %parallel_loop3A_766 = arith.index_cast %parallel_loop3A_761 : i32 to index
        %parallel_loop3A_767 = arith.constant 0 : index
        %parallel_loop3A_768 = tpu.vector_load %parallel_loop3A_765[%parallel_loop3A_766, %parallel_loop3A_767] {strides = array<i32>} : memref<384x32xf32, #tpu.memory_space<vmem>>, vector<1x16xf32>,
        %parallel_loop3A_769 = vector.shape_cast %parallel_loop3A_768 : vector<1x16xf32> to vector<16xf32>
        %parallel_loop3A_770 = arith.constant 256 : i32
        %parallel_loop3A_771 = arith.addi %parallel_loop3A_770, %parallel_loop3A_751 : i32
        %parallel_loop3A_772 = arith.constant 0 : i32
        %parallel_loop3A_773 = arith.constant 0 : i32
        %parallel_loop3A_774 = tpu.memref_slice %arg7[%parallel_loop3A_530, %parallel_loop3A_772, %parallel_loop3A_773] : memref<2x384x32xf32, #tpu.memory_space<vmem>> -> memref<1x384x32xf32, #tpu.memory_space<vmem>>
        %parallel_loop3A_775 = tpu.memref_squeeze %parallel_loop3A_774 : memref<1x384x32xf32, #tpu.memory_space<vmem>> -> memref<384x32xf32, #tpu.memory_space<vmem>>
        %parallel_loop3A_776 = arith.index_cast %parallel_loop3A_771 : i32 to index
        %parallel_loop3A_777 = arith.constant 0 : index
        %parallel_loop3A_778 = tpu.vector_load %parallel_loop3A_775[%parallel_loop3A_776, %parallel_loop3A_777] {strides = array<i32>} : memref<384x32xf32, #tpu.memory_space<vmem>>, vector<1x16xf32>,
        %parallel_loop3A_779 = vector.shape_cast %parallel_loop3A_778 : vector<1x16xf32> to vector<16xf32>
        %parallel_loop3A_780 = arith.mulf %parallel_loop3A_759, %get3A_4 : vector<16xf32>
        %parallel_loop3A_781 = arith.mulf %parallel_loop3A_769, %get3A_19 : vector<16xf32>
        %parallel_loop3A_782 = arith.addf %parallel_loop3A_780, %parallel_loop3A_781 : vector<16xf32>
        %parallel_loop3A_783 = arith.mulf %parallel_loop3A_779, %get3A_34 : vector<16xf32>
        %parallel_loop3A_784 = arith.addf %parallel_loop3A_782, %parallel_loop3A_783 : vector<16xf32>
        %parallel_loop3A_785 = arith.addf %parallel_loop3A_784, %get3A_49 : vector<16xf32>
        %parallel_loop3A_786 = arith.constant 0.000000e+00 : f32
        %parallel_loop3A_787 = vector.broadcast %parallel_loop3A_786 : f32 to vector<16xf32>
        %parallel_loop3A_788 = arith.maximumf %parallel_loop3A_785, %parallel_loop3A_787 : vector<16xf32>
        %parallel_loop3A_789 = arith.mulf %parallel_loop3A_788, %get3A_64 : vector<16xf32>
        %parallel_loop3A_790 = arith.addf %get3A_79, %parallel_loop3A_789 : vector<16xf32>
        %parallel_loop3A_791 = arith.mulf %parallel_loop3A_759, %get3A_9 : vector<16xf32>
        %parallel_loop3A_792 = arith.mulf %parallel_loop3A_769, %get3A_24 : vector<16xf32>
        %parallel_loop3A_793 = arith.addf %parallel_loop3A_791, %parallel_loop3A_792 : vector<16xf32>
        %parallel_loop3A_794 = arith.mulf %parallel_loop3A_779, %get3A_39 : vector<16xf32>
        %parallel_loop3A_795 = arith.addf %parallel_loop3A_793, %parallel_loop3A_794 : vector<16xf32>
        %parallel_loop3A_796 = arith.addf %parallel_loop3A_795, %get3A_54 : vector<16xf32>
        %parallel_loop3A_797 = arith.constant 0.000000e+00 : f32
        %parallel_loop3A_798 = vector.broadcast %parallel_loop3A_797 : f32 to vector<16xf32>
        %parallel_loop3A_799 = arith.maximumf %parallel_loop3A_796, %parallel_loop3A_798 : vector<16xf32>
        %parallel_loop3A_800 = arith.mulf %parallel_loop3A_799, %get3A_69 : vector<16xf32>
        %parallel_loop3A_801 = arith.addf %parallel_loop3A_790, %parallel_loop3A_800 : vector<16xf32>
        %parallel_loop3A_802 = arith.mulf %parallel_loop3A_759, %get3A_14 : vector<16xf32>
        %parallel_loop3A_803 = arith.mulf %parallel_loop3A_769, %get3A_29 : vector<16xf32>
        %parallel_loop3A_804 = arith.addf %parallel_loop3A_802, %parallel_loop3A_803 : vector<16xf32>
        %parallel_loop3A_805 = arith.mulf %parallel_loop3A_779, %get3A_44 : vector<16xf32>
        %parallel_loop3A_806 = arith.addf %parallel_loop3A_804, %parallel_loop3A_805 : vector<16xf32>
        %parallel_loop3A_807 = arith.addf %parallel_loop3A_806, %get3A_59 : vector<16xf32>
        %parallel_loop3A_808 = arith.constant 0.000000e+00 : f32
        %parallel_loop3A_809 = vector.broadcast %parallel_loop3A_808 : f32 to vector<16xf32>
        %parallel_loop3A_810 = arith.maximumf %parallel_loop3A_807, %parallel_loop3A_809 : vector<16xf32>
        %parallel_loop3A_811 = arith.mulf %parallel_loop3A_810, %get3A_74 : vector<16xf32>
        %parallel_loop3A_812 = arith.addf %parallel_loop3A_801, %parallel_loop3A_811 : vector<16xf32>
        %parallel_loop3A_813 = arith.constant 0.000000e+00 : f32
        %parallel_loop3A_814 = vector.broadcast %parallel_loop3A_813 : f32 to vector<16xf32>
        %parallel_loop3A_815 = arith.maximumf %parallel_loop3A_812, %parallel_loop3A_814 : vector<16xf32>
        %parallel_loop3A_816 = arith.index_cast %parallel_loop3A_751 : i32 to index
        %parallel_loop3A_817 = arith.constant 0 : index
        %parallel_loop3A_818 = tpu.vector_load %arg8[%parallel_loop3A_816, %parallel_loop3A_817] {strides = array<i32>} : memref<128x32xf32, #tpu.memory_space<vmem>>, vector<1x16xf32>,
        %parallel_loop3A_819 = vector.shape_cast %parallel_loop3A_818 : vector<1x16xf32> to vector<16xf32>
        %parallel_loop3A_820 = vector.shape_cast %parallel_loop3A_815 : vector<16xf32> to vector<1x16xf32>
        tpu.vector_store %arg8[%parallel_loop3A_816, %parallel_loop3A_817], %parallel_loop3A_820 {strides = array<i32>} : memref<128x32xf32, #tpu.memory_space<vmem>>, vector<1x16xf32>,
        %parallel_loop3A_821 = arith.constant 0 : i32
        %parallel_loop3A_822 = arith.constant 0 : i32
        %parallel_loop3A_823 = tpu.memref_slice %arg7[%parallel_loop3A_530, %parallel_loop3A_821, %parallel_loop3A_822] : memref<2x384x32xf32, #tpu.memory_space<vmem>> -> memref<1x384x32xf32, #tpu.memory_space<vmem>>
        %parallel_loop3A_824 = tpu.memref_squeeze %parallel_loop3A_823 : memref<1x384x32xf32, #tpu.memory_space<vmem>> -> memref<384x32xf32, #tpu.memory_space<vmem>>
        %parallel_loop3A_825 = arith.index_cast %parallel_loop3A_751 : i32 to index
        %parallel_loop3A_826 = arith.constant 16 : index
        %parallel_loop3A_827 = tpu.vector_load %parallel_loop3A_824[%parallel_loop3A_825, %parallel_loop3A_826] {strides = array<i32>} : memref<384x32xf32, #tpu.memory_space<vmem>>, vector<1x16xf32>,
        %parallel_loop3A_828 = vector.shape_cast %parallel_loop3A_827 : vector<1x16xf32> to vector<16xf32>
        %parallel_loop3A_829 = arith.constant 128 : i32
        %parallel_loop3A_830 = arith.addi %parallel_loop3A_829, %parallel_loop3A_751 : i32
        %parallel_loop3A_831 = arith.constant 0 : i32
        %parallel_loop3A_832 = arith.constant 0 : i32
        %parallel_loop3A_833 = tpu.memref_slice %arg7[%parallel_loop3A_530, %parallel_loop3A_831, %parallel_loop3A_832] : memref<2x384x32xf32, #tpu.memory_space<vmem>> -> memref<1x384x32xf32, #tpu.memory_space<vmem>>
        %parallel_loop3A_834 = tpu.memref_squeeze %parallel_loop3A_833 : memref<1x384x32xf32, #tpu.memory_space<vmem>> -> memref<384x32xf32, #tpu.memory_space<vmem>>
        %parallel_loop3A_835 = arith.index_cast %parallel_loop3A_830 : i32 to index
        %parallel_loop3A_836 = arith.constant 16 : index
        %parallel_loop3A_837 = tpu.vector_load %parallel_loop3A_834[%parallel_loop3A_835, %parallel_loop3A_836] {strides = array<i32>} : memref<384x32xf32, #tpu.memory_space<vmem>>, vector<1x16xf32>,
        %parallel_loop3A_838 = vector.shape_cast %parallel_loop3A_837 : vector<1x16xf32> to vector<16xf32>
        %parallel_loop3A_839 = arith.constant 256 : i32
        %parallel_loop3A_840 = arith.addi %parallel_loop3A_839, %parallel_loop3A_751 : i32
        %parallel_loop3A_841 = arith.constant 0 : i32
        %parallel_loop3A_842 = arith.constant 0 : i32
        %parallel_loop3A_843 = tpu.memref_slice %arg7[%parallel_loop3A_530, %parallel_loop3A_841, %parallel_loop3A_842] : memref<2x384x32xf32, #tpu.memory_space<vmem>> -> memref<1x384x32xf32, #tpu.memory_space<vmem>>
        %parallel_loop3A_844 = tpu.memref_squeeze %parallel_loop3A_843 : memref<1x384x32xf32, #tpu.memory_space<vmem>> -> memref<384x32xf32, #tpu.memory_space<vmem>>
        %parallel_loop3A_845 = arith.index_cast %parallel_loop3A_840 : i32 to index
        %parallel_loop3A_846 = arith.constant 16 : index
        %parallel_loop3A_847 = tpu.vector_load %parallel_loop3A_844[%parallel_loop3A_845, %parallel_loop3A_846] {strides = array<i32>} : memref<384x32xf32, #tpu.memory_space<vmem>>, vector<1x16xf32>,
        %parallel_loop3A_848 = vector.shape_cast %parallel_loop3A_847 : vector<1x16xf32> to vector<16xf32>
        %parallel_loop3A_849 = arith.mulf %parallel_loop3A_828, %get3A_4 : vector<16xf32>
        %parallel_loop3A_850 = arith.mulf %parallel_loop3A_838, %get3A_19 : vector<16xf32>
        %parallel_loop3A_851 = arith.addf %parallel_loop3A_849, %parallel_loop3A_850 : vector<16xf32>
        %parallel_loop3A_852 = arith.mulf %parallel_loop3A_848, %get3A_34 : vector<16xf32>
        %parallel_loop3A_853 = arith.addf %parallel_loop3A_851, %parallel_loop3A_852 : vector<16xf32>
        %parallel_loop3A_854 = arith.addf %parallel_loop3A_853, %get3A_49 : vector<16xf32>
        %parallel_loop3A_855 = arith.constant 0.000000e+00 : f32
        %parallel_loop3A_856 = vector.broadcast %parallel_loop3A_855 : f32 to vector<16xf32>
        %parallel_loop3A_857 = arith.maximumf %parallel_loop3A_854, %parallel_loop3A_856 : vector<16xf32>
        %parallel_loop3A_858 = arith.mulf %parallel_loop3A_857, %get3A_64 : vector<16xf32>
        %parallel_loop3A_859 = arith.addf %get3A_79, %parallel_loop3A_858 : vector<16xf32>
        %parallel_loop3A_860 = arith.mulf %parallel_loop3A_828, %get3A_9 : vector<16xf32>
        %parallel_loop3A_861 = arith.mulf %parallel_loop3A_838, %get3A_24 : vector<16xf32>
        %parallel_loop3A_862 = arith.addf %parallel_loop3A_860, %parallel_loop3A_861 : vector<16xf32>
        %parallel_loop3A_863 = arith.mulf %parallel_loop3A_848, %get3A_39 : vector<16xf32>
        %parallel_loop3A_864 = arith.addf %parallel_loop3A_862, %parallel_loop3A_863 : vector<16xf32>
        %parallel_loop3A_865 = arith.addf %parallel_loop3A_864, %get3A_54 : vector<16xf32>
        %parallel_loop3A_866 = arith.constant 0.000000e+00 : f32
        %parallel_loop3A_867 = vector.broadcast %parallel_loop3A_866 : f32 to vector<16xf32>
        %parallel_loop3A_868 = arith.maximumf %parallel_loop3A_865, %parallel_loop3A_867 : vector<16xf32>
        %parallel_loop3A_869 = arith.mulf %parallel_loop3A_868, %get3A_69 : vector<16xf32>
        %parallel_loop3A_870 = arith.addf %parallel_loop3A_859, %parallel_loop3A_869 : vector<16xf32>
        %parallel_loop3A_871 = arith.mulf %parallel_loop3A_828, %get3A_14 : vector<16xf32>
        %parallel_loop3A_872 = arith.mulf %parallel_loop3A_838, %get3A_29 : vector<16xf32>
        %parallel_loop3A_873 = arith.addf %parallel_loop3A_871, %parallel_loop3A_872 : vector<16xf32>
        %parallel_loop3A_874 = arith.mulf %parallel_loop3A_848, %get3A_44 : vector<16xf32>
        %parallel_loop3A_875 = arith.addf %parallel_loop3A_873, %parallel_loop3A_874 : vector<16xf32>
        %parallel_loop3A_876 = arith.addf %parallel_loop3A_875, %get3A_59 : vector<16xf32>
        %parallel_loop3A_877 = arith.constant 0.000000e+00 : f32
        %parallel_loop3A_878 = vector.broadcast %parallel_loop3A_877 : f32 to vector<16xf32>
        %parallel_loop3A_879 = arith.maximumf %parallel_loop3A_876, %parallel_loop3A_878 : vector<16xf32>
        %parallel_loop3A_880 = arith.mulf %parallel_loop3A_879, %get3A_74 : vector<16xf32>
        %parallel_loop3A_881 = arith.addf %parallel_loop3A_870, %parallel_loop3A_880 : vector<16xf32>
        %parallel_loop3A_882 = arith.constant 0.000000e+00 : f32
        %parallel_loop3A_883 = vector.broadcast %parallel_loop3A_882 : f32 to vector<16xf32>
        %parallel_loop3A_884 = arith.maximumf %parallel_loop3A_881, %parallel_loop3A_883 : vector<16xf32>
        %parallel_loop3A_885 = arith.index_cast %parallel_loop3A_751 : i32 to index
        %parallel_loop3A_886 = arith.constant 16 : index
        %parallel_loop3A_887 = tpu.vector_load %arg8[%parallel_loop3A_885, %parallel_loop3A_886] {strides = array<i32>} : memref<128x32xf32, #tpu.memory_space<vmem>>, vector<1x16xf32>,
        %parallel_loop3A_888 = vector.shape_cast %parallel_loop3A_887 : vector<1x16xf32> to vector<16xf32>
        %parallel_loop3A_889 = vector.shape_cast %parallel_loop3A_884 : vector<16xf32> to vector<1x16xf32>
        tpu.vector_store %arg8[%parallel_loop3A_885, %parallel_loop3A_886], %parallel_loop3A_889 {strides = array<i32>} : memref<128x32xf32, #tpu.memory_space<vmem>>, vector<1x16xf32>,
      } {sc.loop_unroll_factor = 4 : i64, sc.parallel_access}
      %jit3A_531 = arith.constant 32 : i32
      %div3A_532 = arith.divsi %add3A_347, %jit3A_531 : i32
      %sign3A_533 = arith.constant 0 : i32
      %sign3A_534 = arith.cmpi sgt, %add3A_347, %sign3A_533 : i32
      %sign3A_535 = arith.extui %sign3A_534 : i1 to i32
      %sign3A_536 = arith.constant 0 : i32
      %sign3A_537 = arith.cmpi slt, %add3A_347, %sign3A_536 : i32
      %sign3A_538 = arith.extui %sign3A_537 : i1 to i32
      %sign3A_539 = arith.subi %sign3A_535, %sign3A_538 : i32
      %sign3A_540 = arith.constant 0 : i32
      %sign3A_541 = arith.cmpi sgt, %jit3A_531, %sign3A_540 : i32
      %sign3A_542 = arith.extui %sign3A_541 : i1 to i32
      %sign3A_543 = arith.constant 0 : i32
      %sign3A_544 = arith.cmpi slt, %jit3A_531, %sign3A_543 : i32
      %sign3A_545 = arith.extui %sign3A_544 : i1 to i32
      %sign3A_546 = arith.subi %sign3A_542, %sign3A_545 : i32
      %ne3A_547 = arith.cmpi ne, %sign3A_539, %sign3A_546 : i32
      %rem3A_548 = arith.remsi %add3A_347, %jit3A_531 : i32
      %ne3A_549 = arith.constant 0 : i32
      %ne3A_550 = arith.cmpi ne, %rem3A_548, %ne3A_549 : i32
      %and3A_551 = arith.andi %ne3A_547, %ne3A_550 : i1
      %sub3A_552 = arith.constant 1 : i32
      %sub3A_553 = arith.subi %div3A_532, %sub3A_552 : i32
      %select_n3A_554 = arith.select %and3A_551, %sub3A_553, %div3A_532 : i32
      %mul3A_555 = arith.constant 32 : i32
      %mul3A_556 = arith.muli %select_n3A_554, %mul3A_555 : i32
      %sub3A_557 = arith.subi %add3A_347, %mul3A_556 : i32
      %jit3A_558 = arith.constant 8 : i32
      %div3A_559 = arith.divsi %sub3A_557, %jit3A_558 : i32
      %sign3A_560 = arith.constant 0 : i32
      %sign3A_561 = arith.cmpi sgt, %sub3A_557, %sign3A_560 : i32
      %sign3A_562 = arith.extui %sign3A_561 : i1 to i32
      %sign3A_563 = arith.constant 0 : i32
      %sign3A_564 = arith.cmpi slt, %sub3A_557, %sign3A_563 : i32
      %sign3A_565 = arith.extui %sign3A_564 : i1 to i32
      %sign3A_566 = arith.subi %sign3A_562, %sign3A_565 : i32
      %sign3A_567 = arith.constant 0 : i32
      %sign3A_568 = arith.cmpi sgt, %jit3A_558, %sign3A_567 : i32
      %sign3A_569 = arith.extui %sign3A_568 : i1 to i32
      %sign3A_570 = arith.constant 0 : i32
      %sign3A_571 = arith.cmpi slt, %jit3A_558, %sign3A_570 : i32
      %sign3A_572 = arith.extui %sign3A_571 : i1 to i32
      %sign3A_573 = arith.subi %sign3A_569, %sign3A_572 : i32
      %ne3A_574 = arith.cmpi ne, %sign3A_566, %sign3A_573 : i32
      %rem3A_575 = arith.remsi %sub3A_557, %jit3A_558 : i32
      %ne3A_576 = arith.constant 0 : i32
      %ne3A_577 = arith.cmpi ne, %rem3A_575, %ne3A_576 : i32
      %and3A_578 = arith.andi %ne3A_574, %ne3A_577 : i1
      %sub3A_579 = arith.constant 1 : i32
      %sub3A_580 = arith.subi %div3A_559, %sub3A_579 : i32
      %select_n3A_581 = arith.select %and3A_578, %sub3A_580, %div3A_559 : i32
      %jit3A_582 = arith.constant 8 : i32
      %div3A_583 = arith.divsi %sub3A_557, %jit3A_582 : i32
      %sign3A_584 = arith.constant 0 : i32
      %sign3A_585 = arith.cmpi sgt, %sub3A_557, %sign3A_584 : i32
      %sign3A_586 = arith.extui %sign3A_585 : i1 to i32
      %sign3A_587 = arith.constant 0 : i32
      %sign3A_588 = arith.cmpi slt, %sub3A_557, %sign3A_587 : i32
      %sign3A_589 = arith.extui %sign3A_588 : i1 to i32
      %sign3A_590 = arith.subi %sign3A_586, %sign3A_589 : i32
      %sign3A_591 = arith.constant 0 : i32
      %sign3A_592 = arith.cmpi sgt, %jit3A_582, %sign3A_591 : i32
      %sign3A_593 = arith.extui %sign3A_592 : i1 to i32
      %sign3A_594 = arith.constant 0 : i32
      %sign3A_595 = arith.cmpi slt, %jit3A_582, %sign3A_594 : i32
      %sign3A_596 = arith.extui %sign3A_595 : i1 to i32
      %sign3A_597 = arith.subi %sign3A_593, %sign3A_596 : i32
      %ne3A_598 = arith.cmpi ne, %sign3A_590, %sign3A_597 : i32
      %rem3A_599 = arith.remsi %sub3A_557, %jit3A_582 : i32
      %ne3A_600 = arith.constant 0 : i32
      %ne3A_601 = arith.cmpi ne, %rem3A_599, %ne3A_600 : i32
      %and3A_602 = arith.andi %ne3A_598, %ne3A_601 : i1
      %sub3A_603 = arith.constant 1 : i32
      %sub3A_604 = arith.subi %div3A_583, %sub3A_603 : i32
      %select_n3A_605 = arith.select %and3A_602, %sub3A_604, %div3A_583 : i32
      %mul3A_606 = arith.constant 8 : i32
      %mul3A_607 = arith.muli %select_n3A_605, %mul3A_606 : i32
      %sub3A_608 = arith.subi %sub3A_557, %mul3A_607 : i32
      %mul3A_609 = arith.constant 128 : i32
      %mul3A_610 = arith.muli %sub3A_608, %mul3A_609 : i32
      "tpu.region"() ({
        %run_scoped3A_751 = tpu.sem_alloc : memref<!tpu.dma_semaphore, #tpu.memory_space<semaphore_mem>>
        %dma_start3A_752 = arith.constant 0 : i32
        %dma_start3A_753 = tpu.memref_slice %arg5[%mul3A_610, %select_n3A_554, %select_n3A_581, %dma_start3A_752] : memref<1024x25x4x32xf32, #tpu.memory_space<hbm>> -> memref<128x1x1x32xf32, #tpu.memory_space<hbm>>
        %dma_start3A_754 = tpu.memref_squeeze %dma_start3A_753 : memref<128x1x1x32xf32, #tpu.memory_space<hbm>> -> memref<128x32xf32, #tpu.memory_space<hbm>>
        %dma_start3A_755 = arith.constant 0 : i32
        %dma_start3A_756 = tpu.memref_slice %arg5[%mul3A_610, %select_n3A_554, %select_n3A_581, %dma_start3A_755] : memref<1024x25x4x32xf32, #tpu.memory_space<hbm>> -> memref<128x1x1x32xf32, #tpu.memory_space<hbm>>
        %dma_start3A_757 = tpu.memref_squeeze %dma_start3A_756 : memref<128x1x1x32xf32, #tpu.memory_space<hbm>> -> memref<128x32xf32, #tpu.memory_space<hbm>>
        tpu.enqueue_dma source(%arg8 : memref<128x32xf32, #tpu.memory_space<vmem>>) target(%dma_start3A_757 : memref<128x32xf32, #tpu.memory_space<hbm>>) target_semaphore(%run_scoped3A_751 : memref<!tpu.dma_semaphore, #tpu.memory_space<semaphore_mem>>)
        %dma_wait3A_758 = arith.constant 0 : i32
        %dma_wait3A_759 = tpu.memref_slice %arg5[%mul3A_610, %select_n3A_554, %select_n3A_581, %dma_wait3A_758] : memref<1024x25x4x32xf32, #tpu.memory_space<hbm>> -> memref<128x1x1x32xf32, #tpu.memory_space<hbm>>
        %dma_wait3A_760 = tpu.memref_squeeze %dma_wait3A_759 : memref<128x1x1x32xf32, #tpu.memory_space<hbm>> -> memref<128x32xf32, #tpu.memory_space<hbm>>
        %dma_wait3A_761 = arith.constant 0 : i32
        %dma_wait3A_762 = tpu.memref_slice %arg5[%mul3A_610, %select_n3A_554, %select_n3A_581, %dma_wait3A_761] : memref<1024x25x4x32xf32, #tpu.memory_space<hbm>> -> memref<128x1x1x32xf32, #tpu.memory_space<hbm>>
        %dma_wait3A_763 = tpu.memref_squeeze %dma_wait3A_762 : memref<128x1x1x32xf32, #tpu.memory_space<hbm>> -> memref<128x32xf32, #tpu.memory_space<hbm>>
        tpu.wait_dma2 semaphore(%run_scoped3A_751 : memref<!tpu.dma_semaphore, #tpu.memory_space<semaphore_mem>>) src(%arg8 : memref<128x32xf32, #tpu.memory_space<vmem>>) dst(%dma_wait3A_763 : memref<128x32xf32, #tpu.memory_space<hbm>>)
        tpu.yield
      }) : () -> ()
      %mul3A_611 = arith.constant 2 : i32
      %mul3A_612 = arith.muli %mul3A_611, %scan3A_342 : i32
      %add3A_613 = arith.constant 2 : i32
      %add3A_614 = arith.addi %mul3A_612, %add3A_613 : i32
      %lt3A = arith.constant 25 : i32
      %lt3A_615 = arith.cmpi slt, %add3A_614, %lt3A : i32
      %convert_element_type3A = arith.extui %lt3A_615 : i1 to i32
      %cond3A = arith.constant 0 : i32
      %cond3A_616 = arith.cmpi ne, %convert_element_type3A, %cond3A : i32
      scf.if %cond3A_616 {
        %add3A_751 = arith.constant 2 : i32
        %add3A_752 = arith.addi %add3A_347, %add3A_751 : i32
        %jit3A_753 = arith.constant 32 : i32
        %div3A_754 = arith.divsi %add3A_752, %jit3A_753 : i32
        %sign3A_755 = arith.constant 0 : i32
        %sign3A_756 = arith.cmpi sgt, %add3A_752, %sign3A_755 : i32
        %sign3A_757 = arith.extui %sign3A_756 : i1 to i32
        %sign3A_758 = arith.constant 0 : i32
        %sign3A_759 = arith.cmpi slt, %add3A_752, %sign3A_758 : i32
        %sign3A_760 = arith.extui %sign3A_759 : i1 to i32
        %sign3A_761 = arith.subi %sign3A_757, %sign3A_760 : i32
        %sign3A_762 = arith.constant 0 : i32
        %sign3A_763 = arith.cmpi sgt, %jit3A_753, %sign3A_762 : i32
        %sign3A_764 = arith.extui %sign3A_763 : i1 to i32
        %sign3A_765 = arith.constant 0 : i32
        %sign3A_766 = arith.cmpi slt, %jit3A_753, %sign3A_765 : i32
        %sign3A_767 = arith.extui %sign3A_766 : i1 to i32
        %sign3A_768 = arith.subi %sign3A_764, %sign3A_767 : i32
        %ne3A_769 = arith.cmpi ne, %sign3A_761, %sign3A_768 : i32
        %rem3A_770 = arith.remsi %add3A_752, %jit3A_753 : i32
        %ne3A_771 = arith.constant 0 : i32
        %ne3A_772 = arith.cmpi ne, %rem3A_770, %ne3A_771 : i32
        %and3A_773 = arith.andi %ne3A_769, %ne3A_772 : i1
        %sub3A_774 = arith.constant 1 : i32
        %sub3A_775 = arith.subi %div3A_754, %sub3A_774 : i32
        %select_n3A_776 = arith.select %and3A_773, %sub3A_775, %div3A_754 : i32
        %mul3A_777 = arith.constant 32 : i32
        %mul3A_778 = arith.muli %select_n3A_776, %mul3A_777 : i32
        %sub3A_779 = arith.subi %add3A_752, %mul3A_778 : i32
        %jit3A_780 = arith.constant 8 : i32
        %div3A_781 = arith.divsi %sub3A_779, %jit3A_780 : i32
        %sign3A_782 = arith.constant 0 : i32
        %sign3A_783 = arith.cmpi sgt, %sub3A_779, %sign3A_782 : i32
        %sign3A_784 = arith.extui %sign3A_783 : i1 to i32
        %sign3A_785 = arith.constant 0 : i32
        %sign3A_786 = arith.cmpi slt, %sub3A_779, %sign3A_785 : i32
        %sign3A_787 = arith.extui %sign3A_786 : i1 to i32
        %sign3A_788 = arith.subi %sign3A_784, %sign3A_787 : i32
        %sign3A_789 = arith.constant 0 : i32
        %sign3A_790 = arith.cmpi sgt, %jit3A_780, %sign3A_789 : i32
        %sign3A_791 = arith.extui %sign3A_790 : i1 to i32
        %sign3A_792 = arith.constant 0 : i32
        %sign3A_793 = arith.cmpi slt, %jit3A_780, %sign3A_792 : i32
        %sign3A_794 = arith.extui %sign3A_793 : i1 to i32
        %sign3A_795 = arith.subi %sign3A_791, %sign3A_794 : i32
        %ne3A_796 = arith.cmpi ne, %sign3A_788, %sign3A_795 : i32
        %rem3A_797 = arith.remsi %sub3A_779, %jit3A_780 : i32
        %ne3A_798 = arith.constant 0 : i32
        %ne3A_799 = arith.cmpi ne, %rem3A_797, %ne3A_798 : i32
        %and3A_800 = arith.andi %ne3A_796, %ne3A_799 : i1
        %sub3A_801 = arith.constant 1 : i32
        %sub3A_802 = arith.subi %div3A_781, %sub3A_801 : i32
        %select_n3A_803 = arith.select %and3A_800, %sub3A_802, %div3A_781 : i32
        %jit3A_804 = arith.constant 8 : i32
        %div3A_805 = arith.divsi %sub3A_779, %jit3A_804 : i32
        %sign3A_806 = arith.constant 0 : i32
        %sign3A_807 = arith.cmpi sgt, %sub3A_779, %sign3A_806 : i32
        %sign3A_808 = arith.extui %sign3A_807 : i1 to i32
        %sign3A_809 = arith.constant 0 : i32
        %sign3A_810 = arith.cmpi slt, %sub3A_779, %sign3A_809 : i32
        %sign3A_811 = arith.extui %sign3A_810 : i1 to i32
        %sign3A_812 = arith.subi %sign3A_808, %sign3A_811 : i32
        %sign3A_813 = arith.constant 0 : i32
        %sign3A_814 = arith.cmpi sgt, %jit3A_804, %sign3A_813 : i32
        %sign3A_815 = arith.extui %sign3A_814 : i1 to i32
        %sign3A_816 = arith.constant 0 : i32
        %sign3A_817 = arith.cmpi slt, %jit3A_804, %sign3A_816 : i32
        %sign3A_818 = arith.extui %sign3A_817 : i1 to i32
        %sign3A_819 = arith.subi %sign3A_815, %sign3A_818 : i32
        %ne3A_820 = arith.cmpi ne, %sign3A_812, %sign3A_819 : i32
        %rem3A_821 = arith.remsi %sub3A_779, %jit3A_804 : i32
        %ne3A_822 = arith.constant 0 : i32
        %ne3A_823 = arith.cmpi ne, %rem3A_821, %ne3A_822 : i32
        %and3A_824 = arith.andi %ne3A_820, %ne3A_823 : i1
        %sub3A_825 = arith.constant 1 : i32
        %sub3A_826 = arith.subi %div3A_805, %sub3A_825 : i32
        %select_n3A_827 = arith.select %and3A_824, %sub3A_826, %div3A_805 : i32
        %mul3A_828 = arith.constant 8 : i32
        %mul3A_829 = arith.muli %select_n3A_827, %mul3A_828 : i32
        %sub3A_830 = arith.subi %sub3A_779, %mul3A_829 : i32
        %mul3A_831 = arith.constant 128 : i32
        %mul3A_832 = arith.muli %sub3A_830, %mul3A_831 : i32
        %run_scoped3A_833 = arith.constant 0 : i32
        "tpu.region"() ({
          %run_scoped3A_882 = tpu.sem_alloc : memref<!tpu.dma_semaphore, #tpu.memory_space<semaphore_mem>>
          %dma_start3A_883 = arith.constant 0 : i32
          %dma_start3A_884 = arith.constant 0 : i32
          %dma_start3A_885 = tpu.memref_slice %arg6[%run_scoped3A_833, %dma_start3A_883, %dma_start3A_884] : memref<2x3x128xi32, #tpu.memory_space<vmem>> -> memref<1x3x128xi32, #tpu.memory_space<vmem>>
          %dma_start3A_886 = tpu.memref_squeeze %dma_start3A_885 : memref<1x3x128xi32, #tpu.memory_space<vmem>> -> memref<3x128xi32, #tpu.memory_space<vmem>>
          %dma_start3A_887 = arith.constant 0 : i32
          %dma_start3A_888 = tpu.memref_slice %arg2[%select_n3A_776, %dma_start3A_887, %select_n3A_803, %mul3A_832] : memref<25x3x4x1024xi32, #tpu.memory_space<hbm>> -> memref<1x3x1x128xi32, #tpu.memory_space<hbm>>
          %dma_start3A_889 = tpu.memref_squeeze %dma_start3A_888 : memref<1x3x1x128xi32, #tpu.memory_space<hbm>> -> memref<3x128xi32, #tpu.memory_space<hbm>>
          %dma_start3A_890 = arith.constant 0 : i32
          %dma_start3A_891 = arith.constant 0 : i32
          %dma_start3A_892 = tpu.memref_slice %arg6[%run_scoped3A_833, %dma_start3A_890, %dma_start3A_891] : memref<2x3x128xi32, #tpu.memory_space<vmem>> -> memref<1x3x128xi32, #tpu.memory_space<vmem>>
          %dma_start3A_893 = tpu.memref_squeeze %dma_start3A_892 : memref<1x3x128xi32, #tpu.memory_space<vmem>> -> memref<3x128xi32, #tpu.memory_space<vmem>>
          %dma_start3A_894 = arith.constant 0 : i32
          %dma_start3A_895 = tpu.memref_slice %arg2[%select_n3A_776, %dma_start3A_894, %select_n3A_803, %mul3A_832] : memref<25x3x4x1024xi32, #tpu.memory_space<hbm>> -> memref<1x3x1x128xi32, #tpu.memory_space<hbm>>
          %dma_start3A_896 = tpu.memref_squeeze %dma_start3A_895 : memref<1x3x1x128xi32, #tpu.memory_space<hbm>> -> memref<3x128xi32, #tpu.memory_space<hbm>>
          tpu.enqueue_dma source(%dma_start3A_896 : memref<3x128xi32, #tpu.memory_space<hbm>>) target(%dma_start3A_893 : memref<3x128xi32, #tpu.memory_space<vmem>>) target_semaphore(%run_scoped3A_882 : memref<!tpu.dma_semaphore, #tpu.memory_space<semaphore_mem>>)
          %dma_wait3A_897 = arith.constant 0 : i32
          %dma_wait3A_898 = arith.constant 0 : i32
          %dma_wait3A_899 = tpu.memref_slice %arg6[%run_scoped3A_833, %dma_wait3A_897, %dma_wait3A_898] : memref<2x3x128xi32, #tpu.memory_space<vmem>> -> memref<1x3x128xi32, #tpu.memory_space<vmem>>
          %dma_wait3A_900 = tpu.memref_squeeze %dma_wait3A_899 : memref<1x3x128xi32, #tpu.memory_space<vmem>> -> memref<3x128xi32, #tpu.memory_space<vmem>>
          %dma_wait3A_901 = arith.constant 0 : i32
          %dma_wait3A_902 = tpu.memref_slice %arg2[%select_n3A_776, %dma_wait3A_901, %select_n3A_803, %mul3A_832] : memref<25x3x4x1024xi32, #tpu.memory_space<hbm>> -> memref<1x3x1x128xi32, #tpu.memory_space<hbm>>
          %dma_wait3A_903 = tpu.memref_squeeze %dma_wait3A_902 : memref<1x3x1x128xi32, #tpu.memory_space<hbm>> -> memref<3x128xi32, #tpu.memory_space<hbm>>
          %dma_wait3A_904 = arith.constant 0 : i32
          %dma_wait3A_905 = arith.constant 0 : i32
          %dma_wait3A_906 = tpu.memref_slice %arg6[%run_scoped3A_833, %dma_wait3A_904, %dma_wait3A_905] : memref<2x3x128xi32, #tpu.memory_space<vmem>> -> memref<1x3x128xi32, #tpu.memory_space<vmem>>
          %dma_wait3A_907 = tpu.memref_squeeze %dma_wait3A_906 : memref<1x3x128xi32, #tpu.memory_space<vmem>> -> memref<3x128xi32, #tpu.memory_space<vmem>>
          %dma_wait3A_908 = arith.constant 0 : i32
          %dma_wait3A_909 = tpu.memref_slice %arg2[%select_n3A_776, %dma_wait3A_908, %select_n3A_803, %mul3A_832] : memref<25x3x4x1024xi32, #tpu.memory_space<hbm>> -> memref<1x3x1x128xi32, #tpu.memory_space<hbm>>
          %dma_wait3A_910 = tpu.memref_squeeze %dma_wait3A_909 : memref<1x3x1x128xi32, #tpu.memory_space<hbm>> -> memref<3x128xi32, #tpu.memory_space<hbm>>
          tpu.wait_dma2 semaphore(%run_scoped3A_882 : memref<!tpu.dma_semaphore, #tpu.memory_space<semaphore_mem>>) src(%dma_wait3A_910 : memref<3x128xi32, #tpu.memory_space<hbm>>) dst(%dma_wait3A_907 : memref<3x128xi32, #tpu.memory_space<vmem>>)
          tpu.yield
        }) : () -> ()
        %dma_start3A_834 = arith.constant 0 : i32
        %dma_start3A_835 = arith.constant 0 : i32
        %dma_start3A_836 = arith.constant 0 : i32
        %dma_start3A_837 = arith.constant 0 : i32
        %dma_start3A_838 = arith.constant 0 : i32
        %dma_start3A_839 = tpu.memref_slice %arg7[%dma_start3A_836, %dma_start3A_837, %dma_start3A_838] : memref<2x384x32xf32, #tpu.memory_space<vmem>> -> memref<1x384x32xf32, #tpu.memory_space<vmem>>
        %dma_start3A_840 = tpu.memref_squeeze %dma_start3A_839 : memref<1x384x32xf32, #tpu.memory_space<vmem>> -> memref<384x32xf32, #tpu.memory_space<vmem>>
        %dma_start3A_841 = arith.constant 0 : i32
        %dma_start3A_842 = arith.constant 0 : i32
        %dma_start3A_843 = tpu.memref_slice %dma_start3A_840[%dma_start3A_841, %dma_start3A_842] : memref<384x32xf32, #tpu.memory_space<vmem>> -> memref<128x32xf32, #tpu.memory_space<vmem>>
        %dma_start3A_844 = arith.constant 0 : i32
        %dma_start3A_845 = tpu.memref_slice %arg6[%dma_start3A_834, %dma_start3A_835, %dma_start3A_844] : memref<2x3x128xi32, #tpu.memory_space<vmem>> -> memref<1x1x128xi32, #tpu.memory_space<vmem>>
        %dma_start3A_846 = tpu.memref_squeeze %dma_start3A_845 : memref<1x1x128xi32, #tpu.memory_space<vmem>> -> memref<128xi32, #tpu.memory_space<vmem>>
        %dma_start3A_847 = arith.constant 0 : i32
        %dma_start3A_848 = arith.constant 0 : i32
        %dma_start3A_849 = tpu.memref_slice %arg3[%dma_start3A_847, %dma_start3A_848] : memref<1000000x32xf32, #tpu.memory_space<hbm>> -> memref<1000000x32xf32, #tpu.memory_space<hbm>>
        tpu.enqueue_indirect_dma source(%dma_start3A_849 : memref<1000000x32xf32, #tpu.memory_space<hbm>>) target(%dma_start3A_843 : memref<128x32xf32, #tpu.memory_space<vmem>>) offsets(%dma_start3A_846 : memref<128xi32, #tpu.memory_space<vmem>>) semaphore(%arg10 : memref<!tpu.dma_semaphore, #tpu.memory_space<semaphore_mem>>)
        %dma_start3A_850 = arith.constant 0 : i32
        %dma_start3A_851 = arith.constant 1 : i32
        %dma_start3A_852 = arith.constant 0 : i32
        %dma_start3A_853 = arith.constant 0 : i32
        %dma_start3A_854 = arith.constant 0 : i32
        %dma_start3A_855 = tpu.memref_slice %arg7[%dma_start3A_852, %dma_start3A_853, %dma_start3A_854] : memref<2x384x32xf32, #tpu.memory_space<vmem>> -> memref<1x384x32xf32, #tpu.memory_space<vmem>>
        %dma_start3A_856 = tpu.memref_squeeze %dma_start3A_855 : memref<1x384x32xf32, #tpu.memory_space<vmem>> -> memref<384x32xf32, #tpu.memory_space<vmem>>
        %dma_start3A_857 = arith.constant 128 : i32
        %dma_start3A_858 = arith.constant 0 : i32
        %dma_start3A_859 = tpu.memref_slice %dma_start3A_856[%dma_start3A_857, %dma_start3A_858] : memref<384x32xf32, #tpu.memory_space<vmem>> -> memref<128x32xf32, #tpu.memory_space<vmem>>
        %dma_start3A_860 = arith.constant 0 : i32
        %dma_start3A_861 = tpu.memref_slice %arg6[%dma_start3A_850, %dma_start3A_851, %dma_start3A_860] : memref<2x3x128xi32, #tpu.memory_space<vmem>> -> memref<1x1x128xi32, #tpu.memory_space<vmem>>
        %dma_start3A_862 = tpu.memref_squeeze %dma_start3A_861 : memref<1x1x128xi32, #tpu.memory_space<vmem>> -> memref<128xi32, #tpu.memory_space<vmem>>
        %dma_start3A_863 = arith.constant 0 : i32
        %dma_start3A_864 = arith.constant 0 : i32
        %dma_start3A_865 = tpu.memref_slice %arg3[%dma_start3A_863, %dma_start3A_864] : memref<1000000x32xf32, #tpu.memory_space<hbm>> -> memref<1000000x32xf32, #tpu.memory_space<hbm>>
        tpu.enqueue_indirect_dma source(%dma_start3A_865 : memref<1000000x32xf32, #tpu.memory_space<hbm>>) target(%dma_start3A_859 : memref<128x32xf32, #tpu.memory_space<vmem>>) offsets(%dma_start3A_862 : memref<128xi32, #tpu.memory_space<vmem>>) semaphore(%arg10 : memref<!tpu.dma_semaphore, #tpu.memory_space<semaphore_mem>>)
        %dma_start3A_866 = arith.constant 0 : i32
        %dma_start3A_867 = arith.constant 2 : i32
        %dma_start3A_868 = arith.constant 0 : i32
        %dma_start3A_869 = arith.constant 0 : i32
        %dma_start3A_870 = arith.constant 0 : i32
        %dma_start3A_871 = tpu.memref_slice %arg7[%dma_start3A_868, %dma_start3A_869, %dma_start3A_870] : memref<2x384x32xf32, #tpu.memory_space<vmem>> -> memref<1x384x32xf32, #tpu.memory_space<vmem>>
        %dma_start3A_872 = tpu.memref_squeeze %dma_start3A_871 : memref<1x384x32xf32, #tpu.memory_space<vmem>> -> memref<384x32xf32, #tpu.memory_space<vmem>>
        %dma_start3A_873 = arith.constant 256 : i32
        %dma_start3A_874 = arith.constant 0 : i32
        %dma_start3A_875 = tpu.memref_slice %dma_start3A_872[%dma_start3A_873, %dma_start3A_874] : memref<384x32xf32, #tpu.memory_space<vmem>> -> memref<128x32xf32, #tpu.memory_space<vmem>>
        %dma_start3A_876 = arith.constant 0 : i32
        %dma_start3A_877 = tpu.memref_slice %arg6[%dma_start3A_866, %dma_start3A_867, %dma_start3A_876] : memref<2x3x128xi32, #tpu.memory_space<vmem>> -> memref<1x1x128xi32, #tpu.memory_space<vmem>>
        %dma_start3A_878 = tpu.memref_squeeze %dma_start3A_877 : memref<1x1x128xi32, #tpu.memory_space<vmem>> -> memref<128xi32, #tpu.memory_space<vmem>>
        %dma_start3A_879 = arith.constant 0 : i32
        %dma_start3A_880 = arith.constant 0 : i32
        %dma_start3A_881 = tpu.memref_slice %arg3[%dma_start3A_879, %dma_start3A_880] : memref<1000000x32xf32, #tpu.memory_space<hbm>> -> memref<1000000x32xf32, #tpu.memory_space<hbm>>
        tpu.enqueue_indirect_dma source(%dma_start3A_881 : memref<1000000x32xf32, #tpu.memory_space<hbm>>) target(%dma_start3A_875 : memref<128x32xf32, #tpu.memory_space<vmem>>) offsets(%dma_start3A_878 : memref<128xi32, #tpu.memory_space<vmem>>) semaphore(%arg10 : memref<!tpu.dma_semaphore, #tpu.memory_space<semaphore_mem>>)
      } else {
      }
      %dma_wait3A_617 = arith.constant 1 : i32
      %dma_wait3A_618 = arith.constant 0 : i32
      %dma_wait3A_619 = arith.constant 1 : i32
      %dma_wait3A_620 = arith.constant 0 : i32
      %dma_wait3A_621 = arith.constant 0 : i32
      %dma_wait3A_622 = tpu.memref_slice %arg7[%dma_wait3A_619, %dma_wait3A_620, %dma_wait3A_621] : memref<2x384x32xf32, #tpu.memory_space<vmem>> -> memref<1x384x32xf32, #tpu.memory_space<vmem>>
      %dma_wait3A_623 = tpu.memref_squeeze %dma_wait3A_622 : memref<1x384x32xf32, #tpu.memory_space<vmem>> -> memref<384x32xf32, #tpu.memory_space<vmem>>
      %dma_wait3A_624 = arith.constant 0 : i32
      %dma_wait3A_625 = arith.constant 0 : i32
      %dma_wait3A_626 = tpu.memref_slice %dma_wait3A_623[%dma_wait3A_624, %dma_wait3A_625] : memref<384x32xf32, #tpu.memory_space<vmem>> -> memref<128x32xf32, #tpu.memory_space<vmem>>
      %dma_wait3A_627 = arith.constant 0 : i32
      %dma_wait3A_628 = tpu.memref_slice %arg6[%dma_wait3A_617, %dma_wait3A_618, %dma_wait3A_627] : memref<2x3x128xi32, #tpu.memory_space<vmem>> -> memref<1x1x128xi32, #tpu.memory_space<vmem>>
      %dma_wait3A_629 = tpu.memref_squeeze %dma_wait3A_628 : memref<1x1x128xi32, #tpu.memory_space<vmem>> -> memref<128xi32, #tpu.memory_space<vmem>>
      %dma_wait3A_630 = arith.constant 0 : i32
      %dma_wait3A_631 = arith.constant 0 : i32
      %dma_wait3A_632 = tpu.memref_slice %arg3[%dma_wait3A_630, %dma_wait3A_631] : memref<1000000x32xf32, #tpu.memory_space<hbm>> -> memref<1000000x32xf32, #tpu.memory_space<hbm>>
      tpu.wait_indirect_dma semaphore(%arg11 : memref<!tpu.dma_semaphore, #tpu.memory_space<semaphore_mem>>) src(%dma_wait3A_632 : memref<1000000x32xf32, #tpu.memory_space<hbm>>) dst(%dma_wait3A_626 : memref<128x32xf32, #tpu.memory_space<vmem>>)
      %dma_wait3A_633 = arith.constant 1 : i32
      %dma_wait3A_634 = arith.constant 1 : i32
      %dma_wait3A_635 = arith.constant 1 : i32
      %dma_wait3A_636 = arith.constant 0 : i32
      %dma_wait3A_637 = arith.constant 0 : i32
      %dma_wait3A_638 = tpu.memref_slice %arg7[%dma_wait3A_635, %dma_wait3A_636, %dma_wait3A_637] : memref<2x384x32xf32, #tpu.memory_space<vmem>> -> memref<1x384x32xf32, #tpu.memory_space<vmem>>
      %dma_wait3A_639 = tpu.memref_squeeze %dma_wait3A_638 : memref<1x384x32xf32, #tpu.memory_space<vmem>> -> memref<384x32xf32, #tpu.memory_space<vmem>>
      %dma_wait3A_640 = arith.constant 128 : i32
      %dma_wait3A_641 = arith.constant 0 : i32
      %dma_wait3A_642 = tpu.memref_slice %dma_wait3A_639[%dma_wait3A_640, %dma_wait3A_641] : memref<384x32xf32, #tpu.memory_space<vmem>> -> memref<128x32xf32, #tpu.memory_space<vmem>>
      %dma_wait3A_643 = arith.constant 0 : i32
      %dma_wait3A_644 = tpu.memref_slice %arg6[%dma_wait3A_633, %dma_wait3A_634, %dma_wait3A_643] : memref<2x3x128xi32, #tpu.memory_space<vmem>> -> memref<1x1x128xi32, #tpu.memory_space<vmem>>
      %dma_wait3A_645 = tpu.memref_squeeze %dma_wait3A_644 : memref<1x1x128xi32, #tpu.memory_space<vmem>> -> memref<128xi32, #tpu.memory_space<vmem>>
      %dma_wait3A_646 = arith.constant 0 : i32
      %dma_wait3A_647 = arith.constant 0 : i32
      %dma_wait3A_648 = tpu.memref_slice %arg3[%dma_wait3A_646, %dma_wait3A_647] : memref<1000000x32xf32, #tpu.memory_space<hbm>> -> memref<1000000x32xf32, #tpu.memory_space<hbm>>
      tpu.wait_indirect_dma semaphore(%arg11 : memref<!tpu.dma_semaphore, #tpu.memory_space<semaphore_mem>>) src(%dma_wait3A_648 : memref<1000000x32xf32, #tpu.memory_space<hbm>>) dst(%dma_wait3A_642 : memref<128x32xf32, #tpu.memory_space<vmem>>)
      %dma_wait3A_649 = arith.constant 1 : i32
      %dma_wait3A_650 = arith.constant 2 : i32
      %dma_wait3A_651 = arith.constant 1 : i32
      %dma_wait3A_652 = arith.constant 0 : i32
      %dma_wait3A_653 = arith.constant 0 : i32
      %dma_wait3A_654 = tpu.memref_slice %arg7[%dma_wait3A_651, %dma_wait3A_652, %dma_wait3A_653] : memref<2x384x32xf32, #tpu.memory_space<vmem>> -> memref<1x384x32xf32, #tpu.memory_space<vmem>>
      %dma_wait3A_655 = tpu.memref_squeeze %dma_wait3A_654 : memref<1x384x32xf32, #tpu.memory_space<vmem>> -> memref<384x32xf32, #tpu.memory_space<vmem>>
      %dma_wait3A_656 = arith.constant 256 : i32
      %dma_wait3A_657 = arith.constant 0 : i32
      %dma_wait3A_658 = tpu.memref_slice %dma_wait3A_655[%dma_wait3A_656, %dma_wait3A_657] : memref<384x32xf32, #tpu.memory_space<vmem>> -> memref<128x32xf32, #tpu.memory_space<vmem>>
      %dma_wait3A_659 = arith.constant 0 : i32
      %dma_wait3A_660 = tpu.memref_slice %arg6[%dma_wait3A_649, %dma_wait3A_650, %dma_wait3A_659] : memref<2x3x128xi32, #tpu.memory_space<vmem>> -> memref<1x1x128xi32, #tpu.memory_space<vmem>>
      %dma_wait3A_661 = tpu.memref_squeeze %dma_wait3A_660 : memref<1x1x128xi32, #tpu.memory_space<vmem>> -> memref<128xi32, #tpu.memory_space<vmem>>
      %dma_wait3A_662 = arith.constant 0 : i32
      %dma_wait3A_663 = arith.constant 0 : i32
      %dma_wait3A_664 = tpu.memref_slice %arg3[%dma_wait3A_662, %dma_wait3A_663] : memref<1000000x32xf32, #tpu.memory_space<hbm>> -> memref<1000000x32xf32, #tpu.memory_space<hbm>>
      tpu.wait_indirect_dma semaphore(%arg11 : memref<!tpu.dma_semaphore, #tpu.memory_space<semaphore_mem>>) src(%dma_wait3A_664 : memref<1000000x32xf32, #tpu.memory_space<hbm>>) dst(%dma_wait3A_658 : memref<128x32xf32, #tpu.memory_space<vmem>>)
      %add3A_665 = arith.constant 1 : i32
      %add3A_666 = arith.addi %add3A_347, %add3A_665 : i32
      %parallel_loop3A_667 = arith.constant 0 : i32
      %parallel_loop3A_668 = arith.constant 128 : i32
      %parallel_loop3A_669 = arith.constant 1 : i32
      %parallel_loop3A_670 = arith.constant 1 : i32
      scf.for %parallel_loop3A_751 = %parallel_loop3A_667 to %parallel_loop3A_668 step %parallel_loop3A_669  : i32 {
        %parallel_loop3A_752 = arith.constant 0 : i32
        %parallel_loop3A_753 = arith.constant 0 : i32
        %parallel_loop3A_754 = tpu.memref_slice %arg7[%parallel_loop3A_670, %parallel_loop3A_752, %parallel_loop3A_753] : memref<2x384x32xf32, #tpu.memory_space<vmem>> -> memref<1x384x32xf32, #tpu.memory_space<vmem>>
        %parallel_loop3A_755 = tpu.memref_squeeze %parallel_loop3A_754 : memref<1x384x32xf32, #tpu.memory_space<vmem>> -> memref<384x32xf32, #tpu.memory_space<vmem>>
        %parallel_loop3A_756 = arith.index_cast %parallel_loop3A_751 : i32 to index
        %parallel_loop3A_757 = arith.constant 0 : index
        %parallel_loop3A_758 = tpu.vector_load %parallel_loop3A_755[%parallel_loop3A_756, %parallel_loop3A_757] {strides = array<i32>} : memref<384x32xf32, #tpu.memory_space<vmem>>, vector<1x16xf32>,
        %parallel_loop3A_759 = vector.shape_cast %parallel_loop3A_758 : vector<1x16xf32> to vector<16xf32>
        %parallel_loop3A_760 = arith.constant 128 : i32
        %parallel_loop3A_761 = arith.addi %parallel_loop3A_760, %parallel_loop3A_751 : i32
        %parallel_loop3A_762 = arith.constant 0 : i32
        %parallel_loop3A_763 = arith.constant 0 : i32
        %parallel_loop3A_764 = tpu.memref_slice %arg7[%parallel_loop3A_670, %parallel_loop3A_762, %parallel_loop3A_763] : memref<2x384x32xf32, #tpu.memory_space<vmem>> -> memref<1x384x32xf32, #tpu.memory_space<vmem>>
        %parallel_loop3A_765 = tpu.memref_squeeze %parallel_loop3A_764 : memref<1x384x32xf32, #tpu.memory_space<vmem>> -> memref<384x32xf32, #tpu.memory_space<vmem>>
        %parallel_loop3A_766 = arith.index_cast %parallel_loop3A_761 : i32 to index
        %parallel_loop3A_767 = arith.constant 0 : index
        %parallel_loop3A_768 = tpu.vector_load %parallel_loop3A_765[%parallel_loop3A_766, %parallel_loop3A_767] {strides = array<i32>} : memref<384x32xf32, #tpu.memory_space<vmem>>, vector<1x16xf32>,
        %parallel_loop3A_769 = vector.shape_cast %parallel_loop3A_768 : vector<1x16xf32> to vector<16xf32>
        %parallel_loop3A_770 = arith.constant 256 : i32
        %parallel_loop3A_771 = arith.addi %parallel_loop3A_770, %parallel_loop3A_751 : i32
        %parallel_loop3A_772 = arith.constant 0 : i32
        %parallel_loop3A_773 = arith.constant 0 : i32
        %parallel_loop3A_774 = tpu.memref_slice %arg7[%parallel_loop3A_670, %parallel_loop3A_772, %parallel_loop3A_773] : memref<2x384x32xf32, #tpu.memory_space<vmem>> -> memref<1x384x32xf32, #tpu.memory_space<vmem>>
        %parallel_loop3A_775 = tpu.memref_squeeze %parallel_loop3A_774 : memref<1x384x32xf32, #tpu.memory_space<vmem>> -> memref<384x32xf32, #tpu.memory_space<vmem>>
        %parallel_loop3A_776 = arith.index_cast %parallel_loop3A_771 : i32 to index
        %parallel_loop3A_777 = arith.constant 0 : index
        %parallel_loop3A_778 = tpu.vector_load %parallel_loop3A_775[%parallel_loop3A_776, %parallel_loop3A_777] {strides = array<i32>} : memref<384x32xf32, #tpu.memory_space<vmem>>, vector<1x16xf32>,
        %parallel_loop3A_779 = vector.shape_cast %parallel_loop3A_778 : vector<1x16xf32> to vector<16xf32>
        %parallel_loop3A_780 = arith.mulf %parallel_loop3A_759, %get3A_4 : vector<16xf32>
        %parallel_loop3A_781 = arith.mulf %parallel_loop3A_769, %get3A_19 : vector<16xf32>
        %parallel_loop3A_782 = arith.addf %parallel_loop3A_780, %parallel_loop3A_781 : vector<16xf32>
        %parallel_loop3A_783 = arith.mulf %parallel_loop3A_779, %get3A_34 : vector<16xf32>
        %parallel_loop3A_784 = arith.addf %parallel_loop3A_782, %parallel_loop3A_783 : vector<16xf32>
        %parallel_loop3A_785 = arith.addf %parallel_loop3A_784, %get3A_49 : vector<16xf32>
        %parallel_loop3A_786 = arith.constant 0.000000e+00 : f32
        %parallel_loop3A_787 = vector.broadcast %parallel_loop3A_786 : f32 to vector<16xf32>
        %parallel_loop3A_788 = arith.maximumf %parallel_loop3A_785, %parallel_loop3A_787 : vector<16xf32>
        %parallel_loop3A_789 = arith.mulf %parallel_loop3A_788, %get3A_64 : vector<16xf32>
        %parallel_loop3A_790 = arith.addf %get3A_79, %parallel_loop3A_789 : vector<16xf32>
        %parallel_loop3A_791 = arith.mulf %parallel_loop3A_759, %get3A_9 : vector<16xf32>
        %parallel_loop3A_792 = arith.mulf %parallel_loop3A_769, %get3A_24 : vector<16xf32>
        %parallel_loop3A_793 = arith.addf %parallel_loop3A_791, %parallel_loop3A_792 : vector<16xf32>
        %parallel_loop3A_794 = arith.mulf %parallel_loop3A_779, %get3A_39 : vector<16xf32>
        %parallel_loop3A_795 = arith.addf %parallel_loop3A_793, %parallel_loop3A_794 : vector<16xf32>
        %parallel_loop3A_796 = arith.addf %parallel_loop3A_795, %get3A_54 : vector<16xf32>
        %parallel_loop3A_797 = arith.constant 0.000000e+00 : f32
        %parallel_loop3A_798 = vector.broadcast %parallel_loop3A_797 : f32 to vector<16xf32>
        %parallel_loop3A_799 = arith.maximumf %parallel_loop3A_796, %parallel_loop3A_798 : vector<16xf32>
        %parallel_loop3A_800 = arith.mulf %parallel_loop3A_799, %get3A_69 : vector<16xf32>
        %parallel_loop3A_801 = arith.addf %parallel_loop3A_790, %parallel_loop3A_800 : vector<16xf32>
        %parallel_loop3A_802 = arith.mulf %parallel_loop3A_759, %get3A_14 : vector<16xf32>
        %parallel_loop3A_803 = arith.mulf %parallel_loop3A_769, %get3A_29 : vector<16xf32>
        %parallel_loop3A_804 = arith.addf %parallel_loop3A_802, %parallel_loop3A_803 : vector<16xf32>
        %parallel_loop3A_805 = arith.mulf %parallel_loop3A_779, %get3A_44 : vector<16xf32>
        %parallel_loop3A_806 = arith.addf %parallel_loop3A_804, %parallel_loop3A_805 : vector<16xf32>
        %parallel_loop3A_807 = arith.addf %parallel_loop3A_806, %get3A_59 : vector<16xf32>
        %parallel_loop3A_808 = arith.constant 0.000000e+00 : f32
        %parallel_loop3A_809 = vector.broadcast %parallel_loop3A_808 : f32 to vector<16xf32>
        %parallel_loop3A_810 = arith.maximumf %parallel_loop3A_807, %parallel_loop3A_809 : vector<16xf32>
        %parallel_loop3A_811 = arith.mulf %parallel_loop3A_810, %get3A_74 : vector<16xf32>
        %parallel_loop3A_812 = arith.addf %parallel_loop3A_801, %parallel_loop3A_811 : vector<16xf32>
        %parallel_loop3A_813 = arith.constant 0.000000e+00 : f32
        %parallel_loop3A_814 = vector.broadcast %parallel_loop3A_813 : f32 to vector<16xf32>
        %parallel_loop3A_815 = arith.maximumf %parallel_loop3A_812, %parallel_loop3A_814 : vector<16xf32>
        %parallel_loop3A_816 = arith.index_cast %parallel_loop3A_751 : i32 to index
        %parallel_loop3A_817 = arith.constant 0 : index
        %parallel_loop3A_818 = tpu.vector_load %arg8[%parallel_loop3A_816, %parallel_loop3A_817] {strides = array<i32>} : memref<128x32xf32, #tpu.memory_space<vmem>>, vector<1x16xf32>,
        %parallel_loop3A_819 = vector.shape_cast %parallel_loop3A_818 : vector<1x16xf32> to vector<16xf32>
        %parallel_loop3A_820 = vector.shape_cast %parallel_loop3A_815 : vector<16xf32> to vector<1x16xf32>
        tpu.vector_store %arg8[%parallel_loop3A_816, %parallel_loop3A_817], %parallel_loop3A_820 {strides = array<i32>} : memref<128x32xf32, #tpu.memory_space<vmem>>, vector<1x16xf32>,
        %parallel_loop3A_821 = arith.constant 0 : i32
        %parallel_loop3A_822 = arith.constant 0 : i32
        %parallel_loop3A_823 = tpu.memref_slice %arg7[%parallel_loop3A_670, %parallel_loop3A_821, %parallel_loop3A_822] : memref<2x384x32xf32, #tpu.memory_space<vmem>> -> memref<1x384x32xf32, #tpu.memory_space<vmem>>
        %parallel_loop3A_824 = tpu.memref_squeeze %parallel_loop3A_823 : memref<1x384x32xf32, #tpu.memory_space<vmem>> -> memref<384x32xf32, #tpu.memory_space<vmem>>
        %parallel_loop3A_825 = arith.index_cast %parallel_loop3A_751 : i32 to index
        %parallel_loop3A_826 = arith.constant 16 : index
        %parallel_loop3A_827 = tpu.vector_load %parallel_loop3A_824[%parallel_loop3A_825, %parallel_loop3A_826] {strides = array<i32>} : memref<384x32xf32, #tpu.memory_space<vmem>>, vector<1x16xf32>,
        %parallel_loop3A_828 = vector.shape_cast %parallel_loop3A_827 : vector<1x16xf32> to vector<16xf32>
        %parallel_loop3A_829 = arith.constant 128 : i32
        %parallel_loop3A_830 = arith.addi %parallel_loop3A_829, %parallel_loop3A_751 : i32
        %parallel_loop3A_831 = arith.constant 0 : i32
        %parallel_loop3A_832 = arith.constant 0 : i32
        %parallel_loop3A_833 = tpu.memref_slice %arg7[%parallel_loop3A_670, %parallel_loop3A_831, %parallel_loop3A_832] : memref<2x384x32xf32, #tpu.memory_space<vmem>> -> memref<1x384x32xf32, #tpu.memory_space<vmem>>
        %parallel_loop3A_834 = tpu.memref_squeeze %parallel_loop3A_833 : memref<1x384x32xf32, #tpu.memory_space<vmem>> -> memref<384x32xf32, #tpu.memory_space<vmem>>
        %parallel_loop3A_835 = arith.index_cast %parallel_loop3A_830 : i32 to index
        %parallel_loop3A_836 = arith.constant 16 : index
        %parallel_loop3A_837 = tpu.vector_load %parallel_loop3A_834[%parallel_loop3A_835, %parallel_loop3A_836] {strides = array<i32>} : memref<384x32xf32, #tpu.memory_space<vmem>>, vector<1x16xf32>,
        %parallel_loop3A_838 = vector.shape_cast %parallel_loop3A_837 : vector<1x16xf32> to vector<16xf32>
        %parallel_loop3A_839 = arith.constant 256 : i32
        %parallel_loop3A_840 = arith.addi %parallel_loop3A_839, %parallel_loop3A_751 : i32
        %parallel_loop3A_841 = arith.constant 0 : i32
        %parallel_loop3A_842 = arith.constant 0 : i32
        %parallel_loop3A_843 = tpu.memref_slice %arg7[%parallel_loop3A_670, %parallel_loop3A_841, %parallel_loop3A_842] : memref<2x384x32xf32, #tpu.memory_space<vmem>> -> memref<1x384x32xf32, #tpu.memory_space<vmem>>
        %parallel_loop3A_844 = tpu.memref_squeeze %parallel_loop3A_843 : memref<1x384x32xf32, #tpu.memory_space<vmem>> -> memref<384x32xf32, #tpu.memory_space<vmem>>
        %parallel_loop3A_845 = arith.index_cast %parallel_loop3A_840 : i32 to index
        %parallel_loop3A_846 = arith.constant 16 : index
        %parallel_loop3A_847 = tpu.vector_load %parallel_loop3A_844[%parallel_loop3A_845, %parallel_loop3A_846] {strides = array<i32>} : memref<384x32xf32, #tpu.memory_space<vmem>>, vector<1x16xf32>,
        %parallel_loop3A_848 = vector.shape_cast %parallel_loop3A_847 : vector<1x16xf32> to vector<16xf32>
        %parallel_loop3A_849 = arith.mulf %parallel_loop3A_828, %get3A_4 : vector<16xf32>
        %parallel_loop3A_850 = arith.mulf %parallel_loop3A_838, %get3A_19 : vector<16xf32>
        %parallel_loop3A_851 = arith.addf %parallel_loop3A_849, %parallel_loop3A_850 : vector<16xf32>
        %parallel_loop3A_852 = arith.mulf %parallel_loop3A_848, %get3A_34 : vector<16xf32>
        %parallel_loop3A_853 = arith.addf %parallel_loop3A_851, %parallel_loop3A_852 : vector<16xf32>
        %parallel_loop3A_854 = arith.addf %parallel_loop3A_853, %get3A_49 : vector<16xf32>
        %parallel_loop3A_855 = arith.constant 0.000000e+00 : f32
        %parallel_loop3A_856 = vector.broadcast %parallel_loop3A_855 : f32 to vector<16xf32>
        %parallel_loop3A_857 = arith.maximumf %parallel_loop3A_854, %parallel_loop3A_856 : vector<16xf32>
        %parallel_loop3A_858 = arith.mulf %parallel_loop3A_857, %get3A_64 : vector<16xf32>
        %parallel_loop3A_859 = arith.addf %get3A_79, %parallel_loop3A_858 : vector<16xf32>
        %parallel_loop3A_860 = arith.mulf %parallel_loop3A_828, %get3A_9 : vector<16xf32>
        %parallel_loop3A_861 = arith.mulf %parallel_loop3A_838, %get3A_24 : vector<16xf32>
        %parallel_loop3A_862 = arith.addf %parallel_loop3A_860, %parallel_loop3A_861 : vector<16xf32>
        %parallel_loop3A_863 = arith.mulf %parallel_loop3A_848, %get3A_39 : vector<16xf32>
        %parallel_loop3A_864 = arith.addf %parallel_loop3A_862, %parallel_loop3A_863 : vector<16xf32>
        %parallel_loop3A_865 = arith.addf %parallel_loop3A_864, %get3A_54 : vector<16xf32>
        %parallel_loop3A_866 = arith.constant 0.000000e+00 : f32
        %parallel_loop3A_867 = vector.broadcast %parallel_loop3A_866 : f32 to vector<16xf32>
        %parallel_loop3A_868 = arith.maximumf %parallel_loop3A_865, %parallel_loop3A_867 : vector<16xf32>
        %parallel_loop3A_869 = arith.mulf %parallel_loop3A_868, %get3A_69 : vector<16xf32>
        %parallel_loop3A_870 = arith.addf %parallel_loop3A_859, %parallel_loop3A_869 : vector<16xf32>
        %parallel_loop3A_871 = arith.mulf %parallel_loop3A_828, %get3A_14 : vector<16xf32>
        %parallel_loop3A_872 = arith.mulf %parallel_loop3A_838, %get3A_29 : vector<16xf32>
        %parallel_loop3A_873 = arith.addf %parallel_loop3A_871, %parallel_loop3A_872 : vector<16xf32>
        %parallel_loop3A_874 = arith.mulf %parallel_loop3A_848, %get3A_44 : vector<16xf32>
        %parallel_loop3A_875 = arith.addf %parallel_loop3A_873, %parallel_loop3A_874 : vector<16xf32>
        %parallel_loop3A_876 = arith.addf %parallel_loop3A_875, %get3A_59 : vector<16xf32>
        %parallel_loop3A_877 = arith.constant 0.000000e+00 : f32
        %parallel_loop3A_878 = vector.broadcast %parallel_loop3A_877 : f32 to vector<16xf32>
        %parallel_loop3A_879 = arith.maximumf %parallel_loop3A_876, %parallel_loop3A_878 : vector<16xf32>
        %parallel_loop3A_880 = arith.mulf %parallel_loop3A_879, %get3A_74 : vector<16xf32>
        %parallel_loop3A_881 = arith.addf %parallel_loop3A_870, %parallel_loop3A_880 : vector<16xf32>
        %parallel_loop3A_882 = arith.constant 0.000000e+00 : f32
        %parallel_loop3A_883 = vector.broadcast %parallel_loop3A_882 : f32 to vector<16xf32>
        %parallel_loop3A_884 = arith.maximumf %parallel_loop3A_881, %parallel_loop3A_883 : vector<16xf32>
        %parallel_loop3A_885 = arith.index_cast %parallel_loop3A_751 : i32 to index
        %parallel_loop3A_886 = arith.constant 16 : index
        %parallel_loop3A_887 = tpu.vector_load %arg8[%parallel_loop3A_885, %parallel_loop3A_886] {strides = array<i32>} : memref<128x32xf32, #tpu.memory_space<vmem>>, vector<1x16xf32>,
        %parallel_loop3A_888 = vector.shape_cast %parallel_loop3A_887 : vector<1x16xf32> to vector<16xf32>
        %parallel_loop3A_889 = vector.shape_cast %parallel_loop3A_884 : vector<16xf32> to vector<1x16xf32>
        tpu.vector_store %arg8[%parallel_loop3A_885, %parallel_loop3A_886], %parallel_loop3A_889 {strides = array<i32>} : memref<128x32xf32, #tpu.memory_space<vmem>>, vector<1x16xf32>,
      } {sc.loop_unroll_factor = 4 : i64, sc.parallel_access}
      %jit3A_671 = arith.constant 32 : i32
      %div3A_672 = arith.divsi %add3A_666, %jit3A_671 : i32
      %sign3A_673 = arith.constant 0 : i32
      %sign3A_674 = arith.cmpi sgt, %add3A_666, %sign3A_673 : i32
      %sign3A_675 = arith.extui %sign3A_674 : i1 to i32
      %sign3A_676 = arith.constant 0 : i32
      %sign3A_677 = arith.cmpi slt, %add3A_666, %sign3A_676 : i32
      %sign3A_678 = arith.extui %sign3A_677 : i1 to i32
      %sign3A_679 = arith.subi %sign3A_675, %sign3A_678 : i32
      %sign3A_680 = arith.constant 0 : i32
      %sign3A_681 = arith.cmpi sgt, %jit3A_671, %sign3A_680 : i32
      %sign3A_682 = arith.extui %sign3A_681 : i1 to i32
      %sign3A_683 = arith.constant 0 : i32
      %sign3A_684 = arith.cmpi slt, %jit3A_671, %sign3A_683 : i32
      %sign3A_685 = arith.extui %sign3A_684 : i1 to i32
      %sign3A_686 = arith.subi %sign3A_682, %sign3A_685 : i32
      %ne3A_687 = arith.cmpi ne, %sign3A_679, %sign3A_686 : i32
      %rem3A_688 = arith.remsi %add3A_666, %jit3A_671 : i32
      %ne3A_689 = arith.constant 0 : i32
      %ne3A_690 = arith.cmpi ne, %rem3A_688, %ne3A_689 : i32
      %and3A_691 = arith.andi %ne3A_687, %ne3A_690 : i1
      %sub3A_692 = arith.constant 1 : i32
      %sub3A_693 = arith.subi %div3A_672, %sub3A_692 : i32
      %select_n3A_694 = arith.select %and3A_691, %sub3A_693, %div3A_672 : i32
      %mul3A_695 = arith.constant 32 : i32
      %mul3A_696 = arith.muli %select_n3A_694, %mul3A_695 : i32
      %sub3A_697 = arith.subi %add3A_666, %mul3A_696 : i32
      %jit3A_698 = arith.constant 8 : i32
      %div3A_699 = arith.divsi %sub3A_697, %jit3A_698 : i32
      %sign3A_700 = arith.constant 0 : i32
      %sign3A_701 = arith.cmpi sgt, %sub3A_697, %sign3A_700 : i32
      %sign3A_702 = arith.extui %sign3A_701 : i1 to i32
      %sign3A_703 = arith.constant 0 : i32
      %sign3A_704 = arith.cmpi slt, %sub3A_697, %sign3A_703 : i32
      %sign3A_705 = arith.extui %sign3A_704 : i1 to i32
      %sign3A_706 = arith.subi %sign3A_702, %sign3A_705 : i32
      %sign3A_707 = arith.constant 0 : i32
      %sign3A_708 = arith.cmpi sgt, %jit3A_698, %sign3A_707 : i32
      %sign3A_709 = arith.extui %sign3A_708 : i1 to i32
      %sign3A_710 = arith.constant 0 : i32
      %sign3A_711 = arith.cmpi slt, %jit3A_698, %sign3A_710 : i32
      %sign3A_712 = arith.extui %sign3A_711 : i1 to i32
      %sign3A_713 = arith.subi %sign3A_709, %sign3A_712 : i32
      %ne3A_714 = arith.cmpi ne, %sign3A_706, %sign3A_713 : i32
      %rem3A_715 = arith.remsi %sub3A_697, %jit3A_698 : i32
      %ne3A_716 = arith.constant 0 : i32
      %ne3A_717 = arith.cmpi ne, %rem3A_715, %ne3A_716 : i32
      %and3A_718 = arith.andi %ne3A_714, %ne3A_717 : i1
      %sub3A_719 = arith.constant 1 : i32
      %sub3A_720 = arith.subi %div3A_699, %sub3A_719 : i32
      %select_n3A_721 = arith.select %and3A_718, %sub3A_720, %div3A_699 : i32
      %jit3A_722 = arith.constant 8 : i32
      %div3A_723 = arith.divsi %sub3A_697, %jit3A_722 : i32
      %sign3A_724 = arith.constant 0 : i32
      %sign3A_725 = arith.cmpi sgt, %sub3A_697, %sign3A_724 : i32
      %sign3A_726 = arith.extui %sign3A_725 : i1 to i32
      %sign3A_727 = arith.constant 0 : i32
      %sign3A_728 = arith.cmpi slt, %sub3A_697, %sign3A_727 : i32
      %sign3A_729 = arith.extui %sign3A_728 : i1 to i32
      %sign3A_730 = arith.subi %sign3A_726, %sign3A_729 : i32
      %sign3A_731 = arith.constant 0 : i32
      %sign3A_732 = arith.cmpi sgt, %jit3A_722, %sign3A_731 : i32
      %sign3A_733 = arith.extui %sign3A_732 : i1 to i32
      %sign3A_734 = arith.constant 0 : i32
      %sign3A_735 = arith.cmpi slt, %jit3A_722, %sign3A_734 : i32
      %sign3A_736 = arith.extui %sign3A_735 : i1 to i32
      %sign3A_737 = arith.subi %sign3A_733, %sign3A_736 : i32
      %ne3A_738 = arith.cmpi ne, %sign3A_730, %sign3A_737 : i32
      %rem3A_739 = arith.remsi %sub3A_697, %jit3A_722 : i32
      %ne3A_740 = arith.constant 0 : i32
      %ne3A_741 = arith.cmpi ne, %rem3A_739, %ne3A_740 : i32
      %and3A_742 = arith.andi %ne3A_738, %ne3A_741 : i1
      %sub3A_743 = arith.constant 1 : i32
      %sub3A_744 = arith.subi %div3A_723, %sub3A_743 : i32
      %select_n3A_745 = arith.select %and3A_742, %sub3A_744, %div3A_723 : i32
      %mul3A_746 = arith.constant 8 : i32
      %mul3A_747 = arith.muli %select_n3A_745, %mul3A_746 : i32
      %sub3A_748 = arith.subi %sub3A_697, %mul3A_747 : i32
      %mul3A_749 = arith.constant 128 : i32
      %mul3A_750 = arith.muli %sub3A_748, %mul3A_749 : i32
      "tpu.region"() ({
        %run_scoped3A_751 = tpu.sem_alloc : memref<!tpu.dma_semaphore, #tpu.memory_space<semaphore_mem>>
        %dma_start3A_752 = arith.constant 0 : i32
        %dma_start3A_753 = tpu.memref_slice %arg5[%mul3A_750, %select_n3A_694, %select_n3A_721, %dma_start3A_752] : memref<1024x25x4x32xf32, #tpu.memory_space<hbm>> -> memref<128x1x1x32xf32, #tpu.memory_space<hbm>>
        %dma_start3A_754 = tpu.memref_squeeze %dma_start3A_753 : memref<128x1x1x32xf32, #tpu.memory_space<hbm>> -> memref<128x32xf32, #tpu.memory_space<hbm>>
        %dma_start3A_755 = arith.constant 0 : i32
        %dma_start3A_756 = tpu.memref_slice %arg5[%mul3A_750, %select_n3A_694, %select_n3A_721, %dma_start3A_755] : memref<1024x25x4x32xf32, #tpu.memory_space<hbm>> -> memref<128x1x1x32xf32, #tpu.memory_space<hbm>>
        %dma_start3A_757 = tpu.memref_squeeze %dma_start3A_756 : memref<128x1x1x32xf32, #tpu.memory_space<hbm>> -> memref<128x32xf32, #tpu.memory_space<hbm>>
        tpu.enqueue_dma source(%arg8 : memref<128x32xf32, #tpu.memory_space<vmem>>) target(%dma_start3A_757 : memref<128x32xf32, #tpu.memory_space<hbm>>) target_semaphore(%run_scoped3A_751 : memref<!tpu.dma_semaphore, #tpu.memory_space<semaphore_mem>>)
        %dma_wait3A_758 = arith.constant 0 : i32
        %dma_wait3A_759 = tpu.memref_slice %arg5[%mul3A_750, %select_n3A_694, %select_n3A_721, %dma_wait3A_758] : memref<1024x25x4x32xf32, #tpu.memory_space<hbm>> -> memref<128x1x1x32xf32, #tpu.memory_space<hbm>>
        %dma_wait3A_760 = tpu.memref_squeeze %dma_wait3A_759 : memref<128x1x1x32xf32, #tpu.memory_space<hbm>> -> memref<128x32xf32, #tpu.memory_space<hbm>>
        %dma_wait3A_761 = arith.constant 0 : i32
        %dma_wait3A_762 = tpu.memref_slice %arg5[%mul3A_750, %select_n3A_694, %select_n3A_721, %dma_wait3A_761] : memref<1024x25x4x32xf32, #tpu.memory_space<hbm>> -> memref<128x1x1x32xf32, #tpu.memory_space<hbm>>
        %dma_wait3A_763 = tpu.memref_squeeze %dma_wait3A_762 : memref<128x1x1x32xf32, #tpu.memory_space<hbm>> -> memref<128x32xf32, #tpu.memory_space<hbm>>
        tpu.wait_dma2 semaphore(%run_scoped3A_751 : memref<!tpu.dma_semaphore, #tpu.memory_space<semaphore_mem>>) src(%arg8 : memref<128x32xf32, #tpu.memory_space<vmem>>) dst(%dma_wait3A_763 : memref<128x32xf32, #tpu.memory_space<hbm>>)
        tpu.yield
      }) : () -> ()
    }
    %scan3A_205 = arith.constant 12 : i32
    %dma_wait3A = arith.constant 0 : i32
    %dma_wait3A_206 = arith.constant 0 : i32
    %dma_wait3A_207 = arith.constant 0 : i32
    %dma_wait3A_208 = arith.constant 0 : i32
    %dma_wait3A_209 = arith.constant 0 : i32
    %dma_wait3A_210 = tpu.memref_slice %arg7[%dma_wait3A_207, %dma_wait3A_208, %dma_wait3A_209] : memref<2x384x32xf32, #tpu.memory_space<vmem>> -> memref<1x384x32xf32, #tpu.memory_space<vmem>>
    %dma_wait3A_211 = tpu.memref_squeeze %dma_wait3A_210 : memref<1x384x32xf32, #tpu.memory_space<vmem>> -> memref<384x32xf32, #tpu.memory_space<vmem>>
    %dma_wait3A_212 = arith.constant 0 : i32
    %dma_wait3A_213 = arith.constant 0 : i32
    %dma_wait3A_214 = tpu.memref_slice %dma_wait3A_211[%dma_wait3A_212, %dma_wait3A_213] : memref<384x32xf32, #tpu.memory_space<vmem>> -> memref<128x32xf32, #tpu.memory_space<vmem>>
    %dma_wait3A_215 = arith.constant 0 : i32
    %dma_wait3A_216 = tpu.memref_slice %arg6[%dma_wait3A, %dma_wait3A_206, %dma_wait3A_215] : memref<2x3x128xi32, #tpu.memory_space<vmem>> -> memref<1x1x128xi32, #tpu.memory_space<vmem>>
    %dma_wait3A_217 = tpu.memref_squeeze %dma_wait3A_216 : memref<1x1x128xi32, #tpu.memory_space<vmem>> -> memref<128xi32, #tpu.memory_space<vmem>>
    %dma_wait3A_218 = arith.constant 0 : i32
    %dma_wait3A_219 = arith.constant 0 : i32
    %dma_wait3A_220 = tpu.memref_slice %arg3[%dma_wait3A_218, %dma_wait3A_219] : memref<1000000x32xf32, #tpu.memory_space<hbm>> -> memref<1000000x32xf32, #tpu.memory_space<hbm>>
    tpu.wait_indirect_dma semaphore(%arg10 : memref<!tpu.dma_semaphore, #tpu.memory_space<semaphore_mem>>) src(%dma_wait3A_220 : memref<1000000x32xf32, #tpu.memory_space<hbm>>) dst(%dma_wait3A_214 : memref<128x32xf32, #tpu.memory_space<vmem>>)
    %dma_wait3A_221 = arith.constant 0 : i32
    %dma_wait3A_222 = arith.constant 1 : i32
    %dma_wait3A_223 = arith.constant 0 : i32
    %dma_wait3A_224 = arith.constant 0 : i32
    %dma_wait3A_225 = arith.constant 0 : i32
    %dma_wait3A_226 = tpu.memref_slice %arg7[%dma_wait3A_223, %dma_wait3A_224, %dma_wait3A_225] : memref<2x384x32xf32, #tpu.memory_space<vmem>> -> memref<1x384x32xf32, #tpu.memory_space<vmem>>
    %dma_wait3A_227 = tpu.memref_squeeze %dma_wait3A_226 : memref<1x384x32xf32, #tpu.memory_space<vmem>> -> memref<384x32xf32, #tpu.memory_space<vmem>>
    %dma_wait3A_228 = arith.constant 128 : i32
    %dma_wait3A_229 = arith.constant 0 : i32
    %dma_wait3A_230 = tpu.memref_slice %dma_wait3A_227[%dma_wait3A_228, %dma_wait3A_229] : memref<384x32xf32, #tpu.memory_space<vmem>> -> memref<128x32xf32, #tpu.memory_space<vmem>>
    %dma_wait3A_231 = arith.constant 0 : i32
    %dma_wait3A_232 = tpu.memref_slice %arg6[%dma_wait3A_221, %dma_wait3A_222, %dma_wait3A_231] : memref<2x3x128xi32, #tpu.memory_space<vmem>> -> memref<1x1x128xi32, #tpu.memory_space<vmem>>
    %dma_wait3A_233 = tpu.memref_squeeze %dma_wait3A_232 : memref<1x1x128xi32, #tpu.memory_space<vmem>> -> memref<128xi32, #tpu.memory_space<vmem>>
    %dma_wait3A_234 = arith.constant 0 : i32
    %dma_wait3A_235 = arith.constant 0 : i32
    %dma_wait3A_236 = tpu.memref_slice %arg3[%dma_wait3A_234, %dma_wait3A_235] : memref<1000000x32xf32, #tpu.memory_space<hbm>> -> memref<1000000x32xf32, #tpu.memory_space<hbm>>
    tpu.wait_indirect_dma semaphore(%arg10 : memref<!tpu.dma_semaphore, #tpu.memory_space<semaphore_mem>>) src(%dma_wait3A_236 : memref<1000000x32xf32, #tpu.memory_space<hbm>>) dst(%dma_wait3A_230 : memref<128x32xf32, #tpu.memory_space<vmem>>)
    %dma_wait3A_237 = arith.constant 0 : i32
    %dma_wait3A_238 = arith.constant 2 : i32
    %dma_wait3A_239 = arith.constant 0 : i32
    %dma_wait3A_240 = arith.constant 0 : i32
    %dma_wait3A_241 = arith.constant 0 : i32
    %dma_wait3A_242 = tpu.memref_slice %arg7[%dma_wait3A_239, %dma_wait3A_240, %dma_wait3A_241] : memref<2x384x32xf32, #tpu.memory_space<vmem>> -> memref<1x384x32xf32, #tpu.memory_space<vmem>>
    %dma_wait3A_243 = tpu.memref_squeeze %dma_wait3A_242 : memref<1x384x32xf32, #tpu.memory_space<vmem>> -> memref<384x32xf32, #tpu.memory_space<vmem>>
    %dma_wait3A_244 = arith.constant 256 : i32
    %dma_wait3A_245 = arith.constant 0 : i32
    %dma_wait3A_246 = tpu.memref_slice %dma_wait3A_243[%dma_wait3A_244, %dma_wait3A_245] : memref<384x32xf32, #tpu.memory_space<vmem>> -> memref<128x32xf32, #tpu.memory_space<vmem>>
    %dma_wait3A_247 = arith.constant 0 : i32
    %dma_wait3A_248 = tpu.memref_slice %arg6[%dma_wait3A_237, %dma_wait3A_238, %dma_wait3A_247] : memref<2x3x128xi32, #tpu.memory_space<vmem>> -> memref<1x1x128xi32, #tpu.memory_space<vmem>>
    %dma_wait3A_249 = tpu.memref_squeeze %dma_wait3A_248 : memref<1x1x128xi32, #tpu.memory_space<vmem>> -> memref<128xi32, #tpu.memory_space<vmem>>
    %dma_wait3A_250 = arith.constant 0 : i32
    %dma_wait3A_251 = arith.constant 0 : i32
    %dma_wait3A_252 = tpu.memref_slice %arg3[%dma_wait3A_250, %dma_wait3A_251] : memref<1000000x32xf32, #tpu.memory_space<hbm>> -> memref<1000000x32xf32, #tpu.memory_space<hbm>>
    tpu.wait_indirect_dma semaphore(%arg10 : memref<!tpu.dma_semaphore, #tpu.memory_space<semaphore_mem>>) src(%dma_wait3A_252 : memref<1000000x32xf32, #tpu.memory_space<hbm>>) dst(%dma_wait3A_246 : memref<128x32xf32, #tpu.memory_space<vmem>>)
    %mul3A_253 = arith.constant 25 : i32
    %mul3A_254 = arith.muli %add3A, %mul3A_253 : i32
    %add3A_255 = arith.constant 25 : i32
    %add3A_256 = arith.addi %mul3A_254, %add3A_255 : i32
    %sub3A_257 = arith.constant 1 : i32
    %sub3A_258 = arith.subi %add3A_256, %sub3A_257 : i32
    %parallel_loop3A = arith.constant 0 : i32
    %parallel_loop3A_259 = arith.constant 128 : i32
    %parallel_loop3A_260 = arith.constant 1 : i32
    %parallel_loop3A_261 = arith.constant 0 : i32
    scf.for %parallel_loop3A_342 = %parallel_loop3A to %parallel_loop3A_259 step %parallel_loop3A_260  : i32 {
      %parallel_loop3A_343 = arith.constant 0 : i32
      %parallel_loop3A_344 = arith.constant 0 : i32
      %parallel_loop3A_345 = tpu.memref_slice %arg7[%parallel_loop3A_261, %parallel_loop3A_343, %parallel_loop3A_344] : memref<2x384x32xf32, #tpu.memory_space<vmem>> -> memref<1x384x32xf32, #tpu.memory_space<vmem>>
      %parallel_loop3A_346 = tpu.memref_squeeze %parallel_loop3A_345 : memref<1x384x32xf32, #tpu.memory_space<vmem>> -> memref<384x32xf32, #tpu.memory_space<vmem>>
      %parallel_loop3A_347 = arith.index_cast %parallel_loop3A_342 : i32 to index
      %parallel_loop3A_348 = arith.constant 0 : index
      %parallel_loop3A_349 = tpu.vector_load %parallel_loop3A_346[%parallel_loop3A_347, %parallel_loop3A_348] {strides = array<i32>} : memref<384x32xf32, #tpu.memory_space<vmem>>, vector<1x16xf32>,
      %parallel_loop3A_350 = vector.shape_cast %parallel_loop3A_349 : vector<1x16xf32> to vector<16xf32>
      %parallel_loop3A_351 = arith.constant 128 : i32
      %parallel_loop3A_352 = arith.addi %parallel_loop3A_351, %parallel_loop3A_342 : i32
      %parallel_loop3A_353 = arith.constant 0 : i32
      %parallel_loop3A_354 = arith.constant 0 : i32
      %parallel_loop3A_355 = tpu.memref_slice %arg7[%parallel_loop3A_261, %parallel_loop3A_353, %parallel_loop3A_354] : memref<2x384x32xf32, #tpu.memory_space<vmem>> -> memref<1x384x32xf32, #tpu.memory_space<vmem>>
      %parallel_loop3A_356 = tpu.memref_squeeze %parallel_loop3A_355 : memref<1x384x32xf32, #tpu.memory_space<vmem>> -> memref<384x32xf32, #tpu.memory_space<vmem>>
      %parallel_loop3A_357 = arith.index_cast %parallel_loop3A_352 : i32 to index
      %parallel_loop3A_358 = arith.constant 0 : index
      %parallel_loop3A_359 = tpu.vector_load %parallel_loop3A_356[%parallel_loop3A_357, %parallel_loop3A_358] {strides = array<i32>} : memref<384x32xf32, #tpu.memory_space<vmem>>, vector<1x16xf32>,
      %parallel_loop3A_360 = vector.shape_cast %parallel_loop3A_359 : vector<1x16xf32> to vector<16xf32>
      %parallel_loop3A_361 = arith.constant 256 : i32
      %parallel_loop3A_362 = arith.addi %parallel_loop3A_361, %parallel_loop3A_342 : i32
      %parallel_loop3A_363 = arith.constant 0 : i32
      %parallel_loop3A_364 = arith.constant 0 : i32
      %parallel_loop3A_365 = tpu.memref_slice %arg7[%parallel_loop3A_261, %parallel_loop3A_363, %parallel_loop3A_364] : memref<2x384x32xf32, #tpu.memory_space<vmem>> -> memref<1x384x32xf32, #tpu.memory_space<vmem>>
      %parallel_loop3A_366 = tpu.memref_squeeze %parallel_loop3A_365 : memref<1x384x32xf32, #tpu.memory_space<vmem>> -> memref<384x32xf32, #tpu.memory_space<vmem>>
      %parallel_loop3A_367 = arith.index_cast %parallel_loop3A_362 : i32 to index
      %parallel_loop3A_368 = arith.constant 0 : index
      %parallel_loop3A_369 = tpu.vector_load %parallel_loop3A_366[%parallel_loop3A_367, %parallel_loop3A_368] {strides = array<i32>} : memref<384x32xf32, #tpu.memory_space<vmem>>, vector<1x16xf32>,
      %parallel_loop3A_370 = vector.shape_cast %parallel_loop3A_369 : vector<1x16xf32> to vector<16xf32>
      %parallel_loop3A_371 = arith.mulf %parallel_loop3A_350, %get3A_4 : vector<16xf32>
      %parallel_loop3A_372 = arith.mulf %parallel_loop3A_360, %get3A_19 : vector<16xf32>
      %parallel_loop3A_373 = arith.addf %parallel_loop3A_371, %parallel_loop3A_372 : vector<16xf32>
      %parallel_loop3A_374 = arith.mulf %parallel_loop3A_370, %get3A_34 : vector<16xf32>
      %parallel_loop3A_375 = arith.addf %parallel_loop3A_373, %parallel_loop3A_374 : vector<16xf32>
      %parallel_loop3A_376 = arith.addf %parallel_loop3A_375, %get3A_49 : vector<16xf32>
      %parallel_loop3A_377 = arith.constant 0.000000e+00 : f32
      %parallel_loop3A_378 = vector.broadcast %parallel_loop3A_377 : f32 to vector<16xf32>
      %parallel_loop3A_379 = arith.maximumf %parallel_loop3A_376, %parallel_loop3A_378 : vector<16xf32>
      %parallel_loop3A_380 = arith.mulf %parallel_loop3A_379, %get3A_64 : vector<16xf32>
      %parallel_loop3A_381 = arith.addf %get3A_79, %parallel_loop3A_380 : vector<16xf32>
      %parallel_loop3A_382 = arith.mulf %parallel_loop3A_350, %get3A_9 : vector<16xf32>
      %parallel_loop3A_383 = arith.mulf %parallel_loop3A_360, %get3A_24 : vector<16xf32>
      %parallel_loop3A_384 = arith.addf %parallel_loop3A_382, %parallel_loop3A_383 : vector<16xf32>
      %parallel_loop3A_385 = arith.mulf %parallel_loop3A_370, %get3A_39 : vector<16xf32>
      %parallel_loop3A_386 = arith.addf %parallel_loop3A_384, %parallel_loop3A_385 : vector<16xf32>
      %parallel_loop3A_387 = arith.addf %parallel_loop3A_386, %get3A_54 : vector<16xf32>
      %parallel_loop3A_388 = arith.constant 0.000000e+00 : f32
      %parallel_loop3A_389 = vector.broadcast %parallel_loop3A_388 : f32 to vector<16xf32>
      %parallel_loop3A_390 = arith.maximumf %parallel_loop3A_387, %parallel_loop3A_389 : vector<16xf32>
      %parallel_loop3A_391 = arith.mulf %parallel_loop3A_390, %get3A_69 : vector<16xf32>
      %parallel_loop3A_392 = arith.addf %parallel_loop3A_381, %parallel_loop3A_391 : vector<16xf32>
      %parallel_loop3A_393 = arith.mulf %parallel_loop3A_350, %get3A_14 : vector<16xf32>
      %parallel_loop3A_394 = arith.mulf %parallel_loop3A_360, %get3A_29 : vector<16xf32>
      %parallel_loop3A_395 = arith.addf %parallel_loop3A_393, %parallel_loop3A_394 : vector<16xf32>
      %parallel_loop3A_396 = arith.mulf %parallel_loop3A_370, %get3A_44 : vector<16xf32>
      %parallel_loop3A_397 = arith.addf %parallel_loop3A_395, %parallel_loop3A_396 : vector<16xf32>
      %parallel_loop3A_398 = arith.addf %parallel_loop3A_397, %get3A_59 : vector<16xf32>
      %parallel_loop3A_399 = arith.constant 0.000000e+00 : f32
      %parallel_loop3A_400 = vector.broadcast %parallel_loop3A_399 : f32 to vector<16xf32>
      %parallel_loop3A_401 = arith.maximumf %parallel_loop3A_398, %parallel_loop3A_400 : vector<16xf32>
      %parallel_loop3A_402 = arith.mulf %parallel_loop3A_401, %get3A_74 : vector<16xf32>
      %parallel_loop3A_403 = arith.addf %parallel_loop3A_392, %parallel_loop3A_402 : vector<16xf32>
      %parallel_loop3A_404 = arith.constant 0.000000e+00 : f32
      %parallel_loop3A_405 = vector.broadcast %parallel_loop3A_404 : f32 to vector<16xf32>
      %parallel_loop3A_406 = arith.maximumf %parallel_loop3A_403, %parallel_loop3A_405 : vector<16xf32>
      %parallel_loop3A_407 = arith.index_cast %parallel_loop3A_342 : i32 to index
      %parallel_loop3A_408 = arith.constant 0 : index
      %parallel_loop3A_409 = tpu.vector_load %arg8[%parallel_loop3A_407, %parallel_loop3A_408] {strides = array<i32>} : memref<128x32xf32, #tpu.memory_space<vmem>>, vector<1x16xf32>,
      %parallel_loop3A_410 = vector.shape_cast %parallel_loop3A_409 : vector<1x16xf32> to vector<16xf32>
      %parallel_loop3A_411 = vector.shape_cast %parallel_loop3A_406 : vector<16xf32> to vector<1x16xf32>
      tpu.vector_store %arg8[%parallel_loop3A_407, %parallel_loop3A_408], %parallel_loop3A_411 {strides = array<i32>} : memref<128x32xf32, #tpu.memory_space<vmem>>, vector<1x16xf32>,
      %parallel_loop3A_412 = arith.constant 0 : i32
      %parallel_loop3A_413 = arith.constant 0 : i32
      %parallel_loop3A_414 = tpu.memref_slice %arg7[%parallel_loop3A_261, %parallel_loop3A_412, %parallel_loop3A_413] : memref<2x384x32xf32, #tpu.memory_space<vmem>> -> memref<1x384x32xf32, #tpu.memory_space<vmem>>
      %parallel_loop3A_415 = tpu.memref_squeeze %parallel_loop3A_414 : memref<1x384x32xf32, #tpu.memory_space<vmem>> -> memref<384x32xf32, #tpu.memory_space<vmem>>
      %parallel_loop3A_416 = arith.index_cast %parallel_loop3A_342 : i32 to index
      %parallel_loop3A_417 = arith.constant 16 : index
      %parallel_loop3A_418 = tpu.vector_load %parallel_loop3A_415[%parallel_loop3A_416, %parallel_loop3A_417] {strides = array<i32>} : memref<384x32xf32, #tpu.memory_space<vmem>>, vector<1x16xf32>,
      %parallel_loop3A_419 = vector.shape_cast %parallel_loop3A_418 : vector<1x16xf32> to vector<16xf32>
      %parallel_loop3A_420 = arith.constant 128 : i32
      %parallel_loop3A_421 = arith.addi %parallel_loop3A_420, %parallel_loop3A_342 : i32
      %parallel_loop3A_422 = arith.constant 0 : i32
      %parallel_loop3A_423 = arith.constant 0 : i32
      %parallel_loop3A_424 = tpu.memref_slice %arg7[%parallel_loop3A_261, %parallel_loop3A_422, %parallel_loop3A_423] : memref<2x384x32xf32, #tpu.memory_space<vmem>> -> memref<1x384x32xf32, #tpu.memory_space<vmem>>
      %parallel_loop3A_425 = tpu.memref_squeeze %parallel_loop3A_424 : memref<1x384x32xf32, #tpu.memory_space<vmem>> -> memref<384x32xf32, #tpu.memory_space<vmem>>
      %parallel_loop3A_426 = arith.index_cast %parallel_loop3A_421 : i32 to index
      %parallel_loop3A_427 = arith.constant 16 : index
      %parallel_loop3A_428 = tpu.vector_load %parallel_loop3A_425[%parallel_loop3A_426, %parallel_loop3A_427] {strides = array<i32>} : memref<384x32xf32, #tpu.memory_space<vmem>>, vector<1x16xf32>,
      %parallel_loop3A_429 = vector.shape_cast %parallel_loop3A_428 : vector<1x16xf32> to vector<16xf32>
      %parallel_loop3A_430 = arith.constant 256 : i32
      %parallel_loop3A_431 = arith.addi %parallel_loop3A_430, %parallel_loop3A_342 : i32
      %parallel_loop3A_432 = arith.constant 0 : i32
      %parallel_loop3A_433 = arith.constant 0 : i32
      %parallel_loop3A_434 = tpu.memref_slice %arg7[%parallel_loop3A_261, %parallel_loop3A_432, %parallel_loop3A_433] : memref<2x384x32xf32, #tpu.memory_space<vmem>> -> memref<1x384x32xf32, #tpu.memory_space<vmem>>
      %parallel_loop3A_435 = tpu.memref_squeeze %parallel_loop3A_434 : memref<1x384x32xf32, #tpu.memory_space<vmem>> -> memref<384x32xf32, #tpu.memory_space<vmem>>
      %parallel_loop3A_436 = arith.index_cast %parallel_loop3A_431 : i32 to index
      %parallel_loop3A_437 = arith.constant 16 : index
      %parallel_loop3A_438 = tpu.vector_load %parallel_loop3A_435[%parallel_loop3A_436, %parallel_loop3A_437] {strides = array<i32>} : memref<384x32xf32, #tpu.memory_space<vmem>>, vector<1x16xf32>,
      %parallel_loop3A_439 = vector.shape_cast %parallel_loop3A_438 : vector<1x16xf32> to vector<16xf32>
      %parallel_loop3A_440 = arith.mulf %parallel_loop3A_419, %get3A_4 : vector<16xf32>
      %parallel_loop3A_441 = arith.mulf %parallel_loop3A_429, %get3A_19 : vector<16xf32>
      %parallel_loop3A_442 = arith.addf %parallel_loop3A_440, %parallel_loop3A_441 : vector<16xf32>
      %parallel_loop3A_443 = arith.mulf %parallel_loop3A_439, %get3A_34 : vector<16xf32>
      %parallel_loop3A_444 = arith.addf %parallel_loop3A_442, %parallel_loop3A_443 : vector<16xf32>
      %parallel_loop3A_445 = arith.addf %parallel_loop3A_444, %get3A_49 : vector<16xf32>
      %parallel_loop3A_446 = arith.constant 0.000000e+00 : f32
      %parallel_loop3A_447 = vector.broadcast %parallel_loop3A_446 : f32 to vector<16xf32>
      %parallel_loop3A_448 = arith.maximumf %parallel_loop3A_445, %parallel_loop3A_447 : vector<16xf32>
      %parallel_loop3A_449 = arith.mulf %parallel_loop3A_448, %get3A_64 : vector<16xf32>
      %parallel_loop3A_450 = arith.addf %get3A_79, %parallel_loop3A_449 : vector<16xf32>
      %parallel_loop3A_451 = arith.mulf %parallel_loop3A_419, %get3A_9 : vector<16xf32>
      %parallel_loop3A_452 = arith.mulf %parallel_loop3A_429, %get3A_24 : vector<16xf32>
      %parallel_loop3A_453 = arith.addf %parallel_loop3A_451, %parallel_loop3A_452 : vector<16xf32>
      %parallel_loop3A_454 = arith.mulf %parallel_loop3A_439, %get3A_39 : vector<16xf32>
      %parallel_loop3A_455 = arith.addf %parallel_loop3A_453, %parallel_loop3A_454 : vector<16xf32>
      %parallel_loop3A_456 = arith.addf %parallel_loop3A_455, %get3A_54 : vector<16xf32>
      %parallel_loop3A_457 = arith.constant 0.000000e+00 : f32
      %parallel_loop3A_458 = vector.broadcast %parallel_loop3A_457 : f32 to vector<16xf32>
      %parallel_loop3A_459 = arith.maximumf %parallel_loop3A_456, %parallel_loop3A_458 : vector<16xf32>
      %parallel_loop3A_460 = arith.mulf %parallel_loop3A_459, %get3A_69 : vector<16xf32>
      %parallel_loop3A_461 = arith.addf %parallel_loop3A_450, %parallel_loop3A_460 : vector<16xf32>
      %parallel_loop3A_462 = arith.mulf %parallel_loop3A_419, %get3A_14 : vector<16xf32>
      %parallel_loop3A_463 = arith.mulf %parallel_loop3A_429, %get3A_29 : vector<16xf32>
      %parallel_loop3A_464 = arith.addf %parallel_loop3A_462, %parallel_loop3A_463 : vector<16xf32>
      %parallel_loop3A_465 = arith.mulf %parallel_loop3A_439, %get3A_44 : vector<16xf32>
      %parallel_loop3A_466 = arith.addf %parallel_loop3A_464, %parallel_loop3A_465 : vector<16xf32>
      %parallel_loop3A_467 = arith.addf %parallel_loop3A_466, %get3A_59 : vector<16xf32>
      %parallel_loop3A_468 = arith.constant 0.000000e+00 : f32
      %parallel_loop3A_469 = vector.broadcast %parallel_loop3A_468 : f32 to vector<16xf32>
      %parallel_loop3A_470 = arith.maximumf %parallel_loop3A_467, %parallel_loop3A_469 : vector<16xf32>
      %parallel_loop3A_471 = arith.mulf %parallel_loop3A_470, %get3A_74 : vector<16xf32>
      %parallel_loop3A_472 = arith.addf %parallel_loop3A_461, %parallel_loop3A_471 : vector<16xf32>
      %parallel_loop3A_473 = arith.constant 0.000000e+00 : f32
      %parallel_loop3A_474 = vector.broadcast %parallel_loop3A_473 : f32 to vector<16xf32>
      %parallel_loop3A_475 = arith.maximumf %parallel_loop3A_472, %parallel_loop3A_474 : vector<16xf32>
      %parallel_loop3A_476 = arith.index_cast %parallel_loop3A_342 : i32 to index
      %parallel_loop3A_477 = arith.constant 16 : index
      %parallel_loop3A_478 = tpu.vector_load %arg8[%parallel_loop3A_476, %parallel_loop3A_477] {strides = array<i32>} : memref<128x32xf32, #tpu.memory_space<vmem>>, vector<1x16xf32>,
      %parallel_loop3A_479 = vector.shape_cast %parallel_loop3A_478 : vector<1x16xf32> to vector<16xf32>
      %parallel_loop3A_480 = vector.shape_cast %parallel_loop3A_475 : vector<16xf32> to vector<1x16xf32>
      tpu.vector_store %arg8[%parallel_loop3A_476, %parallel_loop3A_477], %parallel_loop3A_480 {strides = array<i32>} : memref<128x32xf32, #tpu.memory_space<vmem>>, vector<1x16xf32>,
    } {sc.loop_unroll_factor = 4 : i64, sc.parallel_access}
    %jit3A_262 = arith.constant 32 : i32
    %div3A_263 = arith.divsi %sub3A_258, %jit3A_262 : i32
    %sign3A_264 = arith.constant 0 : i32
    %sign3A_265 = arith.cmpi sgt, %sub3A_258, %sign3A_264 : i32
    %sign3A_266 = arith.extui %sign3A_265 : i1 to i32
    %sign3A_267 = arith.constant 0 : i32
    %sign3A_268 = arith.cmpi slt, %sub3A_258, %sign3A_267 : i32
    %sign3A_269 = arith.extui %sign3A_268 : i1 to i32
    %sign3A_270 = arith.subi %sign3A_266, %sign3A_269 : i32
    %sign3A_271 = arith.constant 0 : i32
    %sign3A_272 = arith.cmpi sgt, %jit3A_262, %sign3A_271 : i32
    %sign3A_273 = arith.extui %sign3A_272 : i1 to i32
    %sign3A_274 = arith.constant 0 : i32
    %sign3A_275 = arith.cmpi slt, %jit3A_262, %sign3A_274 : i32
    %sign3A_276 = arith.extui %sign3A_275 : i1 to i32
    %sign3A_277 = arith.subi %sign3A_273, %sign3A_276 : i32
    %ne3A_278 = arith.cmpi ne, %sign3A_270, %sign3A_277 : i32
    %rem3A_279 = arith.remsi %sub3A_258, %jit3A_262 : i32
    %ne3A_280 = arith.constant 0 : i32
    %ne3A_281 = arith.cmpi ne, %rem3A_279, %ne3A_280 : i32
    %and3A_282 = arith.andi %ne3A_278, %ne3A_281 : i1
    %sub3A_283 = arith.constant 1 : i32
    %sub3A_284 = arith.subi %div3A_263, %sub3A_283 : i32
    %select_n3A_285 = arith.select %and3A_282, %sub3A_284, %div3A_263 : i32
    %mul3A_286 = arith.constant 32 : i32
    %mul3A_287 = arith.muli %select_n3A_285, %mul3A_286 : i32
    %sub3A_288 = arith.subi %sub3A_258, %mul3A_287 : i32
    %jit3A_289 = arith.constant 8 : i32
    %div3A_290 = arith.divsi %sub3A_288, %jit3A_289 : i32
    %sign3A_291 = arith.constant 0 : i32
    %sign3A_292 = arith.cmpi sgt, %sub3A_288, %sign3A_291 : i32
    %sign3A_293 = arith.extui %sign3A_292 : i1 to i32
    %sign3A_294 = arith.constant 0 : i32
    %sign3A_295 = arith.cmpi slt, %sub3A_288, %sign3A_294 : i32
    %sign3A_296 = arith.extui %sign3A_295 : i1 to i32
    %sign3A_297 = arith.subi %sign3A_293, %sign3A_296 : i32
    %sign3A_298 = arith.constant 0 : i32
    %sign3A_299 = arith.cmpi sgt, %jit3A_289, %sign3A_298 : i32
    %sign3A_300 = arith.extui %sign3A_299 : i1 to i32
    %sign3A_301 = arith.constant 0 : i32
    %sign3A_302 = arith.cmpi slt, %jit3A_289, %sign3A_301 : i32
    %sign3A_303 = arith.extui %sign3A_302 : i1 to i32
    %sign3A_304 = arith.subi %sign3A_300, %sign3A_303 : i32
    %ne3A_305 = arith.cmpi ne, %sign3A_297, %sign3A_304 : i32
    %rem3A_306 = arith.remsi %sub3A_288, %jit3A_289 : i32
    %ne3A_307 = arith.constant 0 : i32
    %ne3A_308 = arith.cmpi ne, %rem3A_306, %ne3A_307 : i32
    %and3A_309 = arith.andi %ne3A_305, %ne3A_308 : i1
    %sub3A_310 = arith.constant 1 : i32
    %sub3A_311 = arith.subi %div3A_290, %sub3A_310 : i32
    %select_n3A_312 = arith.select %and3A_309, %sub3A_311, %div3A_290 : i32
    %jit3A_313 = arith.constant 8 : i32
    %div3A_314 = arith.divsi %sub3A_288, %jit3A_313 : i32
    %sign3A_315 = arith.constant 0 : i32
    %sign3A_316 = arith.cmpi sgt, %sub3A_288, %sign3A_315 : i32
    %sign3A_317 = arith.extui %sign3A_316 : i1 to i32
    %sign3A_318 = arith.constant 0 : i32
    %sign3A_319 = arith.cmpi slt, %sub3A_288, %sign3A_318 : i32
    %sign3A_320 = arith.extui %sign3A_319 : i1 to i32
    %sign3A_321 = arith.subi %sign3A_317, %sign3A_320 : i32
    %sign3A_322 = arith.constant 0 : i32
    %sign3A_323 = arith.cmpi sgt, %jit3A_313, %sign3A_322 : i32
    %sign3A_324 = arith.extui %sign3A_323 : i1 to i32
    %sign3A_325 = arith.constant 0 : i32
    %sign3A_326 = arith.cmpi slt, %jit3A_313, %sign3A_325 : i32
    %sign3A_327 = arith.extui %sign3A_326 : i1 to i32
    %sign3A_328 = arith.subi %sign3A_324, %sign3A_327 : i32
    %ne3A_329 = arith.cmpi ne, %sign3A_321, %sign3A_328 : i32
    %rem3A_330 = arith.remsi %sub3A_288, %jit3A_313 : i32
    %ne3A_331 = arith.constant 0 : i32
    %ne3A_332 = arith.cmpi ne, %rem3A_330, %ne3A_331 : i32
    %and3A_333 = arith.andi %ne3A_329, %ne3A_332 : i1
    %sub3A_334 = arith.constant 1 : i32
    %sub3A_335 = arith.subi %div3A_314, %sub3A_334 : i32
    %select_n3A_336 = arith.select %and3A_333, %sub3A_335, %div3A_314 : i32
    %mul3A_337 = arith.constant 8 : i32
    %mul3A_338 = arith.muli %select_n3A_336, %mul3A_337 : i32
    %sub3A_339 = arith.subi %sub3A_288, %mul3A_338 : i32
    %mul3A_340 = arith.constant 128 : i32
    %mul3A_341 = arith.muli %sub3A_339, %mul3A_340 : i32
    "tpu.region"() ({
      %run_scoped3A_342 = tpu.sem_alloc : memref<!tpu.dma_semaphore, #tpu.memory_space<semaphore_mem>>
      %dma_start3A_343 = arith.constant 0 : i32
      %dma_start3A_344 = tpu.memref_slice %arg5[%mul3A_341, %select_n3A_285, %select_n3A_312, %dma_start3A_343] : memref<1024x25x4x32xf32, #tpu.memory_space<hbm>> -> memref<128x1x1x32xf32, #tpu.memory_space<hbm>>
      %dma_start3A_345 = tpu.memref_squeeze %dma_start3A_344 : memref<128x1x1x32xf32, #tpu.memory_space<hbm>> -> memref<128x32xf32, #tpu.memory_space<hbm>>
      %dma_start3A_346 = arith.constant 0 : i32
      %dma_start3A_347 = tpu.memref_slice %arg5[%mul3A_341, %select_n3A_285, %select_n3A_312, %dma_start3A_346] : memref<1024x25x4x32xf32, #tpu.memory_space<hbm>> -> memref<128x1x1x32xf32, #tpu.memory_space<hbm>>
      %dma_start3A_348 = tpu.memref_squeeze %dma_start3A_347 : memref<128x1x1x32xf32, #tpu.memory_space<hbm>> -> memref<128x32xf32, #tpu.memory_space<hbm>>
      tpu.enqueue_dma source(%arg8 : memref<128x32xf32, #tpu.memory_space<vmem>>) target(%dma_start3A_348 : memref<128x32xf32, #tpu.memory_space<hbm>>) target_semaphore(%run_scoped3A_342 : memref<!tpu.dma_semaphore, #tpu.memory_space<semaphore_mem>>)
      %dma_wait3A_349 = arith.constant 0 : i32
      %dma_wait3A_350 = tpu.memref_slice %arg5[%mul3A_341, %select_n3A_285, %select_n3A_312, %dma_wait3A_349] : memref<1024x25x4x32xf32, #tpu.memory_space<hbm>> -> memref<128x1x1x32xf32, #tpu.memory_space<hbm>>
      %dma_wait3A_351 = tpu.memref_squeeze %dma_wait3A_350 : memref<128x1x1x32xf32, #tpu.memory_space<hbm>> -> memref<128x32xf32, #tpu.memory_space<hbm>>
      %dma_wait3A_352 = arith.constant 0 : i32
      %dma_wait3A_353 = tpu.memref_slice %arg5[%mul3A_341, %select_n3A_285, %select_n3A_312, %dma_wait3A_352] : memref<1024x25x4x32xf32, #tpu.memory_space<hbm>> -> memref<128x1x1x32xf32, #tpu.memory_space<hbm>>
      %dma_wait3A_354 = tpu.memref_squeeze %dma_wait3A_353 : memref<128x1x1x32xf32, #tpu.memory_space<hbm>> -> memref<128x32xf32, #tpu.memory_space<hbm>>
      tpu.wait_dma2 semaphore(%run_scoped3A_342 : memref<!tpu.dma_semaphore, #tpu.memory_space<semaphore_mem>>) src(%arg8 : memref<128x32xf32, #tpu.memory_space<vmem>>) dst(%dma_wait3A_354 : memref<128x32xf32, #tpu.memory_space<hbm>>)
      tpu.yield
    }) : () -> ()
    return
  }
}

</mosaic_0001>

<sc_bundles>
// kernel: kernel.4.cloned.1.call-start
scs
__scs_entry_jumppad:
0x0: {  	(pc) =	sbr.rel $0x88, $3  }
0x1: {  	(tag) =	ssettag $0x0;
	lr =	simm.s32 $0x1  }
0x2: {  	[smem:$0x3F9B] =	sst lr;
	_ =	strace $0xD0000000  }
0x3: {  	_ = 	snop  }
0x4: {  	_ = 	snop  }
0x5: {  	_ = 	snop  }
0x6: {  	_ = 	snop  }
0x7: {  	_ = 	snop  }
__scs_overlays_trampoline_lowered:
0x8: {  	[smem:$0x3FAA] =	sst s0  }
0x9: {  	[smem:$0x3FAB] =	sst s1  }
0xa: {  	[smem:$0x3FAC] =	sst s2  }
0xb: {  	[smem:$0x3FAD] =	sst s3  }
0xc: {  	[smem:$0x3FAE] =	sst s4  }
0xd: {  	[smem:$0x3FAF] =	sst s5  }
0xe: {  	[smem:$0x3FB0] =	sst s6  }
0xf: {  	[smem:$0x3FB1] =	sst s7  }
0x10: {  	[smem:$0x3FB2] =	sst s8  }
0x11: {  	[smem:$0x3FB3] =	sst s9;
	s0 =	simm.s32 @!p0 $0x0  }
0x12: {  	s1 =	sld [smem:$0x3F99];
	s0 =	simm.s32 @p0 $0x1  }
0x13: {  	[smem:$0x3FB4] =	sst s0;
	s0 =	simm.s32 @!p1 $0x0  }
0x14: {  	s2 =	sld [smem:$0x3F98];
	s0 =	simm.s32 @p1 $0x1  }
0x15: {  	[smem:$0x3FB5] =	sst s0;
	s0 =	simm.s32 @!p2 $0x0  }
0x16: {  	s3 =	sld [smem:$0x3FDB];
	s0 =	simm.s32 @p2 $0x1  }
0x17: {  	s4 =	simm.s32 $0x1BF5;
	[smem:$0x3FB7] =	sst s0  }
0x18: {  	s0 =	sld [smem:$0x3F9A];
	_ =	swait.ge [sflag:s4], $0x0  }
0x19: {  	s7 =	sld [smem:$0x3F9B]  }
0x1a: {  	s8 =	sadd.s32 $0xFFFFE003, lr  }
0x1b: {  	s9 =	sadd.s32 $0xFFFFFEF7, lr;
	s5 =	simm.s32 $0xFFFFFFFF;
	p2 =	slt.u32 s8, $0xFFFFF086  }
0x1c: {  	p1 =	slt.u32 s9, $0xF7A;
	s5 =	simm.s32 @!p2 $0x0  }
0x1d: {  	s5 =	simm.s32 @p1 $0x1;
	p0 =	seq.s32 s7, s2  }
0x1e: {  	s7 =	smul.u32 @!p0 $0xF7A, s2;
	p2 =	seq.s32 @!p0 s5, $0x0  }
0x1f: {  	s9 =	smul.u32 $0xF7A, s1;
	s8 =	simm.s32 @!p0 $0x1BF5;
	p2 =	por !p2, p0  }
0x20: {  	[sflag:s8] =	ssyncset.s32 @!p0 $0xFFFFF086;
	s6 =	sadd.s32 @!p0 s3, s7;
	s7 =	simm.s32 @!p0 $0x108  }
0x21: {  	s3 =	sadd.s32 s3, s9;
	s6 =	sadd.s32 @!p0 $0x88, s6;
	s7 =	simm.s32 @p2 $0x1082  }
0x22: {  	[simem:s7], [sflag:s8] =	dma.local @!p0 [hbm:s6], $0xF7A  }
0x23: {  	s9 =	sor.u32 $0xD0000000, s2;
	s6 =	simm.s32 $0x108;
	_ =	swait.ge @!p0 [sflag:s8], $0x0  }
0x24: {  	s3 =	sadd.s32 $0x88, s3;
	s6 =	simm.s32 @!p1 $0x1082;
	[sflag:s4] =	ssyncset.s32 $0xFFFFF086  }
0x25: {  	[simem:s6], [sflag:s4] =	dma.local [hbm:s3], $0xF7A  }
0x26: {  	[smem:$0x3F9B] =	sst s1;
	(tag) =	ssettag s2;
	_ =	strace s9  }
0x27: {  	s1 =	sld [smem:$0x3FAB]  }
0x28: {  	s2 =	sld [smem:$0x3FAC]  }
0x29: {  	s4 =	sld [smem:$0x3FAE]  }
0x2a: {  	p0 =	seq.s32 s5, $0x0;
	s5 =	sld [smem:$0x3FAF]  }
0x2b: {  	s6 =	sld [smem:$0x3FB0]  }
0x2c: {  	s7 =	sld [smem:$0x3FB1]  }
0x2d: {  	s3 =	simm.s32 $0x108;
	s8 =	sld [smem:$0x3FB2]  }
0x2e: {  	s3 =	simm.s32 @!p0 $0x1082;
	s9 =	sld [smem:$0x3FB3]  }
0x2f: {  	lr =	sadd.s32 s0, s3;
	s0 =	sld [smem:$0x3FAA]  }
0x30: {  	s3 =	sld [smem:$0x3FAD]  }
0x31: {  	[smem:$0x3FB6] =	sst s10  }
0x32: {  	s10 =	sld [smem:$0x3FB4];
	_ =	sdelay $0x3  }
0x33: {  	p0 =	seq.s32 s10, $0x1;
	s10 =	sld [smem:$0x3FB6];
	_ =	sdelay $0x3  }
0x34: {  	[smem:$0x3FB6] =	sst s10  }
0x35: {  	s10 =	sld [smem:$0x3FB5];
	_ =	sdelay $0x3  }
0x36: {  	p1 =	seq.s32 s10, $0x1;
	s10 =	sld [smem:$0x3FB6];
	_ =	sdelay $0x3  }
0x37: {  	[smem:$0x3FB6] =	sst s10  }
0x38: {  	s10 =	sld [smem:$0x3FB7]  }
0x39: {  	_ = 	snop;
	(pc) =	sbr.ind lr, $3  }
0x3a: {  	_ = 	snop  }
0x3b: {  	_ = 	snop  }
0x3c: {  	p2 =	seq.s32 s10, $0x1;
	s10 =	sld [smem:$0x3FB6]  }
0x3d: {  	_ =	shalt  }
0x3e: {  	_ =	shalt  }
0x3f: {  	_ =	shalt  }
0x40: {  	_ =	shalt  }
0x41: {  	_ =	shalt  }
0x42: {  	_ =	shalt  }
0x43: {  	_ =	shalt  }
0x44: {  	_ =	shalt  }
0x45: {  	_ =	shalt  }
0x46: {  	_ =	shalt  }
0x47: {  	_ =	shalt  }
0x48: {  	_ =	shalt  }
0x49: {  	_ =	shalt  }
0x4a: {  	_ =	shalt  }
0x4b: {  	_ =	shalt  }
0x4c: {  	_ =	shalt  }
0x4d: {  	_ =	shalt  }
0x4e: {  	_ =	shalt  }
0x4f: {  	_ =	shalt  }
0x50: {  	_ =	shalt  }
0x51: {  	_ =	shalt  }
0x52: {  	_ =	shalt  }
0x53: {  	_ =	shalt  }
0x54: {  	_ =	shalt  }
0x55: {  	_ =	shalt  }
0x56: {  	_ =	shalt  }
0x57: {  	_ =	shalt  }
0x58: {  	_ =	shalt  }
0x59: {  	_ =	shalt  }
0x5a: {  	_ =	shalt  }
0x5b: {  	_ =	shalt  }
0x5c: {  	_ =	shalt  }
0x5d: {  	_ =	shalt  }
0x5e: {  	_ =	shalt  }
0x5f: {  	_ =	shalt  }
0x60: {  	_ =	shalt  }
0x61: {  	_ =	shalt  }
0x62: {  	_ =	shalt  }
0x63: {  	_ =	shalt  }
0x64: {  	_ =	shalt  }
0x65: {  	_ =	shalt  }
0x66: {  	_ =	shalt  }
0x67: {  	_ =	shalt  }
0x68: {  	_ =	shalt  }
0x69: {  	_ =	shalt  }
0x6a: {  	_ =	shalt  }
0x6b: {  	_ =	shalt  }
0x6c: {  	_ =	shalt  }
0x6d: {  	_ =	shalt  }
0x6e: {  	_ =	shalt  }
0x6f: {  	_ =	shalt  }
0x70: {  	_ =	shalt  }
0x71: {  	_ =	shalt  }
0x72: {  	_ =	shalt  }
0x73: {  	_ =	shalt  }
0x74: {  	_ =	shalt  }
0x75: {  	_ =	shalt  }
0x76: {  	_ =	shalt  }
0x77: {  	_ =	shalt  }
0x78: {  	_ =	shalt  }
0x79: {  	_ =	shalt  }
0x7a: {  	_ =	shalt  }
0x7b: {  	_ =	shalt  }
0x7c: {  	_ =	shalt  }
0x7d: {  	_ =	shalt  }
0x7e: {  	_ =	shalt  }
0x7f: {  	_ =	shalt  }
0x80: {  	_ =	shalt  }
0x81: {  	_ =	shalt  }
0x82: {  	_ =	shalt  }
0x83: {  	_ =	shalt  }
0x84: {  	_ =	shalt  }
0x85: {  	_ =	shalt  }
0x86: {  	_ =	shalt  }
0x87: {  	_ =	shalt  }
.Lfunc_end0:
.L_simem_size_0:
called_computation_lowered:
.L_overlay_start_0:
0x88: {  	s2 =	sld [smem:$0x3FD9]  }
0x89: {  	s3 =	sld [smem:$0x3FFE];
	_ =	sdelay $0x1  }
0x8a: {  	s1 =	srdreg.scid  }
0x8b: {  	s0 =	sand.u32 $0x1, s1  }
0x8c: {  	s16 =	sshll.u32 s0, $0xA;
	s2 =	sadd.s32 s3, s2  }
0x8d: {  	s2 =	sadd.s32 s2, s16  }
0x8e: {  	[smem:$0x3FC2] =	sst s2  }
0x8f: {  	_ = 	snop  }
0x90: {  	(tm) =	ssettm $0x1  }
0x91: {  	s17 =	sld [smem:$0x3FFB];
	_ =	sdelay $0x3  }
0x92: {  	_ =	strace s17  }
0x93: {  	s2 =	sld [smem:$0x3FFC];
	_ =	sdelay $0x3  }
0x94: {  	_ =	strace s2  }
0x95: {  	s2 =	sld [smem:$0x3FFD];
	_ =	sdelay $0x3  }
0x96: {  	_ =	strace s2  }
0x97: {  	_ =	strace $0x8FFFFFFF  }
0x98: {  	s18 =	sld [smem:$0x3FDB];
	_ =	sdelay $0x1  }
0x99: {  	s19 =	simm.s32 $_scs_section_size  }
0x9a: {  	s4 =	simm.s32 $_size__tile_overlayer_lowered;
	s5 =	simm.s32 $_tile_overlayer_lowered  }
0x9b: {  	s22 =	simm.s32 $0x1BFF;
	s21 =	sshll.u32 s5, $0x1;
	s2 =	sadd.s32 s19, s18  }
0x9c: {  	s6 =	simm.s32 $0x0;
	s20 =	sshll.u32 s4, $0x1;
	s4 =	sadd.s32 s21, s2  }
0x9d: {  	[timem:s6], [sflag:s22] =	dma.local [hbm:s4], s20  }
0x9e: {  	_ =	swait.ge [sflag:s22], s20  }
0x9f: {  	s3 =	ssub.s32 $0x0, s20;
	[sflag:s22] =	ssyncset.done $0x0  }
0xa0: {  	[sflag:s22] =	ssyncadd.s32 s3;
	_ =	sdelay $0x1  }
0xa1: {  	s23 =	simm.s32 $0x1B8B  }
0xa2: {  	_ =	swait.ge [sflag:s23], $0x1  }
0xa3: {  	[sflag:s23] =	ssyncset.done $0x0  }
0xa4: {  	s25 =	simm.s32 $0x1B8E;
	s24 =	sld [smem:$0x3FFE];
	[sflag:s23] =	ssyncadd.s32 $0xFFFFFFFF  }
0xa5: {  	s26 =	simm.s32 $execute0_lowered;
	[smem:$0x3FD2] =	sst s25  }
0xa6: {  	s4 =	sshll.u32 s26, $0x1;
	_ =	strace $0x80000046;
	[dreg:$0x1] =	wrdreg $0xFFFFFFFF  }
0xa7: {  	s28 =	simm.s32 $_size_execute0_lowered;
	s2 =	sadd.s32 s2, s4;
	[dreg:$0x0] =	wrdreg $0x0  }
0xa8: {  	s4 =	sshll.u32 s28, $0x1;
	[dreg:$0x2] =	wrdreg s2  }
0xa9: {  	[dreg:$0x3] =	wrdreg s4  }
0xaa: {  	[dreg:$0x4] =	wrdreg $0xC0  }
0xab: {  	_ =	task [dreg:s6], $0x5FFFF  }
0xac: {  	[dreg:$0x1] =	wrdreg $0xFFFFFFFF  }
0xad: {  	[dreg:$0x0] =	wrdreg $0x60  }
0xae: {  	[dreg:$0x2] =	wrdreg s24  }
0xaf: {  	[dreg:$0x3] =	wrdreg $0x9  }
0xb0: {  	_ =	task.clear_ibuf [dreg:s6], $0x4FFFF;
	_ =	strace $0x90000046  }
0xb1: {  	s29 =	simm.s32 $0x9;
	_ =	strace $0x80000048  }
0xb2: {  	_ =	swait.ge [sflag:s29], $0x1  }
0xb3: {  	[sflag:s29] =	ssyncadd.s32 $0xFFFFFFFF  }
0xb4: {  	_ =	strace $0x90000048  }
0xb5: {  	_ =	sfence  }
0xb6: {  	s30 =	sld [smem:$0x0];
	_ =	sdelay $0x2  }
0xb7: {  	s31 =	sshll.u32 s1, $0xD;
	s1 =	sshrl.u32 s1, $0x2  }
0xb8: {  	s3 =	sand.u32 $0x4000, s31;
	s1 =	sadd.s32 s1, s30  }
0xb9: {  	s0 =	sor.u32 s3, s0;
	s1 =	sshll.u32 s1, $0x11  }
0xba: {  	s0 =	sor.u32 s1, s0  }
0xbb: {  	s0 =	sadd.s32 $0x8F2B, s0  }
0xbc: {  	[sflag:s0] =	ssyncadd.remote.s32 $0x1  }
0xbd: {  	_ =	sfence.sel $0xFFFF  }
0xbe: {  	[dreg:$0x0] =	wrdreg $0xFFFFFFFF;
	(pc) =	sbr.abs _section_cstart, $3  }
0xbf: {  	[dreg:$0x1] =	wrdreg $0xFFFFFFFF  }
0xc0: {  	_ =	task.clear_ibuf [dreg:s6], $0x2FFFF;
	_ =	strace $0x9FFFFFFF  }
0xc1: {  	(tm) =	ssettm $0x7FFFFFFF  }
tec
execute0_lowered:
.L_overlay_start_1:
0x0: {  	(tag) =	ssettag $0x1  }
0x1: {  	s0 =	srdreg.scid  }
0x2: {  	s1 =	stileid.u32;
	s3 =	rddreg [dreg:$0x0]  }
0x3: {  	s4 =	simm.s32 $0x0;
	s13 =	simm.s32 $0x3;
	s14 =	simm.s32 $0x80  }
0x4: {  	s15 =	simm.s32 $0x1000;
	s16 =	simm.s32 $0x300;
	s17 =	simm.s32 $0x1300  }
0x5: {  	s18 =	simm.s32 $0x100;
	s19 =	simm.s32 $0x2300;
	s20 =	simm.s32 $0x180  }
0x6: {  	s22 =	simm.s32 $0x200;
	s0 =	sand.u32 $0x1, s0;
	s1 =	sshll.u32 s1, $0x1  }
0x7: {  	s23 =	simm.s32 $0x4300;
	s28 =	simm.s32 $0xC80;
	s1 =	sor.u32 s0, s1  }
0x8: {  	s29 =	simm.s32 $0x6300;
	s30 =	simm.s32 $0x2;
	s2 =	smul.u32 $0x19, s1  }
0x9: {  	[smem:$0x7FF] =	sst s4;
	s4 =	sadd.s32 $0x1200, s3;
	s7 =	sadd.s32 $0xA800, s3  }
0xa: {  	_ =	strace $0x80000047;
	[dreg:$0x2] =	wrdreg s7;
	s6 =	sadd.s32 $0x18, s2  }
0xb: {  	s7 =	sadd.s32 $0xAA00, s3;
	s5 =	sand.u32 $0x7, s2;
	s8 =	sand.u32 $0x1F, s6  }
0xc: {  	s0 =	ssub.s32 $0x2, s0;
	p1 =	sne.s32 s5, $0x0;
	p0 =	seq.s32 s8, $0x0  }
0xd: {  	s1 =	smul.u32 $0xC80, s1;
	s26 =	sshrl.u32 s0, $0x1;
	p0 =	por !p1, !p0  }
0xe: {  	s5 =	sadd.s32 $0xF43600, s3;
	s3 =	simm.s32 $0x1;
	p0 =	por !p0, !p0  }
0xf: {  	s0 =	ssub.s32 s0, s26;
	s9 =	sshrl.u32 s8, $0x3;
	s3 =	simm.s32 @!p0 $0x0  }
0x10: {  	s26 =	simm.s32 $0x20;
	s10 =	sshrl.u32 s2, $0x5;
	s3 =	ssub.s32 s9, s3  }
0x11: {  	s1 =	sand.u32 $0xF80, s1;
	s8 =	sshll.u32 s8, $0x7;
	s25 =	sshll.u32 s3, $0xA  }
0x12: {  	s24 =	smul.u32 $0x3000, s10;
	s6 =	sshll.u32 s6, $0x2;
	s8 =	ssub.s32 s8, s25  }
0x13: {  	s6 =	sand.u32 $0x1F80, s6;
	s3 =	sshll.u32 s3, $0x5;
	s8 =	smul.u32 $0xC80, s8  }
0x14: {  	s0 =	smax.u32 s0, $0x1;
	s1 =	sor.u32 s24, s1;
	s3 =	sadd.s32 s6, s3  }
0x15: {  	[dreg:$0x5] =	wrdreg s0;
	s1 =	sshrl.u32 s1, $0x3;
	s3 =	sadd.s32 s8, s3  }
0x16: {  	s24 =	simm.s32 $0x280;
	s1 =	sadd.s32 s4, s1;
	s31 =	sshrl.u32 s3, $0x3  }
0x17: {  	[dreg:$0x3] =	wrdreg s1;
	s9 =	simm.s32 $0x1;
	s1 =	sadd.s32 s7, s31  }
0x18: {  	s25 =	simm.s32 $0x5300;
	[dreg:$0x4] =	wrdreg s1;
	s1 =	simm.s32 $0x0  }
.LBB2_1:
0x19: {  	[dreg:$0x6] =	wrdreg s1  }
0x1a: {  	s0 =	simm.s32 $0x0;
	s21 =	rddreg [dreg:$0x2];
	s3 =	simm.s32 $0x7300  }
0x1b: {  	[tilespmem:s3], [sflag:$0x3] =	stream.linear.gather [hbm4b:s21+s0], $0x100, $0x38;
	[tilespmem:$0x7400] =	vst v63  }
0x1c: {  	_ =	swait.ge [sflag:s13], $0x100  }
0x1d: {  	[sflag:s13] =	ssyncset.done $0x0  }
0x1e: {  	[sflag:s13] =	ssyncadd.s32 $0xFFFFFF00  }
0x1f: {  	v7 =	vld [tilespmem:$0x7300]  }
0x20: {  	v8 =	vld [tilespmem:$0x7310]  }
0x21: {  	v9 =	vld [tilespmem:$0x7320]  }
0x22: {  	v10 =	vld [tilespmem:$0x7330]  }
0x23: {  	v11 =	vld [tilespmem:$0x7340]  }
0x24: {  	v12 =	vld [tilespmem:$0x7350]  }
0x25: {  	v13 =	vld [tilespmem:$0x7360]  }
0x26: {  	v14 =	vld [tilespmem:$0x7370]  }
0x27: {  	v6 =	vld [tilespmem:$0x7380]  }
0x28: {  	v15 =	vld [tilespmem:$0x7390]  }
0x29: {  	v4 =	vld [tilespmem:$0x73A0]  }
0x2a: {  	v2 =	vld [tilespmem:$0x73B0]  }
0x2b: {  	v5 =	vld [tilespmem:$0x73C0]  }
0x2c: {  	v1 =	vld [tilespmem:$0x73D0]  }
0x2d: {  	s31 =	rddreg [dreg:$0x3];
	v0 =	vld [tilespmem:$0x73E0]  }
0x2e: {  	v3 =	vld [tilespmem:$0x73F0];
	[tilespmem:s0], [sflag:$0x3] =	stream.strided.gather [hbm4b:s31+s14], $0x180, s15, s14, $0x38  }
0x2f: {  	_ =	swait.ge [sflag:s13], $0x180  }
0x30: {  	[sflag:s13] =	ssyncset.done $0x0  }
0x31: {  	[sflag:s13] =	ssyncadd.s32 $0xFFFFFE80  }
0x32: {  	[tilespmem:s16], [sflag:$0x1] =	stream.indirect.gather [hbm4b:s5+s14], $0x20, s0, s14, $0xb8;
	[tilespmem:$0x7400] =	vst v63  }
0x33: {  	_ = 	snop  }
0x34: {  	[tilespmem:s17], [sflag:$0x1] =	stream.indirect.gather [hbm4b:s5+s14], $0x20, s14, s14, $0xb8;
	[tilespmem:$0x7400] =	vst v63  }
0x35: {  	s1 =	simm.s32 $0x0  }
0x36: {  	[tilespmem:s19], [sflag:$0x1] =	stream.indirect.gather [hbm4b:s5+s14], $0x20, s18, s14, $0xb8;
	[tilespmem:$0x7400] =	vst v63  }
.LBB2_2:
0x37: {  	s0 =	sshll.u32 s1, $0x1  }
0x38: {  	s8 =	sadd.s32 s2, s0  }
0x39: {  	s0 =	sadd.s32 $0x1, s8  }
0x3a: {  	s12 =	sshrl.u32 s0, $0x5;
	s3 =	sand.u32 $0x1F, s0  }
0x3b: {  	s0 =	sshrl.u32 s3, $0x3;
	s10 =	smul.u32 $0x3000, s12  }
0x3c: {  	s3 =	sshll.u32 s3, $0x7;
	s11 =	sshll.u32 s0, $0xA  }
0x3d: {  	s6 =	ssub.s32 s3, s11;
	s21 =	sor.u32 s10, s11  }
0x3e: {  	s3 =	sadd.s32 s6, s21  }
0x3f: {  	s3 =	sshrl.u32 s3, $0x3  }
0x40: {  	s3 =	sadd.s32 s4, s3  }
0x41: {  	[tilespmem:s20], [sflag:$0x3] =	stream.strided.gather [hbm4b:s3+s14], $0x180, s15, s14, $0x38;
	[tilespmem:$0x7400] =	vst v63  }
0x42: {  	_ =	swait.ge [sflag:s13], $0x180  }
0x43: {  	[sflag:s13] =	ssyncset.done $0x0  }
0x44: {  	s10 =	simm.s32 $0x3300;
	[sflag:s13] =	ssyncadd.s32 $0xFFFFFE80  }
0x45: {  	[tilespmem:s10], [sflag:$0x2] =	stream.indirect.gather [hbm4b:s5+s14], $0x20, s20, s14, $0xb8;
	[tilespmem:$0x7400] =	vst v63  }
0x46: {  	_ = 	snop  }
0x47: {  	[tilespmem:s23], [sflag:$0x2] =	stream.indirect.gather [hbm4b:s5+s14], $0x20, s22, s14, $0xb8;
	[tilespmem:$0x7400] =	vst v63  }
0x48: {  	_ = 	snop  }
0x49: {  	[tilespmem:s25], [sflag:$0x2] =	stream.indirect.gather [hbm4b:s5+s14], $0x20, s24, s14, $0xb8;
	[tilespmem:$0x7400] =	vst v63  }
0x4a: {  	_ =	swait.ge [sflag:s9], $0x1000  }
0x4b: {  	[sflag:s9] =	ssyncset.done $0x0  }
0x4c: {  	[sflag:s9] =	ssyncadd.s32 $0xFFFFF000  }
0x4d: {  	_ =	swait.ge [sflag:s9], $0x1000  }
0x4e: {  	[sflag:s9] =	ssyncset.done $0x0  }
0x4f: {  	[sflag:s9] =	ssyncadd.s32 $0xFFFFF000  }
0x50: {  	_ =	swait.ge [sflag:s9], $0x1000  }
0x51: {  	[sflag:s9] =	ssyncset.done $0x0  }
0x52: {  	s11 =	simm.s32 $0x1340;
	[sflag:s9] =	ssyncadd.s32 $0xFFFFF000  }
0x53: {  	v16 =	vld [tilespmem:s11+$0xFFFFF020]  }
0x54: {  	v17 =	vld [tilespmem:s11+$0x20]  }
0x55: {  	v18 =	vld [tilespmem:s11+$0x1020]  }
0x56: {  	v19 =	vld [tilespmem:s11+$0xFFFFFFC0]  }
0x57: {  	v20 =	vld [tilespmem:s11+$0xFFFFEFE0]  }
0x58: {  	v23 =	vld [tilespmem:s11+$0xFFFFFFE0];
	_ =	sdelay $0x1  }
0x59: {  	s21 =	simm.s32 $0x13C0;
	v32 =	vld [tilespmem:s11+$0x1000];
	v21 =	vmul.f32 v16, v7;
	v22 =	vmul.f32 v17, v10  }
0x5a: {  	v52 =	vld [tilespmem:s21+$0x1020];
	v24 =	vmul.f32 v18, v13;
	v26 =	vmul.f32 v17, v11  }
0x5b: {  	v54 =	vld [tilespmem:s21+$0xFFFFEFC0];
	v17 =	vmul.f32 v17, v12;
	v28 =	vmul.f32 v19, v10  }
0x5c: {  	v37 =	vld [tilespmem:s21+$0xFFFFF000];
	v29 =	vmul.f32 v20, v7;
	v30 =	vmul.f32 v23, v10  }
0x5d: {  	v33 =	vmul.f32 v20, v8;
	v34 =	vmul.f32 v23, v11  }
0x5e: {  	v20 =	vmul.f32 v20, v9;
	v23 =	vmul.f32 v23, v12  }
0x5f: {  	v41 =	vmul.f32 v32, v14;
	v53 =	vmul.f32 v52, v13  }
0x60: {  	v25 =	vld [tilespmem:s11+$0xFFFFEFC0];
	v40 =	vmul.f32 v54, v7;
	v21 =	vadd.f32 v22, v21;
	v22 =	vmul.f32 v16, v8  }
0x61: {  	v51 =	vld [tilespmem:s21+$0xFFFFF020];
	v57 =	vmul.f32 v37, v7;
	v16 =	vmul.f32 v16, v9  }
0x62: {  	v27 =	vld [tilespmem:s11+$0xFFFFF000];
	v21 =	vadd.f32 v24, v21;
	v22 =	vadd.f32 v26, v22;
	v24 =	vmul.f32 v18, v14  }
0x63: {  	v29 =	vadd.f32 v30, v29;
	v26 =	vld [tilespmem:s11+$0x0];
	v16 =	vadd.f32 v17, v16;
	v18 =	vmul.f32 v18, v6  }
0x64: {  	v60 =	vmul.f32 v54, v8;
	v17 =	vadd.f32 v21, v15;
	v21 =	vadd.f32 v24, v22  }
0x65: {  	v33 =	vadd.f32 v34, v33;
	v22 =	vld [tilespmem:s11+$0xFC0];
	v24 =	vmul.f32 v25, v7;
	v16 =	vadd.f32 v18, v16  }
0x66: {  	v34 =	vmul.f32 v51, v9;
	v17 =	vmax.f32 v17, $0.0e+00;
	v21 =	vadd.f32 v21, v4  }
0x67: {  	v18 =	vld [tilespmem:s11+$0xFE0];
	v24 =	vadd.f32 v28, v24;
	v16 =	vadd.f32 v16, v2;
	v17 =	vmul.f32 v17, v5  }
0x68: {  	v28 =	vmul.f32 v27, v7;
	v31 =	vmul.f32 v26, v10;
	v21 =	vmax.f32 v21, $0.0e+00  }
0x69: {  	v16 =	vmax.f32 v16, $0.0e+00;
	v17 =	vadd.f32 v17, v3;
	v21 =	vmul.f32 v21, v1  }
0x6a: {  	v30 =	vmul.f32 v22, v13;
	v28 =	vadd.f32 v31, v28;
	v31 =	vmul.f32 v25, v8  }
0x6b: {  	v16 =	vmul.f32 v16, v0;
	v35 =	vmul.f32 v22, v14  }
0x6c: {  	v17 =	vadd.f32 v17, v21;
	v21 =	vadd.f32 v30, v24;
	v30 =	vmul.f32 v18, v13  }
0x6d: {  	v20 =	vadd.f32 v23, v20;
	v22 =	vmul.f32 v22, v6;
	v24 =	vmul.f32 v19, v11  }
0x6e: {  	v19 =	vmul.f32 v19, v12;
	v16 =	vadd.f32 v17, v16;
	v17 =	vadd.f32 v30, v29  }
0x6f: {  	v29 =	vmul.f32 v32, v13;
	v30 =	vmul.f32 v27, v8;
	v24 =	vadd.f32 v24, v31  }
0x70: {  	v31 =	vmul.f32 v26, v11;
	v21 =	vadd.f32 v21, v15;
	v27 =	vmul.f32 v27, v9  }
0x71: {  	v26 =	vmul.f32 v26, v12;
	v32 =	vmul.f32 v32, v6;
	v28 =	vadd.f32 v29, v28  }
0x72: {  	s10 =	simm.s32 $0x6340;
	v16 =	vmax.f32 v16, $0.0e+00;
	v17 =	vadd.f32 v17, v15;
	v24 =	vadd.f32 v35, v24  }
0x73: {  	[tilespmem:s10+$0x20] =	vst v16;
	v16 =	vmul.f32 v25, v9;
	v25 =	vadd.f32 v31, v30;
	v30 =	vmul.f32 v18, v14  }
0x74: {  	v26 =	vadd.f32 v26, v27;
	v21 =	vmax.f32 v21, $0.0e+00;
	v28 =	vadd.f32 v28, v15  }
0x75: {  	v18 =	vmul.f32 v18, v6;
	v29 =	vld [tilespmem:s11+$0xFFFFF030];
	v24 =	vadd.f32 v24, v4;
	v30 =	vadd.f32 v30, v33  }
0x76: {  	v21 =	vmul.f32 v21, v5;
	v31 =	vld [tilespmem:s11+$0x30];
	v16 =	vadd.f32 v19, v16;
	v19 =	vadd.f32 v41, v25  }
0x77: {  	v17 =	vmax.f32 v17, $0.0e+00;
	v18 =	vadd.f32 v18, v20;
	v20 =	vadd.f32 v32, v26  }
0x78: {  	v36 =	vld [tilespmem:s11+$0x1030];
	v17 =	vmul.f32 v17, v5;
	v21 =	vadd.f32 v21, v3;
	v28 =	vmax.f32 v28, $0.0e+00  }
0x79: {  	v24 =	vmax.f32 v24, $0.0e+00;
	v30 =	vadd.f32 v30, v4;
	v16 =	vadd.f32 v22, v16  }
0x7a: {  	v19 =	vadd.f32 v19, v4;
	v24 =	vmul.f32 v24, v1;
	v18 =	vadd.f32 v18, v2  }
0x7b: {  	v20 =	vadd.f32 v20, v2;
	v23 =	vmul.f32 v29, v7;
	v25 =	vmul.f32 v31, v10  }
0x7c: {  	v17 =	vadd.f32 v17, v3;
	v27 =	vmul.f32 v29, v8;
	v42 =	vmul.f32 v31, v11  }
0x7d: {  	v43 =	vmul.f32 v36, v13;
	v16 =	vadd.f32 v16, v2;
	v26 =	vmax.f32 v30, $0.0e+00  }
0x7e: {  	v19 =	vmax.f32 v19, $0.0e+00;
	v21 =	vadd.f32 v21, v24;
	v18 =	vmax.f32 v18, $0.0e+00  }
0x7f: {  	v26 =	vmul.f32 v26, v1;
	v19 =	vmul.f32 v19, v1;
	v23 =	vadd.f32 v25, v23  }
0x80: {  	v20 =	vmax.f32 v20, $0.0e+00;
	v25 =	vmul.f32 v29, v9;
	v29 =	vmul.f32 v31, v12  }
0x81: {  	v27 =	vadd.f32 v42, v27;
	v16 =	vmax.f32 v16, $0.0e+00;
	v23 =	vadd.f32 v43, v23  }
0x82: {  	v31 =	vmul.f32 v36, v14;
	v16 =	vmul.f32 v16, v0;
	v17 =	vadd.f32 v17, v26  }
0x83: {  	v18 =	vmul.f32 v18, v0;
	v25 =	vadd.f32 v29, v25;
	v23 =	vadd.f32 v23, v15  }
0x84: {  	v35 =	vld [tilespmem:s21+$0xFFFFFFE0];
	v27 =	vadd.f32 v31, v27;
	v29 =	vmul.f32 v36, v6;
	v16 =	vadd.f32 v21, v16  }
0x85: {  	v33 =	vld [tilespmem:s21+$0xFC0];
	v17 =	vadd.f32 v17, v18;
	v22 =	vmax.f32 v23, $0.0e+00;
	v23 =	vmul.f32 v28, v5  }
0x86: {  	v42 =	vld [tilespmem:s21+$0x1000];
	v27 =	vadd.f32 v27, v4;
	v21 =	vadd.f32 v29, v25;
	v16 =	vmax.f32 v16, $0.0e+00  }
0x87: {  	v36 =	vld [tilespmem:s21+$0x0];
	v17 =	vmax.f32 v17, $0.0e+00;
	[tilespmem:s10+$0xFFFFFFC0] =	vst v16;
	v18 =	vmul.f32 v22, v5;
	v23 =	vadd.f32 v23, v3  }
0x88: {  	v20 =	vmul.f32 v20, v0;
	v16 =	vadd.f32 v21, v2;
	[tilespmem:s10+$0xFFFFFFE0] =	vst v17;
	v22 =	vmax.f32 v27, $0.0e+00;
	v17 =	vld [tilespmem:s11+$0xFFFFFFD0]  }
0x89: {  	v26 =	vld [tilespmem:s11+$0xFD0];
	v21 =	vmul.f32 v22, v1;
	v18 =	vadd.f32 v18, v3;
	v19 =	vadd.f32 v23, v19  }
0x8a: {  	v41 =	vmul.f32 v35, v10;
	v59 =	vmul.f32 v33, v13;
	v16 =	vmax.f32 v16, $0.0e+00  }
0x8b: {  	v22 =	vld [tilespmem:s11+$0xFFFFEFF0];
	v16 =	vmul.f32 v16, v0;
	v18 =	vadd.f32 v18, v21;
	v19 =	vadd.f32 v19, v20  }
0x8c: {  	v63 =	vmul.f32 v42, v13;
	v58 =	vmul.f32 v36, v10;
	v20 =	vld [tilespmem:s11+$0xFFFFEFD0]  }
0x8d: {  	v27 =	vmul.f32 v17, v10;
	v16 =	vadd.f32 v18, v16;
	v19 =	vmax.f32 v19, $0.0e+00  }
0x8e: {  	v28 =	vmul.f32 v17, v11;
	v47 =	vmul.f32 v26, v13;
	[tilespmem:s10+$0x0] =	vst v19;
	v19 =	vld [tilespmem:s11+$0xFFFFFFF0]  }
0x8f: {  	v48 =	vmul.f32 v26, v14;
	v17 =	vmul.f32 v17, v12;
	v18 =	vmax.f32 v16, $0.0e+00;
	v16 =	vld [tilespmem:s11+$0xFF0]  }
0x90: {  	v26 =	vmul.f32 v26, v6;
	v29 =	vmul.f32 v22, v7;
	v21 =	vld [tilespmem:s11+$0xFFFFF010]  }
0x91: {  	v30 =	vmul.f32 v22, v8;
	v25 =	vld [tilespmem:s11+$0x10];
	v23 =	vmul.f32 v20, v7  }
0x92: {  	v22 =	vmul.f32 v22, v9;
	v44 =	vld [tilespmem:s11+$0x1010];
	v24 =	vmul.f32 v20, v8  }
0x93: {  	v20 =	vmul.f32 v20, v9;
	v23 =	vadd.f32 v27, v23;
	v27 =	vmul.f32 v19, v10  }
0x94: {  	v24 =	vadd.f32 v28, v24;
	v31 =	vmul.f32 v19, v11;
	v19 =	vmul.f32 v19, v12  }
0x95: {  	v17 =	vadd.f32 v17, v20;
	v20 =	vmul.f32 v16, v6;
	v28 =	vmul.f32 v21, v7  }
0x96: {  	v45 =	vmul.f32 v21, v8;
	v46 =	vmul.f32 v25, v11  }
0x97: {  	v49 =	vmul.f32 v44, v13;
	v50 =	vmul.f32 v44, v14  }
0x98: {  	v23 =	vadd.f32 v47, v23;
	v21 =	vmul.f32 v21, v9;
	v32 =	vmul.f32 v44, v6  }
0x99: {  	v24 =	vadd.f32 v48, v24;
	v44 =	vmul.f32 v35, v11;
	v48 =	vmul.f32 v37, v8  }
0x9a: {  	v35 =	vmul.f32 v35, v12;
	v27 =	vadd.f32 v27, v29;
	v29 =	vmul.f32 v25, v10  }
0x9b: {  	v30 =	vadd.f32 v31, v30;
	v31 =	vmul.f32 v16, v13;
	v19 =	vadd.f32 v19, v22  }
0x9c: {  	v25 =	vmul.f32 v25, v12;
	v23 =	vadd.f32 v23, v15;
	v24 =	vadd.f32 v24, v4  }
0x9d: {  	v37 =	vmul.f32 v37, v9;
	v28 =	vadd.f32 v29, v28;
	v29 =	vadd.f32 v46, v45  }
0x9e: {  	v27 =	vadd.f32 v31, v27;
	v31 =	vmul.f32 v16, v14;
	v25 =	vadd.f32 v25, v21  }
0x9f: {  	v21 =	vadd.f32 v26, v17;
	v20 =	vadd.f32 v20, v19;
	v45 =	vmul.f32 v33, v14  }
0xa0: {  	v33 =	vmul.f32 v33, v6;
	v16 =	vmax.f32 v23, $0.0e+00;
	v28 =	vadd.f32 v49, v28  }
0xa1: {  	v24 =	vmax.f32 v24, $0.0e+00;
	v27 =	vadd.f32 v27, v15;
	v30 =	vadd.f32 v31, v30;
	v31 =	vld [tilespmem:s21+$0x20]  }
0xa2: {  	v29 =	vadd.f32 v50, v29;
	v16 =	vmul.f32 v16, v5;
	v49 =	vmul.f32 v36, v11  }
0xa3: {  	v36 =	vmul.f32 v36, v12;
	v21 =	vadd.f32 v21, v2;
	v24 =	vmul.f32 v24, v1  }
0xa4: {  	v20 =	vadd.f32 v20, v2;
	v28 =	vadd.f32 v28, v15;
	v22 =	vmax.f32 v27, $0.0e+00  }
0xa5: {  	v27 =	vadd.f32 v30, v4;
	v17 =	vmul.f32 v22, v5;
	v22 =	vadd.f32 v29, v4  }
0xa6: {  	v26 =	vld [tilespmem:s21+$0xFFFFEFE0];
	v29 =	vmul.f32 v51, v7;
	v23 =	vmax.f32 v28, $0.0e+00;
	v30 =	vmul.f32 v31, v10  }
0xa7: {  	v50 =	vadd.f32 v49, v48;
	v19 =	vmul.f32 v23, v5;
	v23 =	vadd.f32 v32, v25  }
0xa8: {  	v25 =	vadd.f32 v30, v29;
	v29 =	vmul.f32 v51, v8;
	v30 =	vmul.f32 v31, v11  }
0xa9: {  	v36 =	vadd.f32 v36, v37;
	v16 =	vadd.f32 v16, v3;
	v31 =	vmul.f32 v31, v12  }
0xaa: {  	v25 =	vadd.f32 v53, v25;
	v29 =	vadd.f32 v30, v29;
	v30 =	vmul.f32 v52, v14  }
0xab: {  	v21 =	vmax.f32 v21, $0.0e+00;
	v39 =	vmul.f32 v26, v7;
	v31 =	vadd.f32 v31, v34  }
0xac: {  	v28 =	vld [tilespmem:s21+$0xFFFFFFC0];
	v55 =	vadd.f32 v25, v15;
	v29 =	vadd.f32 v30, v29;
	v30 =	vmul.f32 v52, v6  }
0xad: {  	v43 =	vmul.f32 v26, v8;
	v26 =	vmul.f32 v26, v9;
	v25 =	vmax.f32 v27, $0.0e+00  }
0xae: {  	v27 =	vmax.f32 v55, $0.0e+00;
	v29 =	vadd.f32 v29, v4;
	v30 =	vadd.f32 v30, v31  }
0xaf: {  	v16 =	vadd.f32 v16, v24;
	v39 =	vadd.f32 v41, v39;
	v27 =	vmul.f32 v27, v5  }
0xb0: {  	v43 =	vadd.f32 v44, v43;
	v29 =	vmax.f32 v29, $0.0e+00;
	v30 =	vadd.f32 v30, v2  }
0xb1: {  	v38 =	vmul.f32 v28, v10;
	v27 =	vadd.f32 v27, v3;
	v29 =	vmul.f32 v29, v1  }
0xb2: {  	v26 =	vadd.f32 v35, v26;
	v61 =	vmul.f32 v28, v11;
	v30 =	vmax.f32 v30, $0.0e+00  }
0xb3: {  	v56 =	vadd.f32 v38, v40;
	v31 =	vld [tilespmem:s21+$0xFE0];
	v27 =	vadd.f32 v27, v29;
	v29 =	vmul.f32 v30, v0  }
0xb4: {  	v20 =	vmax.f32 v20, $0.0e+00;
	v38 =	vadd.f32 v58, v57;
	v34 =	vadd.f32 v61, v60  }
0xb5: {  	v21 =	vmul.f32 v21, v0;
	v17 =	vadd.f32 v17, v3;
	v27 =	vadd.f32 v27, v29  }
0xb6: {  	v22 =	vmax.f32 v22, $0.0e+00;
	v38 =	vadd.f32 v63, v38;
	v34 =	vadd.f32 v45, v34  }
0xb7: {  	s11 =	simm.s32 $0x63C0;
	v28 =	vmul.f32 v28, v12;
	v58 =	vmul.f32 v42, v6;
	v27 =	vmax.f32 v27, $0.0e+00  }
0xb8: {  	v38 =	vadd.f32 v38, v15;
	v34 =	vadd.f32 v34, v4;
	v62 =	vmul.f32 v31, v13;
	[tilespmem:s11+$0x20] =	vst v27  }
0xb9: {  	v55 =	vmul.f32 v42, v14;
	v30 =	vadd.f32 v59, v56;
	v52 =	vmul.f32 v31, v14;
	v51 =	vld [tilespmem:s21+$0xFFFFF030]  }
0xba: {  	v38 =	vmax.f32 v38, $0.0e+00;
	v34 =	vmax.f32 v34, $0.0e+00;
	v29 =	vadd.f32 v62, v39;
	v53 =	vld [tilespmem:s21+$0x30]  }
0xbb: {  	v30 =	vadd.f32 v30, v15;
	v40 =	vadd.f32 v52, v43;
	v27 =	vmul.f32 v54, v9;
	v54 =	vld [tilespmem:s21+$0x1030]  }
0xbc: {  	v44 =	vmul.f32 v38, v5;
	v34 =	vmul.f32 v34, v1;
	v29 =	vadd.f32 v29, v15  }
0xbd: {  	v43 =	vadd.f32 v58, v36;
	v30 =	vmax.f32 v30, $0.0e+00;
	v40 =	vadd.f32 v40, v4  }
0xbe: {  	v49 =	vadd.f32 v44, v3;
	v30 =	vmul.f32 v30, v5;
	v29 =	vmax.f32 v29, $0.0e+00  }
0xbf: {  	v46 =	vmax.f32 v40, $0.0e+00;
	v56 =	vmul.f32 v51, v7;
	v57 =	vmul.f32 v53, v10  }
0xc0: {  	v27 =	vadd.f32 v28, v27;
	v28 =	vmul.f32 v31, v6;
	v59 =	vmul.f32 v54, v13  }
0xc1: {  	v60 =	vmul.f32 v51, v8;
	v61 =	vmul.f32 v53, v11;
	v32 =	vadd.f32 v57, v56  }
0xc2: {  	v31 =	vadd.f32 v55, v50;
	v39 =	vmul.f32 v51, v9;
	v41 =	vmul.f32 v53, v12  }
0xc3: {  	v62 =	vmul.f32 v54, v14;
	v35 =	vadd.f32 v61, v60;
	v32 =	vadd.f32 v59, v32  }
0xc4: {  	v29 =	vmul.f32 v29, v5;
	v30 =	vadd.f32 v30, v3;
	v39 =	vadd.f32 v41, v39  }
0xc5: {  	v63 =	vmul.f32 v54, v6;
	v35 =	vadd.f32 v62, v35;
	v32 =	vadd.f32 v32, v15  }
0xc6: {  	v47 =	vmul.f32 v46, v1;
	v27 =	vadd.f32 v33, v27;
	v26 =	vadd.f32 v28, v26  }
0xc7: {  	v39 =	vadd.f32 v63, v39;
	v35 =	vadd.f32 v35, v4;
	v32 =	vmax.f32 v32, $0.0e+00  }
0xc8: {  	v29 =	vadd.f32 v29, v3;
	v27 =	vadd.f32 v27, v2;
	v32 =	vmul.f32 v32, v5  }
0xc9: {  	v26 =	vadd.f32 v26, v2;
	v42 =	vadd.f32 v39, v2;
	v28 =	vmax.f32 v35, $0.0e+00  }
0xca: {  	v30 =	vadd.f32 v30, v34;
	v28 =	vmul.f32 v28, v1;
	v32 =	vadd.f32 v32, v3  }
0xcb: {  	v27 =	vmax.f32 v27, $0.0e+00;
	v26 =	vmax.f32 v26, $0.0e+00;
	v33 =	vmax.f32 v42, $0.0e+00  }
0xcc: {  	v27 =	vmul.f32 v27, v0;
	v45 =	vmul.f32 v33, v0;
	v28 =	vadd.f32 v32, v28  }
0xcd: {  	v31 =	vadd.f32 v31, v4;
	v29 =	vadd.f32 v29, v47;
	v26 =	vmul.f32 v26, v0  }
0xce: {  	v22 =	vmul.f32 v22, v1;
	v27 =	vadd.f32 v30, v27;
	v28 =	vadd.f32 v28, v45  }
0xcf: {  	v48 =	vadd.f32 v43, v2;
	v31 =	vmax.f32 v31, $0.0e+00;
	v26 =	vadd.f32 v29, v26  }
0xd0: {  	v27 =	vmax.f32 v27, $0.0e+00;
	v50 =	vmax.f32 v28, $0.0e+00;
	v28 =	vmul.f32 v31, v1  }
0xd1: {  	v25 =	vmul.f32 v25, v1;
	v26 =	vmax.f32 v26, $0.0e+00;
	[tilespmem:s11+$0xFFFFFFC0] =	vst v27;
	v31 =	vmax.f32 v48, $0.0e+00  }
0xd2: {  	v19 =	vadd.f32 v19, v3;
	[tilespmem:s11+$0xFFFFFFE0] =	vst v26;
	v29 =	vld [tilespmem:s21+$0xFFFFFFD0];
	v31 =	vmul.f32 v31, v0;
	v28 =	vadd.f32 v49, v28  }
0xd3: {  	v20 =	vmul.f32 v20, v0;
	v23 =	vadd.f32 v23, v2;
	v17 =	vadd.f32 v17, v25;
	v30 =	vld [tilespmem:s21+$0xFFFFEFF0]  }
0xd4: {  	v22 =	vadd.f32 v19, v22;
	v19 =	vld [tilespmem:s21+$0xFD0];
	v28 =	vadd.f32 v28, v31  }
0xd5: {  	v21 =	vadd.f32 v16, v21;
	v16 =	vadd.f32 v17, v20;
	v20 =	vld [tilespmem:s21+$0xFF0]  }
0xd6: {  	v23 =	vmax.f32 v23, $0.0e+00;
	v27 =	vmax.f32 v28, $0.0e+00;
	v28 =	vld [tilespmem:s21+$0xFFFFEFD0]  }
0xd7: {  	v23 =	vmul.f32 v23, v0  }
0xd8: {  	v31 =	vld [tilespmem:s21+$0xFFFFFFF0];
	[tilespmem:s11+$0x0] =	vst v27  }
0xd9: {  	v17 =	vadd.f32 v22, v23;
	v26 =	vmul.f32 v29, v10;
	v23 =	vmul.f32 v30, v7;
	v51 =	vld [tilespmem:s21+$0xFFFFF010]  }
0xda: {  	v53 =	vmul.f32 v30, v8;
	v59 =	vmul.f32 v19, v13;
	v52 =	vld [tilespmem:s21+$0x10]  }
0xdb: {  	v60 =	vmul.f32 v20, v13;
	v24 =	vmul.f32 v28, v7  }
0xdc: {  	v54 =	vmax.f32 v21, $0.0e+00;
	v27 =	vmul.f32 v29, v11;
	v21 =	vld [tilespmem:s21+$0x1010];
	v25 =	vmul.f32 v28, v8  }
0xdd: {  	v32 =	vmul.f32 v20, v14;
	v55 =	vmul.f32 v31, v11;
	v26 =	vadd.f32 v26, v24  }
0xde: {  	v24 =	vmul.f32 v31, v10;
	v22 =	vadd.f32 v27, v25;
	v27 =	vmul.f32 v51, v7  }
0xdf: {  	v56 =	vmul.f32 v51, v8;
	v58 =	vmul.f32 v52, v11  }
0xe0: {  	v25 =	vmul.f32 v19, v14;
	v57 =	vadd.f32 v24, v23;
	v23 =	vmul.f32 v52, v10  }
0xe1: {  	v63 =	vmul.f32 v21, v13;
	v34 =	vmul.f32 v21, v14  }
0xe2: {  	v33 =	vmul.f32 v51, v9;
	v24 =	vadd.f32 v55, v53;
	v61 =	vadd.f32 v23, v27  }
0xe3: {  	v62 =	vadd.f32 v59, v26;
	v26 =	vmul.f32 v28, v9;
	v28 =	vmul.f32 v29, v12  }
0xe4: {  	[tilespmem:s10+$0x30] =	vst v18;
	v29 =	vmul.f32 v31, v12;
	v39 =	vadd.f32 v60, v57;
	v31 =	vadd.f32 v63, v61  }
0xe5: {  	[tilespmem:s10+$0xFFFFFFD0] =	vst v54;
	v35 =	vmul.f32 v52, v12;
	v23 =	vadd.f32 v58, v56;
	v18 =	vadd.f32 v62, v15  }
0xe6: {  	s31 =	simm.s32 $0x4;
	s3 =	simm.s32 $0x63C0;
	[tilespmem:s11+$0x30] =	vst v50;
	s21 =	simm.s32 $0x1440;
	v27 =	vmul.f32 v30, v9;
	v30 =	vadd.f32 v39, v15;
	v31 =	vadd.f32 v31, v15  }
.LBB2_3:
0xe7: {  	v36 =	vld [tilespmem:s21+$0xFFFFF020];
	v22 =	vadd.f32 v25, v22;
	v19 =	vmul.f32 v19, v6;
	v24 =	vadd.f32 v32, v24  }
0xe8: {  	v26 =	vadd.f32 v28, v26;
	v20 =	vmul.f32 v20, v6;
	v28 =	vadd.f32 v34, v23;
	v25 =	vld [tilespmem:s21+$0x20]  }
0xe9: {  	s31 =	sadd.s32 $0x4, s31;
	v27 =	vadd.f32 v29, v27;
	v29 =	vadd.f32 v35, v33;
	v33 =	vmul.f32 v21, v6;
	v32 =	vld [tilespmem:s21+$0x1020]  }
0xea: {  	v18 =	vmax.f32 v18, $0.0e+00;
	p0 =	slt.u32 s31, $0x7C;
	v21 =	vmax.f32 v30, $0.0e+00;
	v30 =	vmax.f32 v31, $0.0e+00;
	v34 =	vld [tilespmem:s21+$0xFFFFFFC0]  }
0xeb: {  	v18 =	vmul.f32 v18, v5;
	v35 =	vadd.f32 v22, v4;
	v37 =	vadd.f32 v24, v4;
	v31 =	vld [tilespmem:s21+$0xFFFFEFE0]  }
0xec: {  	v23 =	vadd.f32 v19, v26;
	v19 =	vmul.f32 v21, v5;
	v24 =	vadd.f32 v28, v4;
	v38 =	vld [tilespmem:s21+$0xFFFFFFE0]  }
0xed: {  	v21 =	vadd.f32 v20, v27;
	v26 =	vmul.f32 v36, v7;
	v28 =	vld [tilespmem:s21+$0xFFFFF000];
	v39 =	vmul.f32 v25, v10  }
0xee: {  	v20 =	vmul.f32 v30, v5;
	v22 =	vadd.f32 v33, v29;
	v27 =	vld [tilespmem:s21+$0x0];
	v40 =	vmul.f32 v32, v13  }
0xef: {  	v30 =	vmul.f32 v36, v8;
	v33 =	vmul.f32 v25, v11;
	v29 =	vld [tilespmem:s21+$0xFFFFEFC0];
	v26 =	vadd.f32 v39, v26  }
0xf0: {  	v36 =	vmul.f32 v36, v9;
	v41 =	vmul.f32 v25, v12;
	v25 =	vmax.f32 v35, $0.0e+00;
	v39 =	vld [tilespmem:s21+$0xFC0]  }
0xf1: {  	v30 =	vadd.f32 v33, v30;
	v33 =	vmul.f32 v32, v14;
	v35 =	vld [tilespmem:s21+$0xFE0];
	v26 =	vadd.f32 v40, v26  }
0xf2: {  	v36 =	vadd.f32 v41, v36;
	v42 =	vmul.f32 v31, v7;
	v40 =	vmul.f32 v34, v10;
	v43 =	vld [tilespmem:s21+$0x1000]  }
0xf3: {  	v32 =	vmul.f32 v32, v6;
	v30 =	vadd.f32 v33, v30;
	v41 =	vadd.f32 v26, v15  }
0xf4: {  	v44 =	vmul.f32 v38, v10;
	v26 =	vmax.f32 v37, $0.0e+00;
	v33 =	vmul.f32 v29, v7  }
0xf5: {  	v32 =	vadd.f32 v32, v36;
	v30 =	vadd.f32 v30, v4;
	v37 =	vmax.f32 v41, $0.0e+00  }
0xf6: {  	v36 =	vmul.f32 v28, v7;
	v33 =	vadd.f32 v40, v33;
	v37 =	vmul.f32 v37, v5  }
0xf7: {  	v32 =	vadd.f32 v32, v2;
	v30 =	vmax.f32 v30, $0.0e+00;
	v40 =	vmul.f32 v27, v10  }
0xf8: {  	v41 =	vadd.f32 v44, v42;
	v30 =	vmul.f32 v30, v1;
	v37 =	vadd.f32 v37, v3  }
0xf9: {  	v42 =	vmul.f32 v39, v13;
	v32 =	vmax.f32 v32, $0.0e+00;
	v36 =	vadd.f32 v40, v36  }
0xfa: {  	v32 =	vmul.f32 v32, v0;
	v40 =	vmul.f32 v29, v8;
	v30 =	vadd.f32 v37, v30  }
0xfb: {  	v33 =	vadd.f32 v42, v33;
	v42 =	vmul.f32 v35, v13;
	v37 =	vmul.f32 v34, v11  }
0xfc: {  	v45 =	vmul.f32 v38, v11;
	v44 =	vmul.f32 v31, v8;
	v30 =	vadd.f32 v30, v32  }
0xfd: {  	v32 =	vadd.f32 v42, v41;
	v41 =	vmul.f32 v43, v13;
	v42 =	vmul.f32 v28, v8  }
0xfe: {  	s11 =	sadd.s32 $0x80, s11;
	v37 =	vadd.f32 v37, v40;
	v40 =	vmul.f32 v27, v11;
	v30 =	vmax.f32 v30, $0.0e+00  }
0xff: {  	v46 =	vmul.f32 v39, v14;
	v44 =	vadd.f32 v45, v44;
	v36 =	vadd.f32 v41, v36;
	[tilespmem:s11+$0x20] =	vst v30  }
0x100: {  	v29 =	vmul.f32 v29, v9;
	v30 =	vmul.f32 v34, v12;
	v34 =	vadd.f32 v40, v42;
	v40 =	vld [tilespmem:s21+$0xFFFFF030]  }
0x101: {  	v31 =	vmul.f32 v31, v9;
	v33 =	vadd.f32 v33, v15;
	v41 =	vmul.f32 v35, v14;
	v42 =	vld [tilespmem:s21+$0x30]  }
0x102: {  	v38 =	vmul.f32 v38, v12;
	v45 =	vmul.f32 v43, v14;
	v32 =	vadd.f32 v32, v15;
	v47 =	vld [tilespmem:s21+$0x1030]  }
0x103: {  	v28 =	vmul.f32 v28, v9;
	v27 =	vmul.f32 v27, v12;
	v36 =	vadd.f32 v36, v15  }
0x104: {  	v39 =	vmul.f32 v39, v6;
	v37 =	vadd.f32 v46, v37;
	v41 =	vadd.f32 v41, v44  }
0x105: {  	v29 =	vadd.f32 v30, v29;
	v30 =	vmul.f32 v35, v6;
	v34 =	vadd.f32 v45, v34  }
0x106: {  	v31 =	vadd.f32 v38, v31;
	v35 =	vmul.f32 v40, v7;
	v38 =	vmul.f32 v42, v10  }
0x107: {  	v27 =	vadd.f32 v27, v28;
	v28 =	vmul.f32 v43, v6;
	v43 =	vmul.f32 v47, v13  }
0x108: {  	v44 =	vmul.f32 v42, v11;
	v35 =	vadd.f32 v38, v35;
	v38 =	vmul.f32 v40, v8  }
0x109: {  	v33 =	vmax.f32 v33, $0.0e+00;
	v42 =	vmul.f32 v42, v12;
	v40 =	vmul.f32 v40, v9  }
0x10a: {  	v35 =	vadd.f32 v43, v35;
	v38 =	vadd.f32 v44, v38;
	v43 =	vmul.f32 v47, v14  }
0x10b: {  	v32 =	vmax.f32 v32, $0.0e+00;
	v36 =	vmax.f32 v36, $0.0e+00;
	v40 =	vadd.f32 v42, v40  }
0x10c: {  	v42 =	vmul.f32 v47, v6;
	v35 =	vadd.f32 v35, v15;
	v38 =	vadd.f32 v43, v38  }
0x10d: {  	v33 =	vmul.f32 v33, v5;
	v37 =	vadd.f32 v37, v4;
	v41 =	vadd.f32 v41, v4  }
0x10e: {  	v40 =	vadd.f32 v42, v40;
	v35 =	vmax.f32 v35, $0.0e+00;
	v38 =	vadd.f32 v38, v4  }
0x10f: {  	v29 =	vadd.f32 v39, v29;
	v34 =	vadd.f32 v34, v4;
	v35 =	vmul.f32 v35, v5  }
0x110: {  	v30 =	vadd.f32 v30, v31;
	v31 =	vmax.f32 v38, $0.0e+00;
	v38 =	vadd.f32 v40, v2  }
0x111: {  	v27 =	vadd.f32 v28, v27;
	v28 =	vadd.f32 v35, v3;
	v31 =	vmul.f32 v31, v1  }
0x112: {  	v32 =	vmul.f32 v32, v5;
	v35 =	vmul.f32 v36, v5;
	v36 =	vmax.f32 v38, $0.0e+00  }
0x113: {  	v37 =	vmax.f32 v37, $0.0e+00;
	v28 =	vadd.f32 v28, v31;
	v31 =	vmul.f32 v36, v0  }
0x114: {  	v29 =	vadd.f32 v29, v2;
	v34 =	vmax.f32 v34, $0.0e+00;
	v36 =	vmax.f32 v41, $0.0e+00  }
0x115: {  	v37 =	vmul.f32 v37, v1;
	v30 =	vadd.f32 v30, v2;
	v28 =	vadd.f32 v28, v31  }
0x116: {  	v27 =	vadd.f32 v27, v2;
	v31 =	vadd.f32 v33, v3;
	v33 =	vmul.f32 v36, v1  }
0x117: {  	v32 =	vadd.f32 v32, v3;
	v35 =	vadd.f32 v35, v3;
	v28 =	vmax.f32 v28, $0.0e+00  }
0x118: {  	v34 =	vmul.f32 v34, v1;
	v29 =	vmax.f32 v29, $0.0e+00;
	v30 =	vmax.f32 v30, $0.0e+00;
	[tilespmem:s11+$0x30] =	vst v28  }
0x119: {  	v27 =	vmax.f32 v27, $0.0e+00;
	v28 =	vadd.f32 v31, v37;
	v31 =	vadd.f32 v32, v33  }
0x11a: {  	v29 =	vmul.f32 v29, v0;
	v30 =	vmul.f32 v30, v0;
	v32 =	vadd.f32 v35, v34  }
0x11b: {  	v23 =	vadd.f32 v23, v2;
	v24 =	vmax.f32 v24, $0.0e+00;
	v27 =	vmul.f32 v27, v0  }
0x11c: {  	v25 =	vmul.f32 v25, v1;
	v28 =	vadd.f32 v28, v29;
	v29 =	vadd.f32 v31, v30  }
0x11d: {  	v21 =	vadd.f32 v21, v2;
	v26 =	vmul.f32 v26, v1;
	v27 =	vadd.f32 v32, v27  }
0x11e: {  	v22 =	vadd.f32 v22, v2;
	v28 =	vmax.f32 v28, $0.0e+00;
	v29 =	vmax.f32 v29, $0.0e+00  }
0x11f: {  	v18 =	vadd.f32 v18, v3;
	v19 =	vadd.f32 v19, v3;
	v27 =	vmax.f32 v27, $0.0e+00;
	[tilespmem:s11+$0xFFFFFFC0] =	vst v28  }
0x120: {  	v20 =	vadd.f32 v20, v3;
	v24 =	vmul.f32 v24, v1;
	v23 =	vmax.f32 v23, $0.0e+00;
	v28 =	vld [tilespmem:s21+$0xFFFFEFD0];
	[tilespmem:s11+$0xFFFFFFE0] =	vst v29  }
0x121: {  	v21 =	vmax.f32 v21, $0.0e+00;
	v22 =	vmax.f32 v22, $0.0e+00;
	v18 =	vadd.f32 v18, v25;
	v29 =	vld [tilespmem:s21+$0xFFFFFFD0];
	[tilespmem:s11+$0x0] =	vst v27  }
0x122: {  	v23 =	vmul.f32 v23, v0;
	v20 =	vadd.f32 v20, v24;
	v19 =	vadd.f32 v19, v26;
	v27 =	vld [tilespmem:s21+$0xFFFFEFF0]  }
0x123: {  	v16 =	vmax.f32 v16, $0.0e+00;
	v21 =	vmul.f32 v21, v0;
	v22 =	vmul.f32 v22, v0;
	v30 =	vld [tilespmem:s21+$0xFFFFFFF0]  }
0x124: {  	v17 =	vmax.f32 v17, $0.0e+00;
	v18 =	vadd.f32 v18, v23;
	v31 =	vld [tilespmem:s21+$0xFFFFF010];
	[tilespmem:s10+$0xFFFFFFF0] =	vst v16  }
0x125: {  	v16 =	vadd.f32 v19, v21;
	v23 =	vmul.f32 v28, v7;
	v24 =	vmul.f32 v28, v8;
	v35 =	vld [tilespmem:s21+$0x10];
	[tilespmem:s10+$0x10] =	vst v17;
	s10 =	smov.u32 s3;
	s3 =	smov.u32 s11  }
0x126: {  	v17 =	vadd.f32 v20, v22;
	v19 =	vld [tilespmem:s21+$0xFD0];
	v21 =	vmul.f32 v29, v10;
	v25 =	vmul.f32 v29, v11  }
0x127: {  	v18 =	vmax.f32 v18, $0.0e+00;
	v20 =	vld [tilespmem:s21+$0xFF0];
	v26 =	vmul.f32 v27, v7;
	v32 =	vmul.f32 v27, v8  }
0x128: {  	v33 =	vadd.f32 v21, v23;
	v23 =	vmul.f32 v30, v10;
	v34 =	vmul.f32 v30, v11;
	v21 =	vld [tilespmem:s21+$0x1010];
	[tilespmem:s10+$0xFFFFFFD0] =	vst v18  }
0x129: {  	v22 =	vadd.f32 v25, v24;
	v18 =	vmul.f32 v31, v7;
	v36 =	vmul.f32 v31, v8  }
0x12a: {  	v37 =	vadd.f32 v23, v26;
	v23 =	vmul.f32 v35, v10;
	v26 =	vmul.f32 v35, v11  }
0x12b: {  	v24 =	vadd.f32 v34, v32;
	v38 =	vmul.f32 v19, v13;
	v25 =	vmul.f32 v19, v14  }
0x12c: {  	v32 =	vmul.f32 v20, v13;
	v18 =	vadd.f32 v23, v18;
	v23 =	vadd.f32 v26, v36  }
.Ltmp0:
0x12d: {  	v26 =	vmul.f32 v28, v9;
	v33 =	vadd.f32 v38, v33;
	v34 =	vmul.f32 v21, v13;
	(pc) =	sbr.rel @p0 .LBB2_3-.Ltmp0, $4  }
0x12e: {  	v28 =	vmul.f32 v29, v12;
	v36 =	vadd.f32 v32, v37;
	v32 =	vmul.f32 v20, v14  }
0x12f: {  	v27 =	vmul.f32 v27, v9;
	v29 =	vmul.f32 v30, v12;
	v37 =	vadd.f32 v34, v18  }
0x130: {  	v18 =	vadd.f32 v33, v15;
	v34 =	vmul.f32 v21, v14;
	v33 =	vmul.f32 v31, v9  }
0x131: {  	s21 =	sadd.s32 $0x80, s21;
	v35 =	vmul.f32 v35, v12;
	v30 =	vadd.f32 v36, v15;
	v31 =	vadd.f32 v37, v15  }
0x132: {  	v22 =	vadd.f32 v25, v22;
	v24 =	vadd.f32 v32, v24  }
0x133: {  	v19 =	vmul.f32 v19, v6;
	v25 =	vadd.f32 v28, v26;
	v23 =	vadd.f32 v34, v23  }
0x134: {  	v20 =	vmul.f32 v20, v6;
	v26 =	vadd.f32 v29, v27;
	v21 =	vmul.f32 v21, v6  }
0x135: {  	v18 =	vmax.f32 v18, $0.0e+00;
	v16 =	vmax.f32 v16, $0.0e+00;
	v27 =	vadd.f32 v35, v33  }
0x136: {  	v28 =	vmax.f32 v30, $0.0e+00;
	v29 =	vmax.f32 v31, $0.0e+00;
	v22 =	vadd.f32 v22, v4  }
0x137: {  	v18 =	vmul.f32 v18, v5;
	v24 =	vadd.f32 v24, v4;
	v19 =	vadd.f32 v19, v25  }
0x138: {  	v25 =	vmul.f32 v28, v5;
	v23 =	vadd.f32 v23, v4;
	v20 =	vadd.f32 v20, v26  }
0x139: {  	v26 =	vmul.f32 v29, v5;
	v21 =	vadd.f32 v21, v27;
	v18 =	vadd.f32 v18, v3  }
0x13a: {  	v22 =	vmax.f32 v22, $0.0e+00;
	v24 =	vmax.f32 v24, $0.0e+00;
	v19 =	vadd.f32 v19, v2  }
0x13b: {  	v23 =	vmax.f32 v23, $0.0e+00;
	v20 =	vadd.f32 v20, v2;
	v25 =	vadd.f32 v25, v3  }
0x13c: {  	s11 =	sand.u32 $0x1F, s8;
	v26 =	vadd.f32 v26, v3;
	v22 =	vmul.f32 v22, v1;
	v24 =	vmul.f32 v24, v1  }
0x13d: {  	s21 =	sshrl.u32 s11, $0x3;
	v21 =	vadd.f32 v21, v2;
	v23 =	vmul.f32 v23, v1;
	v19 =	vmax.f32 v19, $0.0e+00  }
0x13e: {  	s11 =	sshll.u32 s11, $0x7;
	s31 =	sshll.u32 s21, $0xA;
	v20 =	vmax.f32 v20, $0.0e+00;
	v18 =	vadd.f32 v18, v22;
	v19 =	vmul.f32 v19, v0  }
0x13f: {  	s11 =	ssub.s32 s11, s31;
	v21 =	vmax.f32 v21, $0.0e+00;
	v22 =	vadd.f32 v25, v24;
	v20 =	vmul.f32 v20, v0  }
0x140: {  	s31 =	sshll.u32 s8, $0x2;
	s11 =	smul.u32 $0xC80, s11;
	v23 =	vadd.f32 v26, v23;
	v21 =	vmul.f32 v21, v0;
	v18 =	vadd.f32 v18, v19  }
0x141: {  	[tilespmem:s10+$0xFFFFFFF0] =	vst v16;
	v16 =	vmax.f32 v17, $0.0e+00;
	s31 =	sand.u32 $0x7FFFFF80, s31;
	v17 =	vadd.f32 v22, v20  }
0x142: {  	[tilespmem:s10+$0x10] =	vst v16;
	s11 =	sadd.s32 s31, s11;
	s31 =	sshll.u32 s21, $0x5;
	v16 =	vadd.f32 v23, v21;
	v18 =	vmax.f32 v18, $0.0e+00  }
0x143: {  	s21 =	sadd.s32 $0x2, s8;
	s10 =	sor.u32 s31, s11;
	v17 =	vmax.f32 v17, $0.0e+00;
	[tilespmem:s3+$0xFFFFFFD0] =	vst v18  }
0x144: {  	s8 =	sshrl.u32 s21, $0x5;
	s10 =	sshrl.u32 s10, $0x3;
	[tilespmem:s3+$0xFFFFFFF0] =	vst v17;
	v16 =	vmax.f32 v16, $0.0e+00  }
0x145: {  	s8 =	smul.u32 $0x3000, s8;
	s11 =	sadd.s32 s7, s10;
	[tilespmem:s3+$0x10] =	vst v16;
	s3 =	sshll.u32 s21, $0x7  }
0x146: {  	[hbm4b:s11+s26] =	stream.strided.scatter [tilespmem:s29], [sflag:$0x3], $0x1000, s28, s26, $0x38;
	[tilespmem:$0x7400] =	vst v63  }
0x147: {  	s3 =	sand.u32 $0xF80, s3  }
0x148: {  	_ =	swait.ge [sflag:s13], $0x1000;
	s3 =	sor.u32 s8, s3  }
0x149: {  	[sflag:s13] =	ssyncset.done $0x0;
	s3 =	sshrl.u32 s3, $0x3  }
0x14a: {  	s31 =	simm.s32 $0x0;
	[sflag:s13] =	ssyncadd.s32 $0xFFFFF000;
	s3 =	sadd.s32 s4, s3  }
0x14b: {  	[tilespmem:s31], [sflag:$0x3] =	stream.strided.gather [hbm4b:s3+s14], $0x180, s15, s14, $0x38;
	[tilespmem:$0x7400] =	vst v63  }
0x14c: {  	_ =	swait.ge [sflag:s13], $0x180  }
0x14d: {  	[sflag:s13] =	ssyncset.done $0x0  }
0x14e: {  	[sflag:s13] =	ssyncadd.s32 $0xFFFFFE80  }
0x14f: {  	[tilespmem:s16], [sflag:$0x1] =	stream.indirect.gather [hbm4b:s5+s14], $0x20, s31, s14, $0xb8;
	[tilespmem:$0x7400] =	vst v63  }
0x150: {  	_ = 	snop  }
0x151: {  	[tilespmem:s17], [sflag:$0x1] =	stream.indirect.gather [hbm4b:s5+s14], $0x20, s14, s14, $0xb8;
	[tilespmem:$0x7400] =	vst v63  }
0x152: {  	_ = 	snop  }
0x153: {  	[tilespmem:s19], [sflag:$0x1] =	stream.indirect.gather [hbm4b:s5+s14], $0x20, s18, s14, $0xb8;
	[tilespmem:$0x7400] =	vst v63  }
0x154: {  	_ =	swait.ge [sflag:s30], $0x1000  }
0x155: {  	[sflag:s30] =	ssyncset.done $0x0  }
0x156: {  	[sflag:s30] =	ssyncadd.s32 $0xFFFFF000  }
0x157: {  	_ =	swait.ge [sflag:s30], $0x1000  }
0x158: {  	[sflag:s30] =	ssyncset.done $0x0  }
0x159: {  	[sflag:s30] =	ssyncadd.s32 $0xFFFFF000  }
0x15a: {  	_ =	swait.ge [sflag:s30], $0x1000  }
0x15b: {  	[sflag:s30] =	ssyncset.done $0x0  }
0x15c: {  	s8 =	simm.s32 $0x0;
	[sflag:s30] =	ssyncadd.s32 $0xFFFFF000  }
0x15d: {  	v16 =	vld [tilespmem:s8+$0x3370]  }
0x15e: {  	v17 =	vld [tilespmem:s8+$0x4370]  }
0x15f: {  	v18 =	vld [tilespmem:s8+$0x5370]  }
0x160: {  	v19 =	vld [tilespmem:s8+$0x3300]  }
0x161: {  	v20 =	vld [tilespmem:s8+$0x4300]  }
0x162: {  	v21 =	vld [tilespmem:s8+$0x3310]  }
0x163: {  	v27 =	vld [tilespmem:s8+$0x4320]  }
0x164: {  	v29 =	vld [tilespmem:s8+$0x3330]  }
0x165: {  	v30 =	vld [tilespmem:s8+$0x4330]  }
0x166: {  	v32 =	vld [tilespmem:s8+$0x3340]  }
0x167: {  	v33 =	vld [tilespmem:s8+$0x3350]  }
0x168: {  	v34 =	vld [tilespmem:s8+$0x4350]  }
0x169: {  	v36 =	vld [tilespmem:s8+$0x4360];
	v23 =	vmul.f32 v16, v7;
	v24 =	vmul.f32 v17, v10  }
0x16a: {  	v38 =	vld [tilespmem:s8+$0x5300];
	v26 =	vmul.f32 v18, v13;
	v28 =	vmul.f32 v17, v11  }
0x16b: {  	v22 =	vld [tilespmem:s8+$0x4310];
	v17 =	vmul.f32 v17, v12;
	v31 =	vmul.f32 v20, v10  }
0x16c: {  	v25 =	vld [tilespmem:s8+$0x3320];
	v54 =	vmul.f32 v27, v10;
	v37 =	vmul.f32 v29, v7  }
0x16d: {  	v43 =	vld [tilespmem:s8+$0x5320];
	v39 =	vmul.f32 v30, v10;
	v40 =	vmul.f32 v32, v7  }
0x16e: {  	v55 =	vmul.f32 v33, v7;
	v42 =	vmul.f32 v34, v10  }
0x16f: {  	v45 =	vmul.f32 v36, v10;
	v56 =	vmul.f32 v38, v13  }
0x170: {  	v57 =	vmul.f32 v19, v8;
	v58 =	vmul.f32 v20, v11  }
0x171: {  	v46 =	vmul.f32 v21, v8;
	v60 =	vmul.f32 v22, v11  }
0x172: {  	v49 =	vld [tilespmem:s8+$0x5360];
	v48 =	vmul.f32 v43, v13;
	v61 =	vmul.f32 v25, v8  }
0x173: {  	v50 =	vmul.f32 v27, v11;
	v51 =	vmul.f32 v29, v8  }
0x174: {  	v63 =	vmul.f32 v30, v11;
	v20 =	vmul.f32 v20, v12  }
0x175: {  	v27 =	vmul.f32 v27, v12;
	v29 =	vmul.f32 v29, v9  }
0x176: {  	v30 =	vmul.f32 v30, v12;
	v23 =	vadd.f32 v24, v23;
	v24 =	vmul.f32 v16, v8  }
0x177: {  	v16 =	vmul.f32 v16, v9;
	v35 =	vadd.f32 v42, v55;
	v55 =	vmul.f32 v49, v13  }
0x178: {  	v42 =	vld [tilespmem:s8+$0x5340];
	v23 =	vadd.f32 v26, v23;
	v24 =	vadd.f32 v28, v24;
	v26 =	vmul.f32 v18, v14  }
0x179: {  	v28 =	vmul.f32 v19, v7;
	v16 =	vadd.f32 v17, v16;
	v18 =	vmul.f32 v18, v6  }
0x17a: {  	v19 =	vmul.f32 v19, v9;
	v23 =	vadd.f32 v23, v15;
	v24 =	vadd.f32 v26, v24  }
0x17b: {  	v26 =	vadd.f32 v31, v28;
	v28 =	vmul.f32 v21, v7;
	v31 =	vmul.f32 v22, v10  }
0x17c: {  	v17 =	vld [tilespmem:s8+$0x4340];
	v16 =	vadd.f32 v18, v16;
	v21 =	vmul.f32 v21, v9;
	v22 =	vmul.f32 v22, v12  }
0x17d: {  	v19 =	vadd.f32 v20, v19;
	v52 =	vmul.f32 v42, v13;
	v23 =	vmax.f32 v23, $0.0e+00  }
0x17e: {  	v24 =	vadd.f32 v24, v4;
	v18 =	vadd.f32 v31, v28;
	v28 =	vmul.f32 v25, v7  }
0x17f: {  	v26 =	vadd.f32 v56, v26;
	v56 =	vmul.f32 v36, v11;
	v25 =	vmul.f32 v25, v9  }
0x180: {  	v36 =	vmul.f32 v36, v12;
	v20 =	vadd.f32 v22, v21;
	v21 =	vmul.f32 v43, v6  }
0x181: {  	v16 =	vadd.f32 v16, v2;
	v23 =	vmul.f32 v23, v5;
	v41 =	vmul.f32 v17, v10  }
0x182: {  	v53 =	vmul.f32 v17, v11;
	v17 =	vmul.f32 v17, v12  }
0x183: {  	v24 =	vmax.f32 v24, $0.0e+00;
	v16 =	vmax.f32 v16, $0.0e+00;
	v28 =	vadd.f32 v54, v28  }
0x184: {  	v31 =	vld [tilespmem:s8+$0x3360];
	v54 =	vmul.f32 v33, v8;
	v26 =	vadd.f32 v26, v15;
	v22 =	vadd.f32 v27, v25  }
0x185: {  	v33 =	vmul.f32 v33, v9;
	v25 =	vadd.f32 v30, v29;
	v23 =	vadd.f32 v23, v3  }
0x186: {  	v24 =	vmul.f32 v24, v1;
	v28 =	vadd.f32 v48, v28;
	v48 =	vmul.f32 v32, v8  }
0x187: {  	v47 =	vld [tilespmem:s8+$0x5350];
	v29 =	vmul.f32 v42, v6;
	v32 =	vmul.f32 v32, v9;
	v21 =	vadd.f32 v21, v22  }
0x188: {  	v16 =	vmul.f32 v16, v0;
	v23 =	vadd.f32 v23, v24;
	v48 =	vadd.f32 v53, v48  }
0x189: {  	v44 =	vmul.f32 v31, v7;
	v28 =	vadd.f32 v28, v15;
	v17 =	vadd.f32 v17, v32  }
0x18a: {  	v26 =	vmax.f32 v26, $0.0e+00;
	v16 =	vadd.f32 v23, v16;
	v23 =	vadd.f32 v39, v37  }
0x18b: {  	v26 =	vmul.f32 v26, v5;
	v37 =	vadd.f32 v41, v40;
	v41 =	vadd.f32 v45, v44  }
0x18c: {  	v45 =	vadd.f32 v60, v46;
	v60 =	vmul.f32 v47, v13;
	v40 =	vadd.f32 v50, v61  }
0x18d: {  	v61 =	vmul.f32 v34, v11;
	v46 =	vadd.f32 v63, v51;
	v63 =	vmul.f32 v38, v14  }
0x18e: {  	v24 =	vld [tilespmem:s8+$0x5310];
	v44 =	vadd.f32 v58, v57;
	v34 =	vmul.f32 v34, v12;
	v57 =	vmul.f32 v49, v14  }
0x18f: {  	v38 =	vmul.f32 v38, v6;
	v28 =	vmax.f32 v28, $0.0e+00;
	v17 =	vadd.f32 v29, v17  }
0x190: {  	v16 =	vmax.f32 v16, $0.0e+00;
	v37 =	vadd.f32 v52, v37;
	v35 =	vadd.f32 v60, v35  }
0x191: {  	v41 =	vadd.f32 v55, v41;
	v50 =	vadd.f32 v61, v54;
	v60 =	vmul.f32 v43, v14  }
0x192: {  	v39 =	vld [tilespmem:s8+$0x5330];
	v44 =	vadd.f32 v63, v44;
	v63 =	vmul.f32 v47, v14;
	v30 =	vadd.f32 v34, v33  }
0x193: {  	v19 =	vadd.f32 v38, v19;
	v28 =	vmul.f32 v28, v5;
	v59 =	vmul.f32 v24, v13  }
0x194: {  	v53 =	vmul.f32 v24, v14;
	v37 =	vadd.f32 v37, v15;
	v35 =	vadd.f32 v35, v15  }
0x195: {  	v24 =	vmul.f32 v24, v6;
	v41 =	vadd.f32 v41, v15;
	v40 =	vadd.f32 v60, v40  }
0x196: {  	v50 =	vadd.f32 v63, v50;
	v60 =	vmul.f32 v49, v6;
	v54 =	vadd.f32 v19, v2  }
0x197: {  	v18 =	vadd.f32 v59, v18;
	v62 =	vmul.f32 v39, v13;
	v61 =	vmul.f32 v39, v14  }
0x198: {  	v45 =	vadd.f32 v53, v45;
	v27 =	vmul.f32 v39, v6;
	v59 =	vmul.f32 v47, v6  }
0x199: {  	v20 =	vadd.f32 v24, v20;
	v35 =	vmax.f32 v35, $0.0e+00;
	v40 =	vadd.f32 v40, v4  }
0x19a: {  	v23 =	vadd.f32 v62, v23;
	v62 =	vmul.f32 v31, v8;
	v18 =	vadd.f32 v18, v15  }
0x19b: {  	v31 =	vmul.f32 v31, v9;
	v46 =	vadd.f32 v61, v46;
	v61 =	vmax.f32 v37, $0.0e+00  }
0x19c: {  	v63 =	vadd.f32 v45, v4;
	v45 =	vmax.f32 v41, $0.0e+00;
	v29 =	vmul.f32 v35, v5  }
0x19d: {  	v24 =	vmul.f32 v61, v5;
	v51 =	vmax.f32 v40, $0.0e+00;
	v61 =	vadd.f32 v26, v3  }
0x19e: {  	v52 =	vadd.f32 v56, v62;
	v23 =	vadd.f32 v23, v15;
	v62 =	vmul.f32 v42, v14  }
0x19f: {  	v31 =	vadd.f32 v36, v31;
	v18 =	vmax.f32 v18, $0.0e+00;
	v46 =	vadd.f32 v46, v4  }
0x1a0: {  	v18 =	vmul.f32 v18, v5;
	v24 =	vadd.f32 v24, v3;
	v48 =	vadd.f32 v62, v48  }
0x1a1: {  	v58 =	vadd.f32 v57, v52;
	v23 =	vmax.f32 v23, $0.0e+00;
	v62 =	vadd.f32 v44, v4  }
0x1a2: {  	v57 =	vadd.f32 v21, v2;
	v22 =	vmul.f32 v23, v5;
	v23 =	vadd.f32 v27, v25  }
0x1a3: {  	v52 =	vmax.f32 v46, $0.0e+00;
	v25 =	vadd.f32 v59, v30;
	v27 =	vadd.f32 v60, v31  }
0x1a4: {  	v31 =	vmax.f32 v63, $0.0e+00;
	v19 =	vmul.f32 v52, v1;
	v47 =	vadd.f32 v48, v4  }
0x1a5: {  	v63 =	vmax.f32 v54, $0.0e+00;
	v48 =	vadd.f32 v50, v4;
	v49 =	vadd.f32 v58, v4  }
0x1a6: {  	v30 =	vmax.f32 v62, $0.0e+00;
	v50 =	vmul.f32 v45, v5;
	v31 =	vmul.f32 v31, v1  }
0x1a7: {  	v58 =	vadd.f32 v17, v2;
	v17 =	vmul.f32 v51, v1;
	v62 =	vadd.f32 v18, v3  }
0x1a8: {  	v56 =	vmul.f32 v30, v1;
	v30 =	vadd.f32 v20, v2;
	v23 =	vadd.f32 v23, v2  }
0x1a9: {  	v32 =	vmax.f32 v57, $0.0e+00;
	v59 =	vadd.f32 v25, v2;
	v60 =	vadd.f32 v27, v2  }
0x1aa: {  	v33 =	vmul.f32 v63, v0;
	v27 =	vadd.f32 v28, v3;
	v25 =	vadd.f32 v22, v3  }
0x1ab: {  	v22 =	vadd.f32 v29, v3;
	v53 =	vmax.f32 v47, $0.0e+00;
	v55 =	vmax.f32 v48, $0.0e+00  }
0x1ac: {  	v38 =	vmax.f32 v49, $0.0e+00;
	v18 =	vadd.f32 v50, v3;
	v20 =	vmul.f32 v53, v1  }
0x1ad: {  	v31 =	vadd.f32 v62, v31;
	v26 =	vmul.f32 v55, v1;
	v21 =	vmul.f32 v38, v1  }
0x1ae: {  	v34 =	vmax.f32 v30, $0.0e+00;
	v29 =	vmax.f32 v23, $0.0e+00;
	v30 =	vmax.f32 v58, $0.0e+00  }
0x1af: {  	s10 =	simm.s32 $0x200;
	s3 =	simm.s32 $0x0;
	[tilespmem:s8+$0x6370] =	vst v16;
	v28 =	vmax.f32 v59, $0.0e+00;
	v23 =	vmax.f32 v60, $0.0e+00;
	v16 =	vadd.f32 v61, v56  }
.LBB2_5:
0x1b0: {  	s11 =	sshra.s32 s10, $0x2;
	v34 =	vmul.f32 v34, v0;
	v17 =	vadd.f32 v27, v17;
	v19 =	vadd.f32 v25, v19  }
0x1b1: {  	s3 =	sadd.s32 $0x4, s3;
	v27 =	vmul.f32 v32, v0;
	v20 =	vadd.f32 v24, v20;
	v22 =	vadd.f32 v22, v26;
	v25 =	vld [tilespmem:s11+$0x3370]  }
0x1b2: {  	v26 =	vmul.f32 v29, v0;
	v29 =	vmul.f32 v30, v0;
	v21 =	vadd.f32 v18, v21;
	p0 =	slt.u32 s3, $0x7C;
	v24 =	vld [tilespmem:s11+$0x4370]  }
0x1b3: {  	v28 =	vmul.f32 v28, v0;
	v23 =	vmul.f32 v23, v0;
	v18 =	vadd.f32 v16, v33;
	v30 =	vld [tilespmem:s11+$0x5370]  }
0x1b4: {  	v31 =	vadd.f32 v31, v34;
	v27 =	vadd.f32 v17, v27;
	v16 =	vld [tilespmem:s11+$0x3300]  }
0x1b5: {  	v26 =	vadd.f32 v19, v26;
	v29 =	vadd.f32 v20, v29;
	v32 =	vmax.f32 v18, $0.0e+00;
	v17 =	vld [tilespmem:s11+$0x4300]  }
0x1b6: {  	v28 =	vadd.f32 v22, v28;
	v20 =	vmax.f32 v31, $0.0e+00;
	v31 =	vadd.f32 v21, v23;
	v18 =	vld [tilespmem:s11+$0x3310];
	[tilespmem:s8+$0x6300] =	vst v32  }
0x1b7: {  	v21 =	vmax.f32 v27, $0.0e+00;
	v22 =	vmul.f32 v25, v7;
	v19 =	vld [tilespmem:s11+$0x4310];
	v23 =	vmul.f32 v24, v10;
	[tilespmem:s8+$0x6310] =	vst v20  }
0x1b8: {  	v26 =	vmax.f32 v26, $0.0e+00;
	v29 =	vmax.f32 v29, $0.0e+00;
	v20 =	vld [tilespmem:s11+$0x3320];
	v27 =	vmul.f32 v30, v13;
	[tilespmem:s8+$0x6320] =	vst v21  }
0x1b9: {  	v33 =	vmul.f32 v25, v8;
	v34 =	vmul.f32 v24, v11;
	v21 =	vld [tilespmem:s11+$0x4320];
	v32 =	vadd.f32 v23, v22;
	[tilespmem:s8+$0x6330] =	vst v26  }
0x1ba: {  	v25 =	vmul.f32 v25, v9;
	v26 =	vmul.f32 v24, v12;
	v24 =	vmax.f32 v28, $0.0e+00;
	v22 =	vld [tilespmem:s11+$0x3330];
	[tilespmem:s8+$0x6340] =	vst v29  }
0x1bb: {  	v28 =	vadd.f32 v34, v33;
	v29 =	vmul.f32 v30, v14;
	v23 =	vld [tilespmem:s11+$0x4330];
	v27 =	vadd.f32 v27, v32;
	[tilespmem:s8+$0x6350] =	vst v24  }
0x1bc: {  	v33 =	vmul.f32 v17, v10;
	v32 =	vmul.f32 v16, v7;
	v34 =	vadd.f32 v26, v25;
	v24 =	vld [tilespmem:s11+$0x3340]  }
0x1bd: {  	v28 =	vadd.f32 v29, v28;
	v29 =	vmul.f32 v30, v6;
	v25 =	vld [tilespmem:s11+$0x4340];
	v35 =	vadd.f32 v27, v15  }
0x1be: {  	v30 =	vadd.f32 v33, v32;
	v32 =	vmul.f32 v18, v7;
	v33 =	vmul.f32 v19, v10;
	v26 =	vld [tilespmem:s11+$0x3350]  }
0x1bf: {  	v28 =	vadd.f32 v28, v4;
	v29 =	vadd.f32 v29, v34;
	v27 =	vld [tilespmem:s11+$0x4350];
	v35 =	vmax.f32 v35, $0.0e+00  }
0x1c0: {  	v32 =	vadd.f32 v33, v32;
	v33 =	vmul.f32 v20, v7;
	v34 =	vld [tilespmem:s11+$0x3360];
	v35 =	vmul.f32 v35, v5  }
0x1c1: {  	v36 =	vmul.f32 v21, v10;
	v28 =	vmax.f32 v28, $0.0e+00;
	v29 =	vadd.f32 v29, v2;
	v37 =	vld [tilespmem:s11+$0x4360]  }
0x1c2: {  	v39 =	vmul.f32 v22, v7;
	v28 =	vmul.f32 v28, v1;
	v38 =	vld [tilespmem:s11+$0x5300];
	v35 =	vadd.f32 v35, v3  }
0x1c3: {  	v41 =	vmul.f32 v23, v10;
	v42 =	vmul.f32 v24, v7;
	v29 =	vmax.f32 v29, $0.0e+00;
	v40 =	vld [tilespmem:s11+$0x5310]  }
0x1c4: {  	v44 =	vmul.f32 v25, v10;
	v29 =	vmul.f32 v29, v0;
	v43 =	vld [tilespmem:s11+$0x5320];
	v28 =	vadd.f32 v35, v28  }
0x1c5: {  	v33 =	vadd.f32 v36, v33;
	v36 =	vmul.f32 v26, v7;
	v45 =	vmul.f32 v27, v10;
	v35 =	vld [tilespmem:s11+$0x5330]  }
0x1c6: {  	v47 =	vmul.f32 v34, v7;
	v46 =	vld [tilespmem:s11+$0x5340];
	v48 =	vmul.f32 v37, v10;
	v28 =	vadd.f32 v28, v29  }
0x1c7: {  	v39 =	vadd.f32 v41, v39;
	v41 =	vadd.f32 v44, v42;
	v29 =	vmul.f32 v38, v13;
	v42 =	vld [tilespmem:s11+$0x5350]  }
0x1c8: {  	v36 =	vadd.f32 v45, v36;
	v44 =	vld [tilespmem:s11+$0x5360];
	v45 =	vadd.f32 v48, v47;
	v28 =	vmax.f32 v28, $0.0e+00  }
0x1c9: {  	v47 =	vmul.f32 v17, v11;
	v29 =	vadd.f32 v29, v30;
	v30 =	vmul.f32 v16, v8;
	[tilespmem:s11+$0x6370] =	vst v28  }
0x1ca: {  	v31 =	vmax.f32 v31, $0.0e+00;
	v48 =	vmul.f32 v18, v8;
	v28 =	vmul.f32 v40, v13  }
0x1cb: {  	v49 =	vmul.f32 v43, v13;
	v30 =	vadd.f32 v47, v30;
	v47 =	vmul.f32 v19, v11;
	[tilespmem:s8+$0x6360] =	vst v31;
	s8 =	smov.u32 s11  }
0x1cc: {  	v28 =	vadd.f32 v28, v32;
	v31 =	vmul.f32 v20, v8;
	v32 =	vmul.f32 v21, v11  }
0x1cd: {  	v50 =	vmul.f32 v22, v8;
	v33 =	vadd.f32 v49, v33;
	v49 =	vmul.f32 v35, v13  }
0x1ce: {  	v51 =	vmul.f32 v46, v13;
	v47 =	vadd.f32 v47, v48;
	v48 =	vmul.f32 v23, v11  }
0x1cf: {  	v52 =	vmul.f32 v25, v11;
	v39 =	vadd.f32 v49, v39;
	v49 =	vmul.f32 v24, v8  }
0x1d0: {  	v53 =	vmul.f32 v26, v8;
	v41 =	vadd.f32 v51, v41;
	v51 =	vmul.f32 v42, v13  }
0x1d1: {  	v31 =	vadd.f32 v32, v31;
	v32 =	vmul.f32 v27, v11;
	v54 =	vmul.f32 v44, v13  }
0x1d2: {  	v55 =	vmul.f32 v37, v11;
	v36 =	vadd.f32 v51, v36;
	v51 =	vmul.f32 v34, v8  }
0x1d3: {  	v56 =	vmul.f32 v38, v14;
	v48 =	vadd.f32 v48, v50;
	v45 =	vadd.f32 v54, v45  }
0x1d4: {  	v16 =	vmul.f32 v16, v9;
	v49 =	vadd.f32 v52, v49;
	v32 =	vadd.f32 v32, v53  }
0x1d5: {  	v17 =	vmul.f32 v17, v12;
	v50 =	vmul.f32 v40, v14;
	v51 =	vadd.f32 v55, v51  }
0x1d6: {  	v18 =	vmul.f32 v18, v9;
	v29 =	vadd.f32 v29, v15;
	v19 =	vmul.f32 v19, v12  }
0x1d7: {  	v20 =	vmul.f32 v20, v9;
	v28 =	vadd.f32 v28, v15;
	v52 =	vmul.f32 v43, v14  }
0x1d8: {  	v21 =	vmul.f32 v21, v12;
	v33 =	vadd.f32 v33, v15;
	v53 =	vmul.f32 v35, v14  }
0x1d9: {  	v22 =	vmul.f32 v22, v9;
	v23 =	vmul.f32 v23, v12;
	v39 =	vadd.f32 v39, v15  }
0x1da: {  	v24 =	vmul.f32 v24, v9;
	v41 =	vadd.f32 v41, v15;
	v54 =	vmul.f32 v46, v14  }
0x1db: {  	v25 =	vmul.f32 v25, v12;
	v36 =	vadd.f32 v36, v15;
	v55 =	vmul.f32 v42, v14  }
0x1dc: {  	v26 =	vmul.f32 v26, v9;
	v27 =	vmul.f32 v27, v12;
	v45 =	vadd.f32 v45, v15  }
0x1dd: {  	v30 =	vadd.f32 v56, v30;
	v56 =	vmul.f32 v44, v14;
	v34 =	vmul.f32 v34, v9  }
0x1de: {  	v37 =	vmul.f32 v37, v12;
	v47 =	vadd.f32 v50, v47;
	v31 =	vadd.f32 v52, v31  }
0x1df: {  	v38 =	vmul.f32 v38, v6;
	v48 =	vadd.f32 v53, v48;
	v49 =	vadd.f32 v54, v49  }
0x1e0: {  	v40 =	vmul.f32 v40, v6;
	v32 =	vadd.f32 v55, v32;
	v50 =	vadd.f32 v56, v51  }
0x1e1: {  	v16 =	vadd.f32 v17, v16;
	v17 =	vadd.f32 v19, v18;
	v18 =	vmul.f32 v43, v6  }
0x1e2: {  	v19 =	vadd.f32 v21, v20;
	v21 =	vmul.f32 v35, v6;
	v20 =	vadd.f32 v23, v22  }
0x1e3: {  	v22 =	vadd.f32 v25, v24;
	v23 =	vmul.f32 v46, v6;
	v24 =	vadd.f32 v27, v26  }
0x1e4: {  	v25 =	vmul.f32 v42, v6;
	v27 =	vmul.f32 v44, v6;
	v26 =	vadd.f32 v37, v34  }
0x1e5: {  	v29 =	vmax.f32 v29, $0.0e+00;
	v28 =	vmax.f32 v28, $0.0e+00;
	v33 =	vmax.f32 v33, $0.0e+00  }
0x1e6: {  	v34 =	vmax.f32 v39, $0.0e+00;
	v35 =	vmax.f32 v41, $0.0e+00;
	v36 =	vmax.f32 v36, $0.0e+00  }
0x1e7: {  	v30 =	vadd.f32 v30, v4;
	v37 =	vadd.f32 v47, v4;
	v39 =	vmax.f32 v45, $0.0e+00  }
0x1e8: {  	v29 =	vmul.f32 v29, v5;
	v31 =	vadd.f32 v31, v4;
	v41 =	vadd.f32 v48, v4  }
0x1e9: {  	v28 =	vmul.f32 v28, v5;
	v42 =	vadd.f32 v49, v4;
	v32 =	vadd.f32 v32, v4  }
0x1ea: {  	v16 =	vadd.f32 v38, v16;
	v33 =	vmul.f32 v33, v5;
	v38 =	vadd.f32 v50, v4  }
0x1eb: {  	v18 =	vadd.f32 v18, v19;
	v17 =	vadd.f32 v40, v17;
	v34 =	vmul.f32 v34, v5  }
0x1ec: {  	v19 =	vadd.f32 v21, v20;
	v20 =	vadd.f32 v23, v22;
	v21 =	vmul.f32 v35, v5  }
0x1ed: {  	v23 =	vadd.f32 v25, v24;
	v24 =	vadd.f32 v27, v26;
	v22 =	vmul.f32 v36, v5  }
0x1ee: {  	v25 =	vmax.f32 v30, $0.0e+00;
	v30 =	vmul.f32 v39, v5;
	v26 =	vmax.f32 v37, $0.0e+00  }
0x1ef: {  	v27 =	vmax.f32 v31, $0.0e+00;
	v31 =	vmax.f32 v41, $0.0e+00;
	v35 =	vmax.f32 v42, $0.0e+00  }
0x1f0: {  	v16 =	vadd.f32 v16, v2;
	v32 =	vmax.f32 v32, $0.0e+00;
	v36 =	vmax.f32 v38, $0.0e+00  }
0x1f1: {  	v39 =	vadd.f32 v18, v2;
	v37 =	vmul.f32 v25, v1;
	v38 =	vadd.f32 v17, v2  }
0x1f2: {  	v41 =	vadd.f32 v19, v2;
	v42 =	vadd.f32 v20, v2;
	v40 =	vmul.f32 v26, v1  }
0x1f3: {  	v23 =	vadd.f32 v23, v2;
	v43 =	vadd.f32 v24, v2;
	v17 =	vmul.f32 v27, v1  }
0x1f4: {  	v44 =	vadd.f32 v29, v3;
	v45 =	vadd.f32 v28, v3;
	v19 =	vmul.f32 v31, v1  }
0x1f5: {  	v25 =	vadd.f32 v34, v3;
	v20 =	vmul.f32 v35, v1;
	v27 =	vadd.f32 v33, v3  }
.Ltmp1:
0x1f6: {  	v24 =	vadd.f32 v21, v3;
	v22 =	vadd.f32 v22, v3;
	v26 =	vmul.f32 v32, v1;
	(pc) =	sbr.rel @p0 .LBB2_5-.Ltmp1, $4  }
0x1f7: {  	v31 =	vmax.f32 v16, $0.0e+00;
	v18 =	vadd.f32 v30, v3;
	v21 =	vmul.f32 v36, v1  }
0x1f8: {  	v29 =	vmax.f32 v41, $0.0e+00;
	v32 =	vmax.f32 v39, $0.0e+00;
	v34 =	vmax.f32 v38, $0.0e+00  }
0x1f9: {  	v28 =	vmax.f32 v23, $0.0e+00;
	v30 =	vmax.f32 v42, $0.0e+00;
	v23 =	vmax.f32 v43, $0.0e+00  }
0x1fa: {  	s10 =	sadd.s32 $0x200, s10;
	v16 =	vadd.f32 v44, v37;
	v33 =	vmul.f32 v31, v0;
	v31 =	vadd.f32 v45, v40  }
0x1fb: {  	v17 =	vadd.f32 v27, v17  }
0x1fc: {  	v58 =	vmul.f32 v34, v0;
	v19 =	vadd.f32 v25, v19;
	v20 =	vadd.f32 v24, v20  }
0x1fd: {  	v59 =	vmul.f32 v32, v0;
	v61 =	vmul.f32 v30, v0;
	v16 =	vadd.f32 v16, v33  }
0x1fe: {  	v22 =	vadd.f32 v22, v26;
	v60 =	vmul.f32 v29, v0;
	v27 =	vadd.f32 v31, v58  }
0x1ff: {  	v18 =	vadd.f32 v18, v21;
	v20 =	vadd.f32 v20, v61;
	v16 =	vmax.f32 v16, $0.0e+00  }
0x200: {  	v62 =	vmul.f32 v28, v0;
	v17 =	vadd.f32 v17, v59;
	[tilespmem:s8+$0x6300] =	vst v16;
	v16 =	vmax.f32 v27, $0.0e+00  }
0x201: {  	v23 =	vmul.f32 v23, v0;
	s3 =	smul.u32 $0xC80, s6;
	v19 =	vadd.f32 v19, v60;
	v63 =	vmax.f32 v20, $0.0e+00;
	[tilespmem:s8+$0x6310] =	vst v16  }
0x202: {  	s31 =	sshll.u32 s12, $0x7;
	v16 =	vmax.f32 v17, $0.0e+00;
	v17 =	vadd.f32 v22, v62;
	[tilespmem:s8+$0x6340] =	vst v63  }
0x203: {  	s0 =	sshll.u32 s0, $0x5;
	v18 =	vadd.f32 v18, v23;
	s3 =	sadd.s32 s31, s3;
	[tilespmem:s8+$0x6320] =	vst v16;
	v16 =	vmax.f32 v19, $0.0e+00  }
0x204: {  	s1 =	sadd.s32 $0x1, s1;
	s0 =	sor.u32 s0, s3;
	[tilespmem:s8+$0x6330] =	vst v16;
	v16 =	vmax.f32 v17, $0.0e+00  }
0x205: {  	p0 =	sne.s32 s1, $0xC;
	s0 =	sshrl.u32 s0, $0x3;
	[tilespmem:s8+$0x6350] =	vst v16;
	v16 =	vmax.f32 v18, $0.0e+00  }
.Ltmp2:
0x206: {  	s0 =	sadd.s32 s7, s0;
	[tilespmem:s8+$0x6360] =	vst v16;
	(pc) =	sbr.rel @p0 .LBB2_2-.Ltmp2, $4  }
0x207: {  	[hbm4b:s0+s26] =	stream.strided.scatter [tilespmem:s29], [sflag:$0x3], $0x1000, s28, s26, $0x38;
	[tilespmem:$0x7400] =	vst v63  }
0x208: {  	_ =	swait.ge [sflag:s13], $0x1000  }
0x209: {  	[sflag:s13] =	ssyncset.done $0x0  }
0x20a: {  	[sflag:s13] =	ssyncadd.s32 $0xFFFFF000  }
0x20b: {  	_ =	swait.ge [sflag:s9], $0x1000  }
0x20c: {  	[sflag:s9] =	ssyncset.done $0x0  }
0x20d: {  	[sflag:s9] =	ssyncadd.s32 $0xFFFFF000  }
0x20e: {  	_ =	swait.ge [sflag:s9], $0x1000  }
0x20f: {  	[sflag:s9] =	ssyncset.done $0x0  }
0x210: {  	[sflag:s9] =	ssyncadd.s32 $0xFFFFF000  }
0x211: {  	_ =	swait.ge [sflag:s9], $0x1000  }
0x212: {  	[sflag:s9] =	ssyncset.done $0x0  }
0x213: {  	s1 =	simm.s32 $0x1340;
	[sflag:s9] =	ssyncadd.s32 $0xFFFFF000  }
0x214: {  	v16 =	vld [tilespmem:s1+$0xFFFFF020]  }
0x215: {  	v17 =	vld [tilespmem:s1+$0x20]  }
0x216: {  	v18 =	vld [tilespmem:s1+$0x1020]  }
0x217: {  	v19 =	vld [tilespmem:s1+$0xFFFFFFC0]  }
0x218: {  	v20 =	vld [tilespmem:s1+$0xFFFFEFE0]  }
0x219: {  	v23 =	vld [tilespmem:s1+$0xFFFFFFE0];
	_ =	sdelay $0x1  }
0x21a: {  	s3 =	simm.s32 $0x13C0;
	v32 =	vld [tilespmem:s1+$0x1000];
	v21 =	vmul.f32 v16, v7;
	v22 =	vmul.f32 v17, v10  }
0x21b: {  	v52 =	vld [tilespmem:s3+$0x1020];
	v24 =	vmul.f32 v18, v13;
	v26 =	vmul.f32 v17, v11  }
0x21c: {  	v54 =	vld [tilespmem:s3+$0xFFFFEFC0];
	v17 =	vmul.f32 v17, v12;
	v28 =	vmul.f32 v19, v10  }
0x21d: {  	v37 =	vld [tilespmem:s3+$0xFFFFF000];
	v29 =	vmul.f32 v20, v7;
	v30 =	vmul.f32 v23, v10  }
0x21e: {  	v33 =	vmul.f32 v20, v8;
	v34 =	vmul.f32 v23, v11  }
0x21f: {  	v20 =	vmul.f32 v20, v9;
	v23 =	vmul.f32 v23, v12  }
0x220: {  	v41 =	vmul.f32 v32, v14;
	v53 =	vmul.f32 v52, v13  }
0x221: {  	v25 =	vld [tilespmem:s1+$0xFFFFEFC0];
	v40 =	vmul.f32 v54, v7;
	v21 =	vadd.f32 v22, v21;
	v22 =	vmul.f32 v16, v8  }
0x222: {  	v51 =	vld [tilespmem:s3+$0xFFFFF020];
	v57 =	vmul.f32 v37, v7;
	v16 =	vmul.f32 v16, v9  }
0x223: {  	v27 =	vld [tilespmem:s1+$0xFFFFF000];
	v21 =	vadd.f32 v24, v21;
	v22 =	vadd.f32 v26, v22;
	v24 =	vmul.f32 v18, v14  }
0x224: {  	v29 =	vadd.f32 v30, v29;
	v26 =	vld [tilespmem:s1+$0x0];
	v16 =	vadd.f32 v17, v16;
	v18 =	vmul.f32 v18, v6  }
0x225: {  	v60 =	vmul.f32 v54, v8;
	v17 =	vadd.f32 v21, v15;
	v21 =	vadd.f32 v24, v22  }
0x226: {  	v33 =	vadd.f32 v34, v33;
	v22 =	vld [tilespmem:s1+$0xFC0];
	v24 =	vmul.f32 v25, v7;
	v16 =	vadd.f32 v18, v16  }
0x227: {  	v34 =	vmul.f32 v51, v9;
	v17 =	vmax.f32 v17, $0.0e+00;
	v21 =	vadd.f32 v21, v4  }
0x228: {  	v18 =	vld [tilespmem:s1+$0xFE0];
	v24 =	vadd.f32 v28, v24;
	v16 =	vadd.f32 v16, v2;
	v17 =	vmul.f32 v17, v5  }
0x229: {  	v28 =	vmul.f32 v27, v7;
	v31 =	vmul.f32 v26, v10;
	v21 =	vmax.f32 v21, $0.0e+00  }
0x22a: {  	v16 =	vmax.f32 v16, $0.0e+00;
	v17 =	vadd.f32 v17, v3;
	v21 =	vmul.f32 v21, v1  }
0x22b: {  	v30 =	vmul.f32 v22, v13;
	v28 =	vadd.f32 v31, v28;
	v31 =	vmul.f32 v25, v8  }
0x22c: {  	v16 =	vmul.f32 v16, v0;
	v35 =	vmul.f32 v22, v14  }
0x22d: {  	v17 =	vadd.f32 v17, v21;
	v21 =	vadd.f32 v30, v24;
	v30 =	vmul.f32 v18, v13  }
0x22e: {  	v20 =	vadd.f32 v23, v20;
	v22 =	vmul.f32 v22, v6;
	v24 =	vmul.f32 v19, v11  }
0x22f: {  	v19 =	vmul.f32 v19, v12;
	v16 =	vadd.f32 v17, v16;
	v17 =	vadd.f32 v30, v29  }
0x230: {  	v29 =	vmul.f32 v32, v13;
	v30 =	vmul.f32 v27, v8;
	v24 =	vadd.f32 v24, v31  }
0x231: {  	v31 =	vmul.f32 v26, v11;
	v21 =	vadd.f32 v21, v15;
	v27 =	vmul.f32 v27, v9  }
0x232: {  	v26 =	vmul.f32 v26, v12;
	v32 =	vmul.f32 v32, v6;
	v28 =	vadd.f32 v29, v28  }
0x233: {  	s0 =	simm.s32 $0x6340;
	v16 =	vmax.f32 v16, $0.0e+00;
	v17 =	vadd.f32 v17, v15;
	v24 =	vadd.f32 v35, v24  }
0x234: {  	[tilespmem:s0+$0x20] =	vst v16;
	v16 =	vmul.f32 v25, v9;
	v25 =	vadd.f32 v31, v30;
	v30 =	vmul.f32 v18, v14  }
0x235: {  	v26 =	vadd.f32 v26, v27;
	v21 =	vmax.f32 v21, $0.0e+00;
	v28 =	vadd.f32 v28, v15  }
0x236: {  	v18 =	vmul.f32 v18, v6;
	v29 =	vld [tilespmem:s1+$0xFFFFF030];
	v24 =	vadd.f32 v24, v4;
	v30 =	vadd.f32 v30, v33  }
0x237: {  	v21 =	vmul.f32 v21, v5;
	v31 =	vld [tilespmem:s1+$0x30];
	v16 =	vadd.f32 v19, v16;
	v19 =	vadd.f32 v41, v25  }
0x238: {  	v17 =	vmax.f32 v17, $0.0e+00;
	v18 =	vadd.f32 v18, v20;
	v20 =	vadd.f32 v32, v26  }
0x239: {  	v36 =	vld [tilespmem:s1+$0x1030];
	v17 =	vmul.f32 v17, v5;
	v21 =	vadd.f32 v21, v3;
	v28 =	vmax.f32 v28, $0.0e+00  }
0x23a: {  	v24 =	vmax.f32 v24, $0.0e+00;
	v30 =	vadd.f32 v30, v4;
	v16 =	vadd.f32 v22, v16  }
0x23b: {  	v19 =	vadd.f32 v19, v4;
	v24 =	vmul.f32 v24, v1;
	v18 =	vadd.f32 v18, v2  }
0x23c: {  	v20 =	vadd.f32 v20, v2;
	v23 =	vmul.f32 v29, v7;
	v25 =	vmul.f32 v31, v10  }
0x23d: {  	v17 =	vadd.f32 v17, v3;
	v27 =	vmul.f32 v29, v8;
	v42 =	vmul.f32 v31, v11  }
0x23e: {  	v43 =	vmul.f32 v36, v13;
	v16 =	vadd.f32 v16, v2;
	v26 =	vmax.f32 v30, $0.0e+00  }
0x23f: {  	v19 =	vmax.f32 v19, $0.0e+00;
	v21 =	vadd.f32 v21, v24;
	v18 =	vmax.f32 v18, $0.0e+00  }
0x240: {  	v26 =	vmul.f32 v26, v1;
	v19 =	vmul.f32 v19, v1;
	v23 =	vadd.f32 v25, v23  }
0x241: {  	v20 =	vmax.f32 v20, $0.0e+00;
	v25 =	vmul.f32 v29, v9;
	v29 =	vmul.f32 v31, v12  }
0x242: {  	v27 =	vadd.f32 v42, v27;
	v16 =	vmax.f32 v16, $0.0e+00;
	v23 =	vadd.f32 v43, v23  }
0x243: {  	v31 =	vmul.f32 v36, v14;
	v16 =	vmul.f32 v16, v0;
	v17 =	vadd.f32 v17, v26  }
0x244: {  	v18 =	vmul.f32 v18, v0;
	v25 =	vadd.f32 v29, v25;
	v23 =	vadd.f32 v23, v15  }
0x245: {  	v35 =	vld [tilespmem:s3+$0xFFFFFFE0];
	v27 =	vadd.f32 v31, v27;
	v29 =	vmul.f32 v36, v6;
	v16 =	vadd.f32 v21, v16  }
0x246: {  	v33 =	vld [tilespmem:s3+$0xFC0];
	v17 =	vadd.f32 v17, v18;
	v22 =	vmax.f32 v23, $0.0e+00;
	v23 =	vmul.f32 v28, v5  }
0x247: {  	v42 =	vld [tilespmem:s3+$0x1000];
	v27 =	vadd.f32 v27, v4;
	v21 =	vadd.f32 v29, v25;
	v16 =	vmax.f32 v16, $0.0e+00  }
0x248: {  	v36 =	vld [tilespmem:s3+$0x0];
	v17 =	vmax.f32 v17, $0.0e+00;
	[tilespmem:s0+$0xFFFFFFC0] =	vst v16;
	v18 =	vmul.f32 v22, v5;
	v23 =	vadd.f32 v23, v3  }
0x249: {  	v20 =	vmul.f32 v20, v0;
	v16 =	vadd.f32 v21, v2;
	[tilespmem:s0+$0xFFFFFFE0] =	vst v17;
	v22 =	vmax.f32 v27, $0.0e+00;
	v17 =	vld [tilespmem:s1+$0xFFFFFFD0]  }
0x24a: {  	v26 =	vld [tilespmem:s1+$0xFD0];
	v21 =	vmul.f32 v22, v1;
	v18 =	vadd.f32 v18, v3;
	v19 =	vadd.f32 v23, v19  }
0x24b: {  	v41 =	vmul.f32 v35, v10;
	v59 =	vmul.f32 v33, v13;
	v16 =	vmax.f32 v16, $0.0e+00  }
0x24c: {  	v22 =	vld [tilespmem:s1+$0xFFFFEFF0];
	v16 =	vmul.f32 v16, v0;
	v18 =	vadd.f32 v18, v21;
	v19 =	vadd.f32 v19, v20  }
0x24d: {  	v63 =	vmul.f32 v42, v13;
	v58 =	vmul.f32 v36, v10;
	v20 =	vld [tilespmem:s1+$0xFFFFEFD0]  }
0x24e: {  	v27 =	vmul.f32 v17, v10;
	v16 =	vadd.f32 v18, v16;
	v19 =	vmax.f32 v19, $0.0e+00  }
0x24f: {  	v28 =	vmul.f32 v17, v11;
	v47 =	vmul.f32 v26, v13;
	[tilespmem:s0+$0x0] =	vst v19;
	v19 =	vld [tilespmem:s1+$0xFFFFFFF0]  }
0x250: {  	v48 =	vmul.f32 v26, v14;
	v17 =	vmul.f32 v17, v12;
	v18 =	vmax.f32 v16, $0.0e+00;
	v16 =	vld [tilespmem:s1+$0xFF0]  }
0x251: {  	v26 =	vmul.f32 v26, v6;
	v29 =	vmul.f32 v22, v7;
	v21 =	vld [tilespmem:s1+$0xFFFFF010]  }
0x252: {  	v30 =	vmul.f32 v22, v8;
	v25 =	vld [tilespmem:s1+$0x10];
	v23 =	vmul.f32 v20, v7  }
0x253: {  	v22 =	vmul.f32 v22, v9;
	v44 =	vld [tilespmem:s1+$0x1010];
	v24 =	vmul.f32 v20, v8  }
0x254: {  	v20 =	vmul.f32 v20, v9;
	v23 =	vadd.f32 v27, v23;
	v27 =	vmul.f32 v19, v10  }
0x255: {  	v24 =	vadd.f32 v28, v24;
	v31 =	vmul.f32 v19, v11;
	v19 =	vmul.f32 v19, v12  }
0x256: {  	v17 =	vadd.f32 v17, v20;
	v20 =	vmul.f32 v16, v6;
	v28 =	vmul.f32 v21, v7  }
0x257: {  	v45 =	vmul.f32 v21, v8;
	v46 =	vmul.f32 v25, v11  }
0x258: {  	v49 =	vmul.f32 v44, v13;
	v50 =	vmul.f32 v44, v14  }
0x259: {  	v23 =	vadd.f32 v47, v23;
	v21 =	vmul.f32 v21, v9;
	v32 =	vmul.f32 v44, v6  }
0x25a: {  	v24 =	vadd.f32 v48, v24;
	v44 =	vmul.f32 v35, v11;
	v48 =	vmul.f32 v37, v8  }
0x25b: {  	v35 =	vmul.f32 v35, v12;
	v27 =	vadd.f32 v27, v29;
	v29 =	vmul.f32 v25, v10  }
0x25c: {  	v30 =	vadd.f32 v31, v30;
	v31 =	vmul.f32 v16, v13;
	v19 =	vadd.f32 v19, v22  }
0x25d: {  	v25 =	vmul.f32 v25, v12;
	v23 =	vadd.f32 v23, v15;
	v24 =	vadd.f32 v24, v4  }
0x25e: {  	v37 =	vmul.f32 v37, v9;
	v28 =	vadd.f32 v29, v28;
	v29 =	vadd.f32 v46, v45  }
0x25f: {  	v27 =	vadd.f32 v31, v27;
	v31 =	vmul.f32 v16, v14;
	v25 =	vadd.f32 v25, v21  }
0x260: {  	v21 =	vadd.f32 v26, v17;
	v20 =	vadd.f32 v20, v19;
	v45 =	vmul.f32 v33, v14  }
0x261: {  	v33 =	vmul.f32 v33, v6;
	v16 =	vmax.f32 v23, $0.0e+00;
	v28 =	vadd.f32 v49, v28  }
0x262: {  	v24 =	vmax.f32 v24, $0.0e+00;
	v27 =	vadd.f32 v27, v15;
	v30 =	vadd.f32 v31, v30;
	v31 =	vld [tilespmem:s3+$0x20]  }
0x263: {  	v29 =	vadd.f32 v50, v29;
	v16 =	vmul.f32 v16, v5;
	v49 =	vmul.f32 v36, v11  }
0x264: {  	v36 =	vmul.f32 v36, v12;
	v21 =	vadd.f32 v21, v2;
	v24 =	vmul.f32 v24, v1  }
0x265: {  	v20 =	vadd.f32 v20, v2;
	v28 =	vadd.f32 v28, v15;
	v22 =	vmax.f32 v27, $0.0e+00  }
0x266: {  	v27 =	vadd.f32 v30, v4;
	v17 =	vmul.f32 v22, v5;
	v22 =	vadd.f32 v29, v4  }
0x267: {  	v26 =	vld [tilespmem:s3+$0xFFFFEFE0];
	v29 =	vmul.f32 v51, v7;
	v23 =	vmax.f32 v28, $0.0e+00;
	v30 =	vmul.f32 v31, v10  }
0x268: {  	v50 =	vadd.f32 v49, v48;
	v19 =	vmul.f32 v23, v5;
	v23 =	vadd.f32 v32, v25  }
0x269: {  	v25 =	vadd.f32 v30, v29;
	v29 =	vmul.f32 v51, v8;
	v30 =	vmul.f32 v31, v11  }
0x26a: {  	v36 =	vadd.f32 v36, v37;
	v16 =	vadd.f32 v16, v3;
	v31 =	vmul.f32 v31, v12  }
0x26b: {  	v25 =	vadd.f32 v53, v25;
	v29 =	vadd.f32 v30, v29;
	v30 =	vmul.f32 v52, v14  }
0x26c: {  	v21 =	vmax.f32 v21, $0.0e+00;
	v39 =	vmul.f32 v26, v7;
	v31 =	vadd.f32 v31, v34  }
0x26d: {  	v28 =	vld [tilespmem:s3+$0xFFFFFFC0];
	v55 =	vadd.f32 v25, v15;
	v29 =	vadd.f32 v30, v29;
	v30 =	vmul.f32 v52, v6  }
0x26e: {  	v43 =	vmul.f32 v26, v8;
	v26 =	vmul.f32 v26, v9;
	v25 =	vmax.f32 v27, $0.0e+00  }
0x26f: {  	v27 =	vmax.f32 v55, $0.0e+00;
	v29 =	vadd.f32 v29, v4;
	v30 =	vadd.f32 v30, v31  }
0x270: {  	v16 =	vadd.f32 v16, v24;
	v39 =	vadd.f32 v41, v39;
	v27 =	vmul.f32 v27, v5  }
0x271: {  	v43 =	vadd.f32 v44, v43;
	v29 =	vmax.f32 v29, $0.0e+00;
	v30 =	vadd.f32 v30, v2  }
0x272: {  	v38 =	vmul.f32 v28, v10;
	v27 =	vadd.f32 v27, v3;
	v29 =	vmul.f32 v29, v1  }
0x273: {  	v26 =	vadd.f32 v35, v26;
	v61 =	vmul.f32 v28, v11;
	v30 =	vmax.f32 v30, $0.0e+00  }
0x274: {  	v56 =	vadd.f32 v38, v40;
	v31 =	vld [tilespmem:s3+$0xFE0];
	v27 =	vadd.f32 v27, v29;
	v29 =	vmul.f32 v30, v0  }
0x275: {  	v20 =	vmax.f32 v20, $0.0e+00;
	v38 =	vadd.f32 v58, v57;
	v34 =	vadd.f32 v61, v60  }
0x276: {  	v21 =	vmul.f32 v21, v0;
	v17 =	vadd.f32 v17, v3;
	v27 =	vadd.f32 v27, v29  }
0x277: {  	v22 =	vmax.f32 v22, $0.0e+00;
	v38 =	vadd.f32 v63, v38;
	v34 =	vadd.f32 v45, v34  }
0x278: {  	s1 =	simm.s32 $0x63C0;
	v28 =	vmul.f32 v28, v12;
	v58 =	vmul.f32 v42, v6;
	v27 =	vmax.f32 v27, $0.0e+00  }
0x279: {  	v38 =	vadd.f32 v38, v15;
	v34 =	vadd.f32 v34, v4;
	v62 =	vmul.f32 v31, v13;
	[tilespmem:s1+$0x20] =	vst v27  }
0x27a: {  	v55 =	vmul.f32 v42, v14;
	v30 =	vadd.f32 v59, v56;
	v52 =	vmul.f32 v31, v14;
	v51 =	vld [tilespmem:s3+$0xFFFFF030]  }
0x27b: {  	v38 =	vmax.f32 v38, $0.0e+00;
	v34 =	vmax.f32 v34, $0.0e+00;
	v29 =	vadd.f32 v62, v39;
	v53 =	vld [tilespmem:s3+$0x30]  }
0x27c: {  	v30 =	vadd.f32 v30, v15;
	v40 =	vadd.f32 v52, v43;
	v27 =	vmul.f32 v54, v9;
	v54 =	vld [tilespmem:s3+$0x1030]  }
0x27d: {  	v44 =	vmul.f32 v38, v5;
	v34 =	vmul.f32 v34, v1;
	v29 =	vadd.f32 v29, v15  }
0x27e: {  	v43 =	vadd.f32 v58, v36;
	v30 =	vmax.f32 v30, $0.0e+00;
	v40 =	vadd.f32 v40, v4  }
0x27f: {  	v49 =	vadd.f32 v44, v3;
	v30 =	vmul.f32 v30, v5;
	v29 =	vmax.f32 v29, $0.0e+00  }
0x280: {  	v46 =	vmax.f32 v40, $0.0e+00;
	v56 =	vmul.f32 v51, v7;
	v57 =	vmul.f32 v53, v10  }
0x281: {  	v27 =	vadd.f32 v28, v27;
	v28 =	vmul.f32 v31, v6;
	v59 =	vmul.f32 v54, v13  }
0x282: {  	v60 =	vmul.f32 v51, v8;
	v61 =	vmul.f32 v53, v11;
	v32 =	vadd.f32 v57, v56  }
0x283: {  	v31 =	vadd.f32 v55, v50;
	v39 =	vmul.f32 v51, v9;
	v41 =	vmul.f32 v53, v12  }
0x284: {  	v62 =	vmul.f32 v54, v14;
	v35 =	vadd.f32 v61, v60;
	v32 =	vadd.f32 v59, v32  }
0x285: {  	v29 =	vmul.f32 v29, v5;
	v30 =	vadd.f32 v30, v3;
	v39 =	vadd.f32 v41, v39  }
0x286: {  	v63 =	vmul.f32 v54, v6;
	v35 =	vadd.f32 v62, v35;
	v32 =	vadd.f32 v32, v15  }
0x287: {  	v47 =	vmul.f32 v46, v1;
	v27 =	vadd.f32 v33, v27;
	v26 =	vadd.f32 v28, v26  }
0x288: {  	v39 =	vadd.f32 v63, v39;
	v35 =	vadd.f32 v35, v4;
	v32 =	vmax.f32 v32, $0.0e+00  }
0x289: {  	v29 =	vadd.f32 v29, v3;
	v27 =	vadd.f32 v27, v2;
	v32 =	vmul.f32 v32, v5  }
0x28a: {  	v26 =	vadd.f32 v26, v2;
	v42 =	vadd.f32 v39, v2;
	v28 =	vmax.f32 v35, $0.0e+00  }
0x28b: {  	v30 =	vadd.f32 v30, v34;
	v28 =	vmul.f32 v28, v1;
	v32 =	vadd.f32 v32, v3  }
0x28c: {  	v27 =	vmax.f32 v27, $0.0e+00;
	v26 =	vmax.f32 v26, $0.0e+00;
	v33 =	vmax.f32 v42, $0.0e+00  }
0x28d: {  	v27 =	vmul.f32 v27, v0;
	v45 =	vmul.f32 v33, v0;
	v28 =	vadd.f32 v32, v28  }
0x28e: {  	v31 =	vadd.f32 v31, v4;
	v29 =	vadd.f32 v29, v47;
	v26 =	vmul.f32 v26, v0  }
0x28f: {  	v22 =	vmul.f32 v22, v1;
	v27 =	vadd.f32 v30, v27;
	v28 =	vadd.f32 v28, v45  }
0x290: {  	v48 =	vadd.f32 v43, v2;
	v31 =	vmax.f32 v31, $0.0e+00;
	v26 =	vadd.f32 v29, v26  }
0x291: {  	v27 =	vmax.f32 v27, $0.0e+00;
	v50 =	vmax.f32 v28, $0.0e+00;
	v28 =	vmul.f32 v31, v1  }
0x292: {  	v25 =	vmul.f32 v25, v1;
	v26 =	vmax.f32 v26, $0.0e+00;
	[tilespmem:s1+$0xFFFFFFC0] =	vst v27;
	v31 =	vmax.f32 v48, $0.0e+00  }
0x293: {  	v19 =	vadd.f32 v19, v3;
	[tilespmem:s1+$0xFFFFFFE0] =	vst v26;
	v29 =	vld [tilespmem:s3+$0xFFFFFFD0];
	v31 =	vmul.f32 v31, v0;
	v28 =	vadd.f32 v49, v28  }
0x294: {  	v20 =	vmul.f32 v20, v0;
	v23 =	vadd.f32 v23, v2;
	v17 =	vadd.f32 v17, v25;
	v30 =	vld [tilespmem:s3+$0xFFFFEFF0]  }
0x295: {  	v22 =	vadd.f32 v19, v22;
	v19 =	vld [tilespmem:s3+$0xFD0];
	v28 =	vadd.f32 v28, v31  }
0x296: {  	v21 =	vadd.f32 v16, v21;
	v16 =	vadd.f32 v17, v20;
	v20 =	vld [tilespmem:s3+$0xFF0]  }
0x297: {  	v23 =	vmax.f32 v23, $0.0e+00;
	v27 =	vmax.f32 v28, $0.0e+00;
	v28 =	vld [tilespmem:s3+$0xFFFFEFD0]  }
0x298: {  	v23 =	vmul.f32 v23, v0  }
0x299: {  	v31 =	vld [tilespmem:s3+$0xFFFFFFF0];
	[tilespmem:s1+$0x0] =	vst v27  }
0x29a: {  	v17 =	vadd.f32 v22, v23;
	v26 =	vmul.f32 v29, v10;
	v23 =	vmul.f32 v30, v7;
	v51 =	vld [tilespmem:s3+$0xFFFFF010]  }
0x29b: {  	v53 =	vmul.f32 v30, v8;
	v59 =	vmul.f32 v19, v13;
	v52 =	vld [tilespmem:s3+$0x10]  }
0x29c: {  	v60 =	vmul.f32 v20, v13;
	v24 =	vmul.f32 v28, v7  }
0x29d: {  	v54 =	vmax.f32 v21, $0.0e+00;
	v27 =	vmul.f32 v29, v11;
	v21 =	vld [tilespmem:s3+$0x1010];
	v25 =	vmul.f32 v28, v8  }
0x29e: {  	v32 =	vmul.f32 v20, v14;
	v55 =	vmul.f32 v31, v11;
	v26 =	vadd.f32 v26, v24  }
0x29f: {  	v24 =	vmul.f32 v31, v10;
	v22 =	vadd.f32 v27, v25;
	v27 =	vmul.f32 v51, v7  }
0x2a0: {  	v56 =	vmul.f32 v51, v8;
	v58 =	vmul.f32 v52, v11  }
0x2a1: {  	v25 =	vmul.f32 v19, v14;
	v57 =	vadd.f32 v24, v23;
	v23 =	vmul.f32 v52, v10  }
0x2a2: {  	v63 =	vmul.f32 v21, v13;
	v34 =	vmul.f32 v21, v14  }
0x2a3: {  	v33 =	vmul.f32 v51, v9;
	v24 =	vadd.f32 v55, v53;
	v61 =	vadd.f32 v23, v27  }
0x2a4: {  	v62 =	vadd.f32 v59, v26;
	v26 =	vmul.f32 v28, v9;
	v28 =	vmul.f32 v29, v12  }
0x2a5: {  	[tilespmem:s0+$0x30] =	vst v18;
	v29 =	vmul.f32 v31, v12;
	v39 =	vadd.f32 v60, v57;
	v31 =	vadd.f32 v63, v61  }
0x2a6: {  	[tilespmem:s0+$0xFFFFFFD0] =	vst v54;
	v35 =	vmul.f32 v52, v12;
	v23 =	vadd.f32 v58, v56;
	v18 =	vadd.f32 v62, v15  }
0x2a7: {  	s6 =	simm.s32 $0x4;
	s8 =	simm.s32 $0x1440;
	[tilespmem:s1+$0x30] =	vst v50;
	s3 =	simm.s32 $0x63C0;
	v27 =	vmul.f32 v30, v9;
	v30 =	vadd.f32 v39, v15;
	v31 =	vadd.f32 v31, v15  }
.LBB2_8:
0x2a8: {  	v36 =	vld [tilespmem:s8+$0xFFFFF020];
	v22 =	vadd.f32 v25, v22;
	v19 =	vmul.f32 v19, v6;
	v24 =	vadd.f32 v32, v24  }
0x2a9: {  	v26 =	vadd.f32 v28, v26;
	v20 =	vmul.f32 v20, v6;
	v28 =	vadd.f32 v34, v23;
	v25 =	vld [tilespmem:s8+$0x20]  }
0x2aa: {  	s6 =	sadd.s32 $0x4, s6;
	v27 =	vadd.f32 v29, v27;
	v29 =	vadd.f32 v35, v33;
	v33 =	vmul.f32 v21, v6;
	v32 =	vld [tilespmem:s8+$0x1020]  }
0x2ab: {  	v18 =	vmax.f32 v18, $0.0e+00;
	p0 =	slt.u32 s6, $0x7C;
	v21 =	vmax.f32 v30, $0.0e+00;
	v30 =	vmax.f32 v31, $0.0e+00;
	v34 =	vld [tilespmem:s8+$0xFFFFFFC0]  }
0x2ac: {  	v18 =	vmul.f32 v18, v5;
	v35 =	vadd.f32 v22, v4;
	v37 =	vadd.f32 v24, v4;
	v31 =	vld [tilespmem:s8+$0xFFFFEFE0]  }
0x2ad: {  	v23 =	vadd.f32 v19, v26;
	v19 =	vmul.f32 v21, v5;
	v24 =	vadd.f32 v28, v4;
	v38 =	vld [tilespmem:s8+$0xFFFFFFE0]  }
0x2ae: {  	v21 =	vadd.f32 v20, v27;
	v26 =	vmul.f32 v36, v7;
	v28 =	vld [tilespmem:s8+$0xFFFFF000];
	v39 =	vmul.f32 v25, v10  }
0x2af: {  	v20 =	vmul.f32 v30, v5;
	v22 =	vadd.f32 v33, v29;
	v27 =	vld [tilespmem:s8+$0x0];
	v40 =	vmul.f32 v32, v13  }
0x2b0: {  	v30 =	vmul.f32 v36, v8;
	v33 =	vmul.f32 v25, v11;
	v29 =	vld [tilespmem:s8+$0xFFFFEFC0];
	v26 =	vadd.f32 v39, v26  }
0x2b1: {  	v36 =	vmul.f32 v36, v9;
	v41 =	vmul.f32 v25, v12;
	v25 =	vmax.f32 v35, $0.0e+00;
	v39 =	vld [tilespmem:s8+$0xFC0]  }
0x2b2: {  	v30 =	vadd.f32 v33, v30;
	v33 =	vmul.f32 v32, v14;
	v35 =	vld [tilespmem:s8+$0xFE0];
	v26 =	vadd.f32 v40, v26  }
0x2b3: {  	v36 =	vadd.f32 v41, v36;
	v42 =	vmul.f32 v31, v7;
	v40 =	vmul.f32 v34, v10;
	v43 =	vld [tilespmem:s8+$0x1000]  }
0x2b4: {  	v32 =	vmul.f32 v32, v6;
	v30 =	vadd.f32 v33, v30;
	v41 =	vadd.f32 v26, v15  }
0x2b5: {  	v44 =	vmul.f32 v38, v10;
	v26 =	vmax.f32 v37, $0.0e+00;
	v33 =	vmul.f32 v29, v7  }
0x2b6: {  	v32 =	vadd.f32 v32, v36;
	v30 =	vadd.f32 v30, v4;
	v37 =	vmax.f32 v41, $0.0e+00  }
0x2b7: {  	v36 =	vmul.f32 v28, v7;
	v33 =	vadd.f32 v40, v33;
	v37 =	vmul.f32 v37, v5  }
0x2b8: {  	v32 =	vadd.f32 v32, v2;
	v30 =	vmax.f32 v30, $0.0e+00;
	v40 =	vmul.f32 v27, v10  }
0x2b9: {  	v41 =	vadd.f32 v44, v42;
	v30 =	vmul.f32 v30, v1;
	v37 =	vadd.f32 v37, v3  }
0x2ba: {  	v42 =	vmul.f32 v39, v13;
	v32 =	vmax.f32 v32, $0.0e+00;
	v36 =	vadd.f32 v40, v36  }
0x2bb: {  	v32 =	vmul.f32 v32, v0;
	v40 =	vmul.f32 v29, v8;
	v30 =	vadd.f32 v37, v30  }
0x2bc: {  	v33 =	vadd.f32 v42, v33;
	v42 =	vmul.f32 v35, v13;
	v37 =	vmul.f32 v34, v11  }
0x2bd: {  	v45 =	vmul.f32 v38, v11;
	v44 =	vmul.f32 v31, v8;
	v30 =	vadd.f32 v30, v32  }
0x2be: {  	v32 =	vadd.f32 v42, v41;
	v41 =	vmul.f32 v43, v13;
	v42 =	vmul.f32 v28, v8  }
0x2bf: {  	s1 =	sadd.s32 $0x80, s1;
	v37 =	vadd.f32 v37, v40;
	v40 =	vmul.f32 v27, v11;
	v30 =	vmax.f32 v30, $0.0e+00  }
0x2c0: {  	v46 =	vmul.f32 v39, v14;
	v44 =	vadd.f32 v45, v44;
	v36 =	vadd.f32 v41, v36;
	[tilespmem:s1+$0x20] =	vst v30  }
0x2c1: {  	v29 =	vmul.f32 v29, v9;
	v30 =	vmul.f32 v34, v12;
	v34 =	vadd.f32 v40, v42;
	v40 =	vld [tilespmem:s8+$0xFFFFF030]  }
0x2c2: {  	v31 =	vmul.f32 v31, v9;
	v33 =	vadd.f32 v33, v15;
	v41 =	vmul.f32 v35, v14;
	v42 =	vld [tilespmem:s8+$0x30]  }
0x2c3: {  	v38 =	vmul.f32 v38, v12;
	v45 =	vmul.f32 v43, v14;
	v32 =	vadd.f32 v32, v15;
	v47 =	vld [tilespmem:s8+$0x1030]  }
0x2c4: {  	v28 =	vmul.f32 v28, v9;
	v27 =	vmul.f32 v27, v12;
	v36 =	vadd.f32 v36, v15  }
0x2c5: {  	v39 =	vmul.f32 v39, v6;
	v37 =	vadd.f32 v46, v37;
	v41 =	vadd.f32 v41, v44  }
0x2c6: {  	v29 =	vadd.f32 v30, v29;
	v30 =	vmul.f32 v35, v6;
	v34 =	vadd.f32 v45, v34  }
0x2c7: {  	v31 =	vadd.f32 v38, v31;
	v35 =	vmul.f32 v40, v7;
	v38 =	vmul.f32 v42, v10  }
0x2c8: {  	v27 =	vadd.f32 v27, v28;
	v28 =	vmul.f32 v43, v6;
	v43 =	vmul.f32 v47, v13  }
0x2c9: {  	v44 =	vmul.f32 v42, v11;
	v35 =	vadd.f32 v38, v35;
	v38 =	vmul.f32 v40, v8  }
0x2ca: {  	v33 =	vmax.f32 v33, $0.0e+00;
	v42 =	vmul.f32 v42, v12;
	v40 =	vmul.f32 v40, v9  }
0x2cb: {  	v35 =	vadd.f32 v43, v35;
	v38 =	vadd.f32 v44, v38;
	v43 =	vmul.f32 v47, v14  }
0x2cc: {  	v32 =	vmax.f32 v32, $0.0e+00;
	v36 =	vmax.f32 v36, $0.0e+00;
	v40 =	vadd.f32 v42, v40  }
0x2cd: {  	v42 =	vmul.f32 v47, v6;
	v35 =	vadd.f32 v35, v15;
	v38 =	vadd.f32 v43, v38  }
0x2ce: {  	v33 =	vmul.f32 v33, v5;
	v37 =	vadd.f32 v37, v4;
	v41 =	vadd.f32 v41, v4  }
0x2cf: {  	v40 =	vadd.f32 v42, v40;
	v35 =	vmax.f32 v35, $0.0e+00;
	v38 =	vadd.f32 v38, v4  }
0x2d0: {  	v29 =	vadd.f32 v39, v29;
	v34 =	vadd.f32 v34, v4;
	v35 =	vmul.f32 v35, v5  }
0x2d1: {  	v30 =	vadd.f32 v30, v31;
	v31 =	vmax.f32 v38, $0.0e+00;
	v38 =	vadd.f32 v40, v2  }
0x2d2: {  	v27 =	vadd.f32 v28, v27;
	v28 =	vadd.f32 v35, v3;
	v31 =	vmul.f32 v31, v1  }
0x2d3: {  	v32 =	vmul.f32 v32, v5;
	v35 =	vmul.f32 v36, v5;
	v36 =	vmax.f32 v38, $0.0e+00  }
0x2d4: {  	v37 =	vmax.f32 v37, $0.0e+00;
	v28 =	vadd.f32 v28, v31;
	v31 =	vmul.f32 v36, v0  }
0x2d5: {  	v29 =	vadd.f32 v29, v2;
	v34 =	vmax.f32 v34, $0.0e+00;
	v36 =	vmax.f32 v41, $0.0e+00  }
0x2d6: {  	v37 =	vmul.f32 v37, v1;
	v30 =	vadd.f32 v30, v2;
	v28 =	vadd.f32 v28, v31  }
0x2d7: {  	v27 =	vadd.f32 v27, v2;
	v31 =	vadd.f32 v33, v3;
	v33 =	vmul.f32 v36, v1  }
0x2d8: {  	v32 =	vadd.f32 v32, v3;
	v35 =	vadd.f32 v35, v3;
	v28 =	vmax.f32 v28, $0.0e+00  }
0x2d9: {  	v34 =	vmul.f32 v34, v1;
	v29 =	vmax.f32 v29, $0.0e+00;
	v30 =	vmax.f32 v30, $0.0e+00;
	[tilespmem:s1+$0x30] =	vst v28  }
0x2da: {  	v27 =	vmax.f32 v27, $0.0e+00;
	v28 =	vadd.f32 v31, v37;
	v31 =	vadd.f32 v32, v33  }
0x2db: {  	v29 =	vmul.f32 v29, v0;
	v30 =	vmul.f32 v30, v0;
	v32 =	vadd.f32 v35, v34  }
0x2dc: {  	v23 =	vadd.f32 v23, v2;
	v24 =	vmax.f32 v24, $0.0e+00;
	v27 =	vmul.f32 v27, v0  }
0x2dd: {  	v25 =	vmul.f32 v25, v1;
	v28 =	vadd.f32 v28, v29;
	v29 =	vadd.f32 v31, v30  }
0x2de: {  	v21 =	vadd.f32 v21, v2;
	v26 =	vmul.f32 v26, v1;
	v27 =	vadd.f32 v32, v27  }
0x2df: {  	v22 =	vadd.f32 v22, v2;
	v28 =	vmax.f32 v28, $0.0e+00;
	v29 =	vmax.f32 v29, $0.0e+00  }
0x2e0: {  	v18 =	vadd.f32 v18, v3;
	v19 =	vadd.f32 v19, v3;
	v27 =	vmax.f32 v27, $0.0e+00;
	[tilespmem:s1+$0xFFFFFFC0] =	vst v28  }
0x2e1: {  	v20 =	vadd.f32 v20, v3;
	v24 =	vmul.f32 v24, v1;
	v23 =	vmax.f32 v23, $0.0e+00;
	v28 =	vld [tilespmem:s8+$0xFFFFEFD0];
	[tilespmem:s1+$0xFFFFFFE0] =	vst v29  }
0x2e2: {  	v21 =	vmax.f32 v21, $0.0e+00;
	v22 =	vmax.f32 v22, $0.0e+00;
	v18 =	vadd.f32 v18, v25;
	v29 =	vld [tilespmem:s8+$0xFFFFFFD0];
	[tilespmem:s1+$0x0] =	vst v27  }
0x2e3: {  	v23 =	vmul.f32 v23, v0;
	v20 =	vadd.f32 v20, v24;
	v19 =	vadd.f32 v19, v26;
	v27 =	vld [tilespmem:s8+$0xFFFFEFF0]  }
0x2e4: {  	v16 =	vmax.f32 v16, $0.0e+00;
	v21 =	vmul.f32 v21, v0;
	v22 =	vmul.f32 v22, v0;
	v30 =	vld [tilespmem:s8+$0xFFFFFFF0]  }
0x2e5: {  	v17 =	vmax.f32 v17, $0.0e+00;
	v18 =	vadd.f32 v18, v23;
	v31 =	vld [tilespmem:s8+$0xFFFFF010];
	[tilespmem:s0+$0xFFFFFFF0] =	vst v16  }
0x2e6: {  	v16 =	vadd.f32 v19, v21;
	v23 =	vmul.f32 v28, v7;
	v24 =	vmul.f32 v28, v8;
	v35 =	vld [tilespmem:s8+$0x10];
	[tilespmem:s0+$0x10] =	vst v17;
	s0 =	smov.u32 s3;
	s3 =	smov.u32 s1  }
0x2e7: {  	v17 =	vadd.f32 v20, v22;
	v19 =	vld [tilespmem:s8+$0xFD0];
	v21 =	vmul.f32 v29, v10;
	v25 =	vmul.f32 v29, v11  }
0x2e8: {  	v18 =	vmax.f32 v18, $0.0e+00;
	v20 =	vld [tilespmem:s8+$0xFF0];
	v26 =	vmul.f32 v27, v7;
	v32 =	vmul.f32 v27, v8  }
0x2e9: {  	v33 =	vadd.f32 v21, v23;
	v23 =	vmul.f32 v30, v10;
	v34 =	vmul.f32 v30, v11;
	v21 =	vld [tilespmem:s8+$0x1010];
	[tilespmem:s0+$0xFFFFFFD0] =	vst v18  }
0x2ea: {  	v22 =	vadd.f32 v25, v24;
	v18 =	vmul.f32 v31, v7;
	v36 =	vmul.f32 v31, v8  }
0x2eb: {  	v37 =	vadd.f32 v23, v26;
	v23 =	vmul.f32 v35, v10;
	v26 =	vmul.f32 v35, v11  }
0x2ec: {  	v24 =	vadd.f32 v34, v32;
	v38 =	vmul.f32 v19, v13;
	v25 =	vmul.f32 v19, v14  }
0x2ed: {  	v32 =	vmul.f32 v20, v13;
	v18 =	vadd.f32 v23, v18;
	v23 =	vadd.f32 v26, v36  }
.Ltmp3:
0x2ee: {  	v26 =	vmul.f32 v28, v9;
	v33 =	vadd.f32 v38, v33;
	v34 =	vmul.f32 v21, v13;
	(pc) =	sbr.rel @p0 .LBB2_8-.Ltmp3, $4  }
0x2ef: {  	v28 =	vmul.f32 v29, v12;
	v36 =	vadd.f32 v32, v37;
	v32 =	vmul.f32 v20, v14  }
0x2f0: {  	v27 =	vmul.f32 v27, v9;
	v29 =	vmul.f32 v30, v12;
	v37 =	vadd.f32 v34, v18  }
0x2f1: {  	v18 =	vadd.f32 v33, v15;
	v34 =	vmul.f32 v21, v14;
	v33 =	vmul.f32 v31, v9  }
0x2f2: {  	s8 =	sadd.s32 $0x80, s8;
	v35 =	vmul.f32 v35, v12;
	v30 =	vadd.f32 v36, v15;
	v31 =	vadd.f32 v37, v15  }
0x2f3: {  	v7 =	vadd.f32 v25, v22;
	v8 =	vadd.f32 v32, v24  }
0x2f4: {  	v9 =	vmul.f32 v19, v6;
	v10 =	vadd.f32 v28, v26;
	v11 =	vadd.f32 v34, v23  }
0x2f5: {  	v12 =	vmul.f32 v20, v6;
	v13 =	vadd.f32 v29, v27;
	v43 =	vmul.f32 v21, v6  }
0x2f6: {  	v15 =	vmax.f32 v18, $0.0e+00;
	v60 =	vmax.f32 v16, $0.0e+00;
	v14 =	vadd.f32 v35, v33  }
0x2f7: {  	v44 =	vmax.f32 v30, $0.0e+00;
	v45 =	vmax.f32 v31, $0.0e+00;
	v7 =	vadd.f32 v7, v4  }
0x2f8: {  	v15 =	vmul.f32 v15, v5;
	v8 =	vadd.f32 v8, v4;
	v9 =	vadd.f32 v9, v10  }
0x2f9: {  	v46 =	vmul.f32 v44, v5;
	v47 =	vadd.f32 v11, v4;
	v48 =	vadd.f32 v12, v13  }
0x2fa: {  	v49 =	vmul.f32 v45, v5;
	v6 =	vadd.f32 v43, v14;
	v50 =	vadd.f32 v15, v3  }
0x2fb: {  	v7 =	vmax.f32 v7, $0.0e+00;
	v8 =	vmax.f32 v8, $0.0e+00;
	v9 =	vadd.f32 v9, v2  }
0x2fc: {  	v4 =	vmax.f32 v47, $0.0e+00;
	v11 =	vadd.f32 v48, v2;
	v52 =	vadd.f32 v46, v3  }
0x2fd: {  	v53 =	vadd.f32 v49, v3;
	v7 =	vmul.f32 v7, v1;
	v8 =	vmul.f32 v8, v1  }
0x2fe: {  	v51 =	vadd.f32 v6, v2;
	v54 =	vmul.f32 v4, v1;
	v9 =	vmax.f32 v9, $0.0e+00  }
0x2ff: {  	v56 =	vmax.f32 v11, $0.0e+00;
	v55 =	vadd.f32 v50, v7;
	v57 =	vmul.f32 v9, v0  }
0x300: {  	v2 =	vmax.f32 v51, $0.0e+00;
	v6 =	vadd.f32 v52, v8;
	v58 =	vmul.f32 v56, v0  }
0x301: {  	v1 =	vadd.f32 v53, v54;
	v59 =	vmul.f32 v2, v0;
	v4 =	vadd.f32 v55, v57  }
0x302: {  	v61 =	vmax.f32 v17, $0.0e+00;
	[tilespmem:s0+$0xFFFFFFF0] =	vst v60;
	v3 =	vadd.f32 v6, v58  }
0x303: {  	[tilespmem:s0+$0x10] =	vst v61;
	v0 =	vadd.f32 v1, v59;
	v62 =	vmax.f32 v4, $0.0e+00  }
0x304: {  	v63 =	vmax.f32 v3, $0.0e+00;
	[tilespmem:s3+$0xFFFFFFD0] =	vst v62  }
0x305: {  	[tilespmem:s3+$0xFFFFFFF0] =	vst v63;
	v0 =	vmax.f32 v0, $0.0e+00  }
0x306: {  	[tilespmem:s3+$0x10] =	vst v0  }
0x307: {  	s0 =	rddreg [dreg:$0x4]  }
0x308: {  	[hbm4b:s0+s26] =	stream.strided.scatter [tilespmem:s29], [sflag:$0x3], $0x1000, s28, s26, $0x38;
	[tilespmem:$0x7400] =	vst v63  }
0x309: {  	_ =	swait.ge [sflag:s13], $0x1000  }
0x30a: {  	s1 =	rddreg [dreg:$0x6]  }
0x30b: {  	s31 =	rddreg [dreg:$0x5];
	s1 =	sadd.s32 $0x1, s1  }
0x30c: {  	p0 =	sne.s32 s1, s31  }
.Ltmp4:
0x30d: {  	_ = 	snop;
	(pc) =	sbr.rel @p0 .LBB2_1-.Ltmp4, $3  }
0x30e: {  	_ =	sdelay $0x1  }
0x30f: {  	[sflag:s13] =	ssyncset.done $0x0  }
0x310: {  	[sflag:s13] =	ssyncadd.s32 $0xFFFFF000  }
0x311: {  	_ =	sfence.sel $0x180000  }
0x312: {  	[bflag:$0x0] =	sbarrier.arrive $0xFFFF  }
0x313: {  	_ =	strace $0x90000047  }
0x314: {  	s0 =	stileid.u32;
	[bflag:$0x2] =	sbarrier.arrive $0xFFFF  }
0x315: {  	p0 =	sne.s32 s0, $0x0;
	s0 =	rddreg [dreg:$0x1]  }
0x316: {  	s0 =	sadd.s32 @!p0 $0x100000, s0  }
0x317: {  	[sflag:s0] =	ssyncadd.tile.s32 @!p0 $0x1;
	_ =	shalt  }
.Lfunc_end2:
_tile_overlayer_lowered:
.L_overlay_start_2:
0x318: {  	(tag) =	ssettag $0x2  }
0x319: {  	s0 =	rddreg [dreg:$0x0];
	s2 =	stileid.u32  }
0x31a: {  	s1 =	rddreg [dreg:$0x1];
	p0 =	sne.s32 s2, $0x0  }
0x31b: {  	s3 =	rddreg [dreg:$0x2];
	[bflag:$0x3] =	sbarrier.arrive $0xFFFF;
	s2 =	simm.s32 @!p0 $0x1C03  }
0x31c: {  	[timem:s3], [sflag:s2] =	dma.local @!p0 [hbm:s0], s1  }
0x31d: {  	s0 =	simm.s32 @!p0 $0x3  }
0x31e: {  	_ =	swait.ge @!p0 [sflag:s0], s1  }
0x31f: {  	s1 =	ssub.s32 @!p0 $0x0, s1;
	[sflag:s0] =	ssyncset.done @!p0 $0x0  }
0x320: {  	[sflag:s0] =	ssyncadd.s32 @!p0 s1  }
0x321: {  	[bflag:$0x3] =	sbarrier.arrive $0xFFFF  }
0x322: {  	_ =	shalt  }

// kernel: kernel.7.cloned.1.call-start
scs
__scs_entry_jumppad:
0x0: {  	(pc) =	sbr.rel $0x88, $3  }
0x1: {  	(tag) =	ssettag $0x0;
	lr =	simm.s32 $0x1  }
0x2: {  	[smem:$0x3F9B] =	sst lr;
	_ =	strace $0xD0000000  }
0x3: {  	_ = 	snop  }
0x4: {  	_ = 	snop  }
0x5: {  	_ = 	snop  }
0x6: {  	_ = 	snop  }
0x7: {  	_ = 	snop  }
__scs_overlays_trampoline_lowered:
0x8: {  	[smem:$0x3FAA] =	sst s0  }
0x9: {  	[smem:$0x3FAB] =	sst s1  }
0xa: {  	[smem:$0x3FAC] =	sst s2  }
0xb: {  	[smem:$0x3FAD] =	sst s3  }
0xc: {  	[smem:$0x3FAE] =	sst s4  }
0xd: {  	[smem:$0x3FAF] =	sst s5  }
0xe: {  	[smem:$0x3FB0] =	sst s6  }
0xf: {  	[smem:$0x3FB1] =	sst s7  }
0x10: {  	[smem:$0x3FB2] =	sst s8  }
0x11: {  	[smem:$0x3FB3] =	sst s9;
	s0 =	simm.s32 @!p0 $0x0  }
0x12: {  	s1 =	sld [smem:$0x3F99];
	s0 =	simm.s32 @p0 $0x1  }
0x13: {  	[smem:$0x3FB4] =	sst s0;
	s0 =	simm.s32 @!p1 $0x0  }
0x14: {  	s2 =	sld [smem:$0x3F98];
	s0 =	simm.s32 @p1 $0x1  }
0x15: {  	[smem:$0x3FB5] =	sst s0;
	s0 =	simm.s32 @!p2 $0x0  }
0x16: {  	s3 =	sld [smem:$0x3FDB];
	s0 =	simm.s32 @p2 $0x1  }
0x17: {  	s4 =	simm.s32 $0x1BF5;
	[smem:$0x3FB7] =	sst s0  }
0x18: {  	s0 =	sld [smem:$0x3F9A];
	_ =	swait.ge [sflag:s4], $0x0  }
0x19: {  	s7 =	sld [smem:$0x3F9B]  }
0x1a: {  	s8 =	sadd.s32 $0xFFFFE003, lr  }
0x1b: {  	s9 =	sadd.s32 $0xFFFFFEF7, lr;
	s5 =	simm.s32 $0xFFFFFFFF;
	p2 =	slt.u32 s8, $0xFFFFF086  }
0x1c: {  	p1 =	slt.u32 s9, $0xF7A;
	s5 =	simm.s32 @!p2 $0x0  }
0x1d: {  	s5 =	simm.s32 @p1 $0x1;
	p0 =	seq.s32 s7, s2  }
0x1e: {  	s7 =	smul.u32 @!p0 $0xF7A, s2;
	p2 =	seq.s32 @!p0 s5, $0x0  }
0x1f: {  	s9 =	smul.u32 $0xF7A, s1;
	s8 =	simm.s32 @!p0 $0x1BF5;
	p2 =	por !p2, p0  }
0x20: {  	[sflag:s8] =	ssyncset.s32 @!p0 $0xFFFFF086;
	s6 =	sadd.s32 @!p0 s3, s7;
	s7 =	simm.s32 @!p0 $0x108  }
0x21: {  	s3 =	sadd.s32 s3, s9;
	s6 =	sadd.s32 @!p0 $0x88, s6;
	s7 =	simm.s32 @p2 $0x1082  }
0x22: {  	[simem:s7], [sflag:s8] =	dma.local @!p0 [hbm:s6], $0xF7A  }
0x23: {  	s9 =	sor.u32 $0xD0000000, s2;
	s6 =	simm.s32 $0x108;
	_ =	swait.ge @!p0 [sflag:s8], $0x0  }
0x24: {  	s3 =	sadd.s32 $0x88, s3;
	s6 =	simm.s32 @!p1 $0x1082;
	[sflag:s4] =	ssyncset.s32 $0xFFFFF086  }
0x25: {  	[simem:s6], [sflag:s4] =	dma.local [hbm:s3], $0xF7A  }
0x26: {  	[smem:$0x3F9B] =	sst s1;
	(tag) =	ssettag s2;
	_ =	strace s9  }
0x27: {  	s1 =	sld [smem:$0x3FAB]  }
0x28: {  	s2 =	sld [smem:$0x3FAC]  }
0x29: {  	s4 =	sld [smem:$0x3FAE]  }
0x2a: {  	p0 =	seq.s32 s5, $0x0;
	s5 =	sld [smem:$0x3FAF]  }
0x2b: {  	s6 =	sld [smem:$0x3FB0]  }
0x2c: {  	s7 =	sld [smem:$0x3FB1]  }
0x2d: {  	s3 =	simm.s32 $0x108;
	s8 =	sld [smem:$0x3FB2]  }
0x2e: {  	s3 =	simm.s32 @!p0 $0x1082;
	s9 =	sld [smem:$0x3FB3]  }
0x2f: {  	lr =	sadd.s32 s0, s3;
	s0 =	sld [smem:$0x3FAA]  }
0x30: {  	s3 =	sld [smem:$0x3FAD]  }
0x31: {  	[smem:$0x3FB6] =	sst s10  }
0x32: {  	s10 =	sld [smem:$0x3FB4];
	_ =	sdelay $0x3  }
0x33: {  	p0 =	seq.s32 s10, $0x1;
	s10 =	sld [smem:$0x3FB6];
	_ =	sdelay $0x3  }
0x34: {  	[smem:$0x3FB6] =	sst s10  }
0x35: {  	s10 =	sld [smem:$0x3FB5];
	_ =	sdelay $0x3  }
0x36: {  	p1 =	seq.s32 s10, $0x1;
	s10 =	sld [smem:$0x3FB6];
	_ =	sdelay $0x3  }
0x37: {  	[smem:$0x3FB6] =	sst s10  }
0x38: {  	s10 =	sld [smem:$0x3FB7]  }
0x39: {  	_ = 	snop;
	(pc) =	sbr.ind lr, $3  }
0x3a: {  	_ = 	snop  }
0x3b: {  	_ = 	snop  }
0x3c: {  	p2 =	seq.s32 s10, $0x1;
	s10 =	sld [smem:$0x3FB6]  }
0x3d: {  	_ =	shalt  }
0x3e: {  	_ =	shalt  }
0x3f: {  	_ =	shalt  }
0x40: {  	_ =	shalt  }
0x41: {  	_ =	shalt  }
0x42: {  	_ =	shalt  }
0x43: {  	_ =	shalt  }
0x44: {  	_ =	shalt  }
0x45: {  	_ =	shalt  }
0x46: {  	_ =	shalt  }
0x47: {  	_ =	shalt  }
0x48: {  	_ =	shalt  }
0x49: {  	_ =	shalt  }
0x4a: {  	_ =	shalt  }
0x4b: {  	_ =	shalt  }
0x4c: {  	_ =	shalt  }
0x4d: {  	_ =	shalt  }
0x4e: {  	_ =	shalt  }
0x4f: {  	_ =	shalt  }
0x50: {  	_ =	shalt  }
0x51: {  	_ =	shalt  }
0x52: {  	_ =	shalt  }
0x53: {  	_ =	shalt  }
0x54: {  	_ =	shalt  }
0x55: {  	_ =	shalt  }
0x56: {  	_ =	shalt  }
0x57: {  	_ =	shalt  }
0x58: {  	_ =	shalt  }
0x59: {  	_ =	shalt  }
0x5a: {  	_ =	shalt  }
0x5b: {  	_ =	shalt  }
0x5c: {  	_ =	shalt  }
0x5d: {  	_ =	shalt  }
0x5e: {  	_ =	shalt  }
0x5f: {  	_ =	shalt  }
0x60: {  	_ =	shalt  }
0x61: {  	_ =	shalt  }
0x62: {  	_ =	shalt  }
0x63: {  	_ =	shalt  }
0x64: {  	_ =	shalt  }
0x65: {  	_ =	shalt  }
0x66: {  	_ =	shalt  }
0x67: {  	_ =	shalt  }
0x68: {  	_ =	shalt  }
0x69: {  	_ =	shalt  }
0x6a: {  	_ =	shalt  }
0x6b: {  	_ =	shalt  }
0x6c: {  	_ =	shalt  }
0x6d: {  	_ =	shalt  }
0x6e: {  	_ =	shalt  }
0x6f: {  	_ =	shalt  }
0x70: {  	_ =	shalt  }
0x71: {  	_ =	shalt  }
0x72: {  	_ =	shalt  }
0x73: {  	_ =	shalt  }
0x74: {  	_ =	shalt  }
0x75: {  	_ =	shalt  }
0x76: {  	_ =	shalt  }
0x77: {  	_ =	shalt  }
0x78: {  	_ =	shalt  }
0x79: {  	_ =	shalt  }
0x7a: {  	_ =	shalt  }
0x7b: {  	_ =	shalt  }
0x7c: {  	_ =	shalt  }
0x7d: {  	_ =	shalt  }
0x7e: {  	_ =	shalt  }
0x7f: {  	_ =	shalt  }
0x80: {  	_ =	shalt  }
0x81: {  	_ =	shalt  }
0x82: {  	_ =	shalt  }
0x83: {  	_ =	shalt  }
0x84: {  	_ =	shalt  }
0x85: {  	_ =	shalt  }
0x86: {  	_ =	shalt  }
0x87: {  	_ =	shalt  }
.Lfunc_end0:
.L_simem_size_0:
called_computation.1_lowered:
.L_overlay_start_0:
0x88: {  	s2 =	sld [smem:$0x3FD9]  }
0x89: {  	s3 =	sld [smem:$0x3FFE];
	_ =	sdelay $0x1  }
0x8a: {  	s1 =	srdreg.scid  }
0x8b: {  	s0 =	sand.u32 $0x1, s1  }
0x8c: {  	s17 =	sshll.u32 s0, $0xA;
	s2 =	sadd.s32 s3, s2  }
0x8d: {  	s2 =	sadd.s32 s2, s17  }
0x8e: {  	[smem:$0x3FC2] =	sst s2  }
0x8f: {  	_ = 	snop  }
0x90: {  	s18 =	sld [smem:$0x3FD0];
	(tm) =	ssettm $0x1  }
0x91: {  	s19 =	sld [smem:$0x3FFB];
	_ =	sdelay $0x3  }
0x92: {  	_ =	strace s19  }
0x93: {  	s2 =	sld [smem:$0x3FFC];
	_ =	sdelay $0x3  }
0x94: {  	_ =	strace s2  }
0x95: {  	s2 =	sld [smem:$0x3FFD];
	_ =	sdelay $0x3  }
0x96: {  	_ =	strace s2  }
0x97: {  	_ =	strace $0x8FFFFFFF  }
0x98: {  	s20 =	sld [smem:$0x3FDB];
	_ =	sdelay $0x1  }
0x99: {  	s4 =	simm.s32 $_scs_section_size  }
0x9a: {  	s5 =	simm.s32 $_size__tile_overlayer_lowered;
	s6 =	simm.s32 $_tile_overlayer_lowered  }
0x9b: {  	s7 =	simm.s32 $0x1BFF;
	s21 =	sshll.u32 s6, $0x1;
	s4 =	sadd.s32 s4, s20  }
0x9c: {  	s22 =	simm.s32 $0x0;
	s5 =	sshll.u32 s5, $0x1;
	s6 =	sadd.s32 s21, s4  }
0x9d: {  	[timem:s22], [sflag:s7] =	dma.local [hbm:s6], s5  }
0x9e: {  	_ =	swait.ge [sflag:s7], s5  }
0x9f: {  	s5 =	ssub.s32 $0x0, s5;
	[sflag:s7] =	ssyncset.done $0x0  }
0xa0: {  	[sflag:s7] =	ssyncadd.s32 s5;
	_ =	sdelay $0x1  }
0xa1: {  	s23 =	simm.s32 $0x1B8B  }
0xa2: {  	_ =	swait.ge [sflag:s23], $0x1  }
0xa3: {  	[sflag:s23] =	ssyncset.done $0x0  }
0xa4: {  	[sflag:s23] =	ssyncadd.s32 $0xFFFFFFFF  }
0xa5: {  	s5 =	sld [smem:$0x0]  }
0xa6: {  	s6 =	sand.u32 $0xFFFFFFFE, s1  }
0xa7: {  	p0 =	sne.s32 s1, s6  }
0xa8: {  	s6 =	sshll.u32 @p0 s6, $0xE  }
0xa9: {  	s6 =	sadd.s32 @p0 $0x11B8D, s6;
	s7 =	sshll.u32 @p0 s5, $0x11  }
0xaa: {  	s6 =	sor.u32 @p0 s7, s6  }
0xab: {  	[sflag:s6] =	ssyncadd.remote.s32 @p0 $0x1;
	_ =	sdelay $0x1  }
0xac: {  	s6 =	simm.s32 @p0 $0x1B8D  }
0xad: {  	_ =	swait.eq @p0 [sflag:s6], $0x1  }
0xae: {  	[sflag:s6] =	ssyncadd.s32 @p0 $0xFFFFFFFF  }
0xaf: {  	s7 =	sshll.u32 @!p0 s1, $0xE  }
0xb0: {  	s7 =	sor.u32 @!p0 $0x4000, s7;
	s6 =	simm.s32 @!p0 $0x1B8D  }
0xb1: {  	s5 =	sshll.u32 @!p0 s5, $0x11;
	s7 =	sadd.s32 @!p0 $0x11B8D, s7;
	_ =	swait.eq @!p0 [sflag:s6], $0x1  }
0xb2: {  	s5 =	sor.u32 @!p0 s5, s7;
	[sflag:s6] =	ssyncadd.s32 @!p0 $0xFFFFFFFF  }
0xb3: {  	s25 =	simm.s32 $0x1B8E;
	s24 =	sld [smem:$0x3FFE];
	[sflag:s5] =	ssyncadd.remote.s32 @!p0 $0x1  }
0xb4: {  	s26 =	simm.s32 $execute0_lowered;
	[smem:$0x3FD2] =	sst s25  }
0xb5: {  	s6 =	sshll.u32 s26, $0x1;
	_ =	strace $0x80000049;
	[dreg:$0x1] =	wrdreg $0xFFFFFFFF  }
0xb6: {  	s28 =	simm.s32 $_size_execute0_lowered;
	s4 =	sadd.s32 s4, s6;
	[dreg:$0x0] =	wrdreg $0x0  }
0xb7: {  	s6 =	sshll.u32 s28, $0x1;
	[dreg:$0x2] =	wrdreg s4  }
0xb8: {  	[dreg:$0x3] =	wrdreg s6  }
0xb9: {  	[dreg:$0x4] =	wrdreg $0xC0  }
0xba: {  	_ =	task [dreg:s22], $0x5FFFF  }
0xbb: {  	[dreg:$0x1] =	wrdreg $0xFFFFFFFF  }
0xbc: {  	[dreg:$0x0] =	wrdreg $0x60  }
0xbd: {  	[dreg:$0x2] =	wrdreg s24  }
0xbe: {  	[dreg:$0x3] =	wrdreg s18  }
0xbf: {  	[dreg:$0x4] =	wrdreg $0xA  }
0xc0: {  	_ =	task.clear_ibuf [dreg:s22], $0x5FFFF;
	_ =	strace $0x90000049  }
0xc1: {  	s29 =	simm.s32 $0xA;
	_ =	strace $0x8000004B  }
0xc2: {  	_ =	swait.ge [sflag:s29], $0x1  }
0xc3: {  	[sflag:s29] =	ssyncadd.s32 $0xFFFFFFFF  }
0xc4: {  	_ =	strace $0x9000004B  }
0xc5: {  	_ =	sfence  }
0xc6: {  	s30 =	sld [smem:$0x0];
	_ =	sdelay $0x2  }
0xc7: {  	s31 =	sshll.u32 s1, $0xD;
	s1 =	sshrl.u32 s1, $0x2  }
0xc8: {  	s4 =	sand.u32 $0x4000, s31;
	s1 =	sadd.s32 s1, s30  }
0xc9: {  	s0 =	sor.u32 s4, s0;
	s1 =	sshll.u32 s1, $0x11  }
0xca: {  	s0 =	sor.u32 s1, s0  }
0xcb: {  	s0 =	sadd.s32 $0x8F2B, s0  }
0xcc: {  	[sflag:s0] =	ssyncadd.remote.s32 $0x1  }
0xcd: {  	_ =	sfence.sel $0xFFFF  }
0xce: {  	[dreg:$0x0] =	wrdreg $0xFFFFFFFF;
	(pc) =	sbr.abs _section_cstart, $3  }
0xcf: {  	[dreg:$0x1] =	wrdreg $0xFFFFFFFF  }
0xd0: {  	_ =	task.clear_ibuf [dreg:s22], $0x2FFFF;
	_ =	strace $0x9FFFFFFF  }
0xd1: {  	(tm) =	ssettm $0x7FFFFFFF  }
tec
execute0_lowered:
.L_overlay_start_1:
0x0: {  	(tag) =	ssettag $0x1  }
0x1: {  	s0 =	srdreg.scid  }
0x2: {  	s1 =	stileid.u32;
	s4 =	rddreg [dreg:$0x0]  }
0x3: {  	s3 =	rddreg [dreg:$0x1];
	s5 =	simm.s32 $0x0;
	s13 =	simm.s32 $0x3  }
0x4: {  	s14 =	simm.s32 $0x80;
	s15 =	simm.s32 $0x1000;
	s16 =	simm.s32 $0x300  }
0x5: {  	s17 =	simm.s32 $0x1300;
	s18 =	simm.s32 $0x100;
	s19 =	simm.s32 $0x2300  }
0x6: {  	s20 =	simm.s32 $0x180;
	s0 =	sand.u32 $0x1, s0;
	s1 =	sshll.u32 s1, $0x1  }
0x7: {  	s22 =	simm.s32 $0x200;
	s28 =	simm.s32 $0xC80;
	s1 =	sor.u32 s0, s1  }
0x8: {  	s29 =	simm.s32 $0x6300;
	s30 =	simm.s32 $0x2;
	s2 =	smul.u32 $0x19, s1  }
0x9: {  	[smem:$0x7FF] =	sst s5;
	s5 =	sadd.s32 $0x6EA00, s4;
	s6 =	sadd.s32 $0xF43600, s4  }
0xa: {  	s4 =	sadd.s32 $0xA800, s4;
	_ =	strace $0x8000004A;
	s7 =	sadd.s32 $0x18, s2  }
0xb: {  	[dreg:$0x3] =	wrdreg s4;
	s23 =	sand.u32 $0x7, s2;
	s8 =	sand.u32 $0x1F, s7  }
0xc: {  	s0 =	ssub.s32 $0x2, s0;
	p1 =	sne.s32 s23, $0x0;
	p0 =	seq.s32 s8, $0x0  }
0xd: {  	s4 =	simm.s32 $0x1;
	s26 =	sshrl.u32 s0, $0x1;
	p0 =	por !p1, !p0  }
0xe: {  	s1 =	smul.u32 $0xC80, s1;
	s0 =	ssub.s32 s0, s26;
	p0 =	por !p0, !p0  }
0xf: {  	s26 =	simm.s32 $0x20;
	s9 =	sshrl.u32 s8, $0x3;
	s4 =	simm.s32 @!p0 $0x0  }
0x10: {  	s10 =	sshrl.u32 s2, $0x5;
	s1 =	sand.u32 $0xF80, s1;
	s4 =	ssub.s32 s9, s4  }
0x11: {  	s0 =	smax.u32 s0, $0x1;
	s8 =	sshll.u32 s8, $0x7;
	s25 =	sshll.u32 s4, $0xA  }
0x12: {  	s24 =	smul.u32 $0x3000, s10;
	s7 =	sshll.u32 s7, $0x2;
	s8 =	ssub.s32 s8, s25  }
0x13: {  	s7 =	sand.u32 $0x1F80, s7;
	s4 =	sshll.u32 s4, $0x5;
	s8 =	smul.u32 $0xC80, s8  }
0x14: {  	[dreg:$0x6] =	wrdreg s0;
	s1 =	sor.u32 s24, s1;
	s4 =	sadd.s32 s7, s4  }
0x15: {  	s23 =	simm.s32 $0x4300;
	s1 =	sshrl.u32 s1, $0x3;
	s4 =	sadd.s32 s8, s4  }
0x16: {  	s24 =	simm.s32 $0x280;
	s1 =	sadd.s32 s5, s1;
	s31 =	sshrl.u32 s4, $0x3  }
0x17: {  	[dreg:$0x4] =	wrdreg s1;
	s9 =	simm.s32 $0x1;
	s1 =	sadd.s32 s3, s31  }
0x18: {  	s25 =	simm.s32 $0x5300;
	[dreg:$0x5] =	wrdreg s1;
	s1 =	simm.s32 $0x0  }
.LBB2_1:
0x19: {  	[dreg:$0x7] =	wrdreg s1  }
0x1a: {  	s0 =	simm.s32 $0x0;
	s21 =	rddreg [dreg:$0x3];
	s4 =	simm.s32 $0x7300  }
0x1b: {  	[tilespmem:s4], [sflag:$0x3] =	stream.linear.gather [hbm4b:s21+s0], $0x100, $0x38;
	[tilespmem:$0x7400] =	vst v63  }
0x1c: {  	_ =	swait.ge [sflag:s13], $0x100  }
0x1d: {  	[sflag:s13] =	ssyncset.done $0x0  }
0x1e: {  	[sflag:s13] =	ssyncadd.s32 $0xFFFFFF00  }
0x1f: {  	v7 =	vld [tilespmem:$0x7300]  }
0x20: {  	v8 =	vld [tilespmem:$0x7310]  }
0x21: {  	v9 =	vld [tilespmem:$0x7320]  }
0x22: {  	v10 =	vld [tilespmem:$0x7330]  }
0x23: {  	v11 =	vld [tilespmem:$0x7340]  }
0x24: {  	v12 =	vld [tilespmem:$0x7350]  }
0x25: {  	v13 =	vld [tilespmem:$0x7360]  }
0x26: {  	v14 =	vld [tilespmem:$0x7370]  }
0x27: {  	v6 =	vld [tilespmem:$0x7380]  }
0x28: {  	v15 =	vld [tilespmem:$0x7390]  }
0x29: {  	v4 =	vld [tilespmem:$0x73A0]  }
0x2a: {  	v2 =	vld [tilespmem:$0x73B0]  }
0x2b: {  	v5 =	vld [tilespmem:$0x73C0]  }
0x2c: {  	v1 =	vld [tilespmem:$0x73D0]  }
0x2d: {  	s31 =	rddreg [dreg:$0x4];
	v0 =	vld [tilespmem:$0x73E0]  }
0x2e: {  	v3 =	vld [tilespmem:$0x73F0];
	[tilespmem:s0], [sflag:$0x3] =	stream.strided.gather [hbm4b:s31+s14], $0x180, s15, s14, $0x38  }
0x2f: {  	_ =	swait.ge [sflag:s13], $0x180  }
0x30: {  	[sflag:s13] =	ssyncset.done $0x0  }
0x31: {  	[sflag:s13] =	ssyncadd.s32 $0xFFFFFE80  }
0x32: {  	[tilespmem:s16], [sflag:$0x1] =	stream.indirect.gather [hbm4b:s6+s14], $0x20, s0, s14, $0xb8;
	[tilespmem:$0x7400] =	vst v63  }
0x33: {  	_ = 	snop  }
0x34: {  	[tilespmem:s17], [sflag:$0x1] =	stream.indirect.gather [hbm4b:s6+s14], $0x20, s14, s14, $0xb8;
	[tilespmem:$0x7400] =	vst v63  }
0x35: {  	s1 =	simm.s32 $0x0  }
0x36: {  	[tilespmem:s19], [sflag:$0x1] =	stream.indirect.gather [hbm4b:s6+s14], $0x20, s18, s14, $0xb8;
	[tilespmem:$0x7400] =	vst v63  }
.LBB2_2:
0x37: {  	s0 =	sshll.u32 s1, $0x1  }
0x38: {  	s8 =	sadd.s32 s2, s0  }
0x39: {  	s0 =	sadd.s32 $0x1, s8  }
0x3a: {  	s12 =	sshrl.u32 s0, $0x5;
	s4 =	sand.u32 $0x1F, s0  }
0x3b: {  	s0 =	sshrl.u32 s4, $0x3;
	s10 =	smul.u32 $0x3000, s12  }
0x3c: {  	s4 =	sshll.u32 s4, $0x7;
	s11 =	sshll.u32 s0, $0xA  }
0x3d: {  	s7 =	ssub.s32 s4, s11;
	s21 =	sor.u32 s10, s11  }
0x3e: {  	s4 =	sadd.s32 s7, s21  }
0x3f: {  	s4 =	sshrl.u32 s4, $0x3  }
0x40: {  	s4 =	sadd.s32 s5, s4  }
0x41: {  	[tilespmem:s20], [sflag:$0x3] =	stream.strided.gather [hbm4b:s4+s14], $0x180, s15, s14, $0x38;
	[tilespmem:$0x7400] =	vst v63  }
0x42: {  	_ =	swait.ge [sflag:s13], $0x180  }
0x43: {  	[sflag:s13] =	ssyncset.done $0x0  }
0x44: {  	s10 =	simm.s32 $0x3300;
	[sflag:s13] =	ssyncadd.s32 $0xFFFFFE80  }
0x45: {  	[tilespmem:s10], [sflag:$0x2] =	stream.indirect.gather [hbm4b:s6+s14], $0x20, s20, s14, $0xb8;
	[tilespmem:$0x7400] =	vst v63  }
0x46: {  	_ = 	snop  }
0x47: {  	[tilespmem:s23], [sflag:$0x2] =	stream.indirect.gather [hbm4b:s6+s14], $0x20, s22, s14, $0xb8;
	[tilespmem:$0x7400] =	vst v63  }
0x48: {  	_ = 	snop  }
0x49: {  	[tilespmem:s25], [sflag:$0x2] =	stream.indirect.gather [hbm4b:s6+s14], $0x20, s24, s14, $0xb8;
	[tilespmem:$0x7400] =	vst v63  }
0x4a: {  	_ =	swait.ge [sflag:s9], $0x1000  }
0x4b: {  	[sflag:s9] =	ssyncset.done $0x0  }
0x4c: {  	[sflag:s9] =	ssyncadd.s32 $0xFFFFF000  }
0x4d: {  	_ =	swait.ge [sflag:s9], $0x1000  }
0x4e: {  	[sflag:s9] =	ssyncset.done $0x0  }
0x4f: {  	[sflag:s9] =	ssyncadd.s32 $0xFFFFF000  }
0x50: {  	_ =	swait.ge [sflag:s9], $0x1000  }
0x51: {  	[sflag:s9] =	ssyncset.done $0x0  }
0x52: {  	s11 =	simm.s32 $0x1340;
	[sflag:s9] =	ssyncadd.s32 $0xFFFFF000  }
0x53: {  	v16 =	vld [tilespmem:s11+$0xFFFFF020]  }
0x54: {  	v17 =	vld [tilespmem:s11+$0x20]  }
0x55: {  	v18 =	vld [tilespmem:s11+$0x1020]  }
0x56: {  	v19 =	vld [tilespmem:s11+$0xFFFFFFC0]  }
0x57: {  	v20 =	vld [tilespmem:s11+$0xFFFFEFE0]  }
0x58: {  	v23 =	vld [tilespmem:s11+$0xFFFFFFE0];
	_ =	sdelay $0x1  }
0x59: {  	s21 =	simm.s32 $0x13C0;
	v32 =	vld [tilespmem:s11+$0x1000];
	v21 =	vmul.f32 v16, v7;
	v22 =	vmul.f32 v17, v10  }
0x5a: {  	v52 =	vld [tilespmem:s21+$0x1020];
	v24 =	vmul.f32 v18, v13;
	v26 =	vmul.f32 v17, v11  }
0x5b: {  	v54 =	vld [tilespmem:s21+$0xFFFFEFC0];
	v17 =	vmul.f32 v17, v12;
	v28 =	vmul.f32 v19, v10  }
0x5c: {  	v37 =	vld [tilespmem:s21+$0xFFFFF000];
	v29 =	vmul.f32 v20, v7;
	v30 =	vmul.f32 v23, v10  }
0x5d: {  	v33 =	vmul.f32 v20, v8;
	v34 =	vmul.f32 v23, v11  }
0x5e: {  	v20 =	vmul.f32 v20, v9;
	v23 =	vmul.f32 v23, v12  }
0x5f: {  	v41 =	vmul.f32 v32, v14;
	v53 =	vmul.f32 v52, v13  }
0x60: {  	v25 =	vld [tilespmem:s11+$0xFFFFEFC0];
	v40 =	vmul.f32 v54, v7;
	v21 =	vadd.f32 v22, v21;
	v22 =	vmul.f32 v16, v8  }
0x61: {  	v51 =	vld [tilespmem:s21+$0xFFFFF020];
	v57 =	vmul.f32 v37, v7;
	v16 =	vmul.f32 v16, v9  }
0x62: {  	v27 =	vld [tilespmem:s11+$0xFFFFF000];
	v21 =	vadd.f32 v24, v21;
	v22 =	vadd.f32 v26, v22;
	v24 =	vmul.f32 v18, v14  }
0x63: {  	v29 =	vadd.f32 v30, v29;
	v26 =	vld [tilespmem:s11+$0x0];
	v16 =	vadd.f32 v17, v16;
	v18 =	vmul.f32 v18, v6  }
0x64: {  	v60 =	vmul.f32 v54, v8;
	v17 =	vadd.f32 v21, v15;
	v21 =	vadd.f32 v24, v22  }
0x65: {  	v33 =	vadd.f32 v34, v33;
	v22 =	vld [tilespmem:s11+$0xFC0];
	v24 =	vmul.f32 v25, v7;
	v16 =	vadd.f32 v18, v16  }
0x66: {  	v34 =	vmul.f32 v51, v9;
	v17 =	vmax.f32 v17, $0.0e+00;
	v21 =	vadd.f32 v21, v4  }
0x67: {  	v18 =	vld [tilespmem:s11+$0xFE0];
	v24 =	vadd.f32 v28, v24;
	v16 =	vadd.f32 v16, v2;
	v17 =	vmul.f32 v17, v5  }
0x68: {  	v28 =	vmul.f32 v27, v7;
	v31 =	vmul.f32 v26, v10;
	v21 =	vmax.f32 v21, $0.0e+00  }
0x69: {  	v16 =	vmax.f32 v16, $0.0e+00;
	v17 =	vadd.f32 v17, v3;
	v21 =	vmul.f32 v21, v1  }
0x6a: {  	v30 =	vmul.f32 v22, v13;
	v28 =	vadd.f32 v31, v28;
	v31 =	vmul.f32 v25, v8  }
0x6b: {  	v16 =	vmul.f32 v16, v0;
	v35 =	vmul.f32 v22, v14  }
0x6c: {  	v17 =	vadd.f32 v17, v21;
	v21 =	vadd.f32 v30, v24;
	v30 =	vmul.f32 v18, v13  }
0x6d: {  	v20 =	vadd.f32 v23, v20;
	v22 =	vmul.f32 v22, v6;
	v24 =	vmul.f32 v19, v11  }
0x6e: {  	v19 =	vmul.f32 v19, v12;
	v16 =	vadd.f32 v17, v16;
	v17 =	vadd.f32 v30, v29  }
0x6f: {  	v29 =	vmul.f32 v32, v13;
	v30 =	vmul.f32 v27, v8;
	v24 =	vadd.f32 v24, v31  }
0x70: {  	v31 =	vmul.f32 v26, v11;
	v21 =	vadd.f32 v21, v15;
	v27 =	vmul.f32 v27, v9  }
0x71: {  	v26 =	vmul.f32 v26, v12;
	v32 =	vmul.f32 v32, v6;
	v28 =	vadd.f32 v29, v28  }
0x72: {  	s10 =	simm.s32 $0x6340;
	v16 =	vmax.f32 v16, $0.0e+00;
	v17 =	vadd.f32 v17, v15;
	v24 =	vadd.f32 v35, v24  }
0x73: {  	[tilespmem:s10+$0x20] =	vst v16;
	v16 =	vmul.f32 v25, v9;
	v25 =	vadd.f32 v31, v30;
	v30 =	vmul.f32 v18, v14  }
0x74: {  	v26 =	vadd.f32 v26, v27;
	v21 =	vmax.f32 v21, $0.0e+00;
	v28 =	vadd.f32 v28, v15  }
0x75: {  	v18 =	vmul.f32 v18, v6;
	v29 =	vld [tilespmem:s11+$0xFFFFF030];
	v24 =	vadd.f32 v24, v4;
	v30 =	vadd.f32 v30, v33  }
0x76: {  	v21 =	vmul.f32 v21, v5;
	v31 =	vld [tilespmem:s11+$0x30];
	v16 =	vadd.f32 v19, v16;
	v19 =	vadd.f32 v41, v25  }
0x77: {  	v17 =	vmax.f32 v17, $0.0e+00;
	v18 =	vadd.f32 v18, v20;
	v20 =	vadd.f32 v32, v26  }
0x78: {  	v36 =	vld [tilespmem:s11+$0x1030];
	v17 =	vmul.f32 v17, v5;
	v21 =	vadd.f32 v21, v3;
	v28 =	vmax.f32 v28, $0.0e+00  }
0x79: {  	v24 =	vmax.f32 v24, $0.0e+00;
	v30 =	vadd.f32 v30, v4;
	v16 =	vadd.f32 v22, v16  }
0x7a: {  	v19 =	vadd.f32 v19, v4;
	v24 =	vmul.f32 v24, v1;
	v18 =	vadd.f32 v18, v2  }
0x7b: {  	v20 =	vadd.f32 v20, v2;
	v23 =	vmul.f32 v29, v7;
	v25 =	vmul.f32 v31, v10  }
0x7c: {  	v17 =	vadd.f32 v17, v3;
	v27 =	vmul.f32 v29, v8;
	v42 =	vmul.f32 v31, v11  }
0x7d: {  	v43 =	vmul.f32 v36, v13;
	v16 =	vadd.f32 v16, v2;
	v26 =	vmax.f32 v30, $0.0e+00  }
0x7e: {  	v19 =	vmax.f32 v19, $0.0e+00;
	v21 =	vadd.f32 v21, v24;
	v18 =	vmax.f32 v18, $0.0e+00  }
0x7f: {  	v26 =	vmul.f32 v26, v1;
	v19 =	vmul.f32 v19, v1;
	v23 =	vadd.f32 v25, v23  }
0x80: {  	v20 =	vmax.f32 v20, $0.0e+00;
	v25 =	vmul.f32 v29, v9;
	v29 =	vmul.f32 v31, v12  }
0x81: {  	v27 =	vadd.f32 v42, v27;
	v16 =	vmax.f32 v16, $0.0e+00;
	v23 =	vadd.f32 v43, v23  }
0x82: {  	v31 =	vmul.f32 v36, v14;
	v16 =	vmul.f32 v16, v0;
	v17 =	vadd.f32 v17, v26  }
0x83: {  	v18 =	vmul.f32 v18, v0;
	v25 =	vadd.f32 v29, v25;
	v23 =	vadd.f32 v23, v15  }
0x84: {  	v35 =	vld [tilespmem:s21+$0xFFFFFFE0];
	v27 =	vadd.f32 v31, v27;
	v29 =	vmul.f32 v36, v6;
	v16 =	vadd.f32 v21, v16  }
0x85: {  	v33 =	vld [tilespmem:s21+$0xFC0];
	v17 =	vadd.f32 v17, v18;
	v22 =	vmax.f32 v23, $0.0e+00;
	v23 =	vmul.f32 v28, v5  }
0x86: {  	v42 =	vld [tilespmem:s21+$0x1000];
	v27 =	vadd.f32 v27, v4;
	v21 =	vadd.f32 v29, v25;
	v16 =	vmax.f32 v16, $0.0e+00  }
0x87: {  	v36 =	vld [tilespmem:s21+$0x0];
	v17 =	vmax.f32 v17, $0.0e+00;
	[tilespmem:s10+$0xFFFFFFC0] =	vst v16;
	v18 =	vmul.f32 v22, v5;
	v23 =	vadd.f32 v23, v3  }
0x88: {  	v20 =	vmul.f32 v20, v0;
	v16 =	vadd.f32 v21, v2;
	[tilespmem:s10+$0xFFFFFFE0] =	vst v17;
	v22 =	vmax.f32 v27, $0.0e+00;
	v17 =	vld [tilespmem:s11+$0xFFFFFFD0]  }
0x89: {  	v26 =	vld [tilespmem:s11+$0xFD0];
	v21 =	vmul.f32 v22, v1;
	v18 =	vadd.f32 v18, v3;
	v19 =	vadd.f32 v23, v19  }
0x8a: {  	v41 =	vmul.f32 v35, v10;
	v59 =	vmul.f32 v33, v13;
	v16 =	vmax.f32 v16, $0.0e+00  }
0x8b: {  	v22 =	vld [tilespmem:s11+$0xFFFFEFF0];
	v16 =	vmul.f32 v16, v0;
	v18 =	vadd.f32 v18, v21;
	v19 =	vadd.f32 v19, v20  }
0x8c: {  	v63 =	vmul.f32 v42, v13;
	v58 =	vmul.f32 v36, v10;
	v20 =	vld [tilespmem:s11+$0xFFFFEFD0]  }
0x8d: {  	v27 =	vmul.f32 v17, v10;
	v16 =	vadd.f32 v18, v16;
	v19 =	vmax.f32 v19, $0.0e+00  }
0x8e: {  	v28 =	vmul.f32 v17, v11;
	v47 =	vmul.f32 v26, v13;
	[tilespmem:s10+$0x0] =	vst v19;
	v19 =	vld [tilespmem:s11+$0xFFFFFFF0]  }
0x8f: {  	v48 =	vmul.f32 v26, v14;
	v17 =	vmul.f32 v17, v12;
	v18 =	vmax.f32 v16, $0.0e+00;
	v16 =	vld [tilespmem:s11+$0xFF0]  }
0x90: {  	v26 =	vmul.f32 v26, v6;
	v29 =	vmul.f32 v22, v7;
	v21 =	vld [tilespmem:s11+$0xFFFFF010]  }
0x91: {  	v30 =	vmul.f32 v22, v8;
	v25 =	vld [tilespmem:s11+$0x10];
	v23 =	vmul.f32 v20, v7  }
0x92: {  	v22 =	vmul.f32 v22, v9;
	v44 =	vld [tilespmem:s11+$0x1010];
	v24 =	vmul.f32 v20, v8  }
0x93: {  	v20 =	vmul.f32 v20, v9;
	v23 =	vadd.f32 v27, v23;
	v27 =	vmul.f32 v19, v10  }
0x94: {  	v24 =	vadd.f32 v28, v24;
	v31 =	vmul.f32 v19, v11;
	v19 =	vmul.f32 v19, v12  }
0x95: {  	v17 =	vadd.f32 v17, v20;
	v20 =	vmul.f32 v16, v6;
	v28 =	vmul.f32 v21, v7  }
0x96: {  	v45 =	vmul.f32 v21, v8;
	v46 =	vmul.f32 v25, v11  }
0x97: {  	v49 =	vmul.f32 v44, v13;
	v50 =	vmul.f32 v44, v14  }
0x98: {  	v23 =	vadd.f32 v47, v23;
	v21 =	vmul.f32 v21, v9;
	v32 =	vmul.f32 v44, v6  }
0x99: {  	v24 =	vadd.f32 v48, v24;
	v44 =	vmul.f32 v35, v11;
	v48 =	vmul.f32 v37, v8  }
0x9a: {  	v35 =	vmul.f32 v35, v12;
	v27 =	vadd.f32 v27, v29;
	v29 =	vmul.f32 v25, v10  }
0x9b: {  	v30 =	vadd.f32 v31, v30;
	v31 =	vmul.f32 v16, v13;
	v19 =	vadd.f32 v19, v22  }
0x9c: {  	v25 =	vmul.f32 v25, v12;
	v23 =	vadd.f32 v23, v15;
	v24 =	vadd.f32 v24, v4  }
0x9d: {  	v37 =	vmul.f32 v37, v9;
	v28 =	vadd.f32 v29, v28;
	v29 =	vadd.f32 v46, v45  }
0x9e: {  	v27 =	vadd.f32 v31, v27;
	v31 =	vmul.f32 v16, v14;
	v25 =	vadd.f32 v25, v21  }
0x9f: {  	v21 =	vadd.f32 v26, v17;
	v20 =	vadd.f32 v20, v19;
	v45 =	vmul.f32 v33, v14  }
0xa0: {  	v33 =	vmul.f32 v33, v6;
	v16 =	vmax.f32 v23, $0.0e+00;
	v28 =	vadd.f32 v49, v28  }
0xa1: {  	v24 =	vmax.f32 v24, $0.0e+00;
	v27 =	vadd.f32 v27, v15;
	v30 =	vadd.f32 v31, v30;
	v31 =	vld [tilespmem:s21+$0x20]  }
0xa2: {  	v29 =	vadd.f32 v50, v29;
	v16 =	vmul.f32 v16, v5;
	v49 =	vmul.f32 v36, v11  }
0xa3: {  	v36 =	vmul.f32 v36, v12;
	v21 =	vadd.f32 v21, v2;
	v24 =	vmul.f32 v24, v1  }
0xa4: {  	v20 =	vadd.f32 v20, v2;
	v28 =	vadd.f32 v28, v15;
	v22 =	vmax.f32 v27, $0.0e+00  }
0xa5: {  	v27 =	vadd.f32 v30, v4;
	v17 =	vmul.f32 v22, v5;
	v22 =	vadd.f32 v29, v4  }
0xa6: {  	v26 =	vld [tilespmem:s21+$0xFFFFEFE0];
	v29 =	vmul.f32 v51, v7;
	v23 =	vmax.f32 v28, $0.0e+00;
	v30 =	vmul.f32 v31, v10  }
0xa7: {  	v50 =	vadd.f32 v49, v48;
	v19 =	vmul.f32 v23, v5;
	v23 =	vadd.f32 v32, v25  }
0xa8: {  	v25 =	vadd.f32 v30, v29;
	v29 =	vmul.f32 v51, v8;
	v30 =	vmul.f32 v31, v11  }
0xa9: {  	v36 =	vadd.f32 v36, v37;
	v16 =	vadd.f32 v16, v3;
	v31 =	vmul.f32 v31, v12  }
0xaa: {  	v25 =	vadd.f32 v53, v25;
	v29 =	vadd.f32 v30, v29;
	v30 =	vmul.f32 v52, v14  }
0xab: {  	v21 =	vmax.f32 v21, $0.0e+00;
	v39 =	vmul.f32 v26, v7;
	v31 =	vadd.f32 v31, v34  }
0xac: {  	v28 =	vld [tilespmem:s21+$0xFFFFFFC0];
	v55 =	vadd.f32 v25, v15;
	v29 =	vadd.f32 v30, v29;
	v30 =	vmul.f32 v52, v6  }
0xad: {  	v43 =	vmul.f32 v26, v8;
	v26 =	vmul.f32 v26, v9;
	v25 =	vmax.f32 v27, $0.0e+00  }
0xae: {  	v27 =	vmax.f32 v55, $0.0e+00;
	v29 =	vadd.f32 v29, v4;
	v30 =	vadd.f32 v30, v31  }
0xaf: {  	v16 =	vadd.f32 v16, v24;
	v39 =	vadd.f32 v41, v39;
	v27 =	vmul.f32 v27, v5  }
0xb0: {  	v43 =	vadd.f32 v44, v43;
	v29 =	vmax.f32 v29, $0.0e+00;
	v30 =	vadd.f32 v30, v2  }
0xb1: {  	v38 =	vmul.f32 v28, v10;
	v27 =	vadd.f32 v27, v3;
	v29 =	vmul.f32 v29, v1  }
0xb2: {  	v26 =	vadd.f32 v35, v26;
	v61 =	vmul.f32 v28, v11;
	v30 =	vmax.f32 v30, $0.0e+00  }
0xb3: {  	v56 =	vadd.f32 v38, v40;
	v31 =	vld [tilespmem:s21+$0xFE0];
	v27 =	vadd.f32 v27, v29;
	v29 =	vmul.f32 v30, v0  }
0xb4: {  	v20 =	vmax.f32 v20, $0.0e+00;
	v38 =	vadd.f32 v58, v57;
	v34 =	vadd.f32 v61, v60  }
0xb5: {  	v21 =	vmul.f32 v21, v0;
	v17 =	vadd.f32 v17, v3;
	v27 =	vadd.f32 v27, v29  }
0xb6: {  	v22 =	vmax.f32 v22, $0.0e+00;
	v38 =	vadd.f32 v63, v38;
	v34 =	vadd.f32 v45, v34  }
0xb7: {  	s11 =	simm.s32 $0x63C0;
	v28 =	vmul.f32 v28, v12;
	v58 =	vmul.f32 v42, v6;
	v27 =	vmax.f32 v27, $0.0e+00  }
0xb8: {  	v38 =	vadd.f32 v38, v15;
	v34 =	vadd.f32 v34, v4;
	v62 =	vmul.f32 v31, v13;
	[tilespmem:s11+$0x20] =	vst v27  }
0xb9: {  	v55 =	vmul.f32 v42, v14;
	v30 =	vadd.f32 v59, v56;
	v52 =	vmul.f32 v31, v14;
	v51 =	vld [tilespmem:s21+$0xFFFFF030]  }
0xba: {  	v38 =	vmax.f32 v38, $0.0e+00;
	v34 =	vmax.f32 v34, $0.0e+00;
	v29 =	vadd.f32 v62, v39;
	v53 =	vld [tilespmem:s21+$0x30]  }
0xbb: {  	v30 =	vadd.f32 v30, v15;
	v40 =	vadd.f32 v52, v43;
	v27 =	vmul.f32 v54, v9;
	v54 =	vld [tilespmem:s21+$0x1030]  }
0xbc: {  	v44 =	vmul.f32 v38, v5;
	v34 =	vmul.f32 v34, v1;
	v29 =	vadd.f32 v29, v15  }
0xbd: {  	v43 =	vadd.f32 v58, v36;
	v30 =	vmax.f32 v30, $0.0e+00;
	v40 =	vadd.f32 v40, v4  }
0xbe: {  	v49 =	vadd.f32 v44, v3;
	v30 =	vmul.f32 v30, v5;
	v29 =	vmax.f32 v29, $0.0e+00  }
0xbf: {  	v46 =	vmax.f32 v40, $0.0e+00;
	v56 =	vmul.f32 v51, v7;
	v57 =	vmul.f32 v53, v10  }
0xc0: {  	v27 =	vadd.f32 v28, v27;
	v28 =	vmul.f32 v31, v6;
	v59 =	vmul.f32 v54, v13  }
0xc1: {  	v60 =	vmul.f32 v51, v8;
	v61 =	vmul.f32 v53, v11;
	v32 =	vadd.f32 v57, v56  }
0xc2: {  	v31 =	vadd.f32 v55, v50;
	v39 =	vmul.f32 v51, v9;
	v41 =	vmul.f32 v53, v12  }
0xc3: {  	v62 =	vmul.f32 v54, v14;
	v35 =	vadd.f32 v61, v60;
	v32 =	vadd.f32 v59, v32  }
0xc4: {  	v29 =	vmul.f32 v29, v5;
	v30 =	vadd.f32 v30, v3;
	v39 =	vadd.f32 v41, v39  }
0xc5: {  	v63 =	vmul.f32 v54, v6;
	v35 =	vadd.f32 v62, v35;
	v32 =	vadd.f32 v32, v15  }
0xc6: {  	v47 =	vmul.f32 v46, v1;
	v27 =	vadd.f32 v33, v27;
	v26 =	vadd.f32 v28, v26  }
0xc7: {  	v39 =	vadd.f32 v63, v39;
	v35 =	vadd.f32 v35, v4;
	v32 =	vmax.f32 v32, $0.0e+00  }
0xc8: {  	v29 =	vadd.f32 v29, v3;
	v27 =	vadd.f32 v27, v2;
	v32 =	vmul.f32 v32, v5  }
0xc9: {  	v26 =	vadd.f32 v26, v2;
	v42 =	vadd.f32 v39, v2;
	v28 =	vmax.f32 v35, $0.0e+00  }
0xca: {  	v30 =	vadd.f32 v30, v34;
	v28 =	vmul.f32 v28, v1;
	v32 =	vadd.f32 v32, v3  }
0xcb: {  	v27 =	vmax.f32 v27, $0.0e+00;
	v26 =	vmax.f32 v26, $0.0e+00;
	v33 =	vmax.f32 v42, $0.0e+00  }
0xcc: {  	v27 =	vmul.f32 v27, v0;
	v45 =	vmul.f32 v33, v0;
	v28 =	vadd.f32 v32, v28  }
0xcd: {  	v31 =	vadd.f32 v31, v4;
	v29 =	vadd.f32 v29, v47;
	v26 =	vmul.f32 v26, v0  }
0xce: {  	v22 =	vmul.f32 v22, v1;
	v27 =	vadd.f32 v30, v27;
	v28 =	vadd.f32 v28, v45  }
0xcf: {  	v48 =	vadd.f32 v43, v2;
	v31 =	vmax.f32 v31, $0.0e+00;
	v26 =	vadd.f32 v29, v26  }
0xd0: {  	v27 =	vmax.f32 v27, $0.0e+00;
	v50 =	vmax.f32 v28, $0.0e+00;
	v28 =	vmul.f32 v31, v1  }
0xd1: {  	v25 =	vmul.f32 v25, v1;
	v26 =	vmax.f32 v26, $0.0e+00;
	[tilespmem:s11+$0xFFFFFFC0] =	vst v27;
	v31 =	vmax.f32 v48, $0.0e+00  }
0xd2: {  	v19 =	vadd.f32 v19, v3;
	[tilespmem:s11+$0xFFFFFFE0] =	vst v26;
	v29 =	vld [tilespmem:s21+$0xFFFFFFD0];
	v31 =	vmul.f32 v31, v0;
	v28 =	vadd.f32 v49, v28  }
0xd3: {  	v20 =	vmul.f32 v20, v0;
	v23 =	vadd.f32 v23, v2;
	v17 =	vadd.f32 v17, v25;
	v30 =	vld [tilespmem:s21+$0xFFFFEFF0]  }
0xd4: {  	v22 =	vadd.f32 v19, v22;
	v19 =	vld [tilespmem:s21+$0xFD0];
	v28 =	vadd.f32 v28, v31  }
0xd5: {  	v21 =	vadd.f32 v16, v21;
	v16 =	vadd.f32 v17, v20;
	v20 =	vld [tilespmem:s21+$0xFF0]  }
0xd6: {  	v23 =	vmax.f32 v23, $0.0e+00;
	v27 =	vmax.f32 v28, $0.0e+00;
	v28 =	vld [tilespmem:s21+$0xFFFFEFD0]  }
0xd7: {  	v23 =	vmul.f32 v23, v0  }
0xd8: {  	v31 =	vld [tilespmem:s21+$0xFFFFFFF0];
	[tilespmem:s11+$0x0] =	vst v27  }
0xd9: {  	v17 =	vadd.f32 v22, v23;
	v26 =	vmul.f32 v29, v10;
	v23 =	vmul.f32 v30, v7;
	v51 =	vld [tilespmem:s21+$0xFFFFF010]  }
0xda: {  	v53 =	vmul.f32 v30, v8;
	v59 =	vmul.f32 v19, v13;
	v52 =	vld [tilespmem:s21+$0x10]  }
0xdb: {  	v60 =	vmul.f32 v20, v13;
	v24 =	vmul.f32 v28, v7  }
0xdc: {  	v54 =	vmax.f32 v21, $0.0e+00;
	v27 =	vmul.f32 v29, v11;
	v21 =	vld [tilespmem:s21+$0x1010];
	v25 =	vmul.f32 v28, v8  }
0xdd: {  	v32 =	vmul.f32 v20, v14;
	v55 =	vmul.f32 v31, v11;
	v26 =	vadd.f32 v26, v24  }
0xde: {  	v24 =	vmul.f32 v31, v10;
	v22 =	vadd.f32 v27, v25;
	v27 =	vmul.f32 v51, v7  }
0xdf: {  	v56 =	vmul.f32 v51, v8;
	v58 =	vmul.f32 v52, v11  }
0xe0: {  	v25 =	vmul.f32 v19, v14;
	v57 =	vadd.f32 v24, v23;
	v23 =	vmul.f32 v52, v10  }
0xe1: {  	v63 =	vmul.f32 v21, v13;
	v34 =	vmul.f32 v21, v14  }
0xe2: {  	v33 =	vmul.f32 v51, v9;
	v24 =	vadd.f32 v55, v53;
	v61 =	vadd.f32 v23, v27  }
0xe3: {  	v62 =	vadd.f32 v59, v26;
	v26 =	vmul.f32 v28, v9;
	v28 =	vmul.f32 v29, v12  }
0xe4: {  	[tilespmem:s10+$0x30] =	vst v18;
	v29 =	vmul.f32 v31, v12;
	v39 =	vadd.f32 v60, v57;
	v31 =	vadd.f32 v63, v61  }
0xe5: {  	[tilespmem:s10+$0xFFFFFFD0] =	vst v54;
	v35 =	vmul.f32 v52, v12;
	v23 =	vadd.f32 v58, v56;
	v18 =	vadd.f32 v62, v15  }
0xe6: {  	s31 =	simm.s32 $0x4;
	s4 =	simm.s32 $0x63C0;
	[tilespmem:s11+$0x30] =	vst v50;
	s21 =	simm.s32 $0x1440;
	v27 =	vmul.f32 v30, v9;
	v30 =	vadd.f32 v39, v15;
	v31 =	vadd.f32 v31, v15  }
.LBB2_3:
0xe7: {  	v36 =	vld [tilespmem:s21+$0xFFFFF020];
	v22 =	vadd.f32 v25, v22;
	v19 =	vmul.f32 v19, v6;
	v24 =	vadd.f32 v32, v24  }
0xe8: {  	v26 =	vadd.f32 v28, v26;
	v20 =	vmul.f32 v20, v6;
	v28 =	vadd.f32 v34, v23;
	v25 =	vld [tilespmem:s21+$0x20]  }
0xe9: {  	s31 =	sadd.s32 $0x4, s31;
	v27 =	vadd.f32 v29, v27;
	v29 =	vadd.f32 v35, v33;
	v33 =	vmul.f32 v21, v6;
	v32 =	vld [tilespmem:s21+$0x1020]  }
0xea: {  	v18 =	vmax.f32 v18, $0.0e+00;
	p0 =	slt.u32 s31, $0x7C;
	v21 =	vmax.f32 v30, $0.0e+00;
	v30 =	vmax.f32 v31, $0.0e+00;
	v34 =	vld [tilespmem:s21+$0xFFFFFFC0]  }
0xeb: {  	v18 =	vmul.f32 v18, v5;
	v35 =	vadd.f32 v22, v4;
	v37 =	vadd.f32 v24, v4;
	v31 =	vld [tilespmem:s21+$0xFFFFEFE0]  }
0xec: {  	v23 =	vadd.f32 v19, v26;
	v19 =	vmul.f32 v21, v5;
	v24 =	vadd.f32 v28, v4;
	v38 =	vld [tilespmem:s21+$0xFFFFFFE0]  }
0xed: {  	v21 =	vadd.f32 v20, v27;
	v26 =	vmul.f32 v36, v7;
	v28 =	vld [tilespmem:s21+$0xFFFFF000];
	v39 =	vmul.f32 v25, v10  }
0xee: {  	v20 =	vmul.f32 v30, v5;
	v22 =	vadd.f32 v33, v29;
	v27 =	vld [tilespmem:s21+$0x0];
	v40 =	vmul.f32 v32, v13  }
0xef: {  	v30 =	vmul.f32 v36, v8;
	v33 =	vmul.f32 v25, v11;
	v29 =	vld [tilespmem:s21+$0xFFFFEFC0];
	v26 =	vadd.f32 v39, v26  }
0xf0: {  	v36 =	vmul.f32 v36, v9;
	v41 =	vmul.f32 v25, v12;
	v25 =	vmax.f32 v35, $0.0e+00;
	v39 =	vld [tilespmem:s21+$0xFC0]  }
0xf1: {  	v30 =	vadd.f32 v33, v30;
	v33 =	vmul.f32 v32, v14;
	v35 =	vld [tilespmem:s21+$0xFE0];
	v26 =	vadd.f32 v40, v26  }
0xf2: {  	v36 =	vadd.f32 v41, v36;
	v42 =	vmul.f32 v31, v7;
	v40 =	vmul.f32 v34, v10;
	v43 =	vld [tilespmem:s21+$0x1000]  }
0xf3: {  	v32 =	vmul.f32 v32, v6;
	v30 =	vadd.f32 v33, v30;
	v41 =	vadd.f32 v26, v15  }
0xf4: {  	v44 =	vmul.f32 v38, v10;
	v26 =	vmax.f32 v37, $0.0e+00;
	v33 =	vmul.f32 v29, v7  }
0xf5: {  	v32 =	vadd.f32 v32, v36;
	v30 =	vadd.f32 v30, v4;
	v37 =	vmax.f32 v41, $0.0e+00  }
0xf6: {  	v36 =	vmul.f32 v28, v7;
	v33 =	vadd.f32 v40, v33;
	v37 =	vmul.f32 v37, v5  }
0xf7: {  	v32 =	vadd.f32 v32, v2;
	v30 =	vmax.f32 v30, $0.0e+00;
	v40 =	vmul.f32 v27, v10  }
0xf8: {  	v41 =	vadd.f32 v44, v42;
	v30 =	vmul.f32 v30, v1;
	v37 =	vadd.f32 v37, v3  }
0xf9: {  	v42 =	vmul.f32 v39, v13;
	v32 =	vmax.f32 v32, $0.0e+00;
	v36 =	vadd.f32 v40, v36  }
0xfa: {  	v32 =	vmul.f32 v32, v0;
	v40 =	vmul.f32 v29, v8;
	v30 =	vadd.f32 v37, v30  }
0xfb: {  	v33 =	vadd.f32 v42, v33;
	v42 =	vmul.f32 v35, v13;
	v37 =	vmul.f32 v34, v11  }
0xfc: {  	v45 =	vmul.f32 v38, v11;
	v44 =	vmul.f32 v31, v8;
	v30 =	vadd.f32 v30, v32  }
0xfd: {  	v32 =	vadd.f32 v42, v41;
	v41 =	vmul.f32 v43, v13;
	v42 =	vmul.f32 v28, v8  }
0xfe: {  	s11 =	sadd.s32 $0x80, s11;
	v37 =	vadd.f32 v37, v40;
	v40 =	vmul.f32 v27, v11;
	v30 =	vmax.f32 v30, $0.0e+00  }
0xff: {  	v46 =	vmul.f32 v39, v14;
	v44 =	vadd.f32 v45, v44;
	v36 =	vadd.f32 v41, v36;
	[tilespmem:s11+$0x20] =	vst v30  }
0x100: {  	v29 =	vmul.f32 v29, v9;
	v30 =	vmul.f32 v34, v12;
	v34 =	vadd.f32 v40, v42;
	v40 =	vld [tilespmem:s21+$0xFFFFF030]  }
0x101: {  	v31 =	vmul.f32 v31, v9;
	v33 =	vadd.f32 v33, v15;
	v41 =	vmul.f32 v35, v14;
	v42 =	vld [tilespmem:s21+$0x30]  }
0x102: {  	v38 =	vmul.f32 v38, v12;
	v45 =	vmul.f32 v43, v14;
	v32 =	vadd.f32 v32, v15;
	v47 =	vld [tilespmem:s21+$0x1030]  }
0x103: {  	v28 =	vmul.f32 v28, v9;
	v27 =	vmul.f32 v27, v12;
	v36 =	vadd.f32 v36, v15  }
0x104: {  	v39 =	vmul.f32 v39, v6;
	v37 =	vadd.f32 v46, v37;
	v41 =	vadd.f32 v41, v44  }
0x105: {  	v29 =	vadd.f32 v30, v29;
	v30 =	vmul.f32 v35, v6;
	v34 =	vadd.f32 v45, v34  }
0x106: {  	v31 =	vadd.f32 v38, v31;
	v35 =	vmul.f32 v40, v7;
	v38 =	vmul.f32 v42, v10  }
0x107: {  	v27 =	vadd.f32 v27, v28;
	v28 =	vmul.f32 v43, v6;
	v43 =	vmul.f32 v47, v13  }
0x108: {  	v44 =	vmul.f32 v42, v11;
	v35 =	vadd.f32 v38, v35;
	v38 =	vmul.f32 v40, v8  }
0x109: {  	v33 =	vmax.f32 v33, $0.0e+00;
	v42 =	vmul.f32 v42, v12;
	v40 =	vmul.f32 v40, v9  }
0x10a: {  	v35 =	vadd.f32 v43, v35;
	v38 =	vadd.f32 v44, v38;
	v43 =	vmul.f32 v47, v14  }
0x10b: {  	v32 =	vmax.f32 v32, $0.0e+00;
	v36 =	vmax.f32 v36, $0.0e+00;
	v40 =	vadd.f32 v42, v40  }
0x10c: {  	v42 =	vmul.f32 v47, v6;
	v35 =	vadd.f32 v35, v15;
	v38 =	vadd.f32 v43, v38  }
0x10d: {  	v33 =	vmul.f32 v33, v5;
	v37 =	vadd.f32 v37, v4;
	v41 =	vadd.f32 v41, v4  }
0x10e: {  	v40 =	vadd.f32 v42, v40;
	v35 =	vmax.f32 v35, $0.0e+00;
	v38 =	vadd.f32 v38, v4  }
0x10f: {  	v29 =	vadd.f32 v39, v29;
	v34 =	vadd.f32 v34, v4;
	v35 =	vmul.f32 v35, v5  }
0x110: {  	v30 =	vadd.f32 v30, v31;
	v31 =	vmax.f32 v38, $0.0e+00;
	v38 =	vadd.f32 v40, v2  }
0x111: {  	v27 =	vadd.f32 v28, v27;
	v28 =	vadd.f32 v35, v3;
	v31 =	vmul.f32 v31, v1  }
0x112: {  	v32 =	vmul.f32 v32, v5;
	v35 =	vmul.f32 v36, v5;
	v36 =	vmax.f32 v38, $0.0e+00  }
0x113: {  	v37 =	vmax.f32 v37, $0.0e+00;
	v28 =	vadd.f32 v28, v31;
	v31 =	vmul.f32 v36, v0  }
0x114: {  	v29 =	vadd.f32 v29, v2;
	v34 =	vmax.f32 v34, $0.0e+00;
	v36 =	vmax.f32 v41, $0.0e+00  }
0x115: {  	v37 =	vmul.f32 v37, v1;
	v30 =	vadd.f32 v30, v2;
	v28 =	vadd.f32 v28, v31  }
0x116: {  	v27 =	vadd.f32 v27, v2;
	v31 =	vadd.f32 v33, v3;
	v33 =	vmul.f32 v36, v1  }
0x117: {  	v32 =	vadd.f32 v32, v3;
	v35 =	vadd.f32 v35, v3;
	v28 =	vmax.f32 v28, $0.0e+00  }
0x118: {  	v34 =	vmul.f32 v34, v1;
	v29 =	vmax.f32 v29, $0.0e+00;
	v30 =	vmax.f32 v30, $0.0e+00;
	[tilespmem:s11+$0x30] =	vst v28  }
0x119: {  	v27 =	vmax.f32 v27, $0.0e+00;
	v28 =	vadd.f32 v31, v37;
	v31 =	vadd.f32 v32, v33  }
0x11a: {  	v29 =	vmul.f32 v29, v0;
	v30 =	vmul.f32 v30, v0;
	v32 =	vadd.f32 v35, v34  }
0x11b: {  	v23 =	vadd.f32 v23, v2;
	v24 =	vmax.f32 v24, $0.0e+00;
	v27 =	vmul.f32 v27, v0  }
0x11c: {  	v25 =	vmul.f32 v25, v1;
	v28 =	vadd.f32 v28, v29;
	v29 =	vadd.f32 v31, v30  }
0x11d: {  	v21 =	vadd.f32 v21, v2;
	v26 =	vmul.f32 v26, v1;
	v27 =	vadd.f32 v32, v27  }
0x11e: {  	v22 =	vadd.f32 v22, v2;
	v28 =	vmax.f32 v28, $0.0e+00;
	v29 =	vmax.f32 v29, $0.0e+00  }
0x11f: {  	v18 =	vadd.f32 v18, v3;
	v19 =	vadd.f32 v19, v3;
	v27 =	vmax.f32 v27, $0.0e+00;
	[tilespmem:s11+$0xFFFFFFC0] =	vst v28  }
0x120: {  	v20 =	vadd.f32 v20, v3;
	v24 =	vmul.f32 v24, v1;
	v23 =	vmax.f32 v23, $0.0e+00;
	v28 =	vld [tilespmem:s21+$0xFFFFEFD0];
	[tilespmem:s11+$0xFFFFFFE0] =	vst v29  }
0x121: {  	v21 =	vmax.f32 v21, $0.0e+00;
	v22 =	vmax.f32 v22, $0.0e+00;
	v18 =	vadd.f32 v18, v25;
	v29 =	vld [tilespmem:s21+$0xFFFFFFD0];
	[tilespmem:s11+$0x0] =	vst v27  }
0x122: {  	v23 =	vmul.f32 v23, v0;
	v20 =	vadd.f32 v20, v24;
	v19 =	vadd.f32 v19, v26;
	v27 =	vld [tilespmem:s21+$0xFFFFEFF0]  }
0x123: {  	v16 =	vmax.f32 v16, $0.0e+00;
	v21 =	vmul.f32 v21, v0;
	v22 =	vmul.f32 v22, v0;
	v30 =	vld [tilespmem:s21+$0xFFFFFFF0]  }
0x124: {  	v17 =	vmax.f32 v17, $0.0e+00;
	v18 =	vadd.f32 v18, v23;
	v31 =	vld [tilespmem:s21+$0xFFFFF010];
	[tilespmem:s10+$0xFFFFFFF0] =	vst v16  }
0x125: {  	v16 =	vadd.f32 v19, v21;
	v23 =	vmul.f32 v28, v7;
	v24 =	vmul.f32 v28, v8;
	v35 =	vld [tilespmem:s21+$0x10];
	[tilespmem:s10+$0x10] =	vst v17;
	s10 =	smov.u32 s4;
	s4 =	smov.u32 s11  }
0x126: {  	v17 =	vadd.f32 v20, v22;
	v19 =	vld [tilespmem:s21+$0xFD0];
	v21 =	vmul.f32 v29, v10;
	v25 =	vmul.f32 v29, v11  }
0x127: {  	v18 =	vmax.f32 v18, $0.0e+00;
	v20 =	vld [tilespmem:s21+$0xFF0];
	v26 =	vmul.f32 v27, v7;
	v32 =	vmul.f32 v27, v8  }
0x128: {  	v33 =	vadd.f32 v21, v23;
	v23 =	vmul.f32 v30, v10;
	v34 =	vmul.f32 v30, v11;
	v21 =	vld [tilespmem:s21+$0x1010];
	[tilespmem:s10+$0xFFFFFFD0] =	vst v18  }
0x129: {  	v22 =	vadd.f32 v25, v24;
	v18 =	vmul.f32 v31, v7;
	v36 =	vmul.f32 v31, v8  }
0x12a: {  	v37 =	vadd.f32 v23, v26;
	v23 =	vmul.f32 v35, v10;
	v26 =	vmul.f32 v35, v11  }
0x12b: {  	v24 =	vadd.f32 v34, v32;
	v38 =	vmul.f32 v19, v13;
	v25 =	vmul.f32 v19, v14  }
0x12c: {  	v32 =	vmul.f32 v20, v13;
	v18 =	vadd.f32 v23, v18;
	v23 =	vadd.f32 v26, v36  }
.Ltmp0:
0x12d: {  	v26 =	vmul.f32 v28, v9;
	v33 =	vadd.f32 v38, v33;
	v34 =	vmul.f32 v21, v13;
	(pc) =	sbr.rel @p0 .LBB2_3-.Ltmp0, $4  }
0x12e: {  	v28 =	vmul.f32 v29, v12;
	v36 =	vadd.f32 v32, v37;
	v32 =	vmul.f32 v20, v14  }
0x12f: {  	v27 =	vmul.f32 v27, v9;
	v29 =	vmul.f32 v30, v12;
	v37 =	vadd.f32 v34, v18  }
0x130: {  	v18 =	vadd.f32 v33, v15;
	v34 =	vmul.f32 v21, v14;
	v33 =	vmul.f32 v31, v9  }
0x131: {  	s21 =	sadd.s32 $0x80, s21;
	v35 =	vmul.f32 v35, v12;
	v30 =	vadd.f32 v36, v15;
	v31 =	vadd.f32 v37, v15  }
0x132: {  	v22 =	vadd.f32 v25, v22;
	v24 =	vadd.f32 v32, v24  }
0x133: {  	v19 =	vmul.f32 v19, v6;
	v25 =	vadd.f32 v28, v26;
	v23 =	vadd.f32 v34, v23  }
0x134: {  	v20 =	vmul.f32 v20, v6;
	v26 =	vadd.f32 v29, v27;
	v21 =	vmul.f32 v21, v6  }
0x135: {  	v18 =	vmax.f32 v18, $0.0e+00;
	v16 =	vmax.f32 v16, $0.0e+00;
	v27 =	vadd.f32 v35, v33  }
0x136: {  	v28 =	vmax.f32 v30, $0.0e+00;
	v29 =	vmax.f32 v31, $0.0e+00;
	v22 =	vadd.f32 v22, v4  }
0x137: {  	v18 =	vmul.f32 v18, v5;
	v24 =	vadd.f32 v24, v4;
	v19 =	vadd.f32 v19, v25  }
0x138: {  	v25 =	vmul.f32 v28, v5;
	v23 =	vadd.f32 v23, v4;
	v20 =	vadd.f32 v20, v26  }
0x139: {  	v26 =	vmul.f32 v29, v5;
	v21 =	vadd.f32 v21, v27;
	v18 =	vadd.f32 v18, v3  }
0x13a: {  	v22 =	vmax.f32 v22, $0.0e+00;
	v24 =	vmax.f32 v24, $0.0e+00;
	v19 =	vadd.f32 v19, v2  }
0x13b: {  	v23 =	vmax.f32 v23, $0.0e+00;
	v20 =	vadd.f32 v20, v2;
	v25 =	vadd.f32 v25, v3  }
0x13c: {  	s11 =	sand.u32 $0x1F, s8;
	v26 =	vadd.f32 v26, v3;
	v22 =	vmul.f32 v22, v1;
	v24 =	vmul.f32 v24, v1  }
0x13d: {  	s21 =	sshrl.u32 s11, $0x3;
	v21 =	vadd.f32 v21, v2;
	v23 =	vmul.f32 v23, v1;
	v19 =	vmax.f32 v19, $0.0e+00  }
0x13e: {  	s11 =	sshll.u32 s11, $0x7;
	s31 =	sshll.u32 s21, $0xA;
	v20 =	vmax.f32 v20, $0.0e+00;
	v18 =	vadd.f32 v18, v22;
	v19 =	vmul.f32 v19, v0  }
0x13f: {  	s11 =	ssub.s32 s11, s31;
	v21 =	vmax.f32 v21, $0.0e+00;
	v22 =	vadd.f32 v25, v24;
	v20 =	vmul.f32 v20, v0  }
0x140: {  	s31 =	sshll.u32 s8, $0x2;
	s11 =	smul.u32 $0xC80, s11;
	v23 =	vadd.f32 v26, v23;
	v21 =	vmul.f32 v21, v0;
	v18 =	vadd.f32 v18, v19  }
0x141: {  	[tilespmem:s10+$0xFFFFFFF0] =	vst v16;
	v16 =	vmax.f32 v17, $0.0e+00;
	s31 =	sand.u32 $0x7FFFFF80, s31;
	v17 =	vadd.f32 v22, v20  }
0x142: {  	[tilespmem:s10+$0x10] =	vst v16;
	s11 =	sadd.s32 s31, s11;
	s31 =	sshll.u32 s21, $0x5;
	v16 =	vadd.f32 v23, v21;
	v18 =	vmax.f32 v18, $0.0e+00  }
0x143: {  	s21 =	sadd.s32 $0x2, s8;
	s10 =	sor.u32 s31, s11;
	v17 =	vmax.f32 v17, $0.0e+00;
	[tilespmem:s4+$0xFFFFFFD0] =	vst v18  }
0x144: {  	s8 =	sshrl.u32 s21, $0x5;
	s10 =	sshrl.u32 s10, $0x3;
	[tilespmem:s4+$0xFFFFFFF0] =	vst v17;
	v16 =	vmax.f32 v16, $0.0e+00  }
0x145: {  	s8 =	smul.u32 $0x3000, s8;
	s11 =	sadd.s32 s3, s10;
	[tilespmem:s4+$0x10] =	vst v16;
	s4 =	sshll.u32 s21, $0x7  }
0x146: {  	[hbm4b:s11+s26] =	stream.strided.scatter [tilespmem:s29], [sflag:$0x3], $0x1000, s28, s26, $0x38;
	[tilespmem:$0x7400] =	vst v63  }
0x147: {  	s4 =	sand.u32 $0xF80, s4  }
0x148: {  	_ =	swait.ge [sflag:s13], $0x1000;
	s4 =	sor.u32 s8, s4  }
0x149: {  	[sflag:s13] =	ssyncset.done $0x0;
	s4 =	sshrl.u32 s4, $0x3  }
0x14a: {  	s31 =	simm.s32 $0x0;
	[sflag:s13] =	ssyncadd.s32 $0xFFFFF000;
	s4 =	sadd.s32 s5, s4  }
0x14b: {  	[tilespmem:s31], [sflag:$0x3] =	stream.strided.gather [hbm4b:s4+s14], $0x180, s15, s14, $0x38;
	[tilespmem:$0x7400] =	vst v63  }
0x14c: {  	_ =	swait.ge [sflag:s13], $0x180  }
0x14d: {  	[sflag:s13] =	ssyncset.done $0x0  }
0x14e: {  	[sflag:s13] =	ssyncadd.s32 $0xFFFFFE80  }
0x14f: {  	[tilespmem:s16], [sflag:$0x1] =	stream.indirect.gather [hbm4b:s6+s14], $0x20, s31, s14, $0xb8;
	[tilespmem:$0x7400] =	vst v63  }
0x150: {  	_ = 	snop  }
0x151: {  	[tilespmem:s17], [sflag:$0x1] =	stream.indirect.gather [hbm4b:s6+s14], $0x20, s14, s14, $0xb8;
	[tilespmem:$0x7400] =	vst v63  }
0x152: {  	_ = 	snop  }
0x153: {  	[tilespmem:s19], [sflag:$0x1] =	stream.indirect.gather [hbm4b:s6+s14], $0x20, s18, s14, $0xb8;
	[tilespmem:$0x7400] =	vst v63  }
0x154: {  	_ =	swait.ge [sflag:s30], $0x1000  }
0x155: {  	[sflag:s30] =	ssyncset.done $0x0  }
0x156: {  	[sflag:s30] =	ssyncadd.s32 $0xFFFFF000  }
0x157: {  	_ =	swait.ge [sflag:s30], $0x1000  }
0x158: {  	[sflag:s30] =	ssyncset.done $0x0  }
0x159: {  	[sflag:s30] =	ssyncadd.s32 $0xFFFFF000  }
0x15a: {  	_ =	swait.ge [sflag:s30], $0x1000  }
0x15b: {  	[sflag:s30] =	ssyncset.done $0x0  }
0x15c: {  	s8 =	simm.s32 $0x0;
	[sflag:s30] =	ssyncadd.s32 $0xFFFFF000  }
0x15d: {  	v16 =	vld [tilespmem:s8+$0x3370]  }
0x15e: {  	v17 =	vld [tilespmem:s8+$0x4370]  }
0x15f: {  	v18 =	vld [tilespmem:s8+$0x5370]  }
0x160: {  	v19 =	vld [tilespmem:s8+$0x3300]  }
0x161: {  	v20 =	vld [tilespmem:s8+$0x4300]  }
0x162: {  	v21 =	vld [tilespmem:s8+$0x3310]  }
0x163: {  	v27 =	vld [tilespmem:s8+$0x4320]  }
0x164: {  	v29 =	vld [tilespmem:s8+$0x3330]  }
0x165: {  	v30 =	vld [tilespmem:s8+$0x4330]  }
0x166: {  	v32 =	vld [tilespmem:s8+$0x3340]  }
0x167: {  	v33 =	vld [tilespmem:s8+$0x3350]  }
0x168: {  	v34 =	vld [tilespmem:s8+$0x4350]  }
0x169: {  	v36 =	vld [tilespmem:s8+$0x4360];
	v23 =	vmul.f32 v16, v7;
	v24 =	vmul.f32 v17, v10  }
0x16a: {  	v38 =	vld [tilespmem:s8+$0x5300];
	v26 =	vmul.f32 v18, v13;
	v28 =	vmul.f32 v17, v11  }
0x16b: {  	v22 =	vld [tilespmem:s8+$0x4310];
	v17 =	vmul.f32 v17, v12;
	v31 =	vmul.f32 v20, v10  }
0x16c: {  	v25 =	vld [tilespmem:s8+$0x3320];
	v54 =	vmul.f32 v27, v10;
	v37 =	vmul.f32 v29, v7  }
0x16d: {  	v43 =	vld [tilespmem:s8+$0x5320];
	v39 =	vmul.f32 v30, v10;
	v40 =	vmul.f32 v32, v7  }
0x16e: {  	v55 =	vmul.f32 v33, v7;
	v42 =	vmul.f32 v34, v10  }
0x16f: {  	v45 =	vmul.f32 v36, v10;
	v56 =	vmul.f32 v38, v13  }
0x170: {  	v57 =	vmul.f32 v19, v8;
	v58 =	vmul.f32 v20, v11  }
0x171: {  	v46 =	vmul.f32 v21, v8;
	v60 =	vmul.f32 v22, v11  }
0x172: {  	v49 =	vld [tilespmem:s8+$0x5360];
	v48 =	vmul.f32 v43, v13;
	v61 =	vmul.f32 v25, v8  }
0x173: {  	v50 =	vmul.f32 v27, v11;
	v51 =	vmul.f32 v29, v8  }
0x174: {  	v63 =	vmul.f32 v30, v11;
	v20 =	vmul.f32 v20, v12  }
0x175: {  	v27 =	vmul.f32 v27, v12;
	v29 =	vmul.f32 v29, v9  }
0x176: {  	v30 =	vmul.f32 v30, v12;
	v23 =	vadd.f32 v24, v23;
	v24 =	vmul.f32 v16, v8  }
0x177: {  	v16 =	vmul.f32 v16, v9;
	v35 =	vadd.f32 v42, v55;
	v55 =	vmul.f32 v49, v13  }
0x178: {  	v42 =	vld [tilespmem:s8+$0x5340];
	v23 =	vadd.f32 v26, v23;
	v24 =	vadd.f32 v28, v24;
	v26 =	vmul.f32 v18, v14  }
0x179: {  	v28 =	vmul.f32 v19, v7;
	v16 =	vadd.f32 v17, v16;
	v18 =	vmul.f32 v18, v6  }
0x17a: {  	v19 =	vmul.f32 v19, v9;
	v23 =	vadd.f32 v23, v15;
	v24 =	vadd.f32 v26, v24  }
0x17b: {  	v26 =	vadd.f32 v31, v28;
	v28 =	vmul.f32 v21, v7;
	v31 =	vmul.f32 v22, v10  }
0x17c: {  	v17 =	vld [tilespmem:s8+$0x4340];
	v16 =	vadd.f32 v18, v16;
	v21 =	vmul.f32 v21, v9;
	v22 =	vmul.f32 v22, v12  }
0x17d: {  	v19 =	vadd.f32 v20, v19;
	v52 =	vmul.f32 v42, v13;
	v23 =	vmax.f32 v23, $0.0e+00  }
0x17e: {  	v24 =	vadd.f32 v24, v4;
	v18 =	vadd.f32 v31, v28;
	v28 =	vmul.f32 v25, v7  }
0x17f: {  	v26 =	vadd.f32 v56, v26;
	v56 =	vmul.f32 v36, v11;
	v25 =	vmul.f32 v25, v9  }
0x180: {  	v36 =	vmul.f32 v36, v12;
	v20 =	vadd.f32 v22, v21;
	v21 =	vmul.f32 v43, v6  }
0x181: {  	v16 =	vadd.f32 v16, v2;
	v23 =	vmul.f32 v23, v5;
	v41 =	vmul.f32 v17, v10  }
0x182: {  	v53 =	vmul.f32 v17, v11;
	v17 =	vmul.f32 v17, v12  }
0x183: {  	v24 =	vmax.f32 v24, $0.0e+00;
	v16 =	vmax.f32 v16, $0.0e+00;
	v28 =	vadd.f32 v54, v28  }
0x184: {  	v31 =	vld [tilespmem:s8+$0x3360];
	v54 =	vmul.f32 v33, v8;
	v26 =	vadd.f32 v26, v15;
	v22 =	vadd.f32 v27, v25  }
0x185: {  	v33 =	vmul.f32 v33, v9;
	v25 =	vadd.f32 v30, v29;
	v23 =	vadd.f32 v23, v3  }
0x186: {  	v24 =	vmul.f32 v24, v1;
	v28 =	vadd.f32 v48, v28;
	v48 =	vmul.f32 v32, v8  }
0x187: {  	v47 =	vld [tilespmem:s8+$0x5350];
	v29 =	vmul.f32 v42, v6;
	v32 =	vmul.f32 v32, v9;
	v21 =	vadd.f32 v21, v22  }
0x188: {  	v16 =	vmul.f32 v16, v0;
	v23 =	vadd.f32 v23, v24;
	v48 =	vadd.f32 v53, v48  }
0x189: {  	v44 =	vmul.f32 v31, v7;
	v28 =	vadd.f32 v28, v15;
	v17 =	vadd.f32 v17, v32  }
0x18a: {  	v26 =	vmax.f32 v26, $0.0e+00;
	v16 =	vadd.f32 v23, v16;
	v23 =	vadd.f32 v39, v37  }
0x18b: {  	v26 =	vmul.f32 v26, v5;
	v37 =	vadd.f32 v41, v40;
	v41 =	vadd.f32 v45, v44  }
0x18c: {  	v45 =	vadd.f32 v60, v46;
	v60 =	vmul.f32 v47, v13;
	v40 =	vadd.f32 v50, v61  }
0x18d: {  	v61 =	vmul.f32 v34, v11;
	v46 =	vadd.f32 v63, v51;
	v63 =	vmul.f32 v38, v14  }
0x18e: {  	v24 =	vld [tilespmem:s8+$0x5310];
	v44 =	vadd.f32 v58, v57;
	v34 =	vmul.f32 v34, v12;
	v57 =	vmul.f32 v49, v14  }
0x18f: {  	v38 =	vmul.f32 v38, v6;
	v28 =	vmax.f32 v28, $0.0e+00;
	v17 =	vadd.f32 v29, v17  }
0x190: {  	v16 =	vmax.f32 v16, $0.0e+00;
	v37 =	vadd.f32 v52, v37;
	v35 =	vadd.f32 v60, v35  }
0x191: {  	v41 =	vadd.f32 v55, v41;
	v50 =	vadd.f32 v61, v54;
	v60 =	vmul.f32 v43, v14  }
0x192: {  	v39 =	vld [tilespmem:s8+$0x5330];
	v44 =	vadd.f32 v63, v44;
	v63 =	vmul.f32 v47, v14;
	v30 =	vadd.f32 v34, v33  }
0x193: {  	v19 =	vadd.f32 v38, v19;
	v28 =	vmul.f32 v28, v5;
	v59 =	vmul.f32 v24, v13  }
0x194: {  	v53 =	vmul.f32 v24, v14;
	v37 =	vadd.f32 v37, v15;
	v35 =	vadd.f32 v35, v15  }
0x195: {  	v24 =	vmul.f32 v24, v6;
	v41 =	vadd.f32 v41, v15;
	v40 =	vadd.f32 v60, v40  }
0x196: {  	v50 =	vadd.f32 v63, v50;
	v60 =	vmul.f32 v49, v6;
	v54 =	vadd.f32 v19, v2  }
0x197: {  	v18 =	vadd.f32 v59, v18;
	v62 =	vmul.f32 v39, v13;
	v61 =	vmul.f32 v39, v14  }
0x198: {  	v45 =	vadd.f32 v53, v45;
	v27 =	vmul.f32 v39, v6;
	v59 =	vmul.f32 v47, v6  }
0x199: {  	v20 =	vadd.f32 v24, v20;
	v35 =	vmax.f32 v35, $0.0e+00;
	v40 =	vadd.f32 v40, v4  }
0x19a: {  	v23 =	vadd.f32 v62, v23;
	v62 =	vmul.f32 v31, v8;
	v18 =	vadd.f32 v18, v15  }
0x19b: {  	v31 =	vmul.f32 v31, v9;
	v46 =	vadd.f32 v61, v46;
	v61 =	vmax.f32 v37, $0.0e+00  }
0x19c: {  	v63 =	vadd.f32 v45, v4;
	v45 =	vmax.f32 v41, $0.0e+00;
	v29 =	vmul.f32 v35, v5  }
0x19d: {  	v24 =	vmul.f32 v61, v5;
	v51 =	vmax.f32 v40, $0.0e+00;
	v61 =	vadd.f32 v26, v3  }
0x19e: {  	v52 =	vadd.f32 v56, v62;
	v23 =	vadd.f32 v23, v15;
	v62 =	vmul.f32 v42, v14  }
0x19f: {  	v31 =	vadd.f32 v36, v31;
	v18 =	vmax.f32 v18, $0.0e+00;
	v46 =	vadd.f32 v46, v4  }
0x1a0: {  	v18 =	vmul.f32 v18, v5;
	v24 =	vadd.f32 v24, v3;
	v48 =	vadd.f32 v62, v48  }
0x1a1: {  	v58 =	vadd.f32 v57, v52;
	v23 =	vmax.f32 v23, $0.0e+00;
	v62 =	vadd.f32 v44, v4  }
0x1a2: {  	v57 =	vadd.f32 v21, v2;
	v22 =	vmul.f32 v23, v5;
	v23 =	vadd.f32 v27, v25  }
0x1a3: {  	v52 =	vmax.f32 v46, $0.0e+00;
	v25 =	vadd.f32 v59, v30;
	v27 =	vadd.f32 v60, v31  }
0x1a4: {  	v31 =	vmax.f32 v63, $0.0e+00;
	v19 =	vmul.f32 v52, v1;
	v47 =	vadd.f32 v48, v4  }
0x1a5: {  	v63 =	vmax.f32 v54, $0.0e+00;
	v48 =	vadd.f32 v50, v4;
	v49 =	vadd.f32 v58, v4  }
0x1a6: {  	v30 =	vmax.f32 v62, $0.0e+00;
	v50 =	vmul.f32 v45, v5;
	v31 =	vmul.f32 v31, v1  }
0x1a7: {  	v58 =	vadd.f32 v17, v2;
	v17 =	vmul.f32 v51, v1;
	v62 =	vadd.f32 v18, v3  }
0x1a8: {  	v56 =	vmul.f32 v30, v1;
	v30 =	vadd.f32 v20, v2;
	v23 =	vadd.f32 v23, v2  }
0x1a9: {  	v32 =	vmax.f32 v57, $0.0e+00;
	v59 =	vadd.f32 v25, v2;
	v60 =	vadd.f32 v27, v2  }
0x1aa: {  	v33 =	vmul.f32 v63, v0;
	v27 =	vadd.f32 v28, v3;
	v25 =	vadd.f32 v22, v3  }
0x1ab: {  	v22 =	vadd.f32 v29, v3;
	v53 =	vmax.f32 v47, $0.0e+00;
	v55 =	vmax.f32 v48, $0.0e+00  }
0x1ac: {  	v38 =	vmax.f32 v49, $0.0e+00;
	v18 =	vadd.f32 v50, v3;
	v20 =	vmul.f32 v53, v1  }
0x1ad: {  	v31 =	vadd.f32 v62, v31;
	v26 =	vmul.f32 v55, v1;
	v21 =	vmul.f32 v38, v1  }
0x1ae: {  	v34 =	vmax.f32 v30, $0.0e+00;
	v29 =	vmax.f32 v23, $0.0e+00;
	v30 =	vmax.f32 v58, $0.0e+00  }
0x1af: {  	s10 =	simm.s32 $0x200;
	s4 =	simm.s32 $0x0;
	[tilespmem:s8+$0x6370] =	vst v16;
	v28 =	vmax.f32 v59, $0.0e+00;
	v23 =	vmax.f32 v60, $0.0e+00;
	v16 =	vadd.f32 v61, v56  }
.LBB2_5:
0x1b0: {  	s11 =	sshra.s32 s10, $0x2;
	v34 =	vmul.f32 v34, v0;
	v17 =	vadd.f32 v27, v17;
	v19 =	vadd.f32 v25, v19  }
0x1b1: {  	s4 =	sadd.s32 $0x4, s4;
	v27 =	vmul.f32 v32, v0;
	v20 =	vadd.f32 v24, v20;
	v22 =	vadd.f32 v22, v26;
	v25 =	vld [tilespmem:s11+$0x3370]  }
0x1b2: {  	v26 =	vmul.f32 v29, v0;
	v29 =	vmul.f32 v30, v0;
	v21 =	vadd.f32 v18, v21;
	p0 =	slt.u32 s4, $0x7C;
	v24 =	vld [tilespmem:s11+$0x4370]  }
0x1b3: {  	v28 =	vmul.f32 v28, v0;
	v23 =	vmul.f32 v23, v0;
	v18 =	vadd.f32 v16, v33;
	v30 =	vld [tilespmem:s11+$0x5370]  }
0x1b4: {  	v31 =	vadd.f32 v31, v34;
	v27 =	vadd.f32 v17, v27;
	v16 =	vld [tilespmem:s11+$0x3300]  }
0x1b5: {  	v26 =	vadd.f32 v19, v26;
	v29 =	vadd.f32 v20, v29;
	v32 =	vmax.f32 v18, $0.0e+00;
	v17 =	vld [tilespmem:s11+$0x4300]  }
0x1b6: {  	v28 =	vadd.f32 v22, v28;
	v20 =	vmax.f32 v31, $0.0e+00;
	v31 =	vadd.f32 v21, v23;
	v18 =	vld [tilespmem:s11+$0x3310];
	[tilespmem:s8+$0x6300] =	vst v32  }
0x1b7: {  	v21 =	vmax.f32 v27, $0.0e+00;
	v22 =	vmul.f32 v25, v7;
	v19 =	vld [tilespmem:s11+$0x4310];
	v23 =	vmul.f32 v24, v10;
	[tilespmem:s8+$0x6310] =	vst v20  }
0x1b8: {  	v26 =	vmax.f32 v26, $0.0e+00;
	v29 =	vmax.f32 v29, $0.0e+00;
	v20 =	vld [tilespmem:s11+$0x3320];
	v27 =	vmul.f32 v30, v13;
	[tilespmem:s8+$0x6320] =	vst v21  }
0x1b9: {  	v33 =	vmul.f32 v25, v8;
	v34 =	vmul.f32 v24, v11;
	v21 =	vld [tilespmem:s11+$0x4320];
	v32 =	vadd.f32 v23, v22;
	[tilespmem:s8+$0x6330] =	vst v26  }
0x1ba: {  	v25 =	vmul.f32 v25, v9;
	v26 =	vmul.f32 v24, v12;
	v24 =	vmax.f32 v28, $0.0e+00;
	v22 =	vld [tilespmem:s11+$0x3330];
	[tilespmem:s8+$0x6340] =	vst v29  }
0x1bb: {  	v28 =	vadd.f32 v34, v33;
	v29 =	vmul.f32 v30, v14;
	v23 =	vld [tilespmem:s11+$0x4330];
	v27 =	vadd.f32 v27, v32;
	[tilespmem:s8+$0x6350] =	vst v24  }
0x1bc: {  	v33 =	vmul.f32 v17, v10;
	v32 =	vmul.f32 v16, v7;
	v34 =	vadd.f32 v26, v25;
	v24 =	vld [tilespmem:s11+$0x3340]  }
0x1bd: {  	v28 =	vadd.f32 v29, v28;
	v29 =	vmul.f32 v30, v6;
	v25 =	vld [tilespmem:s11+$0x4340];
	v35 =	vadd.f32 v27, v15  }
0x1be: {  	v30 =	vadd.f32 v33, v32;
	v32 =	vmul.f32 v18, v7;
	v33 =	vmul.f32 v19, v10;
	v26 =	vld [tilespmem:s11+$0x3350]  }
0x1bf: {  	v28 =	vadd.f32 v28, v4;
	v29 =	vadd.f32 v29, v34;
	v27 =	vld [tilespmem:s11+$0x4350];
	v35 =	vmax.f32 v35, $0.0e+00  }
0x1c0: {  	v32 =	vadd.f32 v33, v32;
	v33 =	vmul.f32 v20, v7;
	v34 =	vld [tilespmem:s11+$0x3360];
	v35 =	vmul.f32 v35, v5  }
0x1c1: {  	v36 =	vmul.f32 v21, v10;
	v28 =	vmax.f32 v28, $0.0e+00;
	v29 =	vadd.f32 v29, v2;
	v37 =	vld [tilespmem:s11+$0x4360]  }
0x1c2: {  	v39 =	vmul.f32 v22, v7;
	v28 =	vmul.f32 v28, v1;
	v38 =	vld [tilespmem:s11+$0x5300];
	v35 =	vadd.f32 v35, v3  }
0x1c3: {  	v41 =	vmul.f32 v23, v10;
	v42 =	vmul.f32 v24, v7;
	v29 =	vmax.f32 v29, $0.0e+00;
	v40 =	vld [tilespmem:s11+$0x5310]  }
0x1c4: {  	v44 =	vmul.f32 v25, v10;
	v29 =	vmul.f32 v29, v0;
	v43 =	vld [tilespmem:s11+$0x5320];
	v28 =	vadd.f32 v35, v28  }
0x1c5: {  	v33 =	vadd.f32 v36, v33;
	v36 =	vmul.f32 v26, v7;
	v45 =	vmul.f32 v27, v10;
	v35 =	vld [tilespmem:s11+$0x5330]  }
0x1c6: {  	v47 =	vmul.f32 v34, v7;
	v46 =	vld [tilespmem:s11+$0x5340];
	v48 =	vmul.f32 v37, v10;
	v28 =	vadd.f32 v28, v29  }
0x1c7: {  	v39 =	vadd.f32 v41, v39;
	v41 =	vadd.f32 v44, v42;
	v29 =	vmul.f32 v38, v13;
	v42 =	vld [tilespmem:s11+$0x5350]  }
0x1c8: {  	v36 =	vadd.f32 v45, v36;
	v44 =	vld [tilespmem:s11+$0x5360];
	v45 =	vadd.f32 v48, v47;
	v28 =	vmax.f32 v28, $0.0e+00  }
0x1c9: {  	v47 =	vmul.f32 v17, v11;
	v29 =	vadd.f32 v29, v30;
	v30 =	vmul.f32 v16, v8;
	[tilespmem:s11+$0x6370] =	vst v28  }
0x1ca: {  	v31 =	vmax.f32 v31, $0.0e+00;
	v48 =	vmul.f32 v18, v8;
	v28 =	vmul.f32 v40, v13  }
0x1cb: {  	v49 =	vmul.f32 v43, v13;
	v30 =	vadd.f32 v47, v30;
	v47 =	vmul.f32 v19, v11;
	[tilespmem:s8+$0x6360] =	vst v31;
	s8 =	smov.u32 s11  }
0x1cc: {  	v28 =	vadd.f32 v28, v32;
	v31 =	vmul.f32 v20, v8;
	v32 =	vmul.f32 v21, v11  }
0x1cd: {  	v50 =	vmul.f32 v22, v8;
	v33 =	vadd.f32 v49, v33;
	v49 =	vmul.f32 v35, v13  }
0x1ce: {  	v51 =	vmul.f32 v46, v13;
	v47 =	vadd.f32 v47, v48;
	v48 =	vmul.f32 v23, v11  }
0x1cf: {  	v52 =	vmul.f32 v25, v11;
	v39 =	vadd.f32 v49, v39;
	v49 =	vmul.f32 v24, v8  }
0x1d0: {  	v53 =	vmul.f32 v26, v8;
	v41 =	vadd.f32 v51, v41;
	v51 =	vmul.f32 v42, v13  }
0x1d1: {  	v31 =	vadd.f32 v32, v31;
	v32 =	vmul.f32 v27, v11;
	v54 =	vmul.f32 v44, v13  }
0x1d2: {  	v55 =	vmul.f32 v37, v11;
	v36 =	vadd.f32 v51, v36;
	v51 =	vmul.f32 v34, v8  }
0x1d3: {  	v56 =	vmul.f32 v38, v14;
	v48 =	vadd.f32 v48, v50;
	v45 =	vadd.f32 v54, v45  }
0x1d4: {  	v16 =	vmul.f32 v16, v9;
	v49 =	vadd.f32 v52, v49;
	v32 =	vadd.f32 v32, v53  }
0x1d5: {  	v17 =	vmul.f32 v17, v12;
	v50 =	vmul.f32 v40, v14;
	v51 =	vadd.f32 v55, v51  }
0x1d6: {  	v18 =	vmul.f32 v18, v9;
	v29 =	vadd.f32 v29, v15;
	v19 =	vmul.f32 v19, v12  }
0x1d7: {  	v20 =	vmul.f32 v20, v9;
	v28 =	vadd.f32 v28, v15;
	v52 =	vmul.f32 v43, v14  }
0x1d8: {  	v21 =	vmul.f32 v21, v12;
	v33 =	vadd.f32 v33, v15;
	v53 =	vmul.f32 v35, v14  }
0x1d9: {  	v22 =	vmul.f32 v22, v9;
	v23 =	vmul.f32 v23, v12;
	v39 =	vadd.f32 v39, v15  }
0x1da: {  	v24 =	vmul.f32 v24, v9;
	v41 =	vadd.f32 v41, v15;
	v54 =	vmul.f32 v46, v14  }
0x1db: {  	v25 =	vmul.f32 v25, v12;
	v36 =	vadd.f32 v36, v15;
	v55 =	vmul.f32 v42, v14  }
0x1dc: {  	v26 =	vmul.f32 v26, v9;
	v27 =	vmul.f32 v27, v12;
	v45 =	vadd.f32 v45, v15  }
0x1dd: {  	v30 =	vadd.f32 v56, v30;
	v56 =	vmul.f32 v44, v14;
	v34 =	vmul.f32 v34, v9  }
0x1de: {  	v37 =	vmul.f32 v37, v12;
	v47 =	vadd.f32 v50, v47;
	v31 =	vadd.f32 v52, v31  }
0x1df: {  	v38 =	vmul.f32 v38, v6;
	v48 =	vadd.f32 v53, v48;
	v49 =	vadd.f32 v54, v49  }
0x1e0: {  	v40 =	vmul.f32 v40, v6;
	v32 =	vadd.f32 v55, v32;
	v50 =	vadd.f32 v56, v51  }
0x1e1: {  	v16 =	vadd.f32 v17, v16;
	v17 =	vadd.f32 v19, v18;
	v18 =	vmul.f32 v43, v6  }
0x1e2: {  	v19 =	vadd.f32 v21, v20;
	v21 =	vmul.f32 v35, v6;
	v20 =	vadd.f32 v23, v22  }
0x1e3: {  	v22 =	vadd.f32 v25, v24;
	v23 =	vmul.f32 v46, v6;
	v24 =	vadd.f32 v27, v26  }
0x1e4: {  	v25 =	vmul.f32 v42, v6;
	v27 =	vmul.f32 v44, v6;
	v26 =	vadd.f32 v37, v34  }
0x1e5: {  	v29 =	vmax.f32 v29, $0.0e+00;
	v28 =	vmax.f32 v28, $0.0e+00;
	v33 =	vmax.f32 v33, $0.0e+00  }
0x1e6: {  	v34 =	vmax.f32 v39, $0.0e+00;
	v35 =	vmax.f32 v41, $0.0e+00;
	v36 =	vmax.f32 v36, $0.0e+00  }
0x1e7: {  	v30 =	vadd.f32 v30, v4;
	v37 =	vadd.f32 v47, v4;
	v39 =	vmax.f32 v45, $0.0e+00  }
0x1e8: {  	v29 =	vmul.f32 v29, v5;
	v31 =	vadd.f32 v31, v4;
	v41 =	vadd.f32 v48, v4  }
0x1e9: {  	v28 =	vmul.f32 v28, v5;
	v42 =	vadd.f32 v49, v4;
	v32 =	vadd.f32 v32, v4  }
0x1ea: {  	v16 =	vadd.f32 v38, v16;
	v33 =	vmul.f32 v33, v5;
	v38 =	vadd.f32 v50, v4  }
0x1eb: {  	v18 =	vadd.f32 v18, v19;
	v17 =	vadd.f32 v40, v17;
	v34 =	vmul.f32 v34, v5  }
0x1ec: {  	v19 =	vadd.f32 v21, v20;
	v20 =	vadd.f32 v23, v22;
	v21 =	vmul.f32 v35, v5  }
0x1ed: {  	v23 =	vadd.f32 v25, v24;
	v24 =	vadd.f32 v27, v26;
	v22 =	vmul.f32 v36, v5  }
0x1ee: {  	v25 =	vmax.f32 v30, $0.0e+00;
	v30 =	vmul.f32 v39, v5;
	v26 =	vmax.f32 v37, $0.0e+00  }
0x1ef: {  	v27 =	vmax.f32 v31, $0.0e+00;
	v31 =	vmax.f32 v41, $0.0e+00;
	v35 =	vmax.f32 v42, $0.0e+00  }
0x1f0: {  	v16 =	vadd.f32 v16, v2;
	v32 =	vmax.f32 v32, $0.0e+00;
	v36 =	vmax.f32 v38, $0.0e+00  }
0x1f1: {  	v39 =	vadd.f32 v18, v2;
	v37 =	vmul.f32 v25, v1;
	v38 =	vadd.f32 v17, v2  }
0x1f2: {  	v41 =	vadd.f32 v19, v2;
	v42 =	vadd.f32 v20, v2;
	v40 =	vmul.f32 v26, v1  }
0x1f3: {  	v23 =	vadd.f32 v23, v2;
	v43 =	vadd.f32 v24, v2;
	v17 =	vmul.f32 v27, v1  }
0x1f4: {  	v44 =	vadd.f32 v29, v3;
	v45 =	vadd.f32 v28, v3;
	v19 =	vmul.f32 v31, v1  }
0x1f5: {  	v25 =	vadd.f32 v34, v3;
	v20 =	vmul.f32 v35, v1;
	v27 =	vadd.f32 v33, v3  }
.Ltmp1:
0x1f6: {  	v24 =	vadd.f32 v21, v3;
	v22 =	vadd.f32 v22, v3;
	v26 =	vmul.f32 v32, v1;
	(pc) =	sbr.rel @p0 .LBB2_5-.Ltmp1, $4  }
0x1f7: {  	v31 =	vmax.f32 v16, $0.0e+00;
	v18 =	vadd.f32 v30, v3;
	v21 =	vmul.f32 v36, v1  }
0x1f8: {  	v29 =	vmax.f32 v41, $0.0e+00;
	v32 =	vmax.f32 v39, $0.0e+00;
	v34 =	vmax.f32 v38, $0.0e+00  }
0x1f9: {  	v28 =	vmax.f32 v23, $0.0e+00;
	v30 =	vmax.f32 v42, $0.0e+00;
	v23 =	vmax.f32 v43, $0.0e+00  }
0x1fa: {  	s10 =	sadd.s32 $0x200, s10;
	v16 =	vadd.f32 v44, v37;
	v33 =	vmul.f32 v31, v0;
	v31 =	vadd.f32 v45, v40  }
0x1fb: {  	v17 =	vadd.f32 v27, v17  }
0x1fc: {  	v58 =	vmul.f32 v34, v0;
	v19 =	vadd.f32 v25, v19;
	v20 =	vadd.f32 v24, v20  }
0x1fd: {  	v59 =	vmul.f32 v32, v0;
	v61 =	vmul.f32 v30, v0;
	v16 =	vadd.f32 v16, v33  }
0x1fe: {  	v22 =	vadd.f32 v22, v26;
	v60 =	vmul.f32 v29, v0;
	v27 =	vadd.f32 v31, v58  }
0x1ff: {  	v18 =	vadd.f32 v18, v21;
	v20 =	vadd.f32 v20, v61;
	v16 =	vmax.f32 v16, $0.0e+00  }
0x200: {  	v62 =	vmul.f32 v28, v0;
	v17 =	vadd.f32 v17, v59;
	[tilespmem:s8+$0x6300] =	vst v16;
	v16 =	vmax.f32 v27, $0.0e+00  }
0x201: {  	v23 =	vmul.f32 v23, v0;
	s4 =	smul.u32 $0xC80, s7;
	v19 =	vadd.f32 v19, v60;
	v63 =	vmax.f32 v20, $0.0e+00;
	[tilespmem:s8+$0x6310] =	vst v16  }
0x202: {  	s31 =	sshll.u32 s12, $0x7;
	v16 =	vmax.f32 v17, $0.0e+00;
	v17 =	vadd.f32 v22, v62;
	[tilespmem:s8+$0x6340] =	vst v63  }
0x203: {  	s0 =	sshll.u32 s0, $0x5;
	v18 =	vadd.f32 v18, v23;
	s4 =	sadd.s32 s31, s4;
	[tilespmem:s8+$0x6320] =	vst v16;
	v16 =	vmax.f32 v19, $0.0e+00  }
0x204: {  	s1 =	sadd.s32 $0x1, s1;
	s0 =	sor.u32 s0, s4;
	[tilespmem:s8+$0x6330] =	vst v16;
	v16 =	vmax.f32 v17, $0.0e+00  }
0x205: {  	p0 =	sne.s32 s1, $0xC;
	s0 =	sshrl.u32 s0, $0x3;
	[tilespmem:s8+$0x6350] =	vst v16;
	v16 =	vmax.f32 v18, $0.0e+00  }
.Ltmp2:
0x206: {  	s0 =	sadd.s32 s3, s0;
	[tilespmem:s8+$0x6360] =	vst v16;
	(pc) =	sbr.rel @p0 .LBB2_2-.Ltmp2, $4  }
0x207: {  	[hbm4b:s0+s26] =	stream.strided.scatter [tilespmem:s29], [sflag:$0x3], $0x1000, s28, s26, $0x38;
	[tilespmem:$0x7400] =	vst v63  }
0x208: {  	_ =	swait.ge [sflag:s13], $0x1000  }
0x209: {  	[sflag:s13] =	ssyncset.done $0x0  }
0x20a: {  	[sflag:s13] =	ssyncadd.s32 $0xFFFFF000  }
0x20b: {  	_ =	swait.ge [sflag:s9], $0x1000  }
0x20c: {  	[sflag:s9] =	ssyncset.done $0x0  }
0x20d: {  	[sflag:s9] =	ssyncadd.s32 $0xFFFFF000  }
0x20e: {  	_ =	swait.ge [sflag:s9], $0x1000  }
0x20f: {  	[sflag:s9] =	ssyncset.done $0x0  }
0x210: {  	[sflag:s9] =	ssyncadd.s32 $0xFFFFF000  }
0x211: {  	_ =	swait.ge [sflag:s9], $0x1000  }
0x212: {  	[sflag:s9] =	ssyncset.done $0x0  }
0x213: {  	s1 =	simm.s32 $0x1340;
	[sflag:s9] =	ssyncadd.s32 $0xFFFFF000  }
0x214: {  	v16 =	vld [tilespmem:s1+$0xFFFFF020]  }
0x215: {  	v17 =	vld [tilespmem:s1+$0x20]  }
0x216: {  	v18 =	vld [tilespmem:s1+$0x1020]  }
0x217: {  	v19 =	vld [tilespmem:s1+$0xFFFFFFC0]  }
0x218: {  	v20 =	vld [tilespmem:s1+$0xFFFFEFE0]  }
0x219: {  	v23 =	vld [tilespmem:s1+$0xFFFFFFE0];
	_ =	sdelay $0x1  }
0x21a: {  	s4 =	simm.s32 $0x13C0;
	v32 =	vld [tilespmem:s1+$0x1000];
	v21 =	vmul.f32 v16, v7;
	v22 =	vmul.f32 v17, v10  }
0x21b: {  	v52 =	vld [tilespmem:s4+$0x1020];
	v24 =	vmul.f32 v18, v13;
	v26 =	vmul.f32 v17, v11  }
0x21c: {  	v54 =	vld [tilespmem:s4+$0xFFFFEFC0];
	v17 =	vmul.f32 v17, v12;
	v28 =	vmul.f32 v19, v10  }
0x21d: {  	v37 =	vld [tilespmem:s4+$0xFFFFF000];
	v29 =	vmul.f32 v20, v7;
	v30 =	vmul.f32 v23, v10  }
0x21e: {  	v33 =	vmul.f32 v20, v8;
	v34 =	vmul.f32 v23, v11  }
0x21f: {  	v20 =	vmul.f32 v20, v9;
	v23 =	vmul.f32 v23, v12  }
0x220: {  	v41 =	vmul.f32 v32, v14;
	v53 =	vmul.f32 v52, v13  }
0x221: {  	v25 =	vld [tilespmem:s1+$0xFFFFEFC0];
	v40 =	vmul.f32 v54, v7;
	v21 =	vadd.f32 v22, v21;
	v22 =	vmul.f32 v16, v8  }
0x222: {  	v51 =	vld [tilespmem:s4+$0xFFFFF020];
	v57 =	vmul.f32 v37, v7;
	v16 =	vmul.f32 v16, v9  }
0x223: {  	v27 =	vld [tilespmem:s1+$0xFFFFF000];
	v21 =	vadd.f32 v24, v21;
	v22 =	vadd.f32 v26, v22;
	v24 =	vmul.f32 v18, v14  }
0x224: {  	v29 =	vadd.f32 v30, v29;
	v26 =	vld [tilespmem:s1+$0x0];
	v16 =	vadd.f32 v17, v16;
	v18 =	vmul.f32 v18, v6  }
0x225: {  	v60 =	vmul.f32 v54, v8;
	v17 =	vadd.f32 v21, v15;
	v21 =	vadd.f32 v24, v22  }
0x226: {  	v33 =	vadd.f32 v34, v33;
	v22 =	vld [tilespmem:s1+$0xFC0];
	v24 =	vmul.f32 v25, v7;
	v16 =	vadd.f32 v18, v16  }
0x227: {  	v34 =	vmul.f32 v51, v9;
	v17 =	vmax.f32 v17, $0.0e+00;
	v21 =	vadd.f32 v21, v4  }
0x228: {  	v18 =	vld [tilespmem:s1+$0xFE0];
	v24 =	vadd.f32 v28, v24;
	v16 =	vadd.f32 v16, v2;
	v17 =	vmul.f32 v17, v5  }
0x229: {  	v28 =	vmul.f32 v27, v7;
	v31 =	vmul.f32 v26, v10;
	v21 =	vmax.f32 v21, $0.0e+00  }
0x22a: {  	v16 =	vmax.f32 v16, $0.0e+00;
	v17 =	vadd.f32 v17, v3;
	v21 =	vmul.f32 v21, v1  }
0x22b: {  	v30 =	vmul.f32 v22, v13;
	v28 =	vadd.f32 v31, v28;
	v31 =	vmul.f32 v25, v8  }
0x22c: {  	v16 =	vmul.f32 v16, v0;
	v35 =	vmul.f32 v22, v14  }
0x22d: {  	v17 =	vadd.f32 v17, v21;
	v21 =	vadd.f32 v30, v24;
	v30 =	vmul.f32 v18, v13  }
0x22e: {  	v20 =	vadd.f32 v23, v20;
	v22 =	vmul.f32 v22, v6;
	v24 =	vmul.f32 v19, v11  }
0x22f: {  	v19 =	vmul.f32 v19, v12;
	v16 =	vadd.f32 v17, v16;
	v17 =	vadd.f32 v30, v29  }
0x230: {  	v29 =	vmul.f32 v32, v13;
	v30 =	vmul.f32 v27, v8;
	v24 =	vadd.f32 v24, v31  }
0x231: {  	v31 =	vmul.f32 v26, v11;
	v21 =	vadd.f32 v21, v15;
	v27 =	vmul.f32 v27, v9  }
0x232: {  	v26 =	vmul.f32 v26, v12;
	v32 =	vmul.f32 v32, v6;
	v28 =	vadd.f32 v29, v28  }
0x233: {  	s0 =	simm.s32 $0x6340;
	v16 =	vmax.f32 v16, $0.0e+00;
	v17 =	vadd.f32 v17, v15;
	v24 =	vadd.f32 v35, v24  }
0x234: {  	[tilespmem:s0+$0x20] =	vst v16;
	v16 =	vmul.f32 v25, v9;
	v25 =	vadd.f32 v31, v30;
	v30 =	vmul.f32 v18, v14  }
0x235: {  	v26 =	vadd.f32 v26, v27;
	v21 =	vmax.f32 v21, $0.0e+00;
	v28 =	vadd.f32 v28, v15  }
0x236: {  	v18 =	vmul.f32 v18, v6;
	v29 =	vld [tilespmem:s1+$0xFFFFF030];
	v24 =	vadd.f32 v24, v4;
	v30 =	vadd.f32 v30, v33  }
0x237: {  	v21 =	vmul.f32 v21, v5;
	v31 =	vld [tilespmem:s1+$0x30];
	v16 =	vadd.f32 v19, v16;
	v19 =	vadd.f32 v41, v25  }
0x238: {  	v17 =	vmax.f32 v17, $0.0e+00;
	v18 =	vadd.f32 v18, v20;
	v20 =	vadd.f32 v32, v26  }
0x239: {  	v36 =	vld [tilespmem:s1+$0x1030];
	v17 =	vmul.f32 v17, v5;
	v21 =	vadd.f32 v21, v3;
	v28 =	vmax.f32 v28, $0.0e+00  }
0x23a: {  	v24 =	vmax.f32 v24, $0.0e+00;
	v30 =	vadd.f32 v30, v4;
	v16 =	vadd.f32 v22, v16  }
0x23b: {  	v19 =	vadd.f32 v19, v4;
	v24 =	vmul.f32 v24, v1;
	v18 =	vadd.f32 v18, v2  }
0x23c: {  	v20 =	vadd.f32 v20, v2;
	v23 =	vmul.f32 v29, v7;
	v25 =	vmul.f32 v31, v10  }
0x23d: {  	v17 =	vadd.f32 v17, v3;
	v27 =	vmul.f32 v29, v8;
	v42 =	vmul.f32 v31, v11  }
0x23e: {  	v43 =	vmul.f32 v36, v13;
	v16 =	vadd.f32 v16, v2;
	v26 =	vmax.f32 v30, $0.0e+00  }
0x23f: {  	v19 =	vmax.f32 v19, $0.0e+00;
	v21 =	vadd.f32 v21, v24;
	v18 =	vmax.f32 v18, $0.0e+00  }
0x240: {  	v26 =	vmul.f32 v26, v1;
	v19 =	vmul.f32 v19, v1;
	v23 =	vadd.f32 v25, v23  }
0x241: {  	v20 =	vmax.f32 v20, $0.0e+00;
	v25 =	vmul.f32 v29, v9;
	v29 =	vmul.f32 v31, v12  }
0x242: {  	v27 =	vadd.f32 v42, v27;
	v16 =	vmax.f32 v16, $0.0e+00;
	v23 =	vadd.f32 v43, v23  }
0x243: {  	v31 =	vmul.f32 v36, v14;
	v16 =	vmul.f32 v16, v0;
	v17 =	vadd.f32 v17, v26  }
0x244: {  	v18 =	vmul.f32 v18, v0;
	v25 =	vadd.f32 v29, v25;
	v23 =	vadd.f32 v23, v15  }
0x245: {  	v35 =	vld [tilespmem:s4+$0xFFFFFFE0];
	v27 =	vadd.f32 v31, v27;
	v29 =	vmul.f32 v36, v6;
	v16 =	vadd.f32 v21, v16  }
0x246: {  	v33 =	vld [tilespmem:s4+$0xFC0];
	v17 =	vadd.f32 v17, v18;
	v22 =	vmax.f32 v23, $0.0e+00;
	v23 =	vmul.f32 v28, v5  }
0x247: {  	v42 =	vld [tilespmem:s4+$0x1000];
	v27 =	vadd.f32 v27, v4;
	v21 =	vadd.f32 v29, v25;
	v16 =	vmax.f32 v16, $0.0e+00  }
0x248: {  	v36 =	vld [tilespmem:s4+$0x0];
	v17 =	vmax.f32 v17, $0.0e+00;
	[tilespmem:s0+$0xFFFFFFC0] =	vst v16;
	v18 =	vmul.f32 v22, v5;
	v23 =	vadd.f32 v23, v3  }
0x249: {  	v20 =	vmul.f32 v20, v0;
	v16 =	vadd.f32 v21, v2;
	[tilespmem:s0+$0xFFFFFFE0] =	vst v17;
	v22 =	vmax.f32 v27, $0.0e+00;
	v17 =	vld [tilespmem:s1+$0xFFFFFFD0]  }
0x24a: {  	v26 =	vld [tilespmem:s1+$0xFD0];
	v21 =	vmul.f32 v22, v1;
	v18 =	vadd.f32 v18, v3;
	v19 =	vadd.f32 v23, v19  }
0x24b: {  	v41 =	vmul.f32 v35, v10;
	v59 =	vmul.f32 v33, v13;
	v16 =	vmax.f32 v16, $0.0e+00  }
0x24c: {  	v22 =	vld [tilespmem:s1+$0xFFFFEFF0];
	v16 =	vmul.f32 v16, v0;
	v18 =	vadd.f32 v18, v21;
	v19 =	vadd.f32 v19, v20  }
0x24d: {  	v63 =	vmul.f32 v42, v13;
	v58 =	vmul.f32 v36, v10;
	v20 =	vld [tilespmem:s1+$0xFFFFEFD0]  }
0x24e: {  	v27 =	vmul.f32 v17, v10;
	v16 =	vadd.f32 v18, v16;
	v19 =	vmax.f32 v19, $0.0e+00  }
0x24f: {  	v28 =	vmul.f32 v17, v11;
	v47 =	vmul.f32 v26, v13;
	[tilespmem:s0+$0x0] =	vst v19;
	v19 =	vld [tilespmem:s1+$0xFFFFFFF0]  }
0x250: {  	v48 =	vmul.f32 v26, v14;
	v17 =	vmul.f32 v17, v12;
	v18 =	vmax.f32 v16, $0.0e+00;
	v16 =	vld [tilespmem:s1+$0xFF0]  }
0x251: {  	v26 =	vmul.f32 v26, v6;
	v29 =	vmul.f32 v22, v7;
	v21 =	vld [tilespmem:s1+$0xFFFFF010]  }
0x252: {  	v30 =	vmul.f32 v22, v8;
	v25 =	vld [tilespmem:s1+$0x10];
	v23 =	vmul.f32 v20, v7  }
0x253: {  	v22 =	vmul.f32 v22, v9;
	v44 =	vld [tilespmem:s1+$0x1010];
	v24 =	vmul.f32 v20, v8  }
0x254: {  	v20 =	vmul.f32 v20, v9;
	v23 =	vadd.f32 v27, v23;
	v27 =	vmul.f32 v19, v10  }
0x255: {  	v24 =	vadd.f32 v28, v24;
	v31 =	vmul.f32 v19, v11;
	v19 =	vmul.f32 v19, v12  }
0x256: {  	v17 =	vadd.f32 v17, v20;
	v20 =	vmul.f32 v16, v6;
	v28 =	vmul.f32 v21, v7  }
0x257: {  	v45 =	vmul.f32 v21, v8;
	v46 =	vmul.f32 v25, v11  }
0x258: {  	v49 =	vmul.f32 v44, v13;
	v50 =	vmul.f32 v44, v14  }
0x259: {  	v23 =	vadd.f32 v47, v23;
	v21 =	vmul.f32 v21, v9;
	v32 =	vmul.f32 v44, v6  }
0x25a: {  	v24 =	vadd.f32 v48, v24;
	v44 =	vmul.f32 v35, v11;
	v48 =	vmul.f32 v37, v8  }
0x25b: {  	v35 =	vmul.f32 v35, v12;
	v27 =	vadd.f32 v27, v29;
	v29 =	vmul.f32 v25, v10  }
0x25c: {  	v30 =	vadd.f32 v31, v30;
	v31 =	vmul.f32 v16, v13;
	v19 =	vadd.f32 v19, v22  }
0x25d: {  	v25 =	vmul.f32 v25, v12;
	v23 =	vadd.f32 v23, v15;
	v24 =	vadd.f32 v24, v4  }
0x25e: {  	v37 =	vmul.f32 v37, v9;
	v28 =	vadd.f32 v29, v28;
	v29 =	vadd.f32 v46, v45  }
0x25f: {  	v27 =	vadd.f32 v31, v27;
	v31 =	vmul.f32 v16, v14;
	v25 =	vadd.f32 v25, v21  }
0x260: {  	v21 =	vadd.f32 v26, v17;
	v20 =	vadd.f32 v20, v19;
	v45 =	vmul.f32 v33, v14  }
0x261: {  	v33 =	vmul.f32 v33, v6;
	v16 =	vmax.f32 v23, $0.0e+00;
	v28 =	vadd.f32 v49, v28  }
0x262: {  	v24 =	vmax.f32 v24, $0.0e+00;
	v27 =	vadd.f32 v27, v15;
	v30 =	vadd.f32 v31, v30;
	v31 =	vld [tilespmem:s4+$0x20]  }
0x263: {  	v29 =	vadd.f32 v50, v29;
	v16 =	vmul.f32 v16, v5;
	v49 =	vmul.f32 v36, v11  }
0x264: {  	v36 =	vmul.f32 v36, v12;
	v21 =	vadd.f32 v21, v2;
	v24 =	vmul.f32 v24, v1  }
0x265: {  	v20 =	vadd.f32 v20, v2;
	v28 =	vadd.f32 v28, v15;
	v22 =	vmax.f32 v27, $0.0e+00  }
0x266: {  	v27 =	vadd.f32 v30, v4;
	v17 =	vmul.f32 v22, v5;
	v22 =	vadd.f32 v29, v4  }
0x267: {  	v26 =	vld [tilespmem:s4+$0xFFFFEFE0];
	v29 =	vmul.f32 v51, v7;
	v23 =	vmax.f32 v28, $0.0e+00;
	v30 =	vmul.f32 v31, v10  }
0x268: {  	v50 =	vadd.f32 v49, v48;
	v19 =	vmul.f32 v23, v5;
	v23 =	vadd.f32 v32, v25  }
0x269: {  	v25 =	vadd.f32 v30, v29;
	v29 =	vmul.f32 v51, v8;
	v30 =	vmul.f32 v31, v11  }
0x26a: {  	v36 =	vadd.f32 v36, v37;
	v16 =	vadd.f32 v16, v3;
	v31 =	vmul.f32 v31, v12  }
0x26b: {  	v25 =	vadd.f32 v53, v25;
	v29 =	vadd.f32 v30, v29;
	v30 =	vmul.f32 v52, v14  }
0x26c: {  	v21 =	vmax.f32 v21, $0.0e+00;
	v39 =	vmul.f32 v26, v7;
	v31 =	vadd.f32 v31, v34  }
0x26d: {  	v28 =	vld [tilespmem:s4+$0xFFFFFFC0];
	v55 =	vadd.f32 v25, v15;
	v29 =	vadd.f32 v30, v29;
	v30 =	vmul.f32 v52, v6  }
0x26e: {  	v43 =	vmul.f32 v26, v8;
	v26 =	vmul.f32 v26, v9;
	v25 =	vmax.f32 v27, $0.0e+00  }
0x26f: {  	v27 =	vmax.f32 v55, $0.0e+00;
	v29 =	vadd.f32 v29, v4;
	v30 =	vadd.f32 v30, v31  }
0x270: {  	v16 =	vadd.f32 v16, v24;
	v39 =	vadd.f32 v41, v39;
	v27 =	vmul.f32 v27, v5  }
0x271: {  	v43 =	vadd.f32 v44, v43;
	v29 =	vmax.f32 v29, $0.0e+00;
	v30 =	vadd.f32 v30, v2  }
0x272: {  	v38 =	vmul.f32 v28, v10;
	v27 =	vadd.f32 v27, v3;
	v29 =	vmul.f32 v29, v1  }
0x273: {  	v26 =	vadd.f32 v35, v26;
	v61 =	vmul.f32 v28, v11;
	v30 =	vmax.f32 v30, $0.0e+00  }
0x274: {  	v56 =	vadd.f32 v38, v40;
	v31 =	vld [tilespmem:s4+$0xFE0];
	v27 =	vadd.f32 v27, v29;
	v29 =	vmul.f32 v30, v0  }
0x275: {  	v20 =	vmax.f32 v20, $0.0e+00;
	v38 =	vadd.f32 v58, v57;
	v34 =	vadd.f32 v61, v60  }
0x276: {  	v21 =	vmul.f32 v21, v0;
	v17 =	vadd.f32 v17, v3;
	v27 =	vadd.f32 v27, v29  }
0x277: {  	v22 =	vmax.f32 v22, $0.0e+00;
	v38 =	vadd.f32 v63, v38;
	v34 =	vadd.f32 v45, v34  }
0x278: {  	s1 =	simm.s32 $0x63C0;
	v28 =	vmul.f32 v28, v12;
	v58 =	vmul.f32 v42, v6;
	v27 =	vmax.f32 v27, $0.0e+00  }
0x279: {  	v38 =	vadd.f32 v38, v15;
	v34 =	vadd.f32 v34, v4;
	v62 =	vmul.f32 v31, v13;
	[tilespmem:s1+$0x20] =	vst v27  }
0x27a: {  	v55 =	vmul.f32 v42, v14;
	v30 =	vadd.f32 v59, v56;
	v52 =	vmul.f32 v31, v14;
	v51 =	vld [tilespmem:s4+$0xFFFFF030]  }
0x27b: {  	v38 =	vmax.f32 v38, $0.0e+00;
	v34 =	vmax.f32 v34, $0.0e+00;
	v29 =	vadd.f32 v62, v39;
	v53 =	vld [tilespmem:s4+$0x30]  }
0x27c: {  	v30 =	vadd.f32 v30, v15;
	v40 =	vadd.f32 v52, v43;
	v27 =	vmul.f32 v54, v9;
	v54 =	vld [tilespmem:s4+$0x1030]  }
0x27d: {  	v44 =	vmul.f32 v38, v5;
	v34 =	vmul.f32 v34, v1;
	v29 =	vadd.f32 v29, v15  }
0x27e: {  	v43 =	vadd.f32 v58, v36;
	v30 =	vmax.f32 v30, $0.0e+00;
	v40 =	vadd.f32 v40, v4  }
0x27f: {  	v49 =	vadd.f32 v44, v3;
	v30 =	vmul.f32 v30, v5;
	v29 =	vmax.f32 v29, $0.0e+00  }
0x280: {  	v46 =	vmax.f32 v40, $0.0e+00;
	v56 =	vmul.f32 v51, v7;
	v57 =	vmul.f32 v53, v10  }
0x281: {  	v27 =	vadd.f32 v28, v27;
	v28 =	vmul.f32 v31, v6;
	v59 =	vmul.f32 v54, v13  }
0x282: {  	v60 =	vmul.f32 v51, v8;
	v61 =	vmul.f32 v53, v11;
	v32 =	vadd.f32 v57, v56  }
0x283: {  	v31 =	vadd.f32 v55, v50;
	v39 =	vmul.f32 v51, v9;
	v41 =	vmul.f32 v53, v12  }
0x284: {  	v62 =	vmul.f32 v54, v14;
	v35 =	vadd.f32 v61, v60;
	v32 =	vadd.f32 v59, v32  }
0x285: {  	v29 =	vmul.f32 v29, v5;
	v30 =	vadd.f32 v30, v3;
	v39 =	vadd.f32 v41, v39  }
0x286: {  	v63 =	vmul.f32 v54, v6;
	v35 =	vadd.f32 v62, v35;
	v32 =	vadd.f32 v32, v15  }
0x287: {  	v47 =	vmul.f32 v46, v1;
	v27 =	vadd.f32 v33, v27;
	v26 =	vadd.f32 v28, v26  }
0x288: {  	v39 =	vadd.f32 v63, v39;
	v35 =	vadd.f32 v35, v4;
	v32 =	vmax.f32 v32, $0.0e+00  }
0x289: {  	v29 =	vadd.f32 v29, v3;
	v27 =	vadd.f32 v27, v2;
	v32 =	vmul.f32 v32, v5  }
0x28a: {  	v26 =	vadd.f32 v26, v2;
	v42 =	vadd.f32 v39, v2;
	v28 =	vmax.f32 v35, $0.0e+00  }
0x28b: {  	v30 =	vadd.f32 v30, v34;
	v28 =	vmul.f32 v28, v1;
	v32 =	vadd.f32 v32, v3  }
0x28c: {  	v27 =	vmax.f32 v27, $0.0e+00;
	v26 =	vmax.f32 v26, $0.0e+00;
	v33 =	vmax.f32 v42, $0.0e+00  }
0x28d: {  	v27 =	vmul.f32 v27, v0;
	v45 =	vmul.f32 v33, v0;
	v28 =	vadd.f32 v32, v28  }
0x28e: {  	v31 =	vadd.f32 v31, v4;
	v29 =	vadd.f32 v29, v47;
	v26 =	vmul.f32 v26, v0  }
0x28f: {  	v22 =	vmul.f32 v22, v1;
	v27 =	vadd.f32 v30, v27;
	v28 =	vadd.f32 v28, v45  }
0x290: {  	v48 =	vadd.f32 v43, v2;
	v31 =	vmax.f32 v31, $0.0e+00;
	v26 =	vadd.f32 v29, v26  }
0x291: {  	v27 =	vmax.f32 v27, $0.0e+00;
	v50 =	vmax.f32 v28, $0.0e+00;
	v28 =	vmul.f32 v31, v1  }
0x292: {  	v25 =	vmul.f32 v25, v1;
	v26 =	vmax.f32 v26, $0.0e+00;
	[tilespmem:s1+$0xFFFFFFC0] =	vst v27;
	v31 =	vmax.f32 v48, $0.0e+00  }
0x293: {  	v19 =	vadd.f32 v19, v3;
	[tilespmem:s1+$0xFFFFFFE0] =	vst v26;
	v29 =	vld [tilespmem:s4+$0xFFFFFFD0];
	v31 =	vmul.f32 v31, v0;
	v28 =	vadd.f32 v49, v28  }
0x294: {  	v20 =	vmul.f32 v20, v0;
	v23 =	vadd.f32 v23, v2;
	v17 =	vadd.f32 v17, v25;
	v30 =	vld [tilespmem:s4+$0xFFFFEFF0]  }
0x295: {  	v22 =	vadd.f32 v19, v22;
	v19 =	vld [tilespmem:s4+$0xFD0];
	v28 =	vadd.f32 v28, v31  }
0x296: {  	v21 =	vadd.f32 v16, v21;
	v16 =	vadd.f32 v17, v20;
	v20 =	vld [tilespmem:s4+$0xFF0]  }
0x297: {  	v23 =	vmax.f32 v23, $0.0e+00;
	v27 =	vmax.f32 v28, $0.0e+00;
	v28 =	vld [tilespmem:s4+$0xFFFFEFD0]  }
0x298: {  	v23 =	vmul.f32 v23, v0  }
0x299: {  	v31 =	vld [tilespmem:s4+$0xFFFFFFF0];
	[tilespmem:s1+$0x0] =	vst v27  }
0x29a: {  	v17 =	vadd.f32 v22, v23;
	v26 =	vmul.f32 v29, v10;
	v23 =	vmul.f32 v30, v7;
	v51 =	vld [tilespmem:s4+$0xFFFFF010]  }
0x29b: {  	v53 =	vmul.f32 v30, v8;
	v59 =	vmul.f32 v19, v13;
	v52 =	vld [tilespmem:s4+$0x10]  }
0x29c: {  	v60 =	vmul.f32 v20, v13;
	v24 =	vmul.f32 v28, v7  }
0x29d: {  	v54 =	vmax.f32 v21, $0.0e+00;
	v27 =	vmul.f32 v29, v11;
	v21 =	vld [tilespmem:s4+$0x1010];
	v25 =	vmul.f32 v28, v8  }
0x29e: {  	v32 =	vmul.f32 v20, v14;
	v55 =	vmul.f32 v31, v11;
	v26 =	vadd.f32 v26, v24  }
0x29f: {  	v24 =	vmul.f32 v31, v10;
	v22 =	vadd.f32 v27, v25;
	v27 =	vmul.f32 v51, v7  }
0x2a0: {  	v56 =	vmul.f32 v51, v8;
	v58 =	vmul.f32 v52, v11  }
0x2a1: {  	v25 =	vmul.f32 v19, v14;
	v57 =	vadd.f32 v24, v23;
	v23 =	vmul.f32 v52, v10  }
0x2a2: {  	v63 =	vmul.f32 v21, v13;
	v34 =	vmul.f32 v21, v14  }
0x2a3: {  	v33 =	vmul.f32 v51, v9;
	v24 =	vadd.f32 v55, v53;
	v61 =	vadd.f32 v23, v27  }
0x2a4: {  	v62 =	vadd.f32 v59, v26;
	v26 =	vmul.f32 v28, v9;
	v28 =	vmul.f32 v29, v12  }
0x2a5: {  	[tilespmem:s0+$0x30] =	vst v18;
	v29 =	vmul.f32 v31, v12;
	v39 =	vadd.f32 v60, v57;
	v31 =	vadd.f32 v63, v61  }
0x2a6: {  	[tilespmem:s0+$0xFFFFFFD0] =	vst v54;
	v35 =	vmul.f32 v52, v12;
	v23 =	vadd.f32 v58, v56;
	v18 =	vadd.f32 v62, v15  }
0x2a7: {  	s7 =	simm.s32 $0x4;
	s8 =	simm.s32 $0x1440;
	[tilespmem:s1+$0x30] =	vst v50;
	s4 =	simm.s32 $0x63C0;
	v27 =	vmul.f32 v30, v9;
	v30 =	vadd.f32 v39, v15;
	v31 =	vadd.f32 v31, v15  }
.LBB2_8:
0x2a8: {  	v36 =	vld [tilespmem:s8+$0xFFFFF020];
	v22 =	vadd.f32 v25, v22;
	v19 =	vmul.f32 v19, v6;
	v24 =	vadd.f32 v32, v24  }
0x2a9: {  	v26 =	vadd.f32 v28, v26;
	v20 =	vmul.f32 v20, v6;
	v28 =	vadd.f32 v34, v23;
	v25 =	vld [tilespmem:s8+$0x20]  }
0x2aa: {  	s7 =	sadd.s32 $0x4, s7;
	v27 =	vadd.f32 v29, v27;
	v29 =	vadd.f32 v35, v33;
	v33 =	vmul.f32 v21, v6;
	v32 =	vld [tilespmem:s8+$0x1020]  }
0x2ab: {  	v18 =	vmax.f32 v18, $0.0e+00;
	p0 =	slt.u32 s7, $0x7C;
	v21 =	vmax.f32 v30, $0.0e+00;
	v30 =	vmax.f32 v31, $0.0e+00;
	v34 =	vld [tilespmem:s8+$0xFFFFFFC0]  }
0x2ac: {  	v18 =	vmul.f32 v18, v5;
	v35 =	vadd.f32 v22, v4;
	v37 =	vadd.f32 v24, v4;
	v31 =	vld [tilespmem:s8+$0xFFFFEFE0]  }
0x2ad: {  	v23 =	vadd.f32 v19, v26;
	v19 =	vmul.f32 v21, v5;
	v24 =	vadd.f32 v28, v4;
	v38 =	vld [tilespmem:s8+$0xFFFFFFE0]  }
0x2ae: {  	v21 =	vadd.f32 v20, v27;
	v26 =	vmul.f32 v36, v7;
	v28 =	vld [tilespmem:s8+$0xFFFFF000];
	v39 =	vmul.f32 v25, v10  }
0x2af: {  	v20 =	vmul.f32 v30, v5;
	v22 =	vadd.f32 v33, v29;
	v27 =	vld [tilespmem:s8+$0x0];
	v40 =	vmul.f32 v32, v13  }
0x2b0: {  	v30 =	vmul.f32 v36, v8;
	v33 =	vmul.f32 v25, v11;
	v29 =	vld [tilespmem:s8+$0xFFFFEFC0];
	v26 =	vadd.f32 v39, v26  }
0x2b1: {  	v36 =	vmul.f32 v36, v9;
	v41 =	vmul.f32 v25, v12;
	v25 =	vmax.f32 v35, $0.0e+00;
	v39 =	vld [tilespmem:s8+$0xFC0]  }
0x2b2: {  	v30 =	vadd.f32 v33, v30;
	v33 =	vmul.f32 v32, v14;
	v35 =	vld [tilespmem:s8+$0xFE0];
	v26 =	vadd.f32 v40, v26  }
0x2b3: {  	v36 =	vadd.f32 v41, v36;
	v42 =	vmul.f32 v31, v7;
	v40 =	vmul.f32 v34, v10;
	v43 =	vld [tilespmem:s8+$0x1000]  }
0x2b4: {  	v32 =	vmul.f32 v32, v6;
	v30 =	vadd.f32 v33, v30;
	v41 =	vadd.f32 v26, v15  }
0x2b5: {  	v44 =	vmul.f32 v38, v10;
	v26 =	vmax.f32 v37, $0.0e+00;
	v33 =	vmul.f32 v29, v7  }
0x2b6: {  	v32 =	vadd.f32 v32, v36;
	v30 =	vadd.f32 v30, v4;
	v37 =	vmax.f32 v41, $0.0e+00  }
0x2b7: {  	v36 =	vmul.f32 v28, v7;
	v33 =	vadd.f32 v40, v33;
	v37 =	vmul.f32 v37, v5  }
0x2b8: {  	v32 =	vadd.f32 v32, v2;
	v30 =	vmax.f32 v30, $0.0e+00;
	v40 =	vmul.f32 v27, v10  }
0x2b9: {  	v41 =	vadd.f32 v44, v42;
	v30 =	vmul.f32 v30, v1;
	v37 =	vadd.f32 v37, v3  }
0x2ba: {  	v42 =	vmul.f32 v39, v13;
	v32 =	vmax.f32 v32, $0.0e+00;
	v36 =	vadd.f32 v40, v36  }
0x2bb: {  	v32 =	vmul.f32 v32, v0;
	v40 =	vmul.f32 v29, v8;
	v30 =	vadd.f32 v37, v30  }
0x2bc: {  	v33 =	vadd.f32 v42, v33;
	v42 =	vmul.f32 v35, v13;
	v37 =	vmul.f32 v34, v11  }
0x2bd: {  	v45 =	vmul.f32 v38, v11;
	v44 =	vmul.f32 v31, v8;
	v30 =	vadd.f32 v30, v32  }
0x2be: {  	v32 =	vadd.f32 v42, v41;
	v41 =	vmul.f32 v43, v13;
	v42 =	vmul.f32 v28, v8  }
0x2bf: {  	s1 =	sadd.s32 $0x80, s1;
	v37 =	vadd.f32 v37, v40;
	v40 =	vmul.f32 v27, v11;
	v30 =	vmax.f32 v30, $0.0e+00  }
0x2c0: {  	v46 =	vmul.f32 v39, v14;
	v44 =	vadd.f32 v45, v44;
	v36 =	vadd.f32 v41, v36;
	[tilespmem:s1+$0x20] =	vst v30  }
0x2c1: {  	v29 =	vmul.f32 v29, v9;
	v30 =	vmul.f32 v34, v12;
	v34 =	vadd.f32 v40, v42;
	v40 =	vld [tilespmem:s8+$0xFFFFF030]  }
0x2c2: {  	v31 =	vmul.f32 v31, v9;
	v33 =	vadd.f32 v33, v15;
	v41 =	vmul.f32 v35, v14;
	v42 =	vld [tilespmem:s8+$0x30]  }
0x2c3: {  	v38 =	vmul.f32 v38, v12;
	v45 =	vmul.f32 v43, v14;
	v32 =	vadd.f32 v32, v15;
	v47 =	vld [tilespmem:s8+$0x1030]  }
0x2c4: {  	v28 =	vmul.f32 v28, v9;
	v27 =	vmul.f32 v27, v12;
	v36 =	vadd.f32 v36, v15  }
0x2c5: {  	v39 =	vmul.f32 v39, v6;
	v37 =	vadd.f32 v46, v37;
	v41 =	vadd.f32 v41, v44  }
0x2c6: {  	v29 =	vadd.f32 v30, v29;
	v30 =	vmul.f32 v35, v6;
	v34 =	vadd.f32 v45, v34  }
0x2c7: {  	v31 =	vadd.f32 v38, v31;
	v35 =	vmul.f32 v40, v7;
	v38 =	vmul.f32 v42, v10  }
0x2c8: {  	v27 =	vadd.f32 v27, v28;
	v28 =	vmul.f32 v43, v6;
	v43 =	vmul.f32 v47, v13  }
0x2c9: {  	v44 =	vmul.f32 v42, v11;
	v35 =	vadd.f32 v38, v35;
	v38 =	vmul.f32 v40, v8  }
0x2ca: {  	v33 =	vmax.f32 v33, $0.0e+00;
	v42 =	vmul.f32 v42, v12;
	v40 =	vmul.f32 v40, v9  }
0x2cb: {  	v35 =	vadd.f32 v43, v35;
	v38 =	vadd.f32 v44, v38;
	v43 =	vmul.f32 v47, v14  }
0x2cc: {  	v32 =	vmax.f32 v32, $0.0e+00;
	v36 =	vmax.f32 v36, $0.0e+00;
	v40 =	vadd.f32 v42, v40  }
0x2cd: {  	v42 =	vmul.f32 v47, v6;
	v35 =	vadd.f32 v35, v15;
	v38 =	vadd.f32 v43, v38  }
0x2ce: {  	v33 =	vmul.f32 v33, v5;
	v37 =	vadd.f32 v37, v4;
	v41 =	vadd.f32 v41, v4  }
0x2cf: {  	v40 =	vadd.f32 v42, v40;
	v35 =	vmax.f32 v35, $0.0e+00;
	v38 =	vadd.f32 v38, v4  }
0x2d0: {  	v29 =	vadd.f32 v39, v29;
	v34 =	vadd.f32 v34, v4;
	v35 =	vmul.f32 v35, v5  }
0x2d1: {  	v30 =	vadd.f32 v30, v31;
	v31 =	vmax.f32 v38, $0.0e+00;
	v38 =	vadd.f32 v40, v2  }
0x2d2: {  	v27 =	vadd.f32 v28, v27;
	v28 =	vadd.f32 v35, v3;
	v31 =	vmul.f32 v31, v1  }
0x2d3: {  	v32 =	vmul.f32 v32, v5;
	v35 =	vmul.f32 v36, v5;
	v36 =	vmax.f32 v38, $0.0e+00  }
0x2d4: {  	v37 =	vmax.f32 v37, $0.0e+00;
	v28 =	vadd.f32 v28, v31;
	v31 =	vmul.f32 v36, v0  }
0x2d5: {  	v29 =	vadd.f32 v29, v2;
	v34 =	vmax.f32 v34, $0.0e+00;
	v36 =	vmax.f32 v41, $0.0e+00  }
0x2d6: {  	v37 =	vmul.f32 v37, v1;
	v30 =	vadd.f32 v30, v2;
	v28 =	vadd.f32 v28, v31  }
0x2d7: {  	v27 =	vadd.f32 v27, v2;
	v31 =	vadd.f32 v33, v3;
	v33 =	vmul.f32 v36, v1  }
0x2d8: {  	v32 =	vadd.f32 v32, v3;
	v35 =	vadd.f32 v35, v3;
	v28 =	vmax.f32 v28, $0.0e+00  }
0x2d9: {  	v34 =	vmul.f32 v34, v1;
	v29 =	vmax.f32 v29, $0.0e+00;
	v30 =	vmax.f32 v30, $0.0e+00;
	[tilespmem:s1+$0x30] =	vst v28  }
0x2da: {  	v27 =	vmax.f32 v27, $0.0e+00;
	v28 =	vadd.f32 v31, v37;
	v31 =	vadd.f32 v32, v33  }
0x2db: {  	v29 =	vmul.f32 v29, v0;
	v30 =	vmul.f32 v30, v0;
	v32 =	vadd.f32 v35, v34  }
0x2dc: {  	v23 =	vadd.f32 v23, v2;
	v24 =	vmax.f32 v24, $0.0e+00;
	v27 =	vmul.f32 v27, v0  }
0x2dd: {  	v25 =	vmul.f32 v25, v1;
	v28 =	vadd.f32 v28, v29;
	v29 =	vadd.f32 v31, v30  }
0x2de: {  	v21 =	vadd.f32 v21, v2;
	v26 =	vmul.f32 v26, v1;
	v27 =	vadd.f32 v32, v27  }
0x2df: {  	v22 =	vadd.f32 v22, v2;
	v28 =	vmax.f32 v28, $0.0e+00;
	v29 =	vmax.f32 v29, $0.0e+00  }
0x2e0: {  	v18 =	vadd.f32 v18, v3;
	v19 =	vadd.f32 v19, v3;
	v27 =	vmax.f32 v27, $0.0e+00;
	[tilespmem:s1+$0xFFFFFFC0] =	vst v28  }
0x2e1: {  	v20 =	vadd.f32 v20, v3;
	v24 =	vmul.f32 v24, v1;
	v23 =	vmax.f32 v23, $0.0e+00;
	v28 =	vld [tilespmem:s8+$0xFFFFEFD0];
	[tilespmem:s1+$0xFFFFFFE0] =	vst v29  }
0x2e2: {  	v21 =	vmax.f32 v21, $0.0e+00;
	v22 =	vmax.f32 v22, $0.0e+00;
	v18 =	vadd.f32 v18, v25;
	v29 =	vld [tilespmem:s8+$0xFFFFFFD0];
	[tilespmem:s1+$0x0] =	vst v27  }
0x2e3: {  	v23 =	vmul.f32 v23, v0;
	v20 =	vadd.f32 v20, v24;
	v19 =	vadd.f32 v19, v26;
	v27 =	vld [tilespmem:s8+$0xFFFFEFF0]  }
0x2e4: {  	v16 =	vmax.f32 v16, $0.0e+00;
	v21 =	vmul.f32 v21, v0;
	v22 =	vmul.f32 v22, v0;
	v30 =	vld [tilespmem:s8+$0xFFFFFFF0]  }
0x2e5: {  	v17 =	vmax.f32 v17, $0.0e+00;
	v18 =	vadd.f32 v18, v23;
	v31 =	vld [tilespmem:s8+$0xFFFFF010];
	[tilespmem:s0+$0xFFFFFFF0] =	vst v16  }
0x2e6: {  	v16 =	vadd.f32 v19, v21;
	v23 =	vmul.f32 v28, v7;
	v24 =	vmul.f32 v28, v8;
	v35 =	vld [tilespmem:s8+$0x10];
	[tilespmem:s0+$0x10] =	vst v17;
	s0 =	smov.u32 s4;
	s4 =	smov.u32 s1  }
0x2e7: {  	v17 =	vadd.f32 v20, v22;
	v19 =	vld [tilespmem:s8+$0xFD0];
	v21 =	vmul.f32 v29, v10;
	v25 =	vmul.f32 v29, v11  }
0x2e8: {  	v18 =	vmax.f32 v18, $0.0e+00;
	v20 =	vld [tilespmem:s8+$0xFF0];
	v26 =	vmul.f32 v27, v7;
	v32 =	vmul.f32 v27, v8  }
0x2e9: {  	v33 =	vadd.f32 v21, v23;
	v23 =	vmul.f32 v30, v10;
	v34 =	vmul.f32 v30, v11;
	v21 =	vld [tilespmem:s8+$0x1010];
	[tilespmem:s0+$0xFFFFFFD0] =	vst v18  }
0x2ea: {  	v22 =	vadd.f32 v25, v24;
	v18 =	vmul.f32 v31, v7;
	v36 =	vmul.f32 v31, v8  }
0x2eb: {  	v37 =	vadd.f32 v23, v26;
	v23 =	vmul.f32 v35, v10;
	v26 =	vmul.f32 v35, v11  }
0x2ec: {  	v24 =	vadd.f32 v34, v32;
	v38 =	vmul.f32 v19, v13;
	v25 =	vmul.f32 v19, v14  }
0x2ed: {  	v32 =	vmul.f32 v20, v13;
	v18 =	vadd.f32 v23, v18;
	v23 =	vadd.f32 v26, v36  }
.Ltmp3:
0x2ee: {  	v26 =	vmul.f32 v28, v9;
	v33 =	vadd.f32 v38, v33;
	v34 =	vmul.f32 v21, v13;
	(pc) =	sbr.rel @p0 .LBB2_8-.Ltmp3, $4  }
0x2ef: {  	v28 =	vmul.f32 v29, v12;
	v36 =	vadd.f32 v32, v37;
	v32 =	vmul.f32 v20, v14  }
0x2f0: {  	v27 =	vmul.f32 v27, v9;
	v29 =	vmul.f32 v30, v12;
	v37 =	vadd.f32 v34, v18  }
0x2f1: {  	v18 =	vadd.f32 v33, v15;
	v34 =	vmul.f32 v21, v14;
	v33 =	vmul.f32 v31, v9  }
0x2f2: {  	s8 =	sadd.s32 $0x80, s8;
	v35 =	vmul.f32 v35, v12;
	v30 =	vadd.f32 v36, v15;
	v31 =	vadd.f32 v37, v15  }
0x2f3: {  	v7 =	vadd.f32 v25, v22;
	v8 =	vadd.f32 v32, v24  }
0x2f4: {  	v9 =	vmul.f32 v19, v6;
	v10 =	vadd.f32 v28, v26;
	v11 =	vadd.f32 v34, v23  }
0x2f5: {  	v12 =	vmul.f32 v20, v6;
	v13 =	vadd.f32 v29, v27;
	v43 =	vmul.f32 v21, v6  }
0x2f6: {  	v15 =	vmax.f32 v18, $0.0e+00;
	v60 =	vmax.f32 v16, $0.0e+00;
	v14 =	vadd.f32 v35, v33  }
0x2f7: {  	v44 =	vmax.f32 v30, $0.0e+00;
	v45 =	vmax.f32 v31, $0.0e+00;
	v7 =	vadd.f32 v7, v4  }
0x2f8: {  	v15 =	vmul.f32 v15, v5;
	v8 =	vadd.f32 v8, v4;
	v9 =	vadd.f32 v9, v10  }
0x2f9: {  	v46 =	vmul.f32 v44, v5;
	v47 =	vadd.f32 v11, v4;
	v48 =	vadd.f32 v12, v13  }
0x2fa: {  	v49 =	vmul.f32 v45, v5;
	v6 =	vadd.f32 v43, v14;
	v50 =	vadd.f32 v15, v3  }
0x2fb: {  	v7 =	vmax.f32 v7, $0.0e+00;
	v8 =	vmax.f32 v8, $0.0e+00;
	v9 =	vadd.f32 v9, v2  }
0x2fc: {  	v4 =	vmax.f32 v47, $0.0e+00;
	v11 =	vadd.f32 v48, v2;
	v52 =	vadd.f32 v46, v3  }
0x2fd: {  	v53 =	vadd.f32 v49, v3;
	v7 =	vmul.f32 v7, v1;
	v8 =	vmul.f32 v8, v1  }
0x2fe: {  	v51 =	vadd.f32 v6, v2;
	v54 =	vmul.f32 v4, v1;
	v9 =	vmax.f32 v9, $0.0e+00  }
0x2ff: {  	v56 =	vmax.f32 v11, $0.0e+00;
	v55 =	vadd.f32 v50, v7;
	v57 =	vmul.f32 v9, v0  }
0x300: {  	v2 =	vmax.f32 v51, $0.0e+00;
	v6 =	vadd.f32 v52, v8;
	v58 =	vmul.f32 v56, v0  }
0x301: {  	v1 =	vadd.f32 v53, v54;
	v59 =	vmul.f32 v2, v0;
	v4 =	vadd.f32 v55, v57  }
0x302: {  	v61 =	vmax.f32 v17, $0.0e+00;
	[tilespmem:s0+$0xFFFFFFF0] =	vst v60;
	v3 =	vadd.f32 v6, v58  }
0x303: {  	[tilespmem:s0+$0x10] =	vst v61;
	v0 =	vadd.f32 v1, v59;
	v62 =	vmax.f32 v4, $0.0e+00  }
0x304: {  	v63 =	vmax.f32 v3, $0.0e+00;
	[tilespmem:s4+$0xFFFFFFD0] =	vst v62  }
0x305: {  	[tilespmem:s4+$0xFFFFFFF0] =	vst v63;
	v0 =	vmax.f32 v0, $0.0e+00  }
0x306: {  	[tilespmem:s4+$0x10] =	vst v0  }
0x307: {  	s0 =	rddreg [dreg:$0x5]  }
0x308: {  	[hbm4b:s0+s26] =	stream.strided.scatter [tilespmem:s29], [sflag:$0x3], $0x1000, s28, s26, $0x38;
	[tilespmem:$0x7400] =	vst v63  }
0x309: {  	_ =	swait.ge [sflag:s13], $0x1000  }
0x30a: {  	s1 =	rddreg [dreg:$0x7]  }
0x30b: {  	s31 =	rddreg [dreg:$0x6];
	s1 =	sadd.s32 $0x1, s1  }
0x30c: {  	p0 =	sne.s32 s1, s31  }
.Ltmp4:
0x30d: {  	_ = 	snop;
	(pc) =	sbr.rel @p0 .LBB2_1-.Ltmp4, $3  }
0x30e: {  	_ =	sdelay $0x1  }
0x30f: {  	[sflag:s13] =	ssyncset.done $0x0  }
0x310: {  	[sflag:s13] =	ssyncadd.s32 $0xFFFFF000  }
0x311: {  	_ =	sfence.sel $0x180000  }
0x312: {  	[bflag:$0x0] =	sbarrier.arrive $0xFFFF  }
0x313: {  	_ =	strace $0x9000004A  }
0x314: {  	s0 =	stileid.u32;
	[bflag:$0x2] =	sbarrier.arrive $0xFFFF  }
0x315: {  	p0 =	sne.s32 s0, $0x0;
	s0 =	rddreg [dreg:$0x2]  }
0x316: {  	s0 =	sadd.s32 @!p0 $0x100000, s0  }
0x317: {  	[sflag:s0] =	ssyncadd.tile.s32 @!p0 $0x1;
	_ =	shalt  }
.Lfunc_end2:
_tile_overlayer_lowered:
.L_overlay_start_2:
0x318: {  	(tag) =	ssettag $0x2  }
0x319: {  	s0 =	rddreg [dreg:$0x0];
	s2 =	stileid.u32  }
0x31a: {  	s1 =	rddreg [dreg:$0x1];
	p0 =	sne.s32 s2, $0x0  }
0x31b: {  	s3 =	rddreg [dreg:$0x2];
	[bflag:$0x3] =	sbarrier.arrive $0xFFFF;
	s2 =	simm.s32 @!p0 $0x1C03  }
0x31c: {  	[timem:s3], [sflag:s2] =	dma.local @!p0 [hbm:s0], s1  }
0x31d: {  	s0 =	simm.s32 @!p0 $0x3  }
0x31e: {  	_ =	swait.ge @!p0 [sflag:s0], s1  }
0x31f: {  	s1 =	ssub.s32 @!p0 $0x0, s1;
	[sflag:s0] =	ssyncset.done @!p0 $0x0  }
0x320: {  	[sflag:s0] =	ssyncadd.s32 @!p0 s1  }
0x321: {  	[bflag:$0x3] =	sbarrier.arrive $0xFFFF  }
0x322: {  	_ =	shalt  }

</sc_bundles>
